<compile_context>
chip_gen: v7x
topology: tpu7x:2x2x1
jax: 0.10.2.dev20260603
libtpu: 0.0.44.dev20260713+nightly
codegen_flags: <defaults>
</compile_context>

<pallas_src>
import functools

import jax
import jax.numpy as jnp
from jax import lax
from jax.experimental import pallas as pl
from jax.experimental.pallas import tpu as pltpu
from jax.experimental.pallas import tpu_sc as plsc

_NC = 8
_NS = 64
_NV = 100000
_NT = 16
_L = 16
_WIN = 6400
_A15 = 93696
_SB = 16
_NSB = _WIN // (_SB * _L)
_B15 = 9
_PAD0 = 394
_PAD1 = 400


def _lane_f32(vec, k, iota):
    return jnp.sum(jnp.where(iota == k, vec, jnp.float32(0.0)))


def _lane_i32(vec, k, iota):
    return jnp.sum(jnp.where(iota == k, vec, jnp.int32(0)))


def _rotl(x, d):
    return lax.shift_left(x, jnp.int32(d)) | lax.shift_right_logical(
        x, jnp.int32(32 - d))


def _threefry2x32(k1, k2, x0, x1):
    ks2 = k1 ^ k2 ^ jnp.int32(0x1BD11BDA)
    ks = (k1, k2, ks2)
    rot = ((13, 15, 26, 6), (17, 29, 16, 24))
    x0 = x0 + ks[0]
    x1 = x1 + ks[1]
    for i in range(5):
        for r in rot[i % 2]:
            x0 = x0 + x1
            x1 = _rotl(x1, r)
            x1 = x0 ^ x1
        x0 = x0 + ks[(i + 1) % 3]
        x1 = x1 + ks[(i + 2) % 3] + jnp.int32(i + 1)
    return x0, x1


def _body(em, tr, kd, s8, ch8, s_out, io_out,
          kv_v, sv_v, cv_v, tr_v, buf_v, stg_v, stgi_v,
          gbuf_v, gibuf_v, osv_v, oio_v, shr_f, shr_i, dsem):
    w = lax.axis_index("s")
    iota = lax.iota(jnp.int32, _L)
    lane8 = iota < _NC

    pltpu.sync_copy(kd, kv_v.at[pl.ds(0, 2)])
    pltpu.sync_copy(s8, sv_v.at[pl.ds(0, _NC)])
    pltpu.sync_copy(ch8, cv_v.at[pl.ds(0, _NC)])
    kv = plsc.bitcast(kv_v[...], jnp.int32)
    sv = sv_v[...]
    cv = cv_v[...]

    k1 = jnp.broadcast_to(_lane_i32(kv, 0, iota), (_L,))
    k2 = jnp.broadcast_to(_lane_i32(kv, 1, iota), (_L,))
    zero = jnp.zeros((_L,), jnp.int32)
    b1, b2 = _threefry2x32(k1, k2, zero, iota)
    ub1, ub2 = _threefry2x32(b1, b2, zero, zero)
    ubits = ub1 ^ ub2
    fbits = lax.shift_right_logical(ubits, jnp.int32(9)) | jnp.int32(0x3F800000)
    uvec = jnp.maximum(plsc.bitcast(fbits, jnp.float32) - jnp.float32(1.0),
                       jnp.float32(0.0))
    u_c = _lane_f32(uvec, 0, iota)
    u_t = _lane_f32(uvec, 1, iota)
    u_e = _lane_f32(uvec, 2, iota)

    ec = jnp.where(lane8, jnp.exp(cv), jnp.float32(0.0))
    csc = plsc.cumsum(ec)
    tot_c = jnp.max(csc)
    r_c = tot_c * (jnp.float32(1.0) - u_c)
    i_vec = plsc.all_reduce_population_count(csc < r_c)
    i_sc = jnp.max(i_vec)

    s_i = _lane_i32(jnp.where(lane8, sv, jnp.int32(0)), i_sc, iota)
    s_i8 = (s_i // 8) * 8
    pltpu.sync_copy(tr.at[i_sc, pl.ds(s_i8, 8)], tr_v)
    r_tr = s_i - s_i8
    css = []
    run = jnp.float32(0.0)
    for j in range(_NS // _L):
        et = jnp.exp(tr_v[r_tr, pl.ds(j * _L, _L)])
        cs = plsc.cumsum(et) + run
        run = jnp.max(cs)
        css.append(cs)
    r_t = run * (jnp.float32(1.0) - u_t)
    cnt_t = jnp.zeros((_L,), jnp.int32)
    for cs in css:
        cnt_t = cnt_t + plsc.all_reduce_population_count(cs < r_t)
    s_new = jnp.max(cnt_t)
    s_upd = jnp.where(iota == i_sc, s_new, jnp.where(lane8, sv, jnp.int32(0)))

    last = w == _NT - 1
    a_w = jnp.where(last, _A15, w * _WIN)
    b_start = jnp.where(last, _B15, 0)
    s_n8 = (s_new // 8) * 8
    r_em = s_new - s_n8
    _CHUNKS = (7, 6, 6, 6)
    copies = []
    off = 0
    for ci, nb in enumerate(_CHUNKS):
        nwords = nb * _SB * _L
        copies.append(pltpu.async_copy(
            em.at[i_sc, pl.ds(s_n8, 8), pl.ds(a_w + off, nwords)],
            buf_v.at[:, pl.ds(off, nwords)], dsem.at[ci]))
        off += nwords

    sub0 = jnp.zeros((_L,), jnp.float32)
    sub1 = jnp.zeros((_L,), jnp.float32)
    b0 = 0
    for ci, nb in enumerate(_CHUNKS):
        copies[ci].wait()
        if ci == len(_CHUNKS) - 1:
            @pl.when(last)
            def _():
                for k in range(_PAD0, _PAD1):
                    buf_v[r_em, pl.ds(k * _L, _L)] = jnp.full(
                        (_L,), -1e30, jnp.float32)
        for b in range(b0, b0 + nb):
            accs = [jnp.zeros((_L,), jnp.float32) for _ in range(4)]
            for k in range(_SB):
                accs[k % 4] = accs[k % 4] + jnp.exp(
                    buf_v[r_em, pl.ds((b * _SB + k) * _L, _L)])
            s_b = jnp.sum((accs[0] + accs[1]) + (accs[2] + accs[3]))
            if b < _L:
                sub0 = jnp.where(iota == b, s_b, sub0)
            else:
                sub1 = jnp.where(iota == b - _L, s_b, sub1)
        b0 += nb
    sub0 = jnp.where(iota >= b_start, sub0, jnp.float32(0.0))
    bcs0 = plsc.cumsum(sub0)
    bcs1 = plsc.cumsum(sub1) + jnp.max(bcs0)
    s_w = jnp.max(bcs1)

    stg_v[...] = jnp.broadcast_to(s_w, (_L,))
    pltpu.sync_copy(stg_v, shr_f.at[pl.ds(w * _L, _L)])
    plsc.subcore_barrier()
    pltpu.sync_copy(shr_f, gbuf_v)
    svec = plsc.load_gather(gbuf_v, [iota * _L])
    tot_e = jnp.sum(svec)
    pref_w = jnp.sum(jnp.where(iota < w, svec, jnp.float32(0.0)))
    thresh = tot_e * (jnp.float32(1.0) - u_e) - pref_w

    m0 = (bcs0 < thresh) & (iota >= b_start)
    m1 = (bcs1 < thresh) & (iota < (_NSB - _L))
    n_full = jnp.max(plsc.all_reduce_population_count(m0)) + jnp.max(
        plsc.all_reduce_population_count(m1))
    bfull = b_start + n_full
    pre = _lane_f32(bcs0, bfull - 1, iota) + _lane_f32(
        bcs1, bfull - 1 - _L, iota)

    def p2(j, carry):
        run_e, cnt = carry
        cs = plsc.cumsum(jnp.exp(buf_v[r_em, pl.ds(j * _L, _L)])) + run_e
        cnt = cnt + jnp.where(cs < thresh, jnp.int32(1), jnp.int32(0))
        return jnp.max(cs), cnt

    base = bfull * _SB
    _, cnt_vec = lax.fori_loop(
        base, jnp.minimum(base + _SB, _NSB * _SB), p2,
        (pre, jnp.zeros((_L,), jnp.int32)))
    cnt_w = jnp.sum(cnt_vec) + n_full * (_SB * _L)

    stgi_v[...] = jnp.broadcast_to(cnt_w, (_L,))
    pltpu.sync_copy(stgi_v, shr_i.at[pl.ds(w * _L, _L)])
    plsc.subcore_barrier()

    pltpu.sync_copy(shr_i, gibuf_v)
    cvec = plsc.load_gather(gibuf_v, [iota * _L])
    o = jnp.sum(cvec)
    o = jnp.minimum(o, jnp.int32(_NV - 1))
    osv_v[...] = s_upd
    oio_v[...] = jnp.where(iota == 0, i_sc,
                           jnp.where(iota == 1, o, jnp.int32(0)))
    pltpu.sync_copy(osv_v.at[pl.ds(0, _NC)], s_out)
    pltpu.sync_copy(oio_v.at[pl.ds(0, _NC)], io_out)


_sc_call = functools.partial(
    pl.kernel,
    out_type=(
        jax.ShapeDtypeStruct((_NC,), jnp.int32),
        jax.ShapeDtypeStruct((_NC,), jnp.int32),
    ),
    mesh=plsc.VectorSubcoreMesh(
        core_axis_name="c", subcore_axis_name="s",
        num_cores=1, num_subcores=_NT),
    compiler_params=pltpu.CompilerParams(needs_layout_passes=False),
    scratch_types=[
        pltpu.VMEM((_L,), jnp.uint32),
        pltpu.VMEM((_L,), jnp.int32),
        pltpu.VMEM((_L,), jnp.float32),
        pltpu.VMEM((8, _NS), jnp.float32),
        pltpu.VMEM((8, _WIN), jnp.float32),
        pltpu.VMEM((_L,), jnp.float32),
        pltpu.VMEM((_L,), jnp.int32),
        pltpu.VMEM((_NT * _L,), jnp.float32),
        pltpu.VMEM((_NT * _L,), jnp.int32),
        pltpu.VMEM((_L,), jnp.int32),
        pltpu.VMEM((_L,), jnp.int32),
        pltpu.VMEM_SHARED((_NT * _L,), jnp.float32),
        pltpu.VMEM_SHARED((_NT * _L,), jnp.int32),
        pltpu.SemaphoreType.DMA((4,)),
    ],
)(_body)


def kernel(key, s, transition, emission, choice):
    kd = jax.random.key_data(key)
    s_out, io_out = _sc_call(emission, transition, kd, s, choice)
    return ((s_out, io_out[0]), io_out[1])

# --- scband reference (transcript-rebuilt; emitter-appended) ---
"""Pipeline reference for scband-interleaved-hidden-markov-chain-6717328851362 (READ-ONLY COPY).

The authoritative reference and input builder live on the scoring server;
editing this copy changes nothing except your own understanding.
"""

import jax, jax.numpy as jnp
import numpy as np

NUM_CHAINS = 8
NUM_STATES = 64
NUM_SYMBOLS = 100000


def setup_inputs(seed: int = 0) -> dict:
    key = jax.random.key(seed)
    k1, k2, k3, k4, k5 = jax.random.split(key, 5)
    glorot = jax.nn.initializers.glorot_uniform()
    transition = glorot(k1, (NUM_CHAINS, NUM_STATES, NUM_STATES), jnp.float32)
    emission = glorot(k2, (NUM_CHAINS, NUM_STATES, NUM_SYMBOLS), jnp.float32)
    # flax nn.initializers.uniform() default: U[0, 0.01)
    choice = jax.random.uniform(k3, (NUM_CHAINS,), minval=0.0, maxval=0.01, dtype=jnp.float32)
    s = jax.random.randint(k4, (NUM_CHAINS,), 0, NUM_STATES, dtype=jnp.int32)
    return {"key": k5, "s": s, "transition": transition, "emission": emission, "choice": choice}


def reference(key, s, transition, emission, choice):
    ckey, tkey, ekey = jax.random.split(key, 3)
    c = jnp.exp(jax.nn.log_softmax(choice))
    i = jax.random.choice(ckey, NUM_CHAINS, p=c)
    t = jnp.exp(jax.nn.log_softmax(transition[i, s[i]]))
    s = s.at[i].set(jax.random.choice(tkey, NUM_STATES, p=t))
    e = jnp.exp(jax.nn.log_softmax(emission[i, s[i]]))
    o = jax.random.choice(ekey, NUM_SYMBOLS, p=e)
    return ((s, i), o)

if __name__ == "__main__":
    import jax
    _d = setup_inputs()
    print(jax.jit(kernel)(*tuple(_d.values())))

</pallas_src>

<mosaic_0001>
#map = affine_map<(d0, d1) -> (0, 0, 0)>
#map1 = affine_map<(d0, d1) -> (0)>
module attributes {stable_mosaic.version = 14 : i64} {
  func.func @_body(%arg0: i32, %arg1: i32, %arg2: memref<8x64x100000xf32, #tpu.memory_space<hbm>>, %arg3: memref<8x64x64xf32, #tpu.memory_space<hbm>>, %arg4: memref<2xi32, #tpu.memory_space<hbm>>, %arg5: memref<8xi32, #tpu.memory_space<hbm>>, %arg6: memref<8xf32, #tpu.memory_space<hbm>>, %arg7: memref<8xi32, #tpu.memory_space<hbm>>, %arg8: memref<8xi32, #tpu.memory_space<hbm>>, %arg9: memref<16xi32, #tpu.memory_space<vmem>>, %arg10: memref<16xi32, #tpu.memory_space<vmem>>, %arg11: memref<16xf32, #tpu.memory_space<vmem>>, %arg12: memref<8x64xf32, #tpu.memory_space<vmem>>, %arg13: memref<8x6400xf32, #tpu.memory_space<vmem>>, %arg14: memref<16xf32, #tpu.memory_space<vmem>>, %arg15: memref<16xi32, #tpu.memory_space<vmem>>, %arg16: memref<256xf32, #tpu.memory_space<vmem>>, %arg17: memref<256xi32, #tpu.memory_space<vmem>>, %arg18: memref<16xi32, #tpu.memory_space<vmem>>, %arg19: memref<16xi32, #tpu.memory_space<vmem>>, %arg20: memref<256xf32, #tpu.memory_space<vmem_shared>>, %arg21: memref<256xi32, #tpu.memory_space<vmem_shared>>, %arg22: memref<4x!tpu.dma_semaphore, #tpu.memory_space<semaphore_mem>>) attributes {dimension_semantics = [#tpu.dimension_semantics<core_parallel>, #tpu.dimension_semantics<subcore_parallel>], iteration_bounds = array<i64: 1, 16>, scalar_prefetch = 0 : i64, scratch_operands = 14 : i64, tpu.core_type = #tpu.core_type<sc_vector_subcore>, window_params = [{transform_indices = #map}, {transform_indices = #map}, {transform_indices = #map1}, {transform_indices = #map1}, {transform_indices = #map1}, {transform_indices = #map1}, {transform_indices = #map1}]} {
    %iota3A = tpu.iota {dimensions = array<i32: 0>} : vector<16xi32>
    %lt3A = arith.constant 8 : i32
    %lt3A_0 = vector.broadcast %lt3A : i32 to vector<16xi32>
    %lt3A_1 = arith.cmpi slt, %iota3A, %lt3A_0 : vector<16xi32>
    "tpu.region"() ({
      %run_scoped3A = tpu.sem_alloc : memref<!tpu.dma_semaphore, #tpu.memory_space<semaphore_mem>>
      %dma_start3A_3434 = arith.constant 0 : i32
      %dma_start3A_3435 = tpu.memref_slice %arg9[%dma_start3A_3434] : memref<16xi32, #tpu.memory_space<vmem>> -> memref<2xi32, #tpu.memory_space<vmem>>
      %dma_start3A_3436 = arith.constant 0 : i32
      %dma_start3A_3437 = tpu.memref_slice %arg9[%dma_start3A_3436] : memref<16xi32, #tpu.memory_space<vmem>> -> memref<2xi32, #tpu.memory_space<vmem>>
      tpu.enqueue_dma source(%arg4 : memref<2xi32, #tpu.memory_space<hbm>>) target(%dma_start3A_3437 : memref<2xi32, #tpu.memory_space<vmem>>) target_semaphore(%run_scoped3A : memref<!tpu.dma_semaphore, #tpu.memory_space<semaphore_mem>>)
      %dma_wait3A_3438 = arith.constant 0 : i32
      %dma_wait3A_3439 = tpu.memref_slice %arg9[%dma_wait3A_3438] : memref<16xi32, #tpu.memory_space<vmem>> -> memref<2xi32, #tpu.memory_space<vmem>>
      %dma_wait3A_3440 = arith.constant 0 : i32
      %dma_wait3A_3441 = tpu.memref_slice %arg9[%dma_wait3A_3440] : memref<16xi32, #tpu.memory_space<vmem>> -> memref<2xi32, #tpu.memory_space<vmem>>
      tpu.wait_dma2 semaphore(%run_scoped3A : memref<!tpu.dma_semaphore, #tpu.memory_space<semaphore_mem>>) src(%arg4 : memref<2xi32, #tpu.memory_space<hbm>>) dst(%dma_wait3A_3441 : memref<2xi32, #tpu.memory_space<vmem>>)
      tpu.yield
    }) : () -> ()
    "tpu.region"() ({
      %run_scoped3A = tpu.sem_alloc : memref<!tpu.dma_semaphore, #tpu.memory_space<semaphore_mem>>
      %dma_start3A_3434 = arith.constant 0 : i32
      %dma_start3A_3435 = tpu.memref_slice %arg10[%dma_start3A_3434] : memref<16xi32, #tpu.memory_space<vmem>> -> memref<8xi32, #tpu.memory_space<vmem>>
      %dma_start3A_3436 = arith.constant 0 : i32
      %dma_start3A_3437 = tpu.memref_slice %arg10[%dma_start3A_3436] : memref<16xi32, #tpu.memory_space<vmem>> -> memref<8xi32, #tpu.memory_space<vmem>>
      tpu.enqueue_dma source(%arg5 : memref<8xi32, #tpu.memory_space<hbm>>) target(%dma_start3A_3437 : memref<8xi32, #tpu.memory_space<vmem>>) target_semaphore(%run_scoped3A : memref<!tpu.dma_semaphore, #tpu.memory_space<semaphore_mem>>)
      %dma_wait3A_3438 = arith.constant 0 : i32
      %dma_wait3A_3439 = tpu.memref_slice %arg10[%dma_wait3A_3438] : memref<16xi32, #tpu.memory_space<vmem>> -> memref<8xi32, #tpu.memory_space<vmem>>
      %dma_wait3A_3440 = arith.constant 0 : i32
      %dma_wait3A_3441 = tpu.memref_slice %arg10[%dma_wait3A_3440] : memref<16xi32, #tpu.memory_space<vmem>> -> memref<8xi32, #tpu.memory_space<vmem>>
      tpu.wait_dma2 semaphore(%run_scoped3A : memref<!tpu.dma_semaphore, #tpu.memory_space<semaphore_mem>>) src(%arg5 : memref<8xi32, #tpu.memory_space<hbm>>) dst(%dma_wait3A_3441 : memref<8xi32, #tpu.memory_space<vmem>>)
      tpu.yield
    }) : () -> ()
    "tpu.region"() ({
      %run_scoped3A = tpu.sem_alloc : memref<!tpu.dma_semaphore, #tpu.memory_space<semaphore_mem>>
      %dma_start3A_3434 = arith.constant 0 : i32
      %dma_start3A_3435 = tpu.memref_slice %arg11[%dma_start3A_3434] : memref<16xf32, #tpu.memory_space<vmem>> -> memref<8xf32, #tpu.memory_space<vmem>>
      %dma_start3A_3436 = arith.constant 0 : i32
      %dma_start3A_3437 = tpu.memref_slice %arg11[%dma_start3A_3436] : memref<16xf32, #tpu.memory_space<vmem>> -> memref<8xf32, #tpu.memory_space<vmem>>
      tpu.enqueue_dma source(%arg6 : memref<8xf32, #tpu.memory_space<hbm>>) target(%dma_start3A_3437 : memref<8xf32, #tpu.memory_space<vmem>>) target_semaphore(%run_scoped3A : memref<!tpu.dma_semaphore, #tpu.memory_space<semaphore_mem>>)
      %dma_wait3A_3438 = arith.constant 0 : i32
      %dma_wait3A_3439 = tpu.memref_slice %arg11[%dma_wait3A_3438] : memref<16xf32, #tpu.memory_space<vmem>> -> memref<8xf32, #tpu.memory_space<vmem>>
      %dma_wait3A_3440 = arith.constant 0 : i32
      %dma_wait3A_3441 = tpu.memref_slice %arg11[%dma_wait3A_3440] : memref<16xf32, #tpu.memory_space<vmem>> -> memref<8xf32, #tpu.memory_space<vmem>>
      tpu.wait_dma2 semaphore(%run_scoped3A : memref<!tpu.dma_semaphore, #tpu.memory_space<semaphore_mem>>) src(%arg6 : memref<8xf32, #tpu.memory_space<hbm>>) dst(%dma_wait3A_3441 : memref<8xf32, #tpu.memory_space<vmem>>)
      tpu.yield
    }) : () -> ()
    %get3A = arith.constant 0 : index
    %get3A_2 = tpu.vector_load %arg9[%get3A] {strides = array<i32>} : memref<16xi32, #tpu.memory_space<vmem>>, vector<16xi32>,
    %bitcast3A = vector.bitcast %get3A_2 : vector<16xi32> to vector<16xi32>
    %get3A_3 = arith.constant 0 : index
    %get3A_4 = tpu.vector_load %arg10[%get3A_3] {strides = array<i32>} : memref<16xi32, #tpu.memory_space<vmem>>, vector<16xi32>,
    %get3A_5 = arith.constant 0 : index
    %get3A_6 = tpu.vector_load %arg11[%get3A_5] {strides = array<i32>} : memref<16xf32, #tpu.memory_space<vmem>>, vector<16xf32>,
    %eq3A = arith.constant 0 : i32
    %eq3A_7 = vector.broadcast %eq3A : i32 to vector<16xi32>
    %eq3A_8 = arith.cmpi eq, %iota3A, %eq3A_7 : vector<16xi32>
    %jit3A = arith.constant 0 : i32
    %broadcast_in_dim3A = vector.broadcast %jit3A : i32 to vector<16xi32>
    %select_n3A = arith.select %eq3A_8, %bitcast3A, %broadcast_in_dim3A : vector<16xi1>, vector<16xi32>
    %reduce_sum3A = arith.constant true
    %reduce_sum3A_9 = vector.broadcast %reduce_sum3A : i1 to vector<16xi1>
    %reduce_sum3A_10 = tpu.scan <sum>, %select_n3A masked %reduce_sum3A_9 : vector<16xi32>, vector<16xi1> -> vector<16xi32>
    %reduce_sum3A_11 = vector.extract %reduce_sum3A_10[15] : i32 from vector<16xi32>
    %broadcast_in_dim3A_12 = vector.broadcast %reduce_sum3A_11 : i32 to vector<16xi32>
    %eq3A_13 = arith.constant 1 : i32
    %eq3A_14 = vector.broadcast %eq3A_13 : i32 to vector<16xi32>
    %eq3A_15 = arith.cmpi eq, %iota3A, %eq3A_14 : vector<16xi32>
    %jit3A_16 = arith.constant 0 : i32
    %broadcast_in_dim3A_17 = vector.broadcast %jit3A_16 : i32 to vector<16xi32>
    %select_n3A_18 = arith.select %eq3A_15, %bitcast3A, %broadcast_in_dim3A_17 : vector<16xi1>, vector<16xi32>
    %reduce_sum3A_19 = arith.constant true
    %reduce_sum3A_20 = vector.broadcast %reduce_sum3A_19 : i1 to vector<16xi1>
    %reduce_sum3A_21 = tpu.scan <sum>, %select_n3A_18 masked %reduce_sum3A_20 : vector<16xi32>, vector<16xi1> -> vector<16xi32>
    %reduce_sum3A_22 = vector.extract %reduce_sum3A_21[15] : i32 from vector<16xi32>
    %broadcast_in_dim3A_23 = vector.broadcast %reduce_sum3A_22 : i32 to vector<16xi32>
    %broadcast_in_dim3A_24 = arith.constant 0 : i32
    %broadcast_in_dim3A_25 = vector.broadcast %broadcast_in_dim3A_24 : i32 to vector<16xi32>
    %xor3A = arith.xori %broadcast_in_dim3A_12, %broadcast_in_dim3A_23 : vector<16xi32>
    %xor3A_26 = arith.constant 466688986 : i32
    %xor3A_27 = vector.broadcast %xor3A_26 : i32 to vector<16xi32>
    %xor3A_28 = arith.xori %xor3A, %xor3A_27 : vector<16xi32>
    %add3A = arith.addi %broadcast_in_dim3A_25, %broadcast_in_dim3A_12 : vector<16xi32>
    %add3A_29 = arith.addi %iota3A, %broadcast_in_dim3A_23 : vector<16xi32>
    %add3A_30 = arith.addi %add3A, %add3A_29 : vector<16xi32>
    %shift_left3A = arith.constant 13 : i32
    %shift_left3A_31 = vector.broadcast %shift_left3A : i32 to vector<16xi32>
    %shift_left3A_32 = arith.shli %add3A_29, %shift_left3A_31 : vector<16xi32>
    %shift_right_logical3A = arith.constant 19 : i32
    %shift_right_logical3A_33 = vector.broadcast %shift_right_logical3A : i32 to vector<16xi32>
    %shift_right_logical3A_34 = arith.shrui %add3A_29, %shift_right_logical3A_33 : vector<16xi32>
    %or3A = arith.ori %shift_left3A_32, %shift_right_logical3A_34 : vector<16xi32>
    %xor3A_35 = arith.xori %add3A_30, %or3A : vector<16xi32>
    %add3A_36 = arith.addi %add3A_30, %xor3A_35 : vector<16xi32>
    %shift_left3A_37 = arith.constant 15 : i32
    %shift_left3A_38 = vector.broadcast %shift_left3A_37 : i32 to vector<16xi32>
    %shift_left3A_39 = arith.shli %xor3A_35, %shift_left3A_38 : vector<16xi32>
    %shift_right_logical3A_40 = arith.constant 17 : i32
    %shift_right_logical3A_41 = vector.broadcast %shift_right_logical3A_40 : i32 to vector<16xi32>
    %shift_right_logical3A_42 = arith.shrui %xor3A_35, %shift_right_logical3A_41 : vector<16xi32>
    %or3A_43 = arith.ori %shift_left3A_39, %shift_right_logical3A_42 : vector<16xi32>
    %xor3A_44 = arith.xori %add3A_36, %or3A_43 : vector<16xi32>
    %add3A_45 = arith.addi %add3A_36, %xor3A_44 : vector<16xi32>
    %shift_left3A_46 = arith.constant 26 : i32
    %shift_left3A_47 = vector.broadcast %shift_left3A_46 : i32 to vector<16xi32>
    %shift_left3A_48 = arith.shli %xor3A_44, %shift_left3A_47 : vector<16xi32>
    %shift_right_logical3A_49 = arith.constant 6 : i32
    %shift_right_logical3A_50 = vector.broadcast %shift_right_logical3A_49 : i32 to vector<16xi32>
    %shift_right_logical3A_51 = arith.shrui %xor3A_44, %shift_right_logical3A_50 : vector<16xi32>
    %or3A_52 = arith.ori %shift_left3A_48, %shift_right_logical3A_51 : vector<16xi32>
    %xor3A_53 = arith.xori %add3A_45, %or3A_52 : vector<16xi32>
    %add3A_54 = arith.addi %add3A_45, %xor3A_53 : vector<16xi32>
    %shift_left3A_55 = arith.constant 6 : i32
    %shift_left3A_56 = vector.broadcast %shift_left3A_55 : i32 to vector<16xi32>
    %shift_left3A_57 = arith.shli %xor3A_53, %shift_left3A_56 : vector<16xi32>
    %shift_right_logical3A_58 = arith.constant 26 : i32
    %shift_right_logical3A_59 = vector.broadcast %shift_right_logical3A_58 : i32 to vector<16xi32>
    %shift_right_logical3A_60 = arith.shrui %xor3A_53, %shift_right_logical3A_59 : vector<16xi32>
    %or3A_61 = arith.ori %shift_left3A_57, %shift_right_logical3A_60 : vector<16xi32>
    %xor3A_62 = arith.xori %add3A_54, %or3A_61 : vector<16xi32>
    %add3A_63 = arith.addi %add3A_54, %broadcast_in_dim3A_23 : vector<16xi32>
    %add3A_64 = arith.addi %xor3A_62, %xor3A_28 : vector<16xi32>
    %add3A_65 = arith.constant 1 : i32
    %add3A_66 = vector.broadcast %add3A_65 : i32 to vector<16xi32>
    %add3A_67 = arith.addi %add3A_64, %add3A_66 : vector<16xi32>
    %add3A_68 = arith.addi %add3A_63, %add3A_67 : vector<16xi32>
    %shift_left3A_69 = arith.constant 17 : i32
    %shift_left3A_70 = vector.broadcast %shift_left3A_69 : i32 to vector<16xi32>
    %shift_left3A_71 = arith.shli %add3A_67, %shift_left3A_70 : vector<16xi32>
    %shift_right_logical3A_72 = arith.constant 15 : i32
    %shift_right_logical3A_73 = vector.broadcast %shift_right_logical3A_72 : i32 to vector<16xi32>
    %shift_right_logical3A_74 = arith.shrui %add3A_67, %shift_right_logical3A_73 : vector<16xi32>
    %or3A_75 = arith.ori %shift_left3A_71, %shift_right_logical3A_74 : vector<16xi32>
    %xor3A_76 = arith.xori %add3A_68, %or3A_75 : vector<16xi32>
    %add3A_77 = arith.addi %add3A_68, %xor3A_76 : vector<16xi32>
    %shift_left3A_78 = arith.constant 29 : i32
    %shift_left3A_79 = vector.broadcast %shift_left3A_78 : i32 to vector<16xi32>
    %shift_left3A_80 = arith.shli %xor3A_76, %shift_left3A_79 : vector<16xi32>
    %shift_right_logical3A_81 = arith.constant 3 : i32
    %shift_right_logical3A_82 = vector.broadcast %shift_right_logical3A_81 : i32 to vector<16xi32>
    %shift_right_logical3A_83 = arith.shrui %xor3A_76, %shift_right_logical3A_82 : vector<16xi32>
    %or3A_84 = arith.ori %shift_left3A_80, %shift_right_logical3A_83 : vector<16xi32>
    %xor3A_85 = arith.xori %add3A_77, %or3A_84 : vector<16xi32>
    %add3A_86 = arith.addi %add3A_77, %xor3A_85 : vector<16xi32>
    %shift_left3A_87 = arith.constant 16 : i32
    %shift_left3A_88 = vector.broadcast %shift_left3A_87 : i32 to vector<16xi32>
    %shift_left3A_89 = arith.shli %xor3A_85, %shift_left3A_88 : vector<16xi32>
    %shift_right_logical3A_90 = arith.constant 16 : i32
    %shift_right_logical3A_91 = vector.broadcast %shift_right_logical3A_90 : i32 to vector<16xi32>
    %shift_right_logical3A_92 = arith.shrui %xor3A_85, %shift_right_logical3A_91 : vector<16xi32>
    %or3A_93 = arith.ori %shift_left3A_89, %shift_right_logical3A_92 : vector<16xi32>
    %xor3A_94 = arith.xori %add3A_86, %or3A_93 : vector<16xi32>
    %add3A_95 = arith.addi %add3A_86, %xor3A_94 : vector<16xi32>
    %shift_left3A_96 = arith.constant 24 : i32
    %shift_left3A_97 = vector.broadcast %shift_left3A_96 : i32 to vector<16xi32>
    %shift_left3A_98 = arith.shli %xor3A_94, %shift_left3A_97 : vector<16xi32>
    %shift_right_logical3A_99 = arith.constant 8 : i32
    %shift_right_logical3A_100 = vector.broadcast %shift_right_logical3A_99 : i32 to vector<16xi32>
    %shift_right_logical3A_101 = arith.shrui %xor3A_94, %shift_right_logical3A_100 : vector<16xi32>
    %or3A_102 = arith.ori %shift_left3A_98, %shift_right_logical3A_101 : vector<16xi32>
    %xor3A_103 = arith.xori %add3A_95, %or3A_102 : vector<16xi32>
    %add3A_104 = arith.addi %add3A_95, %xor3A_28 : vector<16xi32>
    %add3A_105 = arith.addi %xor3A_103, %broadcast_in_dim3A_12 : vector<16xi32>
    %add3A_106 = arith.constant 2 : i32
    %add3A_107 = vector.broadcast %add3A_106 : i32 to vector<16xi32>
    %add3A_108 = arith.addi %add3A_105, %add3A_107 : vector<16xi32>
    %add3A_109 = arith.addi %add3A_104, %add3A_108 : vector<16xi32>
    %shift_left3A_110 = arith.constant 13 : i32
    %shift_left3A_111 = vector.broadcast %shift_left3A_110 : i32 to vector<16xi32>
    %shift_left3A_112 = arith.shli %add3A_108, %shift_left3A_111 : vector<16xi32>
    %shift_right_logical3A_113 = arith.constant 19 : i32
    %shift_right_logical3A_114 = vector.broadcast %shift_right_logical3A_113 : i32 to vector<16xi32>
    %shift_right_logical3A_115 = arith.shrui %add3A_108, %shift_right_logical3A_114 : vector<16xi32>
    %or3A_116 = arith.ori %shift_left3A_112, %shift_right_logical3A_115 : vector<16xi32>
    %xor3A_117 = arith.xori %add3A_109, %or3A_116 : vector<16xi32>
    %add3A_118 = arith.addi %add3A_109, %xor3A_117 : vector<16xi32>
    %shift_left3A_119 = arith.constant 15 : i32
    %shift_left3A_120 = vector.broadcast %shift_left3A_119 : i32 to vector<16xi32>
    %shift_left3A_121 = arith.shli %xor3A_117, %shift_left3A_120 : vector<16xi32>
    %shift_right_logical3A_122 = arith.constant 17 : i32
    %shift_right_logical3A_123 = vector.broadcast %shift_right_logical3A_122 : i32 to vector<16xi32>
    %shift_right_logical3A_124 = arith.shrui %xor3A_117, %shift_right_logical3A_123 : vector<16xi32>
    %or3A_125 = arith.ori %shift_left3A_121, %shift_right_logical3A_124 : vector<16xi32>
    %xor3A_126 = arith.xori %add3A_118, %or3A_125 : vector<16xi32>
    %add3A_127 = arith.addi %add3A_118, %xor3A_126 : vector<16xi32>
    %shift_left3A_128 = arith.constant 26 : i32
    %shift_left3A_129 = vector.broadcast %shift_left3A_128 : i32 to vector<16xi32>
    %shift_left3A_130 = arith.shli %xor3A_126, %shift_left3A_129 : vector<16xi32>
    %shift_right_logical3A_131 = arith.constant 6 : i32
    %shift_right_logical3A_132 = vector.broadcast %shift_right_logical3A_131 : i32 to vector<16xi32>
    %shift_right_logical3A_133 = arith.shrui %xor3A_126, %shift_right_logical3A_132 : vector<16xi32>
    %or3A_134 = arith.ori %shift_left3A_130, %shift_right_logical3A_133 : vector<16xi32>
    %xor3A_135 = arith.xori %add3A_127, %or3A_134 : vector<16xi32>
    %add3A_136 = arith.addi %add3A_127, %xor3A_135 : vector<16xi32>
    %shift_left3A_137 = arith.constant 6 : i32
    %shift_left3A_138 = vector.broadcast %shift_left3A_137 : i32 to vector<16xi32>
    %shift_left3A_139 = arith.shli %xor3A_135, %shift_left3A_138 : vector<16xi32>
    %shift_right_logical3A_140 = arith.constant 26 : i32
    %shift_right_logical3A_141 = vector.broadcast %shift_right_logical3A_140 : i32 to vector<16xi32>
    %shift_right_logical3A_142 = arith.shrui %xor3A_135, %shift_right_logical3A_141 : vector<16xi32>
    %or3A_143 = arith.ori %shift_left3A_139, %shift_right_logical3A_142 : vector<16xi32>
    %xor3A_144 = arith.xori %add3A_136, %or3A_143 : vector<16xi32>
    %add3A_145 = arith.addi %add3A_136, %broadcast_in_dim3A_12 : vector<16xi32>
    %add3A_146 = arith.addi %xor3A_144, %broadcast_in_dim3A_23 : vector<16xi32>
    %add3A_147 = arith.constant 3 : i32
    %add3A_148 = vector.broadcast %add3A_147 : i32 to vector<16xi32>
    %add3A_149 = arith.addi %add3A_146, %add3A_148 : vector<16xi32>
    %add3A_150 = arith.addi %add3A_145, %add3A_149 : vector<16xi32>
    %shift_left3A_151 = arith.constant 17 : i32
    %shift_left3A_152 = vector.broadcast %shift_left3A_151 : i32 to vector<16xi32>
    %shift_left3A_153 = arith.shli %add3A_149, %shift_left3A_152 : vector<16xi32>
    %shift_right_logical3A_154 = arith.constant 15 : i32
    %shift_right_logical3A_155 = vector.broadcast %shift_right_logical3A_154 : i32 to vector<16xi32>
    %shift_right_logical3A_156 = arith.shrui %add3A_149, %shift_right_logical3A_155 : vector<16xi32>
    %or3A_157 = arith.ori %shift_left3A_153, %shift_right_logical3A_156 : vector<16xi32>
    %xor3A_158 = arith.xori %add3A_150, %or3A_157 : vector<16xi32>
    %add3A_159 = arith.addi %add3A_150, %xor3A_158 : vector<16xi32>
    %shift_left3A_160 = arith.constant 29 : i32
    %shift_left3A_161 = vector.broadcast %shift_left3A_160 : i32 to vector<16xi32>
    %shift_left3A_162 = arith.shli %xor3A_158, %shift_left3A_161 : vector<16xi32>
    %shift_right_logical3A_163 = arith.constant 3 : i32
    %shift_right_logical3A_164 = vector.broadcast %shift_right_logical3A_163 : i32 to vector<16xi32>
    %shift_right_logical3A_165 = arith.shrui %xor3A_158, %shift_right_logical3A_164 : vector<16xi32>
    %or3A_166 = arith.ori %shift_left3A_162, %shift_right_logical3A_165 : vector<16xi32>
    %xor3A_167 = arith.xori %add3A_159, %or3A_166 : vector<16xi32>
    %add3A_168 = arith.addi %add3A_159, %xor3A_167 : vector<16xi32>
    %shift_left3A_169 = arith.constant 16 : i32
    %shift_left3A_170 = vector.broadcast %shift_left3A_169 : i32 to vector<16xi32>
    %shift_left3A_171 = arith.shli %xor3A_167, %shift_left3A_170 : vector<16xi32>
    %shift_right_logical3A_172 = arith.constant 16 : i32
    %shift_right_logical3A_173 = vector.broadcast %shift_right_logical3A_172 : i32 to vector<16xi32>
    %shift_right_logical3A_174 = arith.shrui %xor3A_167, %shift_right_logical3A_173 : vector<16xi32>
    %or3A_175 = arith.ori %shift_left3A_171, %shift_right_logical3A_174 : vector<16xi32>
    %xor3A_176 = arith.xori %add3A_168, %or3A_175 : vector<16xi32>
    %add3A_177 = arith.addi %add3A_168, %xor3A_176 : vector<16xi32>
    %shift_left3A_178 = arith.constant 24 : i32
    %shift_left3A_179 = vector.broadcast %shift_left3A_178 : i32 to vector<16xi32>
    %shift_left3A_180 = arith.shli %xor3A_176, %shift_left3A_179 : vector<16xi32>
    %shift_right_logical3A_181 = arith.constant 8 : i32
    %shift_right_logical3A_182 = vector.broadcast %shift_right_logical3A_181 : i32 to vector<16xi32>
    %shift_right_logical3A_183 = arith.shrui %xor3A_176, %shift_right_logical3A_182 : vector<16xi32>
    %or3A_184 = arith.ori %shift_left3A_180, %shift_right_logical3A_183 : vector<16xi32>
    %xor3A_185 = arith.xori %add3A_177, %or3A_184 : vector<16xi32>
    %add3A_186 = arith.addi %add3A_177, %broadcast_in_dim3A_23 : vector<16xi32>
    %add3A_187 = arith.addi %xor3A_185, %xor3A_28 : vector<16xi32>
    %add3A_188 = arith.constant 4 : i32
    %add3A_189 = vector.broadcast %add3A_188 : i32 to vector<16xi32>
    %add3A_190 = arith.addi %add3A_187, %add3A_189 : vector<16xi32>
    %add3A_191 = arith.addi %add3A_186, %add3A_190 : vector<16xi32>
    %shift_left3A_192 = arith.constant 13 : i32
    %shift_left3A_193 = vector.broadcast %shift_left3A_192 : i32 to vector<16xi32>
    %shift_left3A_194 = arith.shli %add3A_190, %shift_left3A_193 : vector<16xi32>
    %shift_right_logical3A_195 = arith.constant 19 : i32
    %shift_right_logical3A_196 = vector.broadcast %shift_right_logical3A_195 : i32 to vector<16xi32>
    %shift_right_logical3A_197 = arith.shrui %add3A_190, %shift_right_logical3A_196 : vector<16xi32>
    %or3A_198 = arith.ori %shift_left3A_194, %shift_right_logical3A_197 : vector<16xi32>
    %xor3A_199 = arith.xori %add3A_191, %or3A_198 : vector<16xi32>
    %add3A_200 = arith.addi %add3A_191, %xor3A_199 : vector<16xi32>
    %shift_left3A_201 = arith.constant 15 : i32
    %shift_left3A_202 = vector.broadcast %shift_left3A_201 : i32 to vector<16xi32>
    %shift_left3A_203 = arith.shli %xor3A_199, %shift_left3A_202 : vector<16xi32>
    %shift_right_logical3A_204 = arith.constant 17 : i32
    %shift_right_logical3A_205 = vector.broadcast %shift_right_logical3A_204 : i32 to vector<16xi32>
    %shift_right_logical3A_206 = arith.shrui %xor3A_199, %shift_right_logical3A_205 : vector<16xi32>
    %or3A_207 = arith.ori %shift_left3A_203, %shift_right_logical3A_206 : vector<16xi32>
    %xor3A_208 = arith.xori %add3A_200, %or3A_207 : vector<16xi32>
    %add3A_209 = arith.addi %add3A_200, %xor3A_208 : vector<16xi32>
    %shift_left3A_210 = arith.constant 26 : i32
    %shift_left3A_211 = vector.broadcast %shift_left3A_210 : i32 to vector<16xi32>
    %shift_left3A_212 = arith.shli %xor3A_208, %shift_left3A_211 : vector<16xi32>
    %shift_right_logical3A_213 = arith.constant 6 : i32
    %shift_right_logical3A_214 = vector.broadcast %shift_right_logical3A_213 : i32 to vector<16xi32>
    %shift_right_logical3A_215 = arith.shrui %xor3A_208, %shift_right_logical3A_214 : vector<16xi32>
    %or3A_216 = arith.ori %shift_left3A_212, %shift_right_logical3A_215 : vector<16xi32>
    %xor3A_217 = arith.xori %add3A_209, %or3A_216 : vector<16xi32>
    %add3A_218 = arith.addi %add3A_209, %xor3A_217 : vector<16xi32>
    %shift_left3A_219 = arith.constant 6 : i32
    %shift_left3A_220 = vector.broadcast %shift_left3A_219 : i32 to vector<16xi32>
    %shift_left3A_221 = arith.shli %xor3A_217, %shift_left3A_220 : vector<16xi32>
    %shift_right_logical3A_222 = arith.constant 26 : i32
    %shift_right_logical3A_223 = vector.broadcast %shift_right_logical3A_222 : i32 to vector<16xi32>
    %shift_right_logical3A_224 = arith.shrui %xor3A_217, %shift_right_logical3A_223 : vector<16xi32>
    %or3A_225 = arith.ori %shift_left3A_221, %shift_right_logical3A_224 : vector<16xi32>
    %xor3A_226 = arith.xori %add3A_218, %or3A_225 : vector<16xi32>
    %add3A_227 = arith.addi %add3A_218, %xor3A_28 : vector<16xi32>
    %add3A_228 = arith.addi %xor3A_226, %broadcast_in_dim3A_12 : vector<16xi32>
    %add3A_229 = arith.constant 5 : i32
    %add3A_230 = vector.broadcast %add3A_229 : i32 to vector<16xi32>
    %add3A_231 = arith.addi %add3A_228, %add3A_230 : vector<16xi32>
    %xor3A_232 = arith.xori %add3A_227, %add3A_231 : vector<16xi32>
    %xor3A_233 = arith.constant 466688986 : i32
    %xor3A_234 = vector.broadcast %xor3A_233 : i32 to vector<16xi32>
    %xor3A_235 = arith.xori %xor3A_232, %xor3A_234 : vector<16xi32>
    %add3A_236 = arith.addi %broadcast_in_dim3A_25, %add3A_227 : vector<16xi32>
    %add3A_237 = arith.addi %broadcast_in_dim3A_25, %add3A_231 : vector<16xi32>
    %add3A_238 = arith.addi %add3A_236, %add3A_237 : vector<16xi32>
    %shift_left3A_239 = arith.constant 13 : i32
    %shift_left3A_240 = vector.broadcast %shift_left3A_239 : i32 to vector<16xi32>
    %shift_left3A_241 = arith.shli %add3A_237, %shift_left3A_240 : vector<16xi32>
    %shift_right_logical3A_242 = arith.constant 19 : i32
    %shift_right_logical3A_243 = vector.broadcast %shift_right_logical3A_242 : i32 to vector<16xi32>
    %shift_right_logical3A_244 = arith.shrui %add3A_237, %shift_right_logical3A_243 : vector<16xi32>
    %or3A_245 = arith.ori %shift_left3A_241, %shift_right_logical3A_244 : vector<16xi32>
    %xor3A_246 = arith.xori %add3A_238, %or3A_245 : vector<16xi32>
    %add3A_247 = arith.addi %add3A_238, %xor3A_246 : vector<16xi32>
    %shift_left3A_248 = arith.constant 15 : i32
    %shift_left3A_249 = vector.broadcast %shift_left3A_248 : i32 to vector<16xi32>
    %shift_left3A_250 = arith.shli %xor3A_246, %shift_left3A_249 : vector<16xi32>
    %shift_right_logical3A_251 = arith.constant 17 : i32
    %shift_right_logical3A_252 = vector.broadcast %shift_right_logical3A_251 : i32 to vector<16xi32>
    %shift_right_logical3A_253 = arith.shrui %xor3A_246, %shift_right_logical3A_252 : vector<16xi32>
    %or3A_254 = arith.ori %shift_left3A_250, %shift_right_logical3A_253 : vector<16xi32>
    %xor3A_255 = arith.xori %add3A_247, %or3A_254 : vector<16xi32>
    %add3A_256 = arith.addi %add3A_247, %xor3A_255 : vector<16xi32>
    %shift_left3A_257 = arith.constant 26 : i32
    %shift_left3A_258 = vector.broadcast %shift_left3A_257 : i32 to vector<16xi32>
    %shift_left3A_259 = arith.shli %xor3A_255, %shift_left3A_258 : vector<16xi32>
    %shift_right_logical3A_260 = arith.constant 6 : i32
    %shift_right_logical3A_261 = vector.broadcast %shift_right_logical3A_260 : i32 to vector<16xi32>
    %shift_right_logical3A_262 = arith.shrui %xor3A_255, %shift_right_logical3A_261 : vector<16xi32>
    %or3A_263 = arith.ori %shift_left3A_259, %shift_right_logical3A_262 : vector<16xi32>
    %xor3A_264 = arith.xori %add3A_256, %or3A_263 : vector<16xi32>
    %add3A_265 = arith.addi %add3A_256, %xor3A_264 : vector<16xi32>
    %shift_left3A_266 = arith.constant 6 : i32
    %shift_left3A_267 = vector.broadcast %shift_left3A_266 : i32 to vector<16xi32>
    %shift_left3A_268 = arith.shli %xor3A_264, %shift_left3A_267 : vector<16xi32>
    %shift_right_logical3A_269 = arith.constant 26 : i32
    %shift_right_logical3A_270 = vector.broadcast %shift_right_logical3A_269 : i32 to vector<16xi32>
    %shift_right_logical3A_271 = arith.shrui %xor3A_264, %shift_right_logical3A_270 : vector<16xi32>
    %or3A_272 = arith.ori %shift_left3A_268, %shift_right_logical3A_271 : vector<16xi32>
    %xor3A_273 = arith.xori %add3A_265, %or3A_272 : vector<16xi32>
    %add3A_274 = arith.addi %add3A_265, %add3A_231 : vector<16xi32>
    %add3A_275 = arith.addi %xor3A_273, %xor3A_235 : vector<16xi32>
    %add3A_276 = arith.constant 1 : i32
    %add3A_277 = vector.broadcast %add3A_276 : i32 to vector<16xi32>
    %add3A_278 = arith.addi %add3A_275, %add3A_277 : vector<16xi32>
    %add3A_279 = arith.addi %add3A_274, %add3A_278 : vector<16xi32>
    %shift_left3A_280 = arith.constant 17 : i32
    %shift_left3A_281 = vector.broadcast %shift_left3A_280 : i32 to vector<16xi32>
    %shift_left3A_282 = arith.shli %add3A_278, %shift_left3A_281 : vector<16xi32>
    %shift_right_logical3A_283 = arith.constant 15 : i32
    %shift_right_logical3A_284 = vector.broadcast %shift_right_logical3A_283 : i32 to vector<16xi32>
    %shift_right_logical3A_285 = arith.shrui %add3A_278, %shift_right_logical3A_284 : vector<16xi32>
    %or3A_286 = arith.ori %shift_left3A_282, %shift_right_logical3A_285 : vector<16xi32>
    %xor3A_287 = arith.xori %add3A_279, %or3A_286 : vector<16xi32>
    %add3A_288 = arith.addi %add3A_279, %xor3A_287 : vector<16xi32>
    %shift_left3A_289 = arith.constant 29 : i32
    %shift_left3A_290 = vector.broadcast %shift_left3A_289 : i32 to vector<16xi32>
    %shift_left3A_291 = arith.shli %xor3A_287, %shift_left3A_290 : vector<16xi32>
    %shift_right_logical3A_292 = arith.constant 3 : i32
    %shift_right_logical3A_293 = vector.broadcast %shift_right_logical3A_292 : i32 to vector<16xi32>
    %shift_right_logical3A_294 = arith.shrui %xor3A_287, %shift_right_logical3A_293 : vector<16xi32>
    %or3A_295 = arith.ori %shift_left3A_291, %shift_right_logical3A_294 : vector<16xi32>
    %xor3A_296 = arith.xori %add3A_288, %or3A_295 : vector<16xi32>
    %add3A_297 = arith.addi %add3A_288, %xor3A_296 : vector<16xi32>
    %shift_left3A_298 = arith.constant 16 : i32
    %shift_left3A_299 = vector.broadcast %shift_left3A_298 : i32 to vector<16xi32>
    %shift_left3A_300 = arith.shli %xor3A_296, %shift_left3A_299 : vector<16xi32>
    %shift_right_logical3A_301 = arith.constant 16 : i32
    %shift_right_logical3A_302 = vector.broadcast %shift_right_logical3A_301 : i32 to vector<16xi32>
    %shift_right_logical3A_303 = arith.shrui %xor3A_296, %shift_right_logical3A_302 : vector<16xi32>
    %or3A_304 = arith.ori %shift_left3A_300, %shift_right_logical3A_303 : vector<16xi32>
    %xor3A_305 = arith.xori %add3A_297, %or3A_304 : vector<16xi32>
    %add3A_306 = arith.addi %add3A_297, %xor3A_305 : vector<16xi32>
    %shift_left3A_307 = arith.constant 24 : i32
    %shift_left3A_308 = vector.broadcast %shift_left3A_307 : i32 to vector<16xi32>
    %shift_left3A_309 = arith.shli %xor3A_305, %shift_left3A_308 : vector<16xi32>
    %shift_right_logical3A_310 = arith.constant 8 : i32
    %shift_right_logical3A_311 = vector.broadcast %shift_right_logical3A_310 : i32 to vector<16xi32>
    %shift_right_logical3A_312 = arith.shrui %xor3A_305, %shift_right_logical3A_311 : vector<16xi32>
    %or3A_313 = arith.ori %shift_left3A_309, %shift_right_logical3A_312 : vector<16xi32>
    %xor3A_314 = arith.xori %add3A_306, %or3A_313 : vector<16xi32>
    %add3A_315 = arith.addi %add3A_306, %xor3A_235 : vector<16xi32>
    %add3A_316 = arith.addi %xor3A_314, %add3A_227 : vector<16xi32>
    %add3A_317 = arith.constant 2 : i32
    %add3A_318 = vector.broadcast %add3A_317 : i32 to vector<16xi32>
    %add3A_319 = arith.addi %add3A_316, %add3A_318 : vector<16xi32>
    %add3A_320 = arith.addi %add3A_315, %add3A_319 : vector<16xi32>
    %shift_left3A_321 = arith.constant 13 : i32
    %shift_left3A_322 = vector.broadcast %shift_left3A_321 : i32 to vector<16xi32>
    %shift_left3A_323 = arith.shli %add3A_319, %shift_left3A_322 : vector<16xi32>
    %shift_right_logical3A_324 = arith.constant 19 : i32
    %shift_right_logical3A_325 = vector.broadcast %shift_right_logical3A_324 : i32 to vector<16xi32>
    %shift_right_logical3A_326 = arith.shrui %add3A_319, %shift_right_logical3A_325 : vector<16xi32>
    %or3A_327 = arith.ori %shift_left3A_323, %shift_right_logical3A_326 : vector<16xi32>
    %xor3A_328 = arith.xori %add3A_320, %or3A_327 : vector<16xi32>
    %add3A_329 = arith.addi %add3A_320, %xor3A_328 : vector<16xi32>
    %shift_left3A_330 = arith.constant 15 : i32
    %shift_left3A_331 = vector.broadcast %shift_left3A_330 : i32 to vector<16xi32>
    %shift_left3A_332 = arith.shli %xor3A_328, %shift_left3A_331 : vector<16xi32>
    %shift_right_logical3A_333 = arith.constant 17 : i32
    %shift_right_logical3A_334 = vector.broadcast %shift_right_logical3A_333 : i32 to vector<16xi32>
    %shift_right_logical3A_335 = arith.shrui %xor3A_328, %shift_right_logical3A_334 : vector<16xi32>
    %or3A_336 = arith.ori %shift_left3A_332, %shift_right_logical3A_335 : vector<16xi32>
    %xor3A_337 = arith.xori %add3A_329, %or3A_336 : vector<16xi32>
    %add3A_338 = arith.addi %add3A_329, %xor3A_337 : vector<16xi32>
    %shift_left3A_339 = arith.constant 26 : i32
    %shift_left3A_340 = vector.broadcast %shift_left3A_339 : i32 to vector<16xi32>
    %shift_left3A_341 = arith.shli %xor3A_337, %shift_left3A_340 : vector<16xi32>
    %shift_right_logical3A_342 = arith.constant 6 : i32
    %shift_right_logical3A_343 = vector.broadcast %shift_right_logical3A_342 : i32 to vector<16xi32>
    %shift_right_logical3A_344 = arith.shrui %xor3A_337, %shift_right_logical3A_343 : vector<16xi32>
    %or3A_345 = arith.ori %shift_left3A_341, %shift_right_logical3A_344 : vector<16xi32>
    %xor3A_346 = arith.xori %add3A_338, %or3A_345 : vector<16xi32>
    %add3A_347 = arith.addi %add3A_338, %xor3A_346 : vector<16xi32>
    %shift_left3A_348 = arith.constant 6 : i32
    %shift_left3A_349 = vector.broadcast %shift_left3A_348 : i32 to vector<16xi32>
    %shift_left3A_350 = arith.shli %xor3A_346, %shift_left3A_349 : vector<16xi32>
    %shift_right_logical3A_351 = arith.constant 26 : i32
    %shift_right_logical3A_352 = vector.broadcast %shift_right_logical3A_351 : i32 to vector<16xi32>
    %shift_right_logical3A_353 = arith.shrui %xor3A_346, %shift_right_logical3A_352 : vector<16xi32>
    %or3A_354 = arith.ori %shift_left3A_350, %shift_right_logical3A_353 : vector<16xi32>
    %xor3A_355 = arith.xori %add3A_347, %or3A_354 : vector<16xi32>
    %add3A_356 = arith.addi %add3A_347, %add3A_227 : vector<16xi32>
    %add3A_357 = arith.addi %xor3A_355, %add3A_231 : vector<16xi32>
    %add3A_358 = arith.constant 3 : i32
    %add3A_359 = vector.broadcast %add3A_358 : i32 to vector<16xi32>
    %add3A_360 = arith.addi %add3A_357, %add3A_359 : vector<16xi32>
    %add3A_361 = arith.addi %add3A_356, %add3A_360 : vector<16xi32>
    %shift_left3A_362 = arith.constant 17 : i32
    %shift_left3A_363 = vector.broadcast %shift_left3A_362 : i32 to vector<16xi32>
    %shift_left3A_364 = arith.shli %add3A_360, %shift_left3A_363 : vector<16xi32>
    %shift_right_logical3A_365 = arith.constant 15 : i32
    %shift_right_logical3A_366 = vector.broadcast %shift_right_logical3A_365 : i32 to vector<16xi32>
    %shift_right_logical3A_367 = arith.shrui %add3A_360, %shift_right_logical3A_366 : vector<16xi32>
    %or3A_368 = arith.ori %shift_left3A_364, %shift_right_logical3A_367 : vector<16xi32>
    %xor3A_369 = arith.xori %add3A_361, %or3A_368 : vector<16xi32>
    %add3A_370 = arith.addi %add3A_361, %xor3A_369 : vector<16xi32>
    %shift_left3A_371 = arith.constant 29 : i32
    %shift_left3A_372 = vector.broadcast %shift_left3A_371 : i32 to vector<16xi32>
    %shift_left3A_373 = arith.shli %xor3A_369, %shift_left3A_372 : vector<16xi32>
    %shift_right_logical3A_374 = arith.constant 3 : i32
    %shift_right_logical3A_375 = vector.broadcast %shift_right_logical3A_374 : i32 to vector<16xi32>
    %shift_right_logical3A_376 = arith.shrui %xor3A_369, %shift_right_logical3A_375 : vector<16xi32>
    %or3A_377 = arith.ori %shift_left3A_373, %shift_right_logical3A_376 : vector<16xi32>
    %xor3A_378 = arith.xori %add3A_370, %or3A_377 : vector<16xi32>
    %add3A_379 = arith.addi %add3A_370, %xor3A_378 : vector<16xi32>
    %shift_left3A_380 = arith.constant 16 : i32
    %shift_left3A_381 = vector.broadcast %shift_left3A_380 : i32 to vector<16xi32>
    %shift_left3A_382 = arith.shli %xor3A_378, %shift_left3A_381 : vector<16xi32>
    %shift_right_logical3A_383 = arith.constant 16 : i32
    %shift_right_logical3A_384 = vector.broadcast %shift_right_logical3A_383 : i32 to vector<16xi32>
    %shift_right_logical3A_385 = arith.shrui %xor3A_378, %shift_right_logical3A_384 : vector<16xi32>
    %or3A_386 = arith.ori %shift_left3A_382, %shift_right_logical3A_385 : vector<16xi32>
    %xor3A_387 = arith.xori %add3A_379, %or3A_386 : vector<16xi32>
    %add3A_388 = arith.addi %add3A_379, %xor3A_387 : vector<16xi32>
    %shift_left3A_389 = arith.constant 24 : i32
    %shift_left3A_390 = vector.broadcast %shift_left3A_389 : i32 to vector<16xi32>
    %shift_left3A_391 = arith.shli %xor3A_387, %shift_left3A_390 : vector<16xi32>
    %shift_right_logical3A_392 = arith.constant 8 : i32
    %shift_right_logical3A_393 = vector.broadcast %shift_right_logical3A_392 : i32 to vector<16xi32>
    %shift_right_logical3A_394 = arith.shrui %xor3A_387, %shift_right_logical3A_393 : vector<16xi32>
    %or3A_395 = arith.ori %shift_left3A_391, %shift_right_logical3A_394 : vector<16xi32>
    %xor3A_396 = arith.xori %add3A_388, %or3A_395 : vector<16xi32>
    %add3A_397 = arith.addi %add3A_388, %add3A_231 : vector<16xi32>
    %add3A_398 = arith.addi %xor3A_396, %xor3A_235 : vector<16xi32>
    %add3A_399 = arith.constant 4 : i32
    %add3A_400 = vector.broadcast %add3A_399 : i32 to vector<16xi32>
    %add3A_401 = arith.addi %add3A_398, %add3A_400 : vector<16xi32>
    %add3A_402 = arith.addi %add3A_397, %add3A_401 : vector<16xi32>
    %shift_left3A_403 = arith.constant 13 : i32
    %shift_left3A_404 = vector.broadcast %shift_left3A_403 : i32 to vector<16xi32>
    %shift_left3A_405 = arith.shli %add3A_401, %shift_left3A_404 : vector<16xi32>
    %shift_right_logical3A_406 = arith.constant 19 : i32
    %shift_right_logical3A_407 = vector.broadcast %shift_right_logical3A_406 : i32 to vector<16xi32>
    %shift_right_logical3A_408 = arith.shrui %add3A_401, %shift_right_logical3A_407 : vector<16xi32>
    %or3A_409 = arith.ori %shift_left3A_405, %shift_right_logical3A_408 : vector<16xi32>
    %xor3A_410 = arith.xori %add3A_402, %or3A_409 : vector<16xi32>
    %add3A_411 = arith.addi %add3A_402, %xor3A_410 : vector<16xi32>
    %shift_left3A_412 = arith.constant 15 : i32
    %shift_left3A_413 = vector.broadcast %shift_left3A_412 : i32 to vector<16xi32>
    %shift_left3A_414 = arith.shli %xor3A_410, %shift_left3A_413 : vector<16xi32>
    %shift_right_logical3A_415 = arith.constant 17 : i32
    %shift_right_logical3A_416 = vector.broadcast %shift_right_logical3A_415 : i32 to vector<16xi32>
    %shift_right_logical3A_417 = arith.shrui %xor3A_410, %shift_right_logical3A_416 : vector<16xi32>
    %or3A_418 = arith.ori %shift_left3A_414, %shift_right_logical3A_417 : vector<16xi32>
    %xor3A_419 = arith.xori %add3A_411, %or3A_418 : vector<16xi32>
    %add3A_420 = arith.addi %add3A_411, %xor3A_419 : vector<16xi32>
    %shift_left3A_421 = arith.constant 26 : i32
    %shift_left3A_422 = vector.broadcast %shift_left3A_421 : i32 to vector<16xi32>
    %shift_left3A_423 = arith.shli %xor3A_419, %shift_left3A_422 : vector<16xi32>
    %shift_right_logical3A_424 = arith.constant 6 : i32
    %shift_right_logical3A_425 = vector.broadcast %shift_right_logical3A_424 : i32 to vector<16xi32>
    %shift_right_logical3A_426 = arith.shrui %xor3A_419, %shift_right_logical3A_425 : vector<16xi32>
    %or3A_427 = arith.ori %shift_left3A_423, %shift_right_logical3A_426 : vector<16xi32>
    %xor3A_428 = arith.xori %add3A_420, %or3A_427 : vector<16xi32>
    %add3A_429 = arith.addi %add3A_420, %xor3A_428 : vector<16xi32>
    %shift_left3A_430 = arith.constant 6 : i32
    %shift_left3A_431 = vector.broadcast %shift_left3A_430 : i32 to vector<16xi32>
    %shift_left3A_432 = arith.shli %xor3A_428, %shift_left3A_431 : vector<16xi32>
    %shift_right_logical3A_433 = arith.constant 26 : i32
    %shift_right_logical3A_434 = vector.broadcast %shift_right_logical3A_433 : i32 to vector<16xi32>
    %shift_right_logical3A_435 = arith.shrui %xor3A_428, %shift_right_logical3A_434 : vector<16xi32>
    %or3A_436 = arith.ori %shift_left3A_432, %shift_right_logical3A_435 : vector<16xi32>
    %xor3A_437 = arith.xori %add3A_429, %or3A_436 : vector<16xi32>
    %add3A_438 = arith.addi %add3A_429, %xor3A_235 : vector<16xi32>
    %add3A_439 = arith.addi %xor3A_437, %add3A_227 : vector<16xi32>
    %add3A_440 = arith.constant 5 : i32
    %add3A_441 = vector.broadcast %add3A_440 : i32 to vector<16xi32>
    %add3A_442 = arith.addi %add3A_439, %add3A_441 : vector<16xi32>
    %xor3A_443 = arith.xori %add3A_438, %add3A_442 : vector<16xi32>
    %shift_right_logical3A_444 = arith.constant 9 : i32
    %shift_right_logical3A_445 = vector.broadcast %shift_right_logical3A_444 : i32 to vector<16xi32>
    %shift_right_logical3A_446 = arith.shrui %xor3A_443, %shift_right_logical3A_445 : vector<16xi32>
    %or3A_447 = arith.constant 1065353216 : i32
    %or3A_448 = vector.broadcast %or3A_447 : i32 to vector<16xi32>
    %or3A_449 = arith.ori %shift_right_logical3A_446, %or3A_448 : vector<16xi32>
    %bitcast3A_450 = vector.bitcast %or3A_449 : vector<16xi32> to vector<16xf32>
    %sub3A = arith.constant 1.000000e+00 : f32
    %sub3A_451 = vector.broadcast %sub3A : f32 to vector<16xf32>
    %sub3A_452 = arith.subf %bitcast3A_450, %sub3A_451 : vector<16xf32>
    %max3A = arith.constant 0.000000e+00 : f32
    %max3A_453 = vector.broadcast %max3A : f32 to vector<16xf32>
    %max3A_454 = arith.maximumf %sub3A_452, %max3A_453 : vector<16xf32>
    %eq3A_455 = arith.constant 0 : i32
    %eq3A_456 = vector.broadcast %eq3A_455 : i32 to vector<16xi32>
    %eq3A_457 = arith.cmpi eq, %iota3A, %eq3A_456 : vector<16xi32>
    %jit3A_458 = arith.constant 0.000000e+00 : f32
    %broadcast_in_dim3A_459 = vector.broadcast %jit3A_458 : f32 to vector<16xf32>
    %select_n3A_460 = arith.select %eq3A_457, %max3A_454, %broadcast_in_dim3A_459 : vector<16xi1>, vector<16xf32>
    %reduce_sum3A_461 = arith.constant true
    %reduce_sum3A_462 = vector.broadcast %reduce_sum3A_461 : i1 to vector<16xi1>
    %reduce_sum3A_463 = tpu.scan <sum>, %select_n3A_460 masked %reduce_sum3A_462 : vector<16xf32>, vector<16xi1> -> vector<16xf32>
    %reduce_sum3A_464 = vector.extract %reduce_sum3A_463[15] : f32 from vector<16xf32>
    %eq3A_465 = arith.constant 1 : i32
    %eq3A_466 = vector.broadcast %eq3A_465 : i32 to vector<16xi32>
    %eq3A_467 = arith.cmpi eq, %iota3A, %eq3A_466 : vector<16xi32>
    %jit3A_468 = arith.constant 0.000000e+00 : f32
    %broadcast_in_dim3A_469 = vector.broadcast %jit3A_468 : f32 to vector<16xf32>
    %select_n3A_470 = arith.select %eq3A_467, %max3A_454, %broadcast_in_dim3A_469 : vector<16xi1>, vector<16xf32>
    %reduce_sum3A_471 = arith.constant true
    %reduce_sum3A_472 = vector.broadcast %reduce_sum3A_471 : i1 to vector<16xi1>
    %reduce_sum3A_473 = tpu.scan <sum>, %select_n3A_470 masked %reduce_sum3A_472 : vector<16xf32>, vector<16xi1> -> vector<16xf32>
    %reduce_sum3A_474 = vector.extract %reduce_sum3A_473[15] : f32 from vector<16xf32>
    %eq3A_475 = arith.constant 2 : i32
    %eq3A_476 = vector.broadcast %eq3A_475 : i32 to vector<16xi32>
    %eq3A_477 = arith.cmpi eq, %iota3A, %eq3A_476 : vector<16xi32>
    %jit3A_478 = arith.constant 0.000000e+00 : f32
    %broadcast_in_dim3A_479 = vector.broadcast %jit3A_478 : f32 to vector<16xf32>
    %select_n3A_480 = arith.select %eq3A_477, %max3A_454, %broadcast_in_dim3A_479 : vector<16xi1>, vector<16xf32>
    %reduce_sum3A_481 = arith.constant true
    %reduce_sum3A_482 = vector.broadcast %reduce_sum3A_481 : i1 to vector<16xi1>
    %reduce_sum3A_483 = tpu.scan <sum>, %select_n3A_480 masked %reduce_sum3A_482 : vector<16xf32>, vector<16xi1> -> vector<16xf32>
    %reduce_sum3A_484 = vector.extract %reduce_sum3A_483[15] : f32 from vector<16xf32>
    %exp3A = math.exp %get3A_6 : vector<16xf32>
    %jit3A_485 = arith.constant 0.000000e+00 : f32
    %broadcast_in_dim3A_486 = vector.broadcast %jit3A_485 : f32 to vector<16xf32>
    %select_n3A_487 = arith.select %lt3A_1, %exp3A, %broadcast_in_dim3A_486 : vector<16xi1>, vector<16xf32>
    %broadcast_in_dim3A_488 = arith.constant true
    %broadcast_in_dim3A_489 = vector.broadcast %broadcast_in_dim3A_488 : i1 to vector<16xi1>
    %masked_cumsum3A = tpu.scan <sum>, %select_n3A_487 masked %broadcast_in_dim3A_489 : vector<16xf32>, vector<16xi1> -> vector<16xf32>
    %reduce_max3A = arith.constant true
    %reduce_max3A_490 = vector.broadcast %reduce_max3A : i1 to vector<16xi1>
    %reduce_max3A_491 = tpu.scan <max>, %masked_cumsum3A masked %reduce_max3A_490 : vector<16xf32>, vector<16xi1> -> vector<16xf32>
    %reduce_max3A_492 = vector.extract %reduce_max3A_491[15] : f32 from vector<16xf32>
    %sub3A_493 = arith.constant 1.000000e+00 : f32
    %sub3A_494 = arith.subf %sub3A_493, %reduce_sum3A_464 : f32
    %mul3A = arith.mulf %reduce_max3A_492, %sub3A_494 : f32
    %lt3A_495 = vector.broadcast %mul3A : f32 to vector<16xf32>
    %lt3A_496 = arith.cmpf olt, %masked_cumsum3A, %lt3A_495 : vector<16xf32>
    %all_reduce_population_count3A = tpu.all_reduce %lt3A_496 {dim = 0 : i64, kind = #tpu.reduction_kind<sum>} : vector<16xi1> -> vector<16xi32>
    %reduce_max3A_497 = arith.constant true
    %reduce_max3A_498 = vector.broadcast %reduce_max3A_497 : i1 to vector<16xi1>
    %reduce_max3A_499 = arith.constant -2147483648 : i32
    %reduce_max3A_500 = vector.broadcast %reduce_max3A_499 : i32 to vector<16xi32>
    %reduce_max3A_501 = arith.xori %all_reduce_population_count3A, %reduce_max3A_500 : vector<16xi32>
    %reduce_max3A_502 = tpu.scan <max>, %reduce_max3A_501 masked %reduce_max3A_498 : vector<16xi32>, vector<16xi1> -> vector<16xi32>
    %reduce_max3A_503 = arith.xori %reduce_max3A_502, %reduce_max3A_500 : vector<16xi32>
    %reduce_max3A_504 = vector.extract %reduce_max3A_503[15] : i32 from vector<16xi32>
    %jit3A_505 = arith.constant 0 : i32
    %broadcast_in_dim3A_506 = vector.broadcast %jit3A_505 : i32 to vector<16xi32>
    %select_n3A_507 = arith.select %lt3A_1, %get3A_4, %broadcast_in_dim3A_506 : vector<16xi1>, vector<16xi32>
    %eq3A_508 = vector.broadcast %reduce_max3A_504 : i32 to vector<16xi32>
    %eq3A_509 = arith.cmpi eq, %iota3A, %eq3A_508 : vector<16xi32>
    %jit3A_510 = arith.constant 0 : i32
    %broadcast_in_dim3A_511 = vector.broadcast %jit3A_510 : i32 to vector<16xi32>
    %select_n3A_512 = arith.select %eq3A_509, %select_n3A_507, %broadcast_in_dim3A_511 : vector<16xi1>, vector<16xi32>
    %reduce_sum3A_513 = arith.constant true
    %reduce_sum3A_514 = vector.broadcast %reduce_sum3A_513 : i1 to vector<16xi1>
    %reduce_sum3A_515 = tpu.scan <sum>, %select_n3A_512 masked %reduce_sum3A_514 : vector<16xi32>, vector<16xi1> -> vector<16xi32>
    %reduce_sum3A_516 = vector.extract %reduce_sum3A_515[15] : i32 from vector<16xi32>
    %jit3A_517 = arith.constant 8 : i32
    %div3A = arith.divsi %reduce_sum3A_516, %jit3A_517 : i32
    %sign3A = arith.constant 0 : i32
    %sign3A_518 = arith.cmpi sgt, %reduce_sum3A_516, %sign3A : i32
    %sign3A_519 = arith.extui %sign3A_518 : i1 to i32
    %sign3A_520 = arith.constant 0 : i32
    %sign3A_521 = arith.cmpi slt, %reduce_sum3A_516, %sign3A_520 : i32
    %sign3A_522 = arith.extui %sign3A_521 : i1 to i32
    %sign3A_523 = arith.subi %sign3A_519, %sign3A_522 : i32
    %sign3A_524 = arith.constant 0 : i32
    %sign3A_525 = arith.cmpi sgt, %jit3A_517, %sign3A_524 : i32
    %sign3A_526 = arith.extui %sign3A_525 : i1 to i32
    %sign3A_527 = arith.constant 0 : i32
    %sign3A_528 = arith.cmpi slt, %jit3A_517, %sign3A_527 : i32
    %sign3A_529 = arith.extui %sign3A_528 : i1 to i32
    %sign3A_530 = arith.subi %sign3A_526, %sign3A_529 : i32
    %ne3A = arith.cmpi ne, %sign3A_523, %sign3A_530 : i32
    %rem3A = arith.remsi %reduce_sum3A_516, %jit3A_517 : i32
    %ne3A_531 = arith.constant 0 : i32
    %ne3A_532 = arith.cmpi ne, %rem3A, %ne3A_531 : i32
    %and3A = arith.andi %ne3A, %ne3A_532 : i1
    %sub3A_533 = arith.constant 1 : i32
    %sub3A_534 = arith.subi %div3A, %sub3A_533 : i32
    %select_n3A_535 = arith.select %and3A, %sub3A_534, %div3A : i32
    %mul3A_536 = arith.constant 8 : i32
    %mul3A_537 = arith.muli %select_n3A_535, %mul3A_536 : i32
    "tpu.region"() ({
      %run_scoped3A = tpu.sem_alloc : memref<!tpu.dma_semaphore, #tpu.memory_space<semaphore_mem>>
      %dma_start3A_3434 = arith.constant 0 : i32
      %dma_start3A_3435 = tpu.memref_slice %arg3[%reduce_max3A_504, %mul3A_537, %dma_start3A_3434] : memref<8x64x64xf32, #tpu.memory_space<hbm>> -> memref<1x8x64xf32, #tpu.memory_space<hbm>>
      %dma_start3A_3436 = tpu.memref_squeeze %dma_start3A_3435 : memref<1x8x64xf32, #tpu.memory_space<hbm>> -> memref<8x64xf32, #tpu.memory_space<hbm>>
      %dma_start3A_3437 = arith.constant 0 : i32
      %dma_start3A_3438 = tpu.memref_slice %arg3[%reduce_max3A_504, %mul3A_537, %dma_start3A_3437] : memref<8x64x64xf32, #tpu.memory_space<hbm>> -> memref<1x8x64xf32, #tpu.memory_space<hbm>>
      %dma_start3A_3439 = tpu.memref_squeeze %dma_start3A_3438 : memref<1x8x64xf32, #tpu.memory_space<hbm>> -> memref<8x64xf32, #tpu.memory_space<hbm>>
      tpu.enqueue_dma source(%dma_start3A_3439 : memref<8x64xf32, #tpu.memory_space<hbm>>) target(%arg12 : memref<8x64xf32, #tpu.memory_space<vmem>>) target_semaphore(%run_scoped3A : memref<!tpu.dma_semaphore, #tpu.memory_space<semaphore_mem>>)
      %dma_wait3A_3440 = arith.constant 0 : i32
      %dma_wait3A_3441 = tpu.memref_slice %arg3[%reduce_max3A_504, %mul3A_537, %dma_wait3A_3440] : memref<8x64x64xf32, #tpu.memory_space<hbm>> -> memref<1x8x64xf32, #tpu.memory_space<hbm>>
      %dma_wait3A_3442 = tpu.memref_squeeze %dma_wait3A_3441 : memref<1x8x64xf32, #tpu.memory_space<hbm>> -> memref<8x64xf32, #tpu.memory_space<hbm>>
      %dma_wait3A_3443 = arith.constant 0 : i32
      %dma_wait3A_3444 = tpu.memref_slice %arg3[%reduce_max3A_504, %mul3A_537, %dma_wait3A_3443] : memref<8x64x64xf32, #tpu.memory_space<hbm>> -> memref<1x8x64xf32, #tpu.memory_space<hbm>>
      %dma_wait3A_3445 = tpu.memref_squeeze %dma_wait3A_3444 : memref<1x8x64xf32, #tpu.memory_space<hbm>> -> memref<8x64xf32, #tpu.memory_space<hbm>>
      tpu.wait_dma2 semaphore(%run_scoped3A : memref<!tpu.dma_semaphore, #tpu.memory_space<semaphore_mem>>) src(%dma_wait3A_3445 : memref<8x64xf32, #tpu.memory_space<hbm>>) dst(%arg12 : memref<8x64xf32, #tpu.memory_space<vmem>>)
      tpu.yield
    }) : () -> ()
    %sub3A_538 = arith.subi %reduce_sum3A_516, %mul3A_537 : i32
    %get3A_539 = arith.index_cast %sub3A_538 : i32 to index
    %get3A_540 = arith.constant 0 : index
    %get3A_541 = tpu.vector_load %arg12[%get3A_539, %get3A_540] {strides = array<i32>} : memref<8x64xf32, #tpu.memory_space<vmem>>, vector<16xf32>,
    %exp3A_542 = math.exp %get3A_541 : vector<16xf32>
    %broadcast_in_dim3A_543 = arith.constant true
    %broadcast_in_dim3A_544 = vector.broadcast %broadcast_in_dim3A_543 : i1 to vector<16xi1>
    %masked_cumsum3A_545 = tpu.scan <sum>, %exp3A_542 masked %broadcast_in_dim3A_544 : vector<16xf32>, vector<16xi1> -> vector<16xf32>
    %add3A_546 = arith.constant 0.000000e+00 : f32
    %add3A_547 = vector.broadcast %add3A_546 : f32 to vector<16xf32>
    %add3A_548 = arith.addf %masked_cumsum3A_545, %add3A_547 : vector<16xf32>
    %reduce_max3A_549 = arith.constant true
    %reduce_max3A_550 = vector.broadcast %reduce_max3A_549 : i1 to vector<16xi1>
    %reduce_max3A_551 = tpu.scan <max>, %add3A_548 masked %reduce_max3A_550 : vector<16xf32>, vector<16xi1> -> vector<16xf32>
    %reduce_max3A_552 = vector.extract %reduce_max3A_551[15] : f32 from vector<16xf32>
    %get3A_553 = arith.index_cast %sub3A_538 : i32 to index
    %get3A_554 = arith.constant 16 : index
    %get3A_555 = tpu.vector_load %arg12[%get3A_553, %get3A_554] {strides = array<i32>} : memref<8x64xf32, #tpu.memory_space<vmem>>, vector<16xf32>,
    %exp3A_556 = math.exp %get3A_555 : vector<16xf32>
    %broadcast_in_dim3A_557 = arith.constant true
    %broadcast_in_dim3A_558 = vector.broadcast %broadcast_in_dim3A_557 : i1 to vector<16xi1>
    %masked_cumsum3A_559 = tpu.scan <sum>, %exp3A_556 masked %broadcast_in_dim3A_558 : vector<16xf32>, vector<16xi1> -> vector<16xf32>
    %add3A_560 = vector.broadcast %reduce_max3A_552 : f32 to vector<16xf32>
    %add3A_561 = arith.addf %masked_cumsum3A_559, %add3A_560 : vector<16xf32>
    %reduce_max3A_562 = arith.constant true
    %reduce_max3A_563 = vector.broadcast %reduce_max3A_562 : i1 to vector<16xi1>
    %reduce_max3A_564 = tpu.scan <max>, %add3A_561 masked %reduce_max3A_563 : vector<16xf32>, vector<16xi1> -> vector<16xf32>
    %reduce_max3A_565 = vector.extract %reduce_max3A_564[15] : f32 from vector<16xf32>
    %get3A_566 = arith.index_cast %sub3A_538 : i32 to index
    %get3A_567 = arith.constant 32 : index
    %get3A_568 = tpu.vector_load %arg12[%get3A_566, %get3A_567] {strides = array<i32>} : memref<8x64xf32, #tpu.memory_space<vmem>>, vector<16xf32>,
    %exp3A_569 = math.exp %get3A_568 : vector<16xf32>
    %broadcast_in_dim3A_570 = arith.constant true
    %broadcast_in_dim3A_571 = vector.broadcast %broadcast_in_dim3A_570 : i1 to vector<16xi1>
    %masked_cumsum3A_572 = tpu.scan <sum>, %exp3A_569 masked %broadcast_in_dim3A_571 : vector<16xf32>, vector<16xi1> -> vector<16xf32>
    %add3A_573 = vector.broadcast %reduce_max3A_565 : f32 to vector<16xf32>
    %add3A_574 = arith.addf %masked_cumsum3A_572, %add3A_573 : vector<16xf32>
    %reduce_max3A_575 = arith.constant true
    %reduce_max3A_576 = vector.broadcast %reduce_max3A_575 : i1 to vector<16xi1>
    %reduce_max3A_577 = tpu.scan <max>, %add3A_574 masked %reduce_max3A_576 : vector<16xf32>, vector<16xi1> -> vector<16xf32>
    %reduce_max3A_578 = vector.extract %reduce_max3A_577[15] : f32 from vector<16xf32>
    %get3A_579 = arith.index_cast %sub3A_538 : i32 to index
    %get3A_580 = arith.constant 48 : index
    %get3A_581 = tpu.vector_load %arg12[%get3A_579, %get3A_580] {strides = array<i32>} : memref<8x64xf32, #tpu.memory_space<vmem>>, vector<16xf32>,
    %exp3A_582 = math.exp %get3A_581 : vector<16xf32>
    %broadcast_in_dim3A_583 = arith.constant true
    %broadcast_in_dim3A_584 = vector.broadcast %broadcast_in_dim3A_583 : i1 to vector<16xi1>
    %masked_cumsum3A_585 = tpu.scan <sum>, %exp3A_582 masked %broadcast_in_dim3A_584 : vector<16xf32>, vector<16xi1> -> vector<16xf32>
    %add3A_586 = vector.broadcast %reduce_max3A_578 : f32 to vector<16xf32>
    %add3A_587 = arith.addf %masked_cumsum3A_585, %add3A_586 : vector<16xf32>
    %reduce_max3A_588 = arith.constant true
    %reduce_max3A_589 = vector.broadcast %reduce_max3A_588 : i1 to vector<16xi1>
    %reduce_max3A_590 = tpu.scan <max>, %add3A_587 masked %reduce_max3A_589 : vector<16xf32>, vector<16xi1> -> vector<16xf32>
    %reduce_max3A_591 = vector.extract %reduce_max3A_590[15] : f32 from vector<16xf32>
    %sub3A_592 = arith.constant 1.000000e+00 : f32
    %sub3A_593 = arith.subf %sub3A_592, %reduce_sum3A_474 : f32
    %mul3A_594 = arith.mulf %reduce_max3A_591, %sub3A_593 : f32
    %broadcast_in_dim3A_595 = arith.constant 0 : i32
    %broadcast_in_dim3A_596 = vector.broadcast %broadcast_in_dim3A_595 : i32 to vector<16xi32>
    %lt3A_597 = vector.broadcast %mul3A_594 : f32 to vector<16xf32>
    %lt3A_598 = arith.cmpf olt, %add3A_548, %lt3A_597 : vector<16xf32>
    %all_reduce_population_count3A_599 = tpu.all_reduce %lt3A_598 {dim = 0 : i64, kind = #tpu.reduction_kind<sum>} : vector<16xi1> -> vector<16xi32>
    %add3A_600 = arith.addi %broadcast_in_dim3A_596, %all_reduce_population_count3A_599 : vector<16xi32>
    %lt3A_601 = vector.broadcast %mul3A_594 : f32 to vector<16xf32>
    %lt3A_602 = arith.cmpf olt, %add3A_561, %lt3A_601 : vector<16xf32>
    %all_reduce_population_count3A_603 = tpu.all_reduce %lt3A_602 {dim = 0 : i64, kind = #tpu.reduction_kind<sum>} : vector<16xi1> -> vector<16xi32>
    %add3A_604 = arith.addi %add3A_600, %all_reduce_population_count3A_603 : vector<16xi32>
    %lt3A_605 = vector.broadcast %mul3A_594 : f32 to vector<16xf32>
    %lt3A_606 = arith.cmpf olt, %add3A_574, %lt3A_605 : vector<16xf32>
    %all_reduce_population_count3A_607 = tpu.all_reduce %lt3A_606 {dim = 0 : i64, kind = #tpu.reduction_kind<sum>} : vector<16xi1> -> vector<16xi32>
    %add3A_608 = arith.addi %add3A_604, %all_reduce_population_count3A_607 : vector<16xi32>
    %lt3A_609 = vector.broadcast %mul3A_594 : f32 to vector<16xf32>
    %lt3A_610 = arith.cmpf olt, %add3A_587, %lt3A_609 : vector<16xf32>
    %all_reduce_population_count3A_611 = tpu.all_reduce %lt3A_610 {dim = 0 : i64, kind = #tpu.reduction_kind<sum>} : vector<16xi1> -> vector<16xi32>
    %add3A_612 = arith.addi %add3A_608, %all_reduce_population_count3A_611 : vector<16xi32>
    %reduce_max3A_613 = arith.constant true
    %reduce_max3A_614 = vector.broadcast %reduce_max3A_613 : i1 to vector<16xi1>
    %reduce_max3A_615 = arith.constant -2147483648 : i32
    %reduce_max3A_616 = vector.broadcast %reduce_max3A_615 : i32 to vector<16xi32>
    %reduce_max3A_617 = arith.xori %add3A_612, %reduce_max3A_616 : vector<16xi32>
    %reduce_max3A_618 = tpu.scan <max>, %reduce_max3A_617 masked %reduce_max3A_614 : vector<16xi32>, vector<16xi1> -> vector<16xi32>
    %reduce_max3A_619 = arith.xori %reduce_max3A_618, %reduce_max3A_616 : vector<16xi32>
    %reduce_max3A_620 = vector.extract %reduce_max3A_619[15] : i32 from vector<16xi32>
    %eq3A_621 = vector.broadcast %reduce_max3A_504 : i32 to vector<16xi32>
    %eq3A_622 = arith.cmpi eq, %iota3A, %eq3A_621 : vector<16xi32>
    %jit3A_623 = arith.constant 0 : i32
    %broadcast_in_dim3A_624 = vector.broadcast %jit3A_623 : i32 to vector<16xi32>
    %select_n3A_625 = arith.select %lt3A_1, %get3A_4, %broadcast_in_dim3A_624 : vector<16xi1>, vector<16xi32>
    %broadcast_in_dim3A_626 = vector.broadcast %reduce_max3A_620 : i32 to vector<16xi32>
    %select_n3A_627 = arith.select %eq3A_622, %broadcast_in_dim3A_626, %select_n3A_625 : vector<16xi1>, vector<16xi32>
    %eq3A_628 = arith.constant 15 : i32
    %eq3A_629 = arith.cmpi eq, %arg1, %eq3A_628 : i32
    %mul3A_630 = arith.constant 6400 : i32
    %mul3A_631 = arith.muli %arg1, %mul3A_630 : i32
    %jit3A_632 = arith.constant 93696 : i32
    %select_n3A_633 = arith.select %eq3A_629, %jit3A_632, %mul3A_631 : i32
    %jit3A_634 = arith.constant 9 : i32
    %jit3A_635 = arith.constant 0 : i32
    %select_n3A_636 = arith.select %eq3A_629, %jit3A_634, %jit3A_635 : i32
    %jit3A_637 = arith.constant 8 : i32
    %div3A_638 = arith.divsi %reduce_max3A_620, %jit3A_637 : i32
    %sign3A_639 = arith.constant 0 : i32
    %sign3A_640 = arith.cmpi sgt, %reduce_max3A_620, %sign3A_639 : i32
    %sign3A_641 = arith.extui %sign3A_640 : i1 to i32
    %sign3A_642 = arith.constant 0 : i32
    %sign3A_643 = arith.cmpi slt, %reduce_max3A_620, %sign3A_642 : i32
    %sign3A_644 = arith.extui %sign3A_643 : i1 to i32
    %sign3A_645 = arith.subi %sign3A_641, %sign3A_644 : i32
    %sign3A_646 = arith.constant 0 : i32
    %sign3A_647 = arith.cmpi sgt, %jit3A_637, %sign3A_646 : i32
    %sign3A_648 = arith.extui %sign3A_647 : i1 to i32
    %sign3A_649 = arith.constant 0 : i32
    %sign3A_650 = arith.cmpi slt, %jit3A_637, %sign3A_649 : i32
    %sign3A_651 = arith.extui %sign3A_650 : i1 to i32
    %sign3A_652 = arith.subi %sign3A_648, %sign3A_651 : i32
    %ne3A_653 = arith.cmpi ne, %sign3A_645, %sign3A_652 : i32
    %rem3A_654 = arith.remsi %reduce_max3A_620, %jit3A_637 : i32
    %ne3A_655 = arith.constant 0 : i32
    %ne3A_656 = arith.cmpi ne, %rem3A_654, %ne3A_655 : i32
    %and3A_657 = arith.andi %ne3A_653, %ne3A_656 : i1
    %sub3A_658 = arith.constant 1 : i32
    %sub3A_659 = arith.subi %div3A_638, %sub3A_658 : i32
    %select_n3A_660 = arith.select %and3A_657, %sub3A_659, %div3A_638 : i32
    %mul3A_661 = arith.constant 8 : i32
    %mul3A_662 = arith.muli %select_n3A_660, %mul3A_661 : i32
    %sub3A_663 = arith.subi %reduce_max3A_620, %mul3A_662 : i32
    %add3A_664 = arith.constant 0 : i32
    %add3A_665 = arith.addi %select_n3A_633, %add3A_664 : i32
    %dma_start3A = arith.constant 0 : i32
    %dma_start3A_666 = arith.constant 0 : i32
    %dma_start3A_667 = arith.constant 0 : i32
    %dma_start3A_668 = tpu.memref_slice %arg13[%dma_start3A_666, %dma_start3A_667] : memref<8x6400xf32, #tpu.memory_space<vmem>> -> memref<8x1792xf32, #tpu.memory_space<vmem>>
    %dma_start3A_669 = tpu.memref_slice %arg2[%reduce_max3A_504, %mul3A_662, %add3A_665] : memref<8x64x100000xf32, #tpu.memory_space<hbm>> -> memref<1x8x1792xf32, #tpu.memory_space<hbm>>
    %dma_start3A_670 = tpu.memref_squeeze %dma_start3A_669 : memref<1x8x1792xf32, #tpu.memory_space<hbm>> -> memref<8x1792xf32, #tpu.memory_space<hbm>>
    %dma_start3A_671 = tpu.memref_slice %arg22[%dma_start3A] : memref<4x!tpu.dma_semaphore, #tpu.memory_space<semaphore_mem>> -> memref<1x!tpu.dma_semaphore, #tpu.memory_space<semaphore_mem>>
    %dma_start3A_672 = tpu.memref_squeeze %dma_start3A_671 : memref<1x!tpu.dma_semaphore, #tpu.memory_space<semaphore_mem>> -> memref<!tpu.dma_semaphore, #tpu.memory_space<semaphore_mem>>
    %dma_start3A_673 = arith.constant 0 : i32
    %dma_start3A_674 = arith.constant 0 : i32
    %dma_start3A_675 = tpu.memref_slice %arg13[%dma_start3A_673, %dma_start3A_674] : memref<8x6400xf32, #tpu.memory_space<vmem>> -> memref<8x1792xf32, #tpu.memory_space<vmem>>
    %dma_start3A_676 = tpu.memref_slice %arg2[%reduce_max3A_504, %mul3A_662, %add3A_665] : memref<8x64x100000xf32, #tpu.memory_space<hbm>> -> memref<1x8x1792xf32, #tpu.memory_space<hbm>>
    %dma_start3A_677 = tpu.memref_squeeze %dma_start3A_676 : memref<1x8x1792xf32, #tpu.memory_space<hbm>> -> memref<8x1792xf32, #tpu.memory_space<hbm>>
    tpu.enqueue_dma source(%dma_start3A_677 : memref<8x1792xf32, #tpu.memory_space<hbm>>) target(%dma_start3A_675 : memref<8x1792xf32, #tpu.memory_space<vmem>>) target_semaphore(%dma_start3A_672 : memref<!tpu.dma_semaphore, #tpu.memory_space<semaphore_mem>>)
    %add3A_678 = arith.constant 1792 : i32
    %add3A_679 = arith.addi %select_n3A_633, %add3A_678 : i32
    %dma_start3A_680 = arith.constant 1 : i32
    %dma_start3A_681 = arith.constant 0 : i32
    %dma_start3A_682 = arith.constant 1792 : i32
    %dma_start3A_683 = tpu.memref_slice %arg13[%dma_start3A_681, %dma_start3A_682] : memref<8x6400xf32, #tpu.memory_space<vmem>> -> memref<8x1536xf32, #tpu.memory_space<vmem>>
    %dma_start3A_684 = tpu.memref_slice %arg2[%reduce_max3A_504, %mul3A_662, %add3A_679] : memref<8x64x100000xf32, #tpu.memory_space<hbm>> -> memref<1x8x1536xf32, #tpu.memory_space<hbm>>
    %dma_start3A_685 = tpu.memref_squeeze %dma_start3A_684 : memref<1x8x1536xf32, #tpu.memory_space<hbm>> -> memref<8x1536xf32, #tpu.memory_space<hbm>>
    %dma_start3A_686 = tpu.memref_slice %arg22[%dma_start3A_680] : memref<4x!tpu.dma_semaphore, #tpu.memory_space<semaphore_mem>> -> memref<1x!tpu.dma_semaphore, #tpu.memory_space<semaphore_mem>>
    %dma_start3A_687 = tpu.memref_squeeze %dma_start3A_686 : memref<1x!tpu.dma_semaphore, #tpu.memory_space<semaphore_mem>> -> memref<!tpu.dma_semaphore, #tpu.memory_space<semaphore_mem>>
    %dma_start3A_688 = arith.constant 0 : i32
    %dma_start3A_689 = arith.constant 1792 : i32
    %dma_start3A_690 = tpu.memref_slice %arg13[%dma_start3A_688, %dma_start3A_689] : memref<8x6400xf32, #tpu.memory_space<vmem>> -> memref<8x1536xf32, #tpu.memory_space<vmem>>
    %dma_start3A_691 = tpu.memref_slice %arg2[%reduce_max3A_504, %mul3A_662, %add3A_679] : memref<8x64x100000xf32, #tpu.memory_space<hbm>> -> memref<1x8x1536xf32, #tpu.memory_space<hbm>>
    %dma_start3A_692 = tpu.memref_squeeze %dma_start3A_691 : memref<1x8x1536xf32, #tpu.memory_space<hbm>> -> memref<8x1536xf32, #tpu.memory_space<hbm>>
    tpu.enqueue_dma source(%dma_start3A_692 : memref<8x1536xf32, #tpu.memory_space<hbm>>) target(%dma_start3A_690 : memref<8x1536xf32, #tpu.memory_space<vmem>>) target_semaphore(%dma_start3A_687 : memref<!tpu.dma_semaphore, #tpu.memory_space<semaphore_mem>>)
    %add3A_693 = arith.constant 3328 : i32
    %add3A_694 = arith.addi %select_n3A_633, %add3A_693 : i32
    %dma_start3A_695 = arith.constant 2 : i32
    %dma_start3A_696 = arith.constant 0 : i32
    %dma_start3A_697 = arith.constant 3328 : i32
    %dma_start3A_698 = tpu.memref_slice %arg13[%dma_start3A_696, %dma_start3A_697] : memref<8x6400xf32, #tpu.memory_space<vmem>> -> memref<8x1536xf32, #tpu.memory_space<vmem>>
    %dma_start3A_699 = tpu.memref_slice %arg2[%reduce_max3A_504, %mul3A_662, %add3A_694] : memref<8x64x100000xf32, #tpu.memory_space<hbm>> -> memref<1x8x1536xf32, #tpu.memory_space<hbm>>
    %dma_start3A_700 = tpu.memref_squeeze %dma_start3A_699 : memref<1x8x1536xf32, #tpu.memory_space<hbm>> -> memref<8x1536xf32, #tpu.memory_space<hbm>>
    %dma_start3A_701 = tpu.memref_slice %arg22[%dma_start3A_695] : memref<4x!tpu.dma_semaphore, #tpu.memory_space<semaphore_mem>> -> memref<1x!tpu.dma_semaphore, #tpu.memory_space<semaphore_mem>>
    %dma_start3A_702 = tpu.memref_squeeze %dma_start3A_701 : memref<1x!tpu.dma_semaphore, #tpu.memory_space<semaphore_mem>> -> memref<!tpu.dma_semaphore, #tpu.memory_space<semaphore_mem>>
    %dma_start3A_703 = arith.constant 0 : i32
    %dma_start3A_704 = arith.constant 3328 : i32
    %dma_start3A_705 = tpu.memref_slice %arg13[%dma_start3A_703, %dma_start3A_704] : memref<8x6400xf32, #tpu.memory_space<vmem>> -> memref<8x1536xf32, #tpu.memory_space<vmem>>
    %dma_start3A_706 = tpu.memref_slice %arg2[%reduce_max3A_504, %mul3A_662, %add3A_694] : memref<8x64x100000xf32, #tpu.memory_space<hbm>> -> memref<1x8x1536xf32, #tpu.memory_space<hbm>>
    %dma_start3A_707 = tpu.memref_squeeze %dma_start3A_706 : memref<1x8x1536xf32, #tpu.memory_space<hbm>> -> memref<8x1536xf32, #tpu.memory_space<hbm>>
    tpu.enqueue_dma source(%dma_start3A_707 : memref<8x1536xf32, #tpu.memory_space<hbm>>) target(%dma_start3A_705 : memref<8x1536xf32, #tpu.memory_space<vmem>>) target_semaphore(%dma_start3A_702 : memref<!tpu.dma_semaphore, #tpu.memory_space<semaphore_mem>>)
    %add3A_708 = arith.constant 4864 : i32
    %add3A_709 = arith.addi %select_n3A_633, %add3A_708 : i32
    %dma_start3A_710 = arith.constant 3 : i32
    %dma_start3A_711 = arith.constant 0 : i32
    %dma_start3A_712 = arith.constant 4864 : i32
    %dma_start3A_713 = tpu.memref_slice %arg13[%dma_start3A_711, %dma_start3A_712] : memref<8x6400xf32, #tpu.memory_space<vmem>> -> memref<8x1536xf32, #tpu.memory_space<vmem>>
    %dma_start3A_714 = tpu.memref_slice %arg2[%reduce_max3A_504, %mul3A_662, %add3A_709] : memref<8x64x100000xf32, #tpu.memory_space<hbm>> -> memref<1x8x1536xf32, #tpu.memory_space<hbm>>
    %dma_start3A_715 = tpu.memref_squeeze %dma_start3A_714 : memref<1x8x1536xf32, #tpu.memory_space<hbm>> -> memref<8x1536xf32, #tpu.memory_space<hbm>>
    %dma_start3A_716 = tpu.memref_slice %arg22[%dma_start3A_710] : memref<4x!tpu.dma_semaphore, #tpu.memory_space<semaphore_mem>> -> memref<1x!tpu.dma_semaphore, #tpu.memory_space<semaphore_mem>>
    %dma_start3A_717 = tpu.memref_squeeze %dma_start3A_716 : memref<1x!tpu.dma_semaphore, #tpu.memory_space<semaphore_mem>> -> memref<!tpu.dma_semaphore, #tpu.memory_space<semaphore_mem>>
    %dma_start3A_718 = arith.constant 0 : i32
    %dma_start3A_719 = arith.constant 4864 : i32
    %dma_start3A_720 = tpu.memref_slice %arg13[%dma_start3A_718, %dma_start3A_719] : memref<8x6400xf32, #tpu.memory_space<vmem>> -> memref<8x1536xf32, #tpu.memory_space<vmem>>
    %dma_start3A_721 = tpu.memref_slice %arg2[%reduce_max3A_504, %mul3A_662, %add3A_709] : memref<8x64x100000xf32, #tpu.memory_space<hbm>> -> memref<1x8x1536xf32, #tpu.memory_space<hbm>>
    %dma_start3A_722 = tpu.memref_squeeze %dma_start3A_721 : memref<1x8x1536xf32, #tpu.memory_space<hbm>> -> memref<8x1536xf32, #tpu.memory_space<hbm>>
    tpu.enqueue_dma source(%dma_start3A_722 : memref<8x1536xf32, #tpu.memory_space<hbm>>) target(%dma_start3A_720 : memref<8x1536xf32, #tpu.memory_space<vmem>>) target_semaphore(%dma_start3A_717 : memref<!tpu.dma_semaphore, #tpu.memory_space<semaphore_mem>>)
    %broadcast_in_dim3A_723 = arith.constant 0.000000e+00 : f32
    %broadcast_in_dim3A_724 = vector.broadcast %broadcast_in_dim3A_723 : f32 to vector<16xf32>
    %broadcast_in_dim3A_725 = arith.constant 0.000000e+00 : f32
    %broadcast_in_dim3A_726 = vector.broadcast %broadcast_in_dim3A_725 : f32 to vector<16xf32>
    %dma_wait3A = arith.constant 0 : i32
    %dma_wait3A_727 = arith.constant 0 : i32
    %dma_wait3A_728 = arith.constant 0 : i32
    %dma_wait3A_729 = tpu.memref_slice %arg13[%dma_wait3A_727, %dma_wait3A_728] : memref<8x6400xf32, #tpu.memory_space<vmem>> -> memref<8x1792xf32, #tpu.memory_space<vmem>>
    %dma_wait3A_730 = tpu.memref_slice %arg2[%reduce_max3A_504, %mul3A_662, %add3A_665] : memref<8x64x100000xf32, #tpu.memory_space<hbm>> -> memref<1x8x1792xf32, #tpu.memory_space<hbm>>
    %dma_wait3A_731 = tpu.memref_squeeze %dma_wait3A_730 : memref<1x8x1792xf32, #tpu.memory_space<hbm>> -> memref<8x1792xf32, #tpu.memory_space<hbm>>
    %dma_wait3A_732 = tpu.memref_slice %arg22[%dma_wait3A] : memref<4x!tpu.dma_semaphore, #tpu.memory_space<semaphore_mem>> -> memref<1x!tpu.dma_semaphore, #tpu.memory_space<semaphore_mem>>
    %dma_wait3A_733 = tpu.memref_squeeze %dma_wait3A_732 : memref<1x!tpu.dma_semaphore, #tpu.memory_space<semaphore_mem>> -> memref<!tpu.dma_semaphore, #tpu.memory_space<semaphore_mem>>
    %dma_wait3A_734 = arith.constant 0 : i32
    %dma_wait3A_735 = arith.constant 0 : i32
    %dma_wait3A_736 = tpu.memref_slice %arg13[%dma_wait3A_734, %dma_wait3A_735] : memref<8x6400xf32, #tpu.memory_space<vmem>> -> memref<8x1792xf32, #tpu.memory_space<vmem>>
    %dma_wait3A_737 = tpu.memref_slice %arg2[%reduce_max3A_504, %mul3A_662, %add3A_665] : memref<8x64x100000xf32, #tpu.memory_space<hbm>> -> memref<1x8x1792xf32, #tpu.memory_space<hbm>>
    %dma_wait3A_738 = tpu.memref_squeeze %dma_wait3A_737 : memref<1x8x1792xf32, #tpu.memory_space<hbm>> -> memref<8x1792xf32, #tpu.memory_space<hbm>>
    tpu.wait_dma2 semaphore(%dma_wait3A_733 : memref<!tpu.dma_semaphore, #tpu.memory_space<semaphore_mem>>) src(%dma_wait3A_738 : memref<8x1792xf32, #tpu.memory_space<hbm>>) dst(%dma_wait3A_736 : memref<8x1792xf32, #tpu.memory_space<vmem>>)
    %broadcast_in_dim3A_739 = arith.constant 0.000000e+00 : f32
    %broadcast_in_dim3A_740 = vector.broadcast %broadcast_in_dim3A_739 : f32 to vector<16xf32>
    %broadcast_in_dim3A_741 = arith.constant 0.000000e+00 : f32
    %broadcast_in_dim3A_742 = vector.broadcast %broadcast_in_dim3A_741 : f32 to vector<16xf32>
    %broadcast_in_dim3A_743 = arith.constant 0.000000e+00 : f32
    %broadcast_in_dim3A_744 = vector.broadcast %broadcast_in_dim3A_743 : f32 to vector<16xf32>
    %broadcast_in_dim3A_745 = arith.constant 0.000000e+00 : f32
    %broadcast_in_dim3A_746 = vector.broadcast %broadcast_in_dim3A_745 : f32 to vector<16xf32>
    %get3A_747 = arith.index_cast %sub3A_663 : i32 to index
    %get3A_748 = arith.constant 0 : index
    %get3A_749 = tpu.vector_load %arg13[%get3A_747, %get3A_748] {strides = array<i32>} : memref<8x6400xf32, #tpu.memory_space<vmem>>, vector<16xf32>,
    %exp3A_750 = math.exp %get3A_749 : vector<16xf32>
    %add3A_751 = arith.addf %broadcast_in_dim3A_740, %exp3A_750 : vector<16xf32>
    %get3A_752 = arith.index_cast %sub3A_663 : i32 to index
    %get3A_753 = arith.constant 16 : index
    %get3A_754 = tpu.vector_load %arg13[%get3A_752, %get3A_753] {strides = array<i32>} : memref<8x6400xf32, #tpu.memory_space<vmem>>, vector<16xf32>,
    %exp3A_755 = math.exp %get3A_754 : vector<16xf32>
    %add3A_756 = arith.addf %broadcast_in_dim3A_742, %exp3A_755 : vector<16xf32>
    %get3A_757 = arith.index_cast %sub3A_663 : i32 to index
    %get3A_758 = arith.constant 32 : index
    %get3A_759 = tpu.vector_load %arg13[%get3A_757, %get3A_758] {strides = array<i32>} : memref<8x6400xf32, #tpu.memory_space<vmem>>, vector<16xf32>,
    %exp3A_760 = math.exp %get3A_759 : vector<16xf32>
    %add3A_761 = arith.addf %broadcast_in_dim3A_744, %exp3A_760 : vector<16xf32>
    %get3A_762 = arith.index_cast %sub3A_663 : i32 to index
    %get3A_763 = arith.constant 48 : index
    %get3A_764 = tpu.vector_load %arg13[%get3A_762, %get3A_763] {strides = array<i32>} : memref<8x6400xf32, #tpu.memory_space<vmem>>, vector<16xf32>,
    %exp3A_765 = math.exp %get3A_764 : vector<16xf32>
    %add3A_766 = arith.addf %broadcast_in_dim3A_746, %exp3A_765 : vector<16xf32>
    %get3A_767 = arith.index_cast %sub3A_663 : i32 to index
    %get3A_768 = arith.constant 64 : index
    %get3A_769 = tpu.vector_load %arg13[%get3A_767, %get3A_768] {strides = array<i32>} : memref<8x6400xf32, #tpu.memory_space<vmem>>, vector<16xf32>,
    %exp3A_770 = math.exp %get3A_769 : vector<16xf32>
    %add3A_771 = arith.addf %add3A_751, %exp3A_770 : vector<16xf32>
    %get3A_772 = arith.index_cast %sub3A_663 : i32 to index
    %get3A_773 = arith.constant 80 : index
    %get3A_774 = tpu.vector_load %arg13[%get3A_772, %get3A_773] {strides = array<i32>} : memref<8x6400xf32, #tpu.memory_space<vmem>>, vector<16xf32>,
    %exp3A_775 = math.exp %get3A_774 : vector<16xf32>
    %add3A_776 = arith.addf %add3A_756, %exp3A_775 : vector<16xf32>
    %get3A_777 = arith.index_cast %sub3A_663 : i32 to index
    %get3A_778 = arith.constant 96 : index
    %get3A_779 = tpu.vector_load %arg13[%get3A_777, %get3A_778] {strides = array<i32>} : memref<8x6400xf32, #tpu.memory_space<vmem>>, vector<16xf32>,
    %exp3A_780 = math.exp %get3A_779 : vector<16xf32>
    %add3A_781 = arith.addf %add3A_761, %exp3A_780 : vector<16xf32>
    %get3A_782 = arith.index_cast %sub3A_663 : i32 to index
    %get3A_783 = arith.constant 112 : index
    %get3A_784 = tpu.vector_load %arg13[%get3A_782, %get3A_783] {strides = array<i32>} : memref<8x6400xf32, #tpu.memory_space<vmem>>, vector<16xf32>,
    %exp3A_785 = math.exp %get3A_784 : vector<16xf32>
    %add3A_786 = arith.addf %add3A_766, %exp3A_785 : vector<16xf32>
    %get3A_787 = arith.index_cast %sub3A_663 : i32 to index
    %get3A_788 = arith.constant 128 : index
    %get3A_789 = tpu.vector_load %arg13[%get3A_787, %get3A_788] {strides = array<i32>} : memref<8x6400xf32, #tpu.memory_space<vmem>>, vector<16xf32>,
    %exp3A_790 = math.exp %get3A_789 : vector<16xf32>
    %add3A_791 = arith.addf %add3A_771, %exp3A_790 : vector<16xf32>
    %get3A_792 = arith.index_cast %sub3A_663 : i32 to index
    %get3A_793 = arith.constant 144 : index
    %get3A_794 = tpu.vector_load %arg13[%get3A_792, %get3A_793] {strides = array<i32>} : memref<8x6400xf32, #tpu.memory_space<vmem>>, vector<16xf32>,
    %exp3A_795 = math.exp %get3A_794 : vector<16xf32>
    %add3A_796 = arith.addf %add3A_776, %exp3A_795 : vector<16xf32>
    %get3A_797 = arith.index_cast %sub3A_663 : i32 to index
    %get3A_798 = arith.constant 160 : index
    %get3A_799 = tpu.vector_load %arg13[%get3A_797, %get3A_798] {strides = array<i32>} : memref<8x6400xf32, #tpu.memory_space<vmem>>, vector<16xf32>,
    %exp3A_800 = math.exp %get3A_799 : vector<16xf32>
    %add3A_801 = arith.addf %add3A_781, %exp3A_800 : vector<16xf32>
    %get3A_802 = arith.index_cast %sub3A_663 : i32 to index
    %get3A_803 = arith.constant 176 : index
    %get3A_804 = tpu.vector_load %arg13[%get3A_802, %get3A_803] {strides = array<i32>} : memref<8x6400xf32, #tpu.memory_space<vmem>>, vector<16xf32>,
    %exp3A_805 = math.exp %get3A_804 : vector<16xf32>
    %add3A_806 = arith.addf %add3A_786, %exp3A_805 : vector<16xf32>
    %get3A_807 = arith.index_cast %sub3A_663 : i32 to index
    %get3A_808 = arith.constant 192 : index
    %get3A_809 = tpu.vector_load %arg13[%get3A_807, %get3A_808] {strides = array<i32>} : memref<8x6400xf32, #tpu.memory_space<vmem>>, vector<16xf32>,
    %exp3A_810 = math.exp %get3A_809 : vector<16xf32>
    %add3A_811 = arith.addf %add3A_791, %exp3A_810 : vector<16xf32>
    %get3A_812 = arith.index_cast %sub3A_663 : i32 to index
    %get3A_813 = arith.constant 208 : index
    %get3A_814 = tpu.vector_load %arg13[%get3A_812, %get3A_813] {strides = array<i32>} : memref<8x6400xf32, #tpu.memory_space<vmem>>, vector<16xf32>,
    %exp3A_815 = math.exp %get3A_814 : vector<16xf32>
    %add3A_816 = arith.addf %add3A_796, %exp3A_815 : vector<16xf32>
    %get3A_817 = arith.index_cast %sub3A_663 : i32 to index
    %get3A_818 = arith.constant 224 : index
    %get3A_819 = tpu.vector_load %arg13[%get3A_817, %get3A_818] {strides = array<i32>} : memref<8x6400xf32, #tpu.memory_space<vmem>>, vector<16xf32>,
    %exp3A_820 = math.exp %get3A_819 : vector<16xf32>
    %add3A_821 = arith.addf %add3A_801, %exp3A_820 : vector<16xf32>
    %get3A_822 = arith.index_cast %sub3A_663 : i32 to index
    %get3A_823 = arith.constant 240 : index
    %get3A_824 = tpu.vector_load %arg13[%get3A_822, %get3A_823] {strides = array<i32>} : memref<8x6400xf32, #tpu.memory_space<vmem>>, vector<16xf32>,
    %exp3A_825 = math.exp %get3A_824 : vector<16xf32>
    %add3A_826 = arith.addf %add3A_806, %exp3A_825 : vector<16xf32>
    %add3A_827 = arith.addf %add3A_811, %add3A_816 : vector<16xf32>
    %add3A_828 = arith.addf %add3A_821, %add3A_826 : vector<16xf32>
    %add3A_829 = arith.addf %add3A_827, %add3A_828 : vector<16xf32>
    %reduce_sum3A_830 = arith.constant true
    %reduce_sum3A_831 = vector.broadcast %reduce_sum3A_830 : i1 to vector<16xi1>
    %reduce_sum3A_832 = tpu.scan <sum>, %add3A_829 masked %reduce_sum3A_831 : vector<16xf32>, vector<16xi1> -> vector<16xf32>
    %reduce_sum3A_833 = vector.extract %reduce_sum3A_832[15] : f32 from vector<16xf32>
    %eq3A_834 = arith.constant 0 : i32
    %eq3A_835 = vector.broadcast %eq3A_834 : i32 to vector<16xi32>
    %eq3A_836 = arith.cmpi eq, %iota3A, %eq3A_835 : vector<16xi32>
    %broadcast_in_dim3A_837 = vector.broadcast %reduce_sum3A_833 : f32 to vector<16xf32>
    %select_n3A_838 = arith.select %eq3A_836, %broadcast_in_dim3A_837, %broadcast_in_dim3A_724 : vector<16xi1>, vector<16xf32>
    %broadcast_in_dim3A_839 = arith.constant 0.000000e+00 : f32
    %broadcast_in_dim3A_840 = vector.broadcast %broadcast_in_dim3A_839 : f32 to vector<16xf32>
    %broadcast_in_dim3A_841 = arith.constant 0.000000e+00 : f32
    %broadcast_in_dim3A_842 = vector.broadcast %broadcast_in_dim3A_841 : f32 to vector<16xf32>
    %broadcast_in_dim3A_843 = arith.constant 0.000000e+00 : f32
    %broadcast_in_dim3A_844 = vector.broadcast %broadcast_in_dim3A_843 : f32 to vector<16xf32>
    %broadcast_in_dim3A_845 = arith.constant 0.000000e+00 : f32
    %broadcast_in_dim3A_846 = vector.broadcast %broadcast_in_dim3A_845 : f32 to vector<16xf32>
    %get3A_847 = arith.index_cast %sub3A_663 : i32 to index
    %get3A_848 = arith.constant 256 : index
    %get3A_849 = tpu.vector_load %arg13[%get3A_847, %get3A_848] {strides = array<i32>} : memref<8x6400xf32, #tpu.memory_space<vmem>>, vector<16xf32>,
    %exp3A_850 = math.exp %get3A_849 : vector<16xf32>
    %add3A_851 = arith.addf %broadcast_in_dim3A_840, %exp3A_850 : vector<16xf32>
    %get3A_852 = arith.index_cast %sub3A_663 : i32 to index
    %get3A_853 = arith.constant 272 : index
    %get3A_854 = tpu.vector_load %arg13[%get3A_852, %get3A_853] {strides = array<i32>} : memref<8x6400xf32, #tpu.memory_space<vmem>>, vector<16xf32>,
    %exp3A_855 = math.exp %get3A_854 : vector<16xf32>
    %add3A_856 = arith.addf %broadcast_in_dim3A_842, %exp3A_855 : vector<16xf32>
    %get3A_857 = arith.index_cast %sub3A_663 : i32 to index
    %get3A_858 = arith.constant 288 : index
    %get3A_859 = tpu.vector_load %arg13[%get3A_857, %get3A_858] {strides = array<i32>} : memref<8x6400xf32, #tpu.memory_space<vmem>>, vector<16xf32>,
    %exp3A_860 = math.exp %get3A_859 : vector<16xf32>
    %add3A_861 = arith.addf %broadcast_in_dim3A_844, %exp3A_860 : vector<16xf32>
    %get3A_862 = arith.index_cast %sub3A_663 : i32 to index
    %get3A_863 = arith.constant 304 : index
    %get3A_864 = tpu.vector_load %arg13[%get3A_862, %get3A_863] {strides = array<i32>} : memref<8x6400xf32, #tpu.memory_space<vmem>>, vector<16xf32>,
    %exp3A_865 = math.exp %get3A_864 : vector<16xf32>
    %add3A_866 = arith.addf %broadcast_in_dim3A_846, %exp3A_865 : vector<16xf32>
    %get3A_867 = arith.index_cast %sub3A_663 : i32 to index
    %get3A_868 = arith.constant 320 : index
    %get3A_869 = tpu.vector_load %arg13[%get3A_867, %get3A_868] {strides = array<i32>} : memref<8x6400xf32, #tpu.memory_space<vmem>>, vector<16xf32>,
    %exp3A_870 = math.exp %get3A_869 : vector<16xf32>
    %add3A_871 = arith.addf %add3A_851, %exp3A_870 : vector<16xf32>
    %get3A_872 = arith.index_cast %sub3A_663 : i32 to index
    %get3A_873 = arith.constant 336 : index
    %get3A_874 = tpu.vector_load %arg13[%get3A_872, %get3A_873] {strides = array<i32>} : memref<8x6400xf32, #tpu.memory_space<vmem>>, vector<16xf32>,
    %exp3A_875 = math.exp %get3A_874 : vector<16xf32>
    %add3A_876 = arith.addf %add3A_856, %exp3A_875 : vector<16xf32>
    %get3A_877 = arith.index_cast %sub3A_663 : i32 to index
    %get3A_878 = arith.constant 352 : index
    %get3A_879 = tpu.vector_load %arg13[%get3A_877, %get3A_878] {strides = array<i32>} : memref<8x6400xf32, #tpu.memory_space<vmem>>, vector<16xf32>,
    %exp3A_880 = math.exp %get3A_879 : vector<16xf32>
    %add3A_881 = arith.addf %add3A_861, %exp3A_880 : vector<16xf32>
    %get3A_882 = arith.index_cast %sub3A_663 : i32 to index
    %get3A_883 = arith.constant 368 : index
    %get3A_884 = tpu.vector_load %arg13[%get3A_882, %get3A_883] {strides = array<i32>} : memref<8x6400xf32, #tpu.memory_space<vmem>>, vector<16xf32>,
    %exp3A_885 = math.exp %get3A_884 : vector<16xf32>
    %add3A_886 = arith.addf %add3A_866, %exp3A_885 : vector<16xf32>
    %get3A_887 = arith.index_cast %sub3A_663 : i32 to index
    %get3A_888 = arith.constant 384 : index
    %get3A_889 = tpu.vector_load %arg13[%get3A_887, %get3A_888] {strides = array<i32>} : memref<8x6400xf32, #tpu.memory_space<vmem>>, vector<16xf32>,
    %exp3A_890 = math.exp %get3A_889 : vector<16xf32>
    %add3A_891 = arith.addf %add3A_871, %exp3A_890 : vector<16xf32>
    %get3A_892 = arith.index_cast %sub3A_663 : i32 to index
    %get3A_893 = arith.constant 400 : index
    %get3A_894 = tpu.vector_load %arg13[%get3A_892, %get3A_893] {strides = array<i32>} : memref<8x6400xf32, #tpu.memory_space<vmem>>, vector<16xf32>,
    %exp3A_895 = math.exp %get3A_894 : vector<16xf32>
    %add3A_896 = arith.addf %add3A_876, %exp3A_895 : vector<16xf32>
    %get3A_897 = arith.index_cast %sub3A_663 : i32 to index
    %get3A_898 = arith.constant 416 : index
    %get3A_899 = tpu.vector_load %arg13[%get3A_897, %get3A_898] {strides = array<i32>} : memref<8x6400xf32, #tpu.memory_space<vmem>>, vector<16xf32>,
    %exp3A_900 = math.exp %get3A_899 : vector<16xf32>
    %add3A_901 = arith.addf %add3A_881, %exp3A_900 : vector<16xf32>
    %get3A_902 = arith.index_cast %sub3A_663 : i32 to index
    %get3A_903 = arith.constant 432 : index
    %get3A_904 = tpu.vector_load %arg13[%get3A_902, %get3A_903] {strides = array<i32>} : memref<8x6400xf32, #tpu.memory_space<vmem>>, vector<16xf32>,
    %exp3A_905 = math.exp %get3A_904 : vector<16xf32>
    %add3A_906 = arith.addf %add3A_886, %exp3A_905 : vector<16xf32>
    %get3A_907 = arith.index_cast %sub3A_663 : i32 to index
    %get3A_908 = arith.constant 448 : index
    %get3A_909 = tpu.vector_load %arg13[%get3A_907, %get3A_908] {strides = array<i32>} : memref<8x6400xf32, #tpu.memory_space<vmem>>, vector<16xf32>,
    %exp3A_910 = math.exp %get3A_909 : vector<16xf32>
    %add3A_911 = arith.addf %add3A_891, %exp3A_910 : vector<16xf32>
    %get3A_912 = arith.index_cast %sub3A_663 : i32 to index
    %get3A_913 = arith.constant 464 : index
    %get3A_914 = tpu.vector_load %arg13[%get3A_912, %get3A_913] {strides = array<i32>} : memref<8x6400xf32, #tpu.memory_space<vmem>>, vector<16xf32>,
    %exp3A_915 = math.exp %get3A_914 : vector<16xf32>
    %add3A_916 = arith.addf %add3A_896, %exp3A_915 : vector<16xf32>
    %get3A_917 = arith.index_cast %sub3A_663 : i32 to index
    %get3A_918 = arith.constant 480 : index
    %get3A_919 = tpu.vector_load %arg13[%get3A_917, %get3A_918] {strides = array<i32>} : memref<8x6400xf32, #tpu.memory_space<vmem>>, vector<16xf32>,
    %exp3A_920 = math.exp %get3A_919 : vector<16xf32>
    %add3A_921 = arith.addf %add3A_901, %exp3A_920 : vector<16xf32>
    %get3A_922 = arith.index_cast %sub3A_663 : i32 to index
    %get3A_923 = arith.constant 496 : index
    %get3A_924 = tpu.vector_load %arg13[%get3A_922, %get3A_923] {strides = array<i32>} : memref<8x6400xf32, #tpu.memory_space<vmem>>, vector<16xf32>,
    %exp3A_925 = math.exp %get3A_924 : vector<16xf32>
    %add3A_926 = arith.addf %add3A_906, %exp3A_925 : vector<16xf32>
    %add3A_927 = arith.addf %add3A_911, %add3A_916 : vector<16xf32>
    %add3A_928 = arith.addf %add3A_921, %add3A_926 : vector<16xf32>
    %add3A_929 = arith.addf %add3A_927, %add3A_928 : vector<16xf32>
    %reduce_sum3A_930 = arith.constant true
    %reduce_sum3A_931 = vector.broadcast %reduce_sum3A_930 : i1 to vector<16xi1>
    %reduce_sum3A_932 = tpu.scan <sum>, %add3A_929 masked %reduce_sum3A_931 : vector<16xf32>, vector<16xi1> -> vector<16xf32>
    %reduce_sum3A_933 = vector.extract %reduce_sum3A_932[15] : f32 from vector<16xf32>
    %eq3A_934 = arith.constant 1 : i32
    %eq3A_935 = vector.broadcast %eq3A_934 : i32 to vector<16xi32>
    %eq3A_936 = arith.cmpi eq, %iota3A, %eq3A_935 : vector<16xi32>
    %broadcast_in_dim3A_937 = vector.broadcast %reduce_sum3A_933 : f32 to vector<16xf32>
    %select_n3A_938 = arith.select %eq3A_936, %broadcast_in_dim3A_937, %select_n3A_838 : vector<16xi1>, vector<16xf32>
    %broadcast_in_dim3A_939 = arith.constant 0.000000e+00 : f32
    %broadcast_in_dim3A_940 = vector.broadcast %broadcast_in_dim3A_939 : f32 to vector<16xf32>
    %broadcast_in_dim3A_941 = arith.constant 0.000000e+00 : f32
    %broadcast_in_dim3A_942 = vector.broadcast %broadcast_in_dim3A_941 : f32 to vector<16xf32>
    %broadcast_in_dim3A_943 = arith.constant 0.000000e+00 : f32
    %broadcast_in_dim3A_944 = vector.broadcast %broadcast_in_dim3A_943 : f32 to vector<16xf32>
    %broadcast_in_dim3A_945 = arith.constant 0.000000e+00 : f32
    %broadcast_in_dim3A_946 = vector.broadcast %broadcast_in_dim3A_945 : f32 to vector<16xf32>
    %get3A_947 = arith.index_cast %sub3A_663 : i32 to index
    %get3A_948 = arith.constant 512 : index
    %get3A_949 = tpu.vector_load %arg13[%get3A_947, %get3A_948] {strides = array<i32>} : memref<8x6400xf32, #tpu.memory_space<vmem>>, vector<16xf32>,
    %exp3A_950 = math.exp %get3A_949 : vector<16xf32>
    %add3A_951 = arith.addf %broadcast_in_dim3A_940, %exp3A_950 : vector<16xf32>
    %get3A_952 = arith.index_cast %sub3A_663 : i32 to index
    %get3A_953 = arith.constant 528 : index
    %get3A_954 = tpu.vector_load %arg13[%get3A_952, %get3A_953] {strides = array<i32>} : memref<8x6400xf32, #tpu.memory_space<vmem>>, vector<16xf32>,
    %exp3A_955 = math.exp %get3A_954 : vector<16xf32>
    %add3A_956 = arith.addf %broadcast_in_dim3A_942, %exp3A_955 : vector<16xf32>
    %get3A_957 = arith.index_cast %sub3A_663 : i32 to index
    %get3A_958 = arith.constant 544 : index
    %get3A_959 = tpu.vector_load %arg13[%get3A_957, %get3A_958] {strides = array<i32>} : memref<8x6400xf32, #tpu.memory_space<vmem>>, vector<16xf32>,
    %exp3A_960 = math.exp %get3A_959 : vector<16xf32>
    %add3A_961 = arith.addf %broadcast_in_dim3A_944, %exp3A_960 : vector<16xf32>
    %get3A_962 = arith.index_cast %sub3A_663 : i32 to index
    %get3A_963 = arith.constant 560 : index
    %get3A_964 = tpu.vector_load %arg13[%get3A_962, %get3A_963] {strides = array<i32>} : memref<8x6400xf32, #tpu.memory_space<vmem>>, vector<16xf32>,
    %exp3A_965 = math.exp %get3A_964 : vector<16xf32>
    %add3A_966 = arith.addf %broadcast_in_dim3A_946, %exp3A_965 : vector<16xf32>
    %get3A_967 = arith.index_cast %sub3A_663 : i32 to index
    %get3A_968 = arith.constant 576 : index
    %get3A_969 = tpu.vector_load %arg13[%get3A_967, %get3A_968] {strides = array<i32>} : memref<8x6400xf32, #tpu.memory_space<vmem>>, vector<16xf32>,
    %exp3A_970 = math.exp %get3A_969 : vector<16xf32>
    %add3A_971 = arith.addf %add3A_951, %exp3A_970 : vector<16xf32>
    %get3A_972 = arith.index_cast %sub3A_663 : i32 to index
    %get3A_973 = arith.constant 592 : index
    %get3A_974 = tpu.vector_load %arg13[%get3A_972, %get3A_973] {strides = array<i32>} : memref<8x6400xf32, #tpu.memory_space<vmem>>, vector<16xf32>,
    %exp3A_975 = math.exp %get3A_974 : vector<16xf32>
    %add3A_976 = arith.addf %add3A_956, %exp3A_975 : vector<16xf32>
    %get3A_977 = arith.index_cast %sub3A_663 : i32 to index
    %get3A_978 = arith.constant 608 : index
    %get3A_979 = tpu.vector_load %arg13[%get3A_977, %get3A_978] {strides = array<i32>} : memref<8x6400xf32, #tpu.memory_space<vmem>>, vector<16xf32>,
    %exp3A_980 = math.exp %get3A_979 : vector<16xf32>
    %add3A_981 = arith.addf %add3A_961, %exp3A_980 : vector<16xf32>
    %get3A_982 = arith.index_cast %sub3A_663 : i32 to index
    %get3A_983 = arith.constant 624 : index
    %get3A_984 = tpu.vector_load %arg13[%get3A_982, %get3A_983] {strides = array<i32>} : memref<8x6400xf32, #tpu.memory_space<vmem>>, vector<16xf32>,
    %exp3A_985 = math.exp %get3A_984 : vector<16xf32>
    %add3A_986 = arith.addf %add3A_966, %exp3A_985 : vector<16xf32>
    %get3A_987 = arith.index_cast %sub3A_663 : i32 to index
    %get3A_988 = arith.constant 640 : index
    %get3A_989 = tpu.vector_load %arg13[%get3A_987, %get3A_988] {strides = array<i32>} : memref<8x6400xf32, #tpu.memory_space<vmem>>, vector<16xf32>,
    %exp3A_990 = math.exp %get3A_989 : vector<16xf32>
    %add3A_991 = arith.addf %add3A_971, %exp3A_990 : vector<16xf32>
    %get3A_992 = arith.index_cast %sub3A_663 : i32 to index
    %get3A_993 = arith.constant 656 : index
    %get3A_994 = tpu.vector_load %arg13[%get3A_992, %get3A_993] {strides = array<i32>} : memref<8x6400xf32, #tpu.memory_space<vmem>>, vector<16xf32>,
    %exp3A_995 = math.exp %get3A_994 : vector<16xf32>
    %add3A_996 = arith.addf %add3A_976, %exp3A_995 : vector<16xf32>
    %get3A_997 = arith.index_cast %sub3A_663 : i32 to index
    %get3A_998 = arith.constant 672 : index
    %get3A_999 = tpu.vector_load %arg13[%get3A_997, %get3A_998] {strides = array<i32>} : memref<8x6400xf32, #tpu.memory_space<vmem>>, vector<16xf32>,
    %exp3A_1000 = math.exp %get3A_999 : vector<16xf32>
    %add3A_1001 = arith.addf %add3A_981, %exp3A_1000 : vector<16xf32>
    %get3A_1002 = arith.index_cast %sub3A_663 : i32 to index
    %get3A_1003 = arith.constant 688 : index
    %get3A_1004 = tpu.vector_load %arg13[%get3A_1002, %get3A_1003] {strides = array<i32>} : memref<8x6400xf32, #tpu.memory_space<vmem>>, vector<16xf32>,
    %exp3A_1005 = math.exp %get3A_1004 : vector<16xf32>
    %add3A_1006 = arith.addf %add3A_986, %exp3A_1005 : vector<16xf32>
    %get3A_1007 = arith.index_cast %sub3A_663 : i32 to index
    %get3A_1008 = arith.constant 704 : index
    %get3A_1009 = tpu.vector_load %arg13[%get3A_1007, %get3A_1008] {strides = array<i32>} : memref<8x6400xf32, #tpu.memory_space<vmem>>, vector<16xf32>,
    %exp3A_1010 = math.exp %get3A_1009 : vector<16xf32>
    %add3A_1011 = arith.addf %add3A_991, %exp3A_1010 : vector<16xf32>
    %get3A_1012 = arith.index_cast %sub3A_663 : i32 to index
    %get3A_1013 = arith.constant 720 : index
    %get3A_1014 = tpu.vector_load %arg13[%get3A_1012, %get3A_1013] {strides = array<i32>} : memref<8x6400xf32, #tpu.memory_space<vmem>>, vector<16xf32>,
    %exp3A_1015 = math.exp %get3A_1014 : vector<16xf32>
    %add3A_1016 = arith.addf %add3A_996, %exp3A_1015 : vector<16xf32>
    %get3A_1017 = arith.index_cast %sub3A_663 : i32 to index
    %get3A_1018 = arith.constant 736 : index
    %get3A_1019 = tpu.vector_load %arg13[%get3A_1017, %get3A_1018] {strides = array<i32>} : memref<8x6400xf32, #tpu.memory_space<vmem>>, vector<16xf32>,
    %exp3A_1020 = math.exp %get3A_1019 : vector<16xf32>
    %add3A_1021 = arith.addf %add3A_1001, %exp3A_1020 : vector<16xf32>
    %get3A_1022 = arith.index_cast %sub3A_663 : i32 to index
    %get3A_1023 = arith.constant 752 : index
    %get3A_1024 = tpu.vector_load %arg13[%get3A_1022, %get3A_1023] {strides = array<i32>} : memref<8x6400xf32, #tpu.memory_space<vmem>>, vector<16xf32>,
    %exp3A_1025 = math.exp %get3A_1024 : vector<16xf32>
    %add3A_1026 = arith.addf %add3A_1006, %exp3A_1025 : vector<16xf32>
    %add3A_1027 = arith.addf %add3A_1011, %add3A_1016 : vector<16xf32>
    %add3A_1028 = arith.addf %add3A_1021, %add3A_1026 : vector<16xf32>
    %add3A_1029 = arith.addf %add3A_1027, %add3A_1028 : vector<16xf32>
    %reduce_sum3A_1030 = arith.constant true
    %reduce_sum3A_1031 = vector.broadcast %reduce_sum3A_1030 : i1 to vector<16xi1>
    %reduce_sum3A_1032 = tpu.scan <sum>, %add3A_1029 masked %reduce_sum3A_1031 : vector<16xf32>, vector<16xi1> -> vector<16xf32>
    %reduce_sum3A_1033 = vector.extract %reduce_sum3A_1032[15] : f32 from vector<16xf32>
    %eq3A_1034 = arith.constant 2 : i32
    %eq3A_1035 = vector.broadcast %eq3A_1034 : i32 to vector<16xi32>
    %eq3A_1036 = arith.cmpi eq, %iota3A, %eq3A_1035 : vector<16xi32>
    %broadcast_in_dim3A_1037 = vector.broadcast %reduce_sum3A_1033 : f32 to vector<16xf32>
    %select_n3A_1038 = arith.select %eq3A_1036, %broadcast_in_dim3A_1037, %select_n3A_938 : vector<16xi1>, vector<16xf32>
    %broadcast_in_dim3A_1039 = arith.constant 0.000000e+00 : f32
    %broadcast_in_dim3A_1040 = vector.broadcast %broadcast_in_dim3A_1039 : f32 to vector<16xf32>
    %broadcast_in_dim3A_1041 = arith.constant 0.000000e+00 : f32
    %broadcast_in_dim3A_1042 = vector.broadcast %broadcast_in_dim3A_1041 : f32 to vector<16xf32>
    %broadcast_in_dim3A_1043 = arith.constant 0.000000e+00 : f32
    %broadcast_in_dim3A_1044 = vector.broadcast %broadcast_in_dim3A_1043 : f32 to vector<16xf32>
    %broadcast_in_dim3A_1045 = arith.constant 0.000000e+00 : f32
    %broadcast_in_dim3A_1046 = vector.broadcast %broadcast_in_dim3A_1045 : f32 to vector<16xf32>
    %get3A_1047 = arith.index_cast %sub3A_663 : i32 to index
    %get3A_1048 = arith.constant 768 : index
    %get3A_1049 = tpu.vector_load %arg13[%get3A_1047, %get3A_1048] {strides = array<i32>} : memref<8x6400xf32, #tpu.memory_space<vmem>>, vector<16xf32>,
    %exp3A_1050 = math.exp %get3A_1049 : vector<16xf32>
    %add3A_1051 = arith.addf %broadcast_in_dim3A_1040, %exp3A_1050 : vector<16xf32>
    %get3A_1052 = arith.index_cast %sub3A_663 : i32 to index
    %get3A_1053 = arith.constant 784 : index
    %get3A_1054 = tpu.vector_load %arg13[%get3A_1052, %get3A_1053] {strides = array<i32>} : memref<8x6400xf32, #tpu.memory_space<vmem>>, vector<16xf32>,
    %exp3A_1055 = math.exp %get3A_1054 : vector<16xf32>
    %add3A_1056 = arith.addf %broadcast_in_dim3A_1042, %exp3A_1055 : vector<16xf32>
    %get3A_1057 = arith.index_cast %sub3A_663 : i32 to index
    %get3A_1058 = arith.constant 800 : index
    %get3A_1059 = tpu.vector_load %arg13[%get3A_1057, %get3A_1058] {strides = array<i32>} : memref<8x6400xf32, #tpu.memory_space<vmem>>, vector<16xf32>,
    %exp3A_1060 = math.exp %get3A_1059 : vector<16xf32>
    %add3A_1061 = arith.addf %broadcast_in_dim3A_1044, %exp3A_1060 : vector<16xf32>
    %get3A_1062 = arith.index_cast %sub3A_663 : i32 to index
    %get3A_1063 = arith.constant 816 : index
    %get3A_1064 = tpu.vector_load %arg13[%get3A_1062, %get3A_1063] {strides = array<i32>} : memref<8x6400xf32, #tpu.memory_space<vmem>>, vector<16xf32>,
    %exp3A_1065 = math.exp %get3A_1064 : vector<16xf32>
    %add3A_1066 = arith.addf %broadcast_in_dim3A_1046, %exp3A_1065 : vector<16xf32>
    %get3A_1067 = arith.index_cast %sub3A_663 : i32 to index
    %get3A_1068 = arith.constant 832 : index
    %get3A_1069 = tpu.vector_load %arg13[%get3A_1067, %get3A_1068] {strides = array<i32>} : memref<8x6400xf32, #tpu.memory_space<vmem>>, vector<16xf32>,
    %exp3A_1070 = math.exp %get3A_1069 : vector<16xf32>
    %add3A_1071 = arith.addf %add3A_1051, %exp3A_1070 : vector<16xf32>
    %get3A_1072 = arith.index_cast %sub3A_663 : i32 to index
    %get3A_1073 = arith.constant 848 : index
    %get3A_1074 = tpu.vector_load %arg13[%get3A_1072, %get3A_1073] {strides = array<i32>} : memref<8x6400xf32, #tpu.memory_space<vmem>>, vector<16xf32>,
    %exp3A_1075 = math.exp %get3A_1074 : vector<16xf32>
    %add3A_1076 = arith.addf %add3A_1056, %exp3A_1075 : vector<16xf32>
    %get3A_1077 = arith.index_cast %sub3A_663 : i32 to index
    %get3A_1078 = arith.constant 864 : index
    %get3A_1079 = tpu.vector_load %arg13[%get3A_1077, %get3A_1078] {strides = array<i32>} : memref<8x6400xf32, #tpu.memory_space<vmem>>, vector<16xf32>,
    %exp3A_1080 = math.exp %get3A_1079 : vector<16xf32>
    %add3A_1081 = arith.addf %add3A_1061, %exp3A_1080 : vector<16xf32>
    %get3A_1082 = arith.index_cast %sub3A_663 : i32 to index
    %get3A_1083 = arith.constant 880 : index
    %get3A_1084 = tpu.vector_load %arg13[%get3A_1082, %get3A_1083] {strides = array<i32>} : memref<8x6400xf32, #tpu.memory_space<vmem>>, vector<16xf32>,
    %exp3A_1085 = math.exp %get3A_1084 : vector<16xf32>
    %add3A_1086 = arith.addf %add3A_1066, %exp3A_1085 : vector<16xf32>
    %get3A_1087 = arith.index_cast %sub3A_663 : i32 to index
    %get3A_1088 = arith.constant 896 : index
    %get3A_1089 = tpu.vector_load %arg13[%get3A_1087, %get3A_1088] {strides = array<i32>} : memref<8x6400xf32, #tpu.memory_space<vmem>>, vector<16xf32>,
    %exp3A_1090 = math.exp %get3A_1089 : vector<16xf32>
    %add3A_1091 = arith.addf %add3A_1071, %exp3A_1090 : vector<16xf32>
    %get3A_1092 = arith.index_cast %sub3A_663 : i32 to index
    %get3A_1093 = arith.constant 912 : index
    %get3A_1094 = tpu.vector_load %arg13[%get3A_1092, %get3A_1093] {strides = array<i32>} : memref<8x6400xf32, #tpu.memory_space<vmem>>, vector<16xf32>,
    %exp3A_1095 = math.exp %get3A_1094 : vector<16xf32>
    %add3A_1096 = arith.addf %add3A_1076, %exp3A_1095 : vector<16xf32>
    %get3A_1097 = arith.index_cast %sub3A_663 : i32 to index
    %get3A_1098 = arith.constant 928 : index
    %get3A_1099 = tpu.vector_load %arg13[%get3A_1097, %get3A_1098] {strides = array<i32>} : memref<8x6400xf32, #tpu.memory_space<vmem>>, vector<16xf32>,
    %exp3A_1100 = math.exp %get3A_1099 : vector<16xf32>
    %add3A_1101 = arith.addf %add3A_1081, %exp3A_1100 : vector<16xf32>
    %get3A_1102 = arith.index_cast %sub3A_663 : i32 to index
    %get3A_1103 = arith.constant 944 : index
    %get3A_1104 = tpu.vector_load %arg13[%get3A_1102, %get3A_1103] {strides = array<i32>} : memref<8x6400xf32, #tpu.memory_space<vmem>>, vector<16xf32>,
    %exp3A_1105 = math.exp %get3A_1104 : vector<16xf32>
    %add3A_1106 = arith.addf %add3A_1086, %exp3A_1105 : vector<16xf32>
    %get3A_1107 = arith.index_cast %sub3A_663 : i32 to index
    %get3A_1108 = arith.constant 960 : index
    %get3A_1109 = tpu.vector_load %arg13[%get3A_1107, %get3A_1108] {strides = array<i32>} : memref<8x6400xf32, #tpu.memory_space<vmem>>, vector<16xf32>,
    %exp3A_1110 = math.exp %get3A_1109 : vector<16xf32>
    %add3A_1111 = arith.addf %add3A_1091, %exp3A_1110 : vector<16xf32>
    %get3A_1112 = arith.index_cast %sub3A_663 : i32 to index
    %get3A_1113 = arith.constant 976 : index
    %get3A_1114 = tpu.vector_load %arg13[%get3A_1112, %get3A_1113] {strides = array<i32>} : memref<8x6400xf32, #tpu.memory_space<vmem>>, vector<16xf32>,
    %exp3A_1115 = math.exp %get3A_1114 : vector<16xf32>
    %add3A_1116 = arith.addf %add3A_1096, %exp3A_1115 : vector<16xf32>
    %get3A_1117 = arith.index_cast %sub3A_663 : i32 to index
    %get3A_1118 = arith.constant 992 : index
    %get3A_1119 = tpu.vector_load %arg13[%get3A_1117, %get3A_1118] {strides = array<i32>} : memref<8x6400xf32, #tpu.memory_space<vmem>>, vector<16xf32>,
    %exp3A_1120 = math.exp %get3A_1119 : vector<16xf32>
    %add3A_1121 = arith.addf %add3A_1101, %exp3A_1120 : vector<16xf32>
    %get3A_1122 = arith.index_cast %sub3A_663 : i32 to index
    %get3A_1123 = arith.constant 1008 : index
    %get3A_1124 = tpu.vector_load %arg13[%get3A_1122, %get3A_1123] {strides = array<i32>} : memref<8x6400xf32, #tpu.memory_space<vmem>>, vector<16xf32>,
    %exp3A_1125 = math.exp %get3A_1124 : vector<16xf32>
    %add3A_1126 = arith.addf %add3A_1106, %exp3A_1125 : vector<16xf32>
    %add3A_1127 = arith.addf %add3A_1111, %add3A_1116 : vector<16xf32>
    %add3A_1128 = arith.addf %add3A_1121, %add3A_1126 : vector<16xf32>
    %add3A_1129 = arith.addf %add3A_1127, %add3A_1128 : vector<16xf32>
    %reduce_sum3A_1130 = arith.constant true
    %reduce_sum3A_1131 = vector.broadcast %reduce_sum3A_1130 : i1 to vector<16xi1>
    %reduce_sum3A_1132 = tpu.scan <sum>, %add3A_1129 masked %reduce_sum3A_1131 : vector<16xf32>, vector<16xi1> -> vector<16xf32>
    %reduce_sum3A_1133 = vector.extract %reduce_sum3A_1132[15] : f32 from vector<16xf32>
    %eq3A_1134 = arith.constant 3 : i32
    %eq3A_1135 = vector.broadcast %eq3A_1134 : i32 to vector<16xi32>
    %eq3A_1136 = arith.cmpi eq, %iota3A, %eq3A_1135 : vector<16xi32>
    %broadcast_in_dim3A_1137 = vector.broadcast %reduce_sum3A_1133 : f32 to vector<16xf32>
    %select_n3A_1138 = arith.select %eq3A_1136, %broadcast_in_dim3A_1137, %select_n3A_1038 : vector<16xi1>, vector<16xf32>
    %broadcast_in_dim3A_1139 = arith.constant 0.000000e+00 : f32
    %broadcast_in_dim3A_1140 = vector.broadcast %broadcast_in_dim3A_1139 : f32 to vector<16xf32>
    %broadcast_in_dim3A_1141 = arith.constant 0.000000e+00 : f32
    %broadcast_in_dim3A_1142 = vector.broadcast %broadcast_in_dim3A_1141 : f32 to vector<16xf32>
    %broadcast_in_dim3A_1143 = arith.constant 0.000000e+00 : f32
    %broadcast_in_dim3A_1144 = vector.broadcast %broadcast_in_dim3A_1143 : f32 to vector<16xf32>
    %broadcast_in_dim3A_1145 = arith.constant 0.000000e+00 : f32
    %broadcast_in_dim3A_1146 = vector.broadcast %broadcast_in_dim3A_1145 : f32 to vector<16xf32>
    %get3A_1147 = arith.index_cast %sub3A_663 : i32 to index
    %get3A_1148 = arith.constant 1024 : index
    %get3A_1149 = tpu.vector_load %arg13[%get3A_1147, %get3A_1148] {strides = array<i32>} : memref<8x6400xf32, #tpu.memory_space<vmem>>, vector<16xf32>,
    %exp3A_1150 = math.exp %get3A_1149 : vector<16xf32>
    %add3A_1151 = arith.addf %broadcast_in_dim3A_1140, %exp3A_1150 : vector<16xf32>
    %get3A_1152 = arith.index_cast %sub3A_663 : i32 to index
    %get3A_1153 = arith.constant 1040 : index
    %get3A_1154 = tpu.vector_load %arg13[%get3A_1152, %get3A_1153] {strides = array<i32>} : memref<8x6400xf32, #tpu.memory_space<vmem>>, vector<16xf32>,
    %exp3A_1155 = math.exp %get3A_1154 : vector<16xf32>
    %add3A_1156 = arith.addf %broadcast_in_dim3A_1142, %exp3A_1155 : vector<16xf32>
    %get3A_1157 = arith.index_cast %sub3A_663 : i32 to index
    %get3A_1158 = arith.constant 1056 : index
    %get3A_1159 = tpu.vector_load %arg13[%get3A_1157, %get3A_1158] {strides = array<i32>} : memref<8x6400xf32, #tpu.memory_space<vmem>>, vector<16xf32>,
    %exp3A_1160 = math.exp %get3A_1159 : vector<16xf32>
    %add3A_1161 = arith.addf %broadcast_in_dim3A_1144, %exp3A_1160 : vector<16xf32>
    %get3A_1162 = arith.index_cast %sub3A_663 : i32 to index
    %get3A_1163 = arith.constant 1072 : index
    %get3A_1164 = tpu.vector_load %arg13[%get3A_1162, %get3A_1163] {strides = array<i32>} : memref<8x6400xf32, #tpu.memory_space<vmem>>, vector<16xf32>,
    %exp3A_1165 = math.exp %get3A_1164 : vector<16xf32>
    %add3A_1166 = arith.addf %broadcast_in_dim3A_1146, %exp3A_1165 : vector<16xf32>
    %get3A_1167 = arith.index_cast %sub3A_663 : i32 to index
    %get3A_1168 = arith.constant 1088 : index
    %get3A_1169 = tpu.vector_load %arg13[%get3A_1167, %get3A_1168] {strides = array<i32>} : memref<8x6400xf32, #tpu.memory_space<vmem>>, vector<16xf32>,
    %exp3A_1170 = math.exp %get3A_1169 : vector<16xf32>
    %add3A_1171 = arith.addf %add3A_1151, %exp3A_1170 : vector<16xf32>
    %get3A_1172 = arith.index_cast %sub3A_663 : i32 to index
    %get3A_1173 = arith.constant 1104 : index
    %get3A_1174 = tpu.vector_load %arg13[%get3A_1172, %get3A_1173] {strides = array<i32>} : memref<8x6400xf32, #tpu.memory_space<vmem>>, vector<16xf32>,
    %exp3A_1175 = math.exp %get3A_1174 : vector<16xf32>
    %add3A_1176 = arith.addf %add3A_1156, %exp3A_1175 : vector<16xf32>
    %get3A_1177 = arith.index_cast %sub3A_663 : i32 to index
    %get3A_1178 = arith.constant 1120 : index
    %get3A_1179 = tpu.vector_load %arg13[%get3A_1177, %get3A_1178] {strides = array<i32>} : memref<8x6400xf32, #tpu.memory_space<vmem>>, vector<16xf32>,
    %exp3A_1180 = math.exp %get3A_1179 : vector<16xf32>
    %add3A_1181 = arith.addf %add3A_1161, %exp3A_1180 : vector<16xf32>
    %get3A_1182 = arith.index_cast %sub3A_663 : i32 to index
    %get3A_1183 = arith.constant 1136 : index
    %get3A_1184 = tpu.vector_load %arg13[%get3A_1182, %get3A_1183] {strides = array<i32>} : memref<8x6400xf32, #tpu.memory_space<vmem>>, vector<16xf32>,
    %exp3A_1185 = math.exp %get3A_1184 : vector<16xf32>
    %add3A_1186 = arith.addf %add3A_1166, %exp3A_1185 : vector<16xf32>
    %get3A_1187 = arith.index_cast %sub3A_663 : i32 to index
    %get3A_1188 = arith.constant 1152 : index
    %get3A_1189 = tpu.vector_load %arg13[%get3A_1187, %get3A_1188] {strides = array<i32>} : memref<8x6400xf32, #tpu.memory_space<vmem>>, vector<16xf32>,
    %exp3A_1190 = math.exp %get3A_1189 : vector<16xf32>
    %add3A_1191 = arith.addf %add3A_1171, %exp3A_1190 : vector<16xf32>
    %get3A_1192 = arith.index_cast %sub3A_663 : i32 to index
    %get3A_1193 = arith.constant 1168 : index
    %get3A_1194 = tpu.vector_load %arg13[%get3A_1192, %get3A_1193] {strides = array<i32>} : memref<8x6400xf32, #tpu.memory_space<vmem>>, vector<16xf32>,
    %exp3A_1195 = math.exp %get3A_1194 : vector<16xf32>
    %add3A_1196 = arith.addf %add3A_1176, %exp3A_1195 : vector<16xf32>
    %get3A_1197 = arith.index_cast %sub3A_663 : i32 to index
    %get3A_1198 = arith.constant 1184 : index
    %get3A_1199 = tpu.vector_load %arg13[%get3A_1197, %get3A_1198] {strides = array<i32>} : memref<8x6400xf32, #tpu.memory_space<vmem>>, vector<16xf32>,
    %exp3A_1200 = math.exp %get3A_1199 : vector<16xf32>
    %add3A_1201 = arith.addf %add3A_1181, %exp3A_1200 : vector<16xf32>
    %get3A_1202 = arith.index_cast %sub3A_663 : i32 to index
    %get3A_1203 = arith.constant 1200 : index
    %get3A_1204 = tpu.vector_load %arg13[%get3A_1202, %get3A_1203] {strides = array<i32>} : memref<8x6400xf32, #tpu.memory_space<vmem>>, vector<16xf32>,
    %exp3A_1205 = math.exp %get3A_1204 : vector<16xf32>
    %add3A_1206 = arith.addf %add3A_1186, %exp3A_1205 : vector<16xf32>
    %get3A_1207 = arith.index_cast %sub3A_663 : i32 to index
    %get3A_1208 = arith.constant 1216 : index
    %get3A_1209 = tpu.vector_load %arg13[%get3A_1207, %get3A_1208] {strides = array<i32>} : memref<8x6400xf32, #tpu.memory_space<vmem>>, vector<16xf32>,
    %exp3A_1210 = math.exp %get3A_1209 : vector<16xf32>
    %add3A_1211 = arith.addf %add3A_1191, %exp3A_1210 : vector<16xf32>
    %get3A_1212 = arith.index_cast %sub3A_663 : i32 to index
    %get3A_1213 = arith.constant 1232 : index
    %get3A_1214 = tpu.vector_load %arg13[%get3A_1212, %get3A_1213] {strides = array<i32>} : memref<8x6400xf32, #tpu.memory_space<vmem>>, vector<16xf32>,
    %exp3A_1215 = math.exp %get3A_1214 : vector<16xf32>
    %add3A_1216 = arith.addf %add3A_1196, %exp3A_1215 : vector<16xf32>
    %get3A_1217 = arith.index_cast %sub3A_663 : i32 to index
    %get3A_1218 = arith.constant 1248 : index
    %get3A_1219 = tpu.vector_load %arg13[%get3A_1217, %get3A_1218] {strides = array<i32>} : memref<8x6400xf32, #tpu.memory_space<vmem>>, vector<16xf32>,
    %exp3A_1220 = math.exp %get3A_1219 : vector<16xf32>
    %add3A_1221 = arith.addf %add3A_1201, %exp3A_1220 : vector<16xf32>
    %get3A_1222 = arith.index_cast %sub3A_663 : i32 to index
    %get3A_1223 = arith.constant 1264 : index
    %get3A_1224 = tpu.vector_load %arg13[%get3A_1222, %get3A_1223] {strides = array<i32>} : memref<8x6400xf32, #tpu.memory_space<vmem>>, vector<16xf32>,
    %exp3A_1225 = math.exp %get3A_1224 : vector<16xf32>
    %add3A_1226 = arith.addf %add3A_1206, %exp3A_1225 : vector<16xf32>
    %add3A_1227 = arith.addf %add3A_1211, %add3A_1216 : vector<16xf32>
    %add3A_1228 = arith.addf %add3A_1221, %add3A_1226 : vector<16xf32>
    %add3A_1229 = arith.addf %add3A_1227, %add3A_1228 : vector<16xf32>
    %reduce_sum3A_1230 = arith.constant true
    %reduce_sum3A_1231 = vector.broadcast %reduce_sum3A_1230 : i1 to vector<16xi1>
    %reduce_sum3A_1232 = tpu.scan <sum>, %add3A_1229 masked %reduce_sum3A_1231 : vector<16xf32>, vector<16xi1> -> vector<16xf32>
    %reduce_sum3A_1233 = vector.extract %reduce_sum3A_1232[15] : f32 from vector<16xf32>
    %eq3A_1234 = arith.constant 4 : i32
    %eq3A_1235 = vector.broadcast %eq3A_1234 : i32 to vector<16xi32>
    %eq3A_1236 = arith.cmpi eq, %iota3A, %eq3A_1235 : vector<16xi32>
    %broadcast_in_dim3A_1237 = vector.broadcast %reduce_sum3A_1233 : f32 to vector<16xf32>
    %select_n3A_1238 = arith.select %eq3A_1236, %broadcast_in_dim3A_1237, %select_n3A_1138 : vector<16xi1>, vector<16xf32>
    %broadcast_in_dim3A_1239 = arith.constant 0.000000e+00 : f32
    %broadcast_in_dim3A_1240 = vector.broadcast %broadcast_in_dim3A_1239 : f32 to vector<16xf32>
    %broadcast_in_dim3A_1241 = arith.constant 0.000000e+00 : f32
    %broadcast_in_dim3A_1242 = vector.broadcast %broadcast_in_dim3A_1241 : f32 to vector<16xf32>
    %broadcast_in_dim3A_1243 = arith.constant 0.000000e+00 : f32
    %broadcast_in_dim3A_1244 = vector.broadcast %broadcast_in_dim3A_1243 : f32 to vector<16xf32>
    %broadcast_in_dim3A_1245 = arith.constant 0.000000e+00 : f32
    %broadcast_in_dim3A_1246 = vector.broadcast %broadcast_in_dim3A_1245 : f32 to vector<16xf32>
    %get3A_1247 = arith.index_cast %sub3A_663 : i32 to index
    %get3A_1248 = arith.constant 1280 : index
    %get3A_1249 = tpu.vector_load %arg13[%get3A_1247, %get3A_1248] {strides = array<i32>} : memref<8x6400xf32, #tpu.memory_space<vmem>>, vector<16xf32>,
    %exp3A_1250 = math.exp %get3A_1249 : vector<16xf32>
    %add3A_1251 = arith.addf %broadcast_in_dim3A_1240, %exp3A_1250 : vector<16xf32>
    %get3A_1252 = arith.index_cast %sub3A_663 : i32 to index
    %get3A_1253 = arith.constant 1296 : index
    %get3A_1254 = tpu.vector_load %arg13[%get3A_1252, %get3A_1253] {strides = array<i32>} : memref<8x6400xf32, #tpu.memory_space<vmem>>, vector<16xf32>,
    %exp3A_1255 = math.exp %get3A_1254 : vector<16xf32>
    %add3A_1256 = arith.addf %broadcast_in_dim3A_1242, %exp3A_1255 : vector<16xf32>
    %get3A_1257 = arith.index_cast %sub3A_663 : i32 to index
    %get3A_1258 = arith.constant 1312 : index
    %get3A_1259 = tpu.vector_load %arg13[%get3A_1257, %get3A_1258] {strides = array<i32>} : memref<8x6400xf32, #tpu.memory_space<vmem>>, vector<16xf32>,
    %exp3A_1260 = math.exp %get3A_1259 : vector<16xf32>
    %add3A_1261 = arith.addf %broadcast_in_dim3A_1244, %exp3A_1260 : vector<16xf32>
    %get3A_1262 = arith.index_cast %sub3A_663 : i32 to index
    %get3A_1263 = arith.constant 1328 : index
    %get3A_1264 = tpu.vector_load %arg13[%get3A_1262, %get3A_1263] {strides = array<i32>} : memref<8x6400xf32, #tpu.memory_space<vmem>>, vector<16xf32>,
    %exp3A_1265 = math.exp %get3A_1264 : vector<16xf32>
    %add3A_1266 = arith.addf %broadcast_in_dim3A_1246, %exp3A_1265 : vector<16xf32>
    %get3A_1267 = arith.index_cast %sub3A_663 : i32 to index
    %get3A_1268 = arith.constant 1344 : index
    %get3A_1269 = tpu.vector_load %arg13[%get3A_1267, %get3A_1268] {strides = array<i32>} : memref<8x6400xf32, #tpu.memory_space<vmem>>, vector<16xf32>,
    %exp3A_1270 = math.exp %get3A_1269 : vector<16xf32>
    %add3A_1271 = arith.addf %add3A_1251, %exp3A_1270 : vector<16xf32>
    %get3A_1272 = arith.index_cast %sub3A_663 : i32 to index
    %get3A_1273 = arith.constant 1360 : index
    %get3A_1274 = tpu.vector_load %arg13[%get3A_1272, %get3A_1273] {strides = array<i32>} : memref<8x6400xf32, #tpu.memory_space<vmem>>, vector<16xf32>,
    %exp3A_1275 = math.exp %get3A_1274 : vector<16xf32>
    %add3A_1276 = arith.addf %add3A_1256, %exp3A_1275 : vector<16xf32>
    %get3A_1277 = arith.index_cast %sub3A_663 : i32 to index
    %get3A_1278 = arith.constant 1376 : index
    %get3A_1279 = tpu.vector_load %arg13[%get3A_1277, %get3A_1278] {strides = array<i32>} : memref<8x6400xf32, #tpu.memory_space<vmem>>, vector<16xf32>,
    %exp3A_1280 = math.exp %get3A_1279 : vector<16xf32>
    %add3A_1281 = arith.addf %add3A_1261, %exp3A_1280 : vector<16xf32>
    %get3A_1282 = arith.index_cast %sub3A_663 : i32 to index
    %get3A_1283 = arith.constant 1392 : index
    %get3A_1284 = tpu.vector_load %arg13[%get3A_1282, %get3A_1283] {strides = array<i32>} : memref<8x6400xf32, #tpu.memory_space<vmem>>, vector<16xf32>,
    %exp3A_1285 = math.exp %get3A_1284 : vector<16xf32>
    %add3A_1286 = arith.addf %add3A_1266, %exp3A_1285 : vector<16xf32>
    %get3A_1287 = arith.index_cast %sub3A_663 : i32 to index
    %get3A_1288 = arith.constant 1408 : index
    %get3A_1289 = tpu.vector_load %arg13[%get3A_1287, %get3A_1288] {strides = array<i32>} : memref<8x6400xf32, #tpu.memory_space<vmem>>, vector<16xf32>,
    %exp3A_1290 = math.exp %get3A_1289 : vector<16xf32>
    %add3A_1291 = arith.addf %add3A_1271, %exp3A_1290 : vector<16xf32>
    %get3A_1292 = arith.index_cast %sub3A_663 : i32 to index
    %get3A_1293 = arith.constant 1424 : index
    %get3A_1294 = tpu.vector_load %arg13[%get3A_1292, %get3A_1293] {strides = array<i32>} : memref<8x6400xf32, #tpu.memory_space<vmem>>, vector<16xf32>,
    %exp3A_1295 = math.exp %get3A_1294 : vector<16xf32>
    %add3A_1296 = arith.addf %add3A_1276, %exp3A_1295 : vector<16xf32>
    %get3A_1297 = arith.index_cast %sub3A_663 : i32 to index
    %get3A_1298 = arith.constant 1440 : index
    %get3A_1299 = tpu.vector_load %arg13[%get3A_1297, %get3A_1298] {strides = array<i32>} : memref<8x6400xf32, #tpu.memory_space<vmem>>, vector<16xf32>,
    %exp3A_1300 = math.exp %get3A_1299 : vector<16xf32>
    %add3A_1301 = arith.addf %add3A_1281, %exp3A_1300 : vector<16xf32>
    %get3A_1302 = arith.index_cast %sub3A_663 : i32 to index
    %get3A_1303 = arith.constant 1456 : index
    %get3A_1304 = tpu.vector_load %arg13[%get3A_1302, %get3A_1303] {strides = array<i32>} : memref<8x6400xf32, #tpu.memory_space<vmem>>, vector<16xf32>,
    %exp3A_1305 = math.exp %get3A_1304 : vector<16xf32>
    %add3A_1306 = arith.addf %add3A_1286, %exp3A_1305 : vector<16xf32>
    %get3A_1307 = arith.index_cast %sub3A_663 : i32 to index
    %get3A_1308 = arith.constant 1472 : index
    %get3A_1309 = tpu.vector_load %arg13[%get3A_1307, %get3A_1308] {strides = array<i32>} : memref<8x6400xf32, #tpu.memory_space<vmem>>, vector<16xf32>,
    %exp3A_1310 = math.exp %get3A_1309 : vector<16xf32>
    %add3A_1311 = arith.addf %add3A_1291, %exp3A_1310 : vector<16xf32>
    %get3A_1312 = arith.index_cast %sub3A_663 : i32 to index
    %get3A_1313 = arith.constant 1488 : index
    %get3A_1314 = tpu.vector_load %arg13[%get3A_1312, %get3A_1313] {strides = array<i32>} : memref<8x6400xf32, #tpu.memory_space<vmem>>, vector<16xf32>,
    %exp3A_1315 = math.exp %get3A_1314 : vector<16xf32>
    %add3A_1316 = arith.addf %add3A_1296, %exp3A_1315 : vector<16xf32>
    %get3A_1317 = arith.index_cast %sub3A_663 : i32 to index
    %get3A_1318 = arith.constant 1504 : index
    %get3A_1319 = tpu.vector_load %arg13[%get3A_1317, %get3A_1318] {strides = array<i32>} : memref<8x6400xf32, #tpu.memory_space<vmem>>, vector<16xf32>,
    %exp3A_1320 = math.exp %get3A_1319 : vector<16xf32>
    %add3A_1321 = arith.addf %add3A_1301, %exp3A_1320 : vector<16xf32>
    %get3A_1322 = arith.index_cast %sub3A_663 : i32 to index
    %get3A_1323 = arith.constant 1520 : index
    %get3A_1324 = tpu.vector_load %arg13[%get3A_1322, %get3A_1323] {strides = array<i32>} : memref<8x6400xf32, #tpu.memory_space<vmem>>, vector<16xf32>,
    %exp3A_1325 = math.exp %get3A_1324 : vector<16xf32>
    %add3A_1326 = arith.addf %add3A_1306, %exp3A_1325 : vector<16xf32>
    %add3A_1327 = arith.addf %add3A_1311, %add3A_1316 : vector<16xf32>
    %add3A_1328 = arith.addf %add3A_1321, %add3A_1326 : vector<16xf32>
    %add3A_1329 = arith.addf %add3A_1327, %add3A_1328 : vector<16xf32>
    %reduce_sum3A_1330 = arith.constant true
    %reduce_sum3A_1331 = vector.broadcast %reduce_sum3A_1330 : i1 to vector<16xi1>
    %reduce_sum3A_1332 = tpu.scan <sum>, %add3A_1329 masked %reduce_sum3A_1331 : vector<16xf32>, vector<16xi1> -> vector<16xf32>
    %reduce_sum3A_1333 = vector.extract %reduce_sum3A_1332[15] : f32 from vector<16xf32>
    %eq3A_1334 = arith.constant 5 : i32
    %eq3A_1335 = vector.broadcast %eq3A_1334 : i32 to vector<16xi32>
    %eq3A_1336 = arith.cmpi eq, %iota3A, %eq3A_1335 : vector<16xi32>
    %broadcast_in_dim3A_1337 = vector.broadcast %reduce_sum3A_1333 : f32 to vector<16xf32>
    %select_n3A_1338 = arith.select %eq3A_1336, %broadcast_in_dim3A_1337, %select_n3A_1238 : vector<16xi1>, vector<16xf32>
    %broadcast_in_dim3A_1339 = arith.constant 0.000000e+00 : f32
    %broadcast_in_dim3A_1340 = vector.broadcast %broadcast_in_dim3A_1339 : f32 to vector<16xf32>
    %broadcast_in_dim3A_1341 = arith.constant 0.000000e+00 : f32
    %broadcast_in_dim3A_1342 = vector.broadcast %broadcast_in_dim3A_1341 : f32 to vector<16xf32>
    %broadcast_in_dim3A_1343 = arith.constant 0.000000e+00 : f32
    %broadcast_in_dim3A_1344 = vector.broadcast %broadcast_in_dim3A_1343 : f32 to vector<16xf32>
    %broadcast_in_dim3A_1345 = arith.constant 0.000000e+00 : f32
    %broadcast_in_dim3A_1346 = vector.broadcast %broadcast_in_dim3A_1345 : f32 to vector<16xf32>
    %get3A_1347 = arith.index_cast %sub3A_663 : i32 to index
    %get3A_1348 = arith.constant 1536 : index
    %get3A_1349 = tpu.vector_load %arg13[%get3A_1347, %get3A_1348] {strides = array<i32>} : memref<8x6400xf32, #tpu.memory_space<vmem>>, vector<16xf32>,
    %exp3A_1350 = math.exp %get3A_1349 : vector<16xf32>
    %add3A_1351 = arith.addf %broadcast_in_dim3A_1340, %exp3A_1350 : vector<16xf32>
    %get3A_1352 = arith.index_cast %sub3A_663 : i32 to index
    %get3A_1353 = arith.constant 1552 : index
    %get3A_1354 = tpu.vector_load %arg13[%get3A_1352, %get3A_1353] {strides = array<i32>} : memref<8x6400xf32, #tpu.memory_space<vmem>>, vector<16xf32>,
    %exp3A_1355 = math.exp %get3A_1354 : vector<16xf32>
    %add3A_1356 = arith.addf %broadcast_in_dim3A_1342, %exp3A_1355 : vector<16xf32>
    %get3A_1357 = arith.index_cast %sub3A_663 : i32 to index
    %get3A_1358 = arith.constant 1568 : index
    %get3A_1359 = tpu.vector_load %arg13[%get3A_1357, %get3A_1358] {strides = array<i32>} : memref<8x6400xf32, #tpu.memory_space<vmem>>, vector<16xf32>,
    %exp3A_1360 = math.exp %get3A_1359 : vector<16xf32>
    %add3A_1361 = arith.addf %broadcast_in_dim3A_1344, %exp3A_1360 : vector<16xf32>
    %get3A_1362 = arith.index_cast %sub3A_663 : i32 to index
    %get3A_1363 = arith.constant 1584 : index
    %get3A_1364 = tpu.vector_load %arg13[%get3A_1362, %get3A_1363] {strides = array<i32>} : memref<8x6400xf32, #tpu.memory_space<vmem>>, vector<16xf32>,
    %exp3A_1365 = math.exp %get3A_1364 : vector<16xf32>
    %add3A_1366 = arith.addf %broadcast_in_dim3A_1346, %exp3A_1365 : vector<16xf32>
    %get3A_1367 = arith.index_cast %sub3A_663 : i32 to index
    %get3A_1368 = arith.constant 1600 : index
    %get3A_1369 = tpu.vector_load %arg13[%get3A_1367, %get3A_1368] {strides = array<i32>} : memref<8x6400xf32, #tpu.memory_space<vmem>>, vector<16xf32>,
    %exp3A_1370 = math.exp %get3A_1369 : vector<16xf32>
    %add3A_1371 = arith.addf %add3A_1351, %exp3A_1370 : vector<16xf32>
    %get3A_1372 = arith.index_cast %sub3A_663 : i32 to index
    %get3A_1373 = arith.constant 1616 : index
    %get3A_1374 = tpu.vector_load %arg13[%get3A_1372, %get3A_1373] {strides = array<i32>} : memref<8x6400xf32, #tpu.memory_space<vmem>>, vector<16xf32>,
    %exp3A_1375 = math.exp %get3A_1374 : vector<16xf32>
    %add3A_1376 = arith.addf %add3A_1356, %exp3A_1375 : vector<16xf32>
    %get3A_1377 = arith.index_cast %sub3A_663 : i32 to index
    %get3A_1378 = arith.constant 1632 : index
    %get3A_1379 = tpu.vector_load %arg13[%get3A_1377, %get3A_1378] {strides = array<i32>} : memref<8x6400xf32, #tpu.memory_space<vmem>>, vector<16xf32>,
    %exp3A_1380 = math.exp %get3A_1379 : vector<16xf32>
    %add3A_1381 = arith.addf %add3A_1361, %exp3A_1380 : vector<16xf32>
    %get3A_1382 = arith.index_cast %sub3A_663 : i32 to index
    %get3A_1383 = arith.constant 1648 : index
    %get3A_1384 = tpu.vector_load %arg13[%get3A_1382, %get3A_1383] {strides = array<i32>} : memref<8x6400xf32, #tpu.memory_space<vmem>>, vector<16xf32>,
    %exp3A_1385 = math.exp %get3A_1384 : vector<16xf32>
    %add3A_1386 = arith.addf %add3A_1366, %exp3A_1385 : vector<16xf32>
    %get3A_1387 = arith.index_cast %sub3A_663 : i32 to index
    %get3A_1388 = arith.constant 1664 : index
    %get3A_1389 = tpu.vector_load %arg13[%get3A_1387, %get3A_1388] {strides = array<i32>} : memref<8x6400xf32, #tpu.memory_space<vmem>>, vector<16xf32>,
    %exp3A_1390 = math.exp %get3A_1389 : vector<16xf32>
    %add3A_1391 = arith.addf %add3A_1371, %exp3A_1390 : vector<16xf32>
    %get3A_1392 = arith.index_cast %sub3A_663 : i32 to index
    %get3A_1393 = arith.constant 1680 : index
    %get3A_1394 = tpu.vector_load %arg13[%get3A_1392, %get3A_1393] {strides = array<i32>} : memref<8x6400xf32, #tpu.memory_space<vmem>>, vector<16xf32>,
    %exp3A_1395 = math.exp %get3A_1394 : vector<16xf32>
    %add3A_1396 = arith.addf %add3A_1376, %exp3A_1395 : vector<16xf32>
    %get3A_1397 = arith.index_cast %sub3A_663 : i32 to index
    %get3A_1398 = arith.constant 1696 : index
    %get3A_1399 = tpu.vector_load %arg13[%get3A_1397, %get3A_1398] {strides = array<i32>} : memref<8x6400xf32, #tpu.memory_space<vmem>>, vector<16xf32>,
    %exp3A_1400 = math.exp %get3A_1399 : vector<16xf32>
    %add3A_1401 = arith.addf %add3A_1381, %exp3A_1400 : vector<16xf32>
    %get3A_1402 = arith.index_cast %sub3A_663 : i32 to index
    %get3A_1403 = arith.constant 1712 : index
    %get3A_1404 = tpu.vector_load %arg13[%get3A_1402, %get3A_1403] {strides = array<i32>} : memref<8x6400xf32, #tpu.memory_space<vmem>>, vector<16xf32>,
    %exp3A_1405 = math.exp %get3A_1404 : vector<16xf32>
    %add3A_1406 = arith.addf %add3A_1386, %exp3A_1405 : vector<16xf32>
    %get3A_1407 = arith.index_cast %sub3A_663 : i32 to index
    %get3A_1408 = arith.constant 1728 : index
    %get3A_1409 = tpu.vector_load %arg13[%get3A_1407, %get3A_1408] {strides = array<i32>} : memref<8x6400xf32, #tpu.memory_space<vmem>>, vector<16xf32>,
    %exp3A_1410 = math.exp %get3A_1409 : vector<16xf32>
    %add3A_1411 = arith.addf %add3A_1391, %exp3A_1410 : vector<16xf32>
    %get3A_1412 = arith.index_cast %sub3A_663 : i32 to index
    %get3A_1413 = arith.constant 1744 : index
    %get3A_1414 = tpu.vector_load %arg13[%get3A_1412, %get3A_1413] {strides = array<i32>} : memref<8x6400xf32, #tpu.memory_space<vmem>>, vector<16xf32>,
    %exp3A_1415 = math.exp %get3A_1414 : vector<16xf32>
    %add3A_1416 = arith.addf %add3A_1396, %exp3A_1415 : vector<16xf32>
    %get3A_1417 = arith.index_cast %sub3A_663 : i32 to index
    %get3A_1418 = arith.constant 1760 : index
    %get3A_1419 = tpu.vector_load %arg13[%get3A_1417, %get3A_1418] {strides = array<i32>} : memref<8x6400xf32, #tpu.memory_space<vmem>>, vector<16xf32>,
    %exp3A_1420 = math.exp %get3A_1419 : vector<16xf32>
    %add3A_1421 = arith.addf %add3A_1401, %exp3A_1420 : vector<16xf32>
    %get3A_1422 = arith.index_cast %sub3A_663 : i32 to index
    %get3A_1423 = arith.constant 1776 : index
    %get3A_1424 = tpu.vector_load %arg13[%get3A_1422, %get3A_1423] {strides = array<i32>} : memref<8x6400xf32, #tpu.memory_space<vmem>>, vector<16xf32>,
    %exp3A_1425 = math.exp %get3A_1424 : vector<16xf32>
    %add3A_1426 = arith.addf %add3A_1406, %exp3A_1425 : vector<16xf32>
    %add3A_1427 = arith.addf %add3A_1411, %add3A_1416 : vector<16xf32>
    %add3A_1428 = arith.addf %add3A_1421, %add3A_1426 : vector<16xf32>
    %add3A_1429 = arith.addf %add3A_1427, %add3A_1428 : vector<16xf32>
    %reduce_sum3A_1430 = arith.constant true
    %reduce_sum3A_1431 = vector.broadcast %reduce_sum3A_1430 : i1 to vector<16xi1>
    %reduce_sum3A_1432 = tpu.scan <sum>, %add3A_1429 masked %reduce_sum3A_1431 : vector<16xf32>, vector<16xi1> -> vector<16xf32>
    %reduce_sum3A_1433 = vector.extract %reduce_sum3A_1432[15] : f32 from vector<16xf32>
    %eq3A_1434 = arith.constant 6 : i32
    %eq3A_1435 = vector.broadcast %eq3A_1434 : i32 to vector<16xi32>
    %eq3A_1436 = arith.cmpi eq, %iota3A, %eq3A_1435 : vector<16xi32>
    %broadcast_in_dim3A_1437 = vector.broadcast %reduce_sum3A_1433 : f32 to vector<16xf32>
    %select_n3A_1438 = arith.select %eq3A_1436, %broadcast_in_dim3A_1437, %select_n3A_1338 : vector<16xi1>, vector<16xf32>
    %dma_wait3A_1439 = arith.constant 1 : i32
    %dma_wait3A_1440 = arith.constant 0 : i32
    %dma_wait3A_1441 = arith.constant 1792 : i32
    %dma_wait3A_1442 = tpu.memref_slice %arg13[%dma_wait3A_1440, %dma_wait3A_1441] : memref<8x6400xf32, #tpu.memory_space<vmem>> -> memref<8x1536xf32, #tpu.memory_space<vmem>>
    %dma_wait3A_1443 = tpu.memref_slice %arg2[%reduce_max3A_504, %mul3A_662, %add3A_679] : memref<8x64x100000xf32, #tpu.memory_space<hbm>> -> memref<1x8x1536xf32, #tpu.memory_space<hbm>>
    %dma_wait3A_1444 = tpu.memref_squeeze %dma_wait3A_1443 : memref<1x8x1536xf32, #tpu.memory_space<hbm>> -> memref<8x1536xf32, #tpu.memory_space<hbm>>
    %dma_wait3A_1445 = tpu.memref_slice %arg22[%dma_wait3A_1439] : memref<4x!tpu.dma_semaphore, #tpu.memory_space<semaphore_mem>> -> memref<1x!tpu.dma_semaphore, #tpu.memory_space<semaphore_mem>>
    %dma_wait3A_1446 = tpu.memref_squeeze %dma_wait3A_1445 : memref<1x!tpu.dma_semaphore, #tpu.memory_space<semaphore_mem>> -> memref<!tpu.dma_semaphore, #tpu.memory_space<semaphore_mem>>
    %dma_wait3A_1447 = arith.constant 0 : i32
    %dma_wait3A_1448 = arith.constant 1792 : i32
    %dma_wait3A_1449 = tpu.memref_slice %arg13[%dma_wait3A_1447, %dma_wait3A_1448] : memref<8x6400xf32, #tpu.memory_space<vmem>> -> memref<8x1536xf32, #tpu.memory_space<vmem>>
    %dma_wait3A_1450 = tpu.memref_slice %arg2[%reduce_max3A_504, %mul3A_662, %add3A_679] : memref<8x64x100000xf32, #tpu.memory_space<hbm>> -> memref<1x8x1536xf32, #tpu.memory_space<hbm>>
    %dma_wait3A_1451 = tpu.memref_squeeze %dma_wait3A_1450 : memref<1x8x1536xf32, #tpu.memory_space<hbm>> -> memref<8x1536xf32, #tpu.memory_space<hbm>>
    tpu.wait_dma2 semaphore(%dma_wait3A_1446 : memref<!tpu.dma_semaphore, #tpu.memory_space<semaphore_mem>>) src(%dma_wait3A_1451 : memref<8x1536xf32, #tpu.memory_space<hbm>>) dst(%dma_wait3A_1449 : memref<8x1536xf32, #tpu.memory_space<vmem>>)
    %broadcast_in_dim3A_1452 = arith.constant 0.000000e+00 : f32
    %broadcast_in_dim3A_1453 = vector.broadcast %broadcast_in_dim3A_1452 : f32 to vector<16xf32>
    %broadcast_in_dim3A_1454 = arith.constant 0.000000e+00 : f32
    %broadcast_in_dim3A_1455 = vector.broadcast %broadcast_in_dim3A_1454 : f32 to vector<16xf32>
    %broadcast_in_dim3A_1456 = arith.constant 0.000000e+00 : f32
    %broadcast_in_dim3A_1457 = vector.broadcast %broadcast_in_dim3A_1456 : f32 to vector<16xf32>
    %broadcast_in_dim3A_1458 = arith.constant 0.000000e+00 : f32
    %broadcast_in_dim3A_1459 = vector.broadcast %broadcast_in_dim3A_1458 : f32 to vector<16xf32>
    %get3A_1460 = arith.index_cast %sub3A_663 : i32 to index
    %get3A_1461 = arith.constant 1792 : index
    %get3A_1462 = tpu.vector_load %arg13[%get3A_1460, %get3A_1461] {strides = array<i32>} : memref<8x6400xf32, #tpu.memory_space<vmem>>, vector<16xf32>,
    %exp3A_1463 = math.exp %get3A_1462 : vector<16xf32>
    %add3A_1464 = arith.addf %broadcast_in_dim3A_1453, %exp3A_1463 : vector<16xf32>
    %get3A_1465 = arith.index_cast %sub3A_663 : i32 to index
    %get3A_1466 = arith.constant 1808 : index
    %get3A_1467 = tpu.vector_load %arg13[%get3A_1465, %get3A_1466] {strides = array<i32>} : memref<8x6400xf32, #tpu.memory_space<vmem>>, vector<16xf32>,
    %exp3A_1468 = math.exp %get3A_1467 : vector<16xf32>
    %add3A_1469 = arith.addf %broadcast_in_dim3A_1455, %exp3A_1468 : vector<16xf32>
    %get3A_1470 = arith.index_cast %sub3A_663 : i32 to index
    %get3A_1471 = arith.constant 1824 : index
    %get3A_1472 = tpu.vector_load %arg13[%get3A_1470, %get3A_1471] {strides = array<i32>} : memref<8x6400xf32, #tpu.memory_space<vmem>>, vector<16xf32>,
    %exp3A_1473 = math.exp %get3A_1472 : vector<16xf32>
    %add3A_1474 = arith.addf %broadcast_in_dim3A_1457, %exp3A_1473 : vector<16xf32>
    %get3A_1475 = arith.index_cast %sub3A_663 : i32 to index
    %get3A_1476 = arith.constant 1840 : index
    %get3A_1477 = tpu.vector_load %arg13[%get3A_1475, %get3A_1476] {strides = array<i32>} : memref<8x6400xf32, #tpu.memory_space<vmem>>, vector<16xf32>,
    %exp3A_1478 = math.exp %get3A_1477 : vector<16xf32>
    %add3A_1479 = arith.addf %broadcast_in_dim3A_1459, %exp3A_1478 : vector<16xf32>
    %get3A_1480 = arith.index_cast %sub3A_663 : i32 to index
    %get3A_1481 = arith.constant 1856 : index
    %get3A_1482 = tpu.vector_load %arg13[%get3A_1480, %get3A_1481] {strides = array<i32>} : memref<8x6400xf32, #tpu.memory_space<vmem>>, vector<16xf32>,
    %exp3A_1483 = math.exp %get3A_1482 : vector<16xf32>
    %add3A_1484 = arith.addf %add3A_1464, %exp3A_1483 : vector<16xf32>
    %get3A_1485 = arith.index_cast %sub3A_663 : i32 to index
    %get3A_1486 = arith.constant 1872 : index
    %get3A_1487 = tpu.vector_load %arg13[%get3A_1485, %get3A_1486] {strides = array<i32>} : memref<8x6400xf32, #tpu.memory_space<vmem>>, vector<16xf32>,
    %exp3A_1488 = math.exp %get3A_1487 : vector<16xf32>
    %add3A_1489 = arith.addf %add3A_1469, %exp3A_1488 : vector<16xf32>
    %get3A_1490 = arith.index_cast %sub3A_663 : i32 to index
    %get3A_1491 = arith.constant 1888 : index
    %get3A_1492 = tpu.vector_load %arg13[%get3A_1490, %get3A_1491] {strides = array<i32>} : memref<8x6400xf32, #tpu.memory_space<vmem>>, vector<16xf32>,
    %exp3A_1493 = math.exp %get3A_1492 : vector<16xf32>
    %add3A_1494 = arith.addf %add3A_1474, %exp3A_1493 : vector<16xf32>
    %get3A_1495 = arith.index_cast %sub3A_663 : i32 to index
    %get3A_1496 = arith.constant 1904 : index
    %get3A_1497 = tpu.vector_load %arg13[%get3A_1495, %get3A_1496] {strides = array<i32>} : memref<8x6400xf32, #tpu.memory_space<vmem>>, vector<16xf32>,
    %exp3A_1498 = math.exp %get3A_1497 : vector<16xf32>
    %add3A_1499 = arith.addf %add3A_1479, %exp3A_1498 : vector<16xf32>
    %get3A_1500 = arith.index_cast %sub3A_663 : i32 to index
    %get3A_1501 = arith.constant 1920 : index
    %get3A_1502 = tpu.vector_load %arg13[%get3A_1500, %get3A_1501] {strides = array<i32>} : memref<8x6400xf32, #tpu.memory_space<vmem>>, vector<16xf32>,
    %exp3A_1503 = math.exp %get3A_1502 : vector<16xf32>
    %add3A_1504 = arith.addf %add3A_1484, %exp3A_1503 : vector<16xf32>
    %get3A_1505 = arith.index_cast %sub3A_663 : i32 to index
    %get3A_1506 = arith.constant 1936 : index
    %get3A_1507 = tpu.vector_load %arg13[%get3A_1505, %get3A_1506] {strides = array<i32>} : memref<8x6400xf32, #tpu.memory_space<vmem>>, vector<16xf32>,
    %exp3A_1508 = math.exp %get3A_1507 : vector<16xf32>
    %add3A_1509 = arith.addf %add3A_1489, %exp3A_1508 : vector<16xf32>
    %get3A_1510 = arith.index_cast %sub3A_663 : i32 to index
    %get3A_1511 = arith.constant 1952 : index
    %get3A_1512 = tpu.vector_load %arg13[%get3A_1510, %get3A_1511] {strides = array<i32>} : memref<8x6400xf32, #tpu.memory_space<vmem>>, vector<16xf32>,
    %exp3A_1513 = math.exp %get3A_1512 : vector<16xf32>
    %add3A_1514 = arith.addf %add3A_1494, %exp3A_1513 : vector<16xf32>
    %get3A_1515 = arith.index_cast %sub3A_663 : i32 to index
    %get3A_1516 = arith.constant 1968 : index
    %get3A_1517 = tpu.vector_load %arg13[%get3A_1515, %get3A_1516] {strides = array<i32>} : memref<8x6400xf32, #tpu.memory_space<vmem>>, vector<16xf32>,
    %exp3A_1518 = math.exp %get3A_1517 : vector<16xf32>
    %add3A_1519 = arith.addf %add3A_1499, %exp3A_1518 : vector<16xf32>
    %get3A_1520 = arith.index_cast %sub3A_663 : i32 to index
    %get3A_1521 = arith.constant 1984 : index
    %get3A_1522 = tpu.vector_load %arg13[%get3A_1520, %get3A_1521] {strides = array<i32>} : memref<8x6400xf32, #tpu.memory_space<vmem>>, vector<16xf32>,
    %exp3A_1523 = math.exp %get3A_1522 : vector<16xf32>
    %add3A_1524 = arith.addf %add3A_1504, %exp3A_1523 : vector<16xf32>
    %get3A_1525 = arith.index_cast %sub3A_663 : i32 to index
    %get3A_1526 = arith.constant 2000 : index
    %get3A_1527 = tpu.vector_load %arg13[%get3A_1525, %get3A_1526] {strides = array<i32>} : memref<8x6400xf32, #tpu.memory_space<vmem>>, vector<16xf32>,
    %exp3A_1528 = math.exp %get3A_1527 : vector<16xf32>
    %add3A_1529 = arith.addf %add3A_1509, %exp3A_1528 : vector<16xf32>
    %get3A_1530 = arith.index_cast %sub3A_663 : i32 to index
    %get3A_1531 = arith.constant 2016 : index
    %get3A_1532 = tpu.vector_load %arg13[%get3A_1530, %get3A_1531] {strides = array<i32>} : memref<8x6400xf32, #tpu.memory_space<vmem>>, vector<16xf32>,
    %exp3A_1533 = math.exp %get3A_1532 : vector<16xf32>
    %add3A_1534 = arith.addf %add3A_1514, %exp3A_1533 : vector<16xf32>
    %get3A_1535 = arith.index_cast %sub3A_663 : i32 to index
    %get3A_1536 = arith.constant 2032 : index
    %get3A_1537 = tpu.vector_load %arg13[%get3A_1535, %get3A_1536] {strides = array<i32>} : memref<8x6400xf32, #tpu.memory_space<vmem>>, vector<16xf32>,
    %exp3A_1538 = math.exp %get3A_1537 : vector<16xf32>
    %add3A_1539 = arith.addf %add3A_1519, %exp3A_1538 : vector<16xf32>
    %add3A_1540 = arith.addf %add3A_1524, %add3A_1529 : vector<16xf32>
    %add3A_1541 = arith.addf %add3A_1534, %add3A_1539 : vector<16xf32>
    %add3A_1542 = arith.addf %add3A_1540, %add3A_1541 : vector<16xf32>
    %reduce_sum3A_1543 = arith.constant true
    %reduce_sum3A_1544 = vector.broadcast %reduce_sum3A_1543 : i1 to vector<16xi1>
    %reduce_sum3A_1545 = tpu.scan <sum>, %add3A_1542 masked %reduce_sum3A_1544 : vector<16xf32>, vector<16xi1> -> vector<16xf32>
    %reduce_sum3A_1546 = vector.extract %reduce_sum3A_1545[15] : f32 from vector<16xf32>
    %eq3A_1547 = arith.constant 7 : i32
    %eq3A_1548 = vector.broadcast %eq3A_1547 : i32 to vector<16xi32>
    %eq3A_1549 = arith.cmpi eq, %iota3A, %eq3A_1548 : vector<16xi32>
    %broadcast_in_dim3A_1550 = vector.broadcast %reduce_sum3A_1546 : f32 to vector<16xf32>
    %select_n3A_1551 = arith.select %eq3A_1549, %broadcast_in_dim3A_1550, %select_n3A_1438 : vector<16xi1>, vector<16xf32>
    %broadcast_in_dim3A_1552 = arith.constant 0.000000e+00 : f32
    %broadcast_in_dim3A_1553 = vector.broadcast %broadcast_in_dim3A_1552 : f32 to vector<16xf32>
    %broadcast_in_dim3A_1554 = arith.constant 0.000000e+00 : f32
    %broadcast_in_dim3A_1555 = vector.broadcast %broadcast_in_dim3A_1554 : f32 to vector<16xf32>
    %broadcast_in_dim3A_1556 = arith.constant 0.000000e+00 : f32
    %broadcast_in_dim3A_1557 = vector.broadcast %broadcast_in_dim3A_1556 : f32 to vector<16xf32>
    %broadcast_in_dim3A_1558 = arith.constant 0.000000e+00 : f32
    %broadcast_in_dim3A_1559 = vector.broadcast %broadcast_in_dim3A_1558 : f32 to vector<16xf32>
    %get3A_1560 = arith.index_cast %sub3A_663 : i32 to index
    %get3A_1561 = arith.constant 2048 : index
    %get3A_1562 = tpu.vector_load %arg13[%get3A_1560, %get3A_1561] {strides = array<i32>} : memref<8x6400xf32, #tpu.memory_space<vmem>>, vector<16xf32>,
    %exp3A_1563 = math.exp %get3A_1562 : vector<16xf32>
    %add3A_1564 = arith.addf %broadcast_in_dim3A_1553, %exp3A_1563 : vector<16xf32>
    %get3A_1565 = arith.index_cast %sub3A_663 : i32 to index
    %get3A_1566 = arith.constant 2064 : index
    %get3A_1567 = tpu.vector_load %arg13[%get3A_1565, %get3A_1566] {strides = array<i32>} : memref<8x6400xf32, #tpu.memory_space<vmem>>, vector<16xf32>,
    %exp3A_1568 = math.exp %get3A_1567 : vector<16xf32>
    %add3A_1569 = arith.addf %broadcast_in_dim3A_1555, %exp3A_1568 : vector<16xf32>
    %get3A_1570 = arith.index_cast %sub3A_663 : i32 to index
    %get3A_1571 = arith.constant 2080 : index
    %get3A_1572 = tpu.vector_load %arg13[%get3A_1570, %get3A_1571] {strides = array<i32>} : memref<8x6400xf32, #tpu.memory_space<vmem>>, vector<16xf32>,
    %exp3A_1573 = math.exp %get3A_1572 : vector<16xf32>
    %add3A_1574 = arith.addf %broadcast_in_dim3A_1557, %exp3A_1573 : vector<16xf32>
    %get3A_1575 = arith.index_cast %sub3A_663 : i32 to index
    %get3A_1576 = arith.constant 2096 : index
    %get3A_1577 = tpu.vector_load %arg13[%get3A_1575, %get3A_1576] {strides = array<i32>} : memref<8x6400xf32, #tpu.memory_space<vmem>>, vector<16xf32>,
    %exp3A_1578 = math.exp %get3A_1577 : vector<16xf32>
    %add3A_1579 = arith.addf %broadcast_in_dim3A_1559, %exp3A_1578 : vector<16xf32>
    %get3A_1580 = arith.index_cast %sub3A_663 : i32 to index
    %get3A_1581 = arith.constant 2112 : index
    %get3A_1582 = tpu.vector_load %arg13[%get3A_1580, %get3A_1581] {strides = array<i32>} : memref<8x6400xf32, #tpu.memory_space<vmem>>, vector<16xf32>,
    %exp3A_1583 = math.exp %get3A_1582 : vector<16xf32>
    %add3A_1584 = arith.addf %add3A_1564, %exp3A_1583 : vector<16xf32>
    %get3A_1585 = arith.index_cast %sub3A_663 : i32 to index
    %get3A_1586 = arith.constant 2128 : index
    %get3A_1587 = tpu.vector_load %arg13[%get3A_1585, %get3A_1586] {strides = array<i32>} : memref<8x6400xf32, #tpu.memory_space<vmem>>, vector<16xf32>,
    %exp3A_1588 = math.exp %get3A_1587 : vector<16xf32>
    %add3A_1589 = arith.addf %add3A_1569, %exp3A_1588 : vector<16xf32>
    %get3A_1590 = arith.index_cast %sub3A_663 : i32 to index
    %get3A_1591 = arith.constant 2144 : index
    %get3A_1592 = tpu.vector_load %arg13[%get3A_1590, %get3A_1591] {strides = array<i32>} : memref<8x6400xf32, #tpu.memory_space<vmem>>, vector<16xf32>,
    %exp3A_1593 = math.exp %get3A_1592 : vector<16xf32>
    %add3A_1594 = arith.addf %add3A_1574, %exp3A_1593 : vector<16xf32>
    %get3A_1595 = arith.index_cast %sub3A_663 : i32 to index
    %get3A_1596 = arith.constant 2160 : index
    %get3A_1597 = tpu.vector_load %arg13[%get3A_1595, %get3A_1596] {strides = array<i32>} : memref<8x6400xf32, #tpu.memory_space<vmem>>, vector<16xf32>,
    %exp3A_1598 = math.exp %get3A_1597 : vector<16xf32>
    %add3A_1599 = arith.addf %add3A_1579, %exp3A_1598 : vector<16xf32>
    %get3A_1600 = arith.index_cast %sub3A_663 : i32 to index
    %get3A_1601 = arith.constant 2176 : index
    %get3A_1602 = tpu.vector_load %arg13[%get3A_1600, %get3A_1601] {strides = array<i32>} : memref<8x6400xf32, #tpu.memory_space<vmem>>, vector<16xf32>,
    %exp3A_1603 = math.exp %get3A_1602 : vector<16xf32>
    %add3A_1604 = arith.addf %add3A_1584, %exp3A_1603 : vector<16xf32>
    %get3A_1605 = arith.index_cast %sub3A_663 : i32 to index
    %get3A_1606 = arith.constant 2192 : index
    %get3A_1607 = tpu.vector_load %arg13[%get3A_1605, %get3A_1606] {strides = array<i32>} : memref<8x6400xf32, #tpu.memory_space<vmem>>, vector<16xf32>,
    %exp3A_1608 = math.exp %get3A_1607 : vector<16xf32>
    %add3A_1609 = arith.addf %add3A_1589, %exp3A_1608 : vector<16xf32>
    %get3A_1610 = arith.index_cast %sub3A_663 : i32 to index
    %get3A_1611 = arith.constant 2208 : index
    %get3A_1612 = tpu.vector_load %arg13[%get3A_1610, %get3A_1611] {strides = array<i32>} : memref<8x6400xf32, #tpu.memory_space<vmem>>, vector<16xf32>,
    %exp3A_1613 = math.exp %get3A_1612 : vector<16xf32>
    %add3A_1614 = arith.addf %add3A_1594, %exp3A_1613 : vector<16xf32>
    %get3A_1615 = arith.index_cast %sub3A_663 : i32 to index
    %get3A_1616 = arith.constant 2224 : index
    %get3A_1617 = tpu.vector_load %arg13[%get3A_1615, %get3A_1616] {strides = array<i32>} : memref<8x6400xf32, #tpu.memory_space<vmem>>, vector<16xf32>,
    %exp3A_1618 = math.exp %get3A_1617 : vector<16xf32>
    %add3A_1619 = arith.addf %add3A_1599, %exp3A_1618 : vector<16xf32>
    %get3A_1620 = arith.index_cast %sub3A_663 : i32 to index
    %get3A_1621 = arith.constant 2240 : index
    %get3A_1622 = tpu.vector_load %arg13[%get3A_1620, %get3A_1621] {strides = array<i32>} : memref<8x6400xf32, #tpu.memory_space<vmem>>, vector<16xf32>,
    %exp3A_1623 = math.exp %get3A_1622 : vector<16xf32>
    %add3A_1624 = arith.addf %add3A_1604, %exp3A_1623 : vector<16xf32>
    %get3A_1625 = arith.index_cast %sub3A_663 : i32 to index
    %get3A_1626 = arith.constant 2256 : index
    %get3A_1627 = tpu.vector_load %arg13[%get3A_1625, %get3A_1626] {strides = array<i32>} : memref<8x6400xf32, #tpu.memory_space<vmem>>, vector<16xf32>,
    %exp3A_1628 = math.exp %get3A_1627 : vector<16xf32>
    %add3A_1629 = arith.addf %add3A_1609, %exp3A_1628 : vector<16xf32>
    %get3A_1630 = arith.index_cast %sub3A_663 : i32 to index
    %get3A_1631 = arith.constant 2272 : index
    %get3A_1632 = tpu.vector_load %arg13[%get3A_1630, %get3A_1631] {strides = array<i32>} : memref<8x6400xf32, #tpu.memory_space<vmem>>, vector<16xf32>,
    %exp3A_1633 = math.exp %get3A_1632 : vector<16xf32>
    %add3A_1634 = arith.addf %add3A_1614, %exp3A_1633 : vector<16xf32>
    %get3A_1635 = arith.index_cast %sub3A_663 : i32 to index
    %get3A_1636 = arith.constant 2288 : index
    %get3A_1637 = tpu.vector_load %arg13[%get3A_1635, %get3A_1636] {strides = array<i32>} : memref<8x6400xf32, #tpu.memory_space<vmem>>, vector<16xf32>,
    %exp3A_1638 = math.exp %get3A_1637 : vector<16xf32>
    %add3A_1639 = arith.addf %add3A_1619, %exp3A_1638 : vector<16xf32>
    %add3A_1640 = arith.addf %add3A_1624, %add3A_1629 : vector<16xf32>
    %add3A_1641 = arith.addf %add3A_1634, %add3A_1639 : vector<16xf32>
    %add3A_1642 = arith.addf %add3A_1640, %add3A_1641 : vector<16xf32>
    %reduce_sum3A_1643 = arith.constant true
    %reduce_sum3A_1644 = vector.broadcast %reduce_sum3A_1643 : i1 to vector<16xi1>
    %reduce_sum3A_1645 = tpu.scan <sum>, %add3A_1642 masked %reduce_sum3A_1644 : vector<16xf32>, vector<16xi1> -> vector<16xf32>
    %reduce_sum3A_1646 = vector.extract %reduce_sum3A_1645[15] : f32 from vector<16xf32>
    %eq3A_1647 = arith.constant 8 : i32
    %eq3A_1648 = vector.broadcast %eq3A_1647 : i32 to vector<16xi32>
    %eq3A_1649 = arith.cmpi eq, %iota3A, %eq3A_1648 : vector<16xi32>
    %broadcast_in_dim3A_1650 = vector.broadcast %reduce_sum3A_1646 : f32 to vector<16xf32>
    %select_n3A_1651 = arith.select %eq3A_1649, %broadcast_in_dim3A_1650, %select_n3A_1551 : vector<16xi1>, vector<16xf32>
    %broadcast_in_dim3A_1652 = arith.constant 0.000000e+00 : f32
    %broadcast_in_dim3A_1653 = vector.broadcast %broadcast_in_dim3A_1652 : f32 to vector<16xf32>
    %broadcast_in_dim3A_1654 = arith.constant 0.000000e+00 : f32
    %broadcast_in_dim3A_1655 = vector.broadcast %broadcast_in_dim3A_1654 : f32 to vector<16xf32>
    %broadcast_in_dim3A_1656 = arith.constant 0.000000e+00 : f32
    %broadcast_in_dim3A_1657 = vector.broadcast %broadcast_in_dim3A_1656 : f32 to vector<16xf32>
    %broadcast_in_dim3A_1658 = arith.constant 0.000000e+00 : f32
    %broadcast_in_dim3A_1659 = vector.broadcast %broadcast_in_dim3A_1658 : f32 to vector<16xf32>
    %get3A_1660 = arith.index_cast %sub3A_663 : i32 to index
    %get3A_1661 = arith.constant 2304 : index
    %get3A_1662 = tpu.vector_load %arg13[%get3A_1660, %get3A_1661] {strides = array<i32>} : memref<8x6400xf32, #tpu.memory_space<vmem>>, vector<16xf32>,
    %exp3A_1663 = math.exp %get3A_1662 : vector<16xf32>
    %add3A_1664 = arith.addf %broadcast_in_dim3A_1653, %exp3A_1663 : vector<16xf32>
    %get3A_1665 = arith.index_cast %sub3A_663 : i32 to index
    %get3A_1666 = arith.constant 2320 : index
    %get3A_1667 = tpu.vector_load %arg13[%get3A_1665, %get3A_1666] {strides = array<i32>} : memref<8x6400xf32, #tpu.memory_space<vmem>>, vector<16xf32>,
    %exp3A_1668 = math.exp %get3A_1667 : vector<16xf32>
    %add3A_1669 = arith.addf %broadcast_in_dim3A_1655, %exp3A_1668 : vector<16xf32>
    %get3A_1670 = arith.index_cast %sub3A_663 : i32 to index
    %get3A_1671 = arith.constant 2336 : index
    %get3A_1672 = tpu.vector_load %arg13[%get3A_1670, %get3A_1671] {strides = array<i32>} : memref<8x6400xf32, #tpu.memory_space<vmem>>, vector<16xf32>,
    %exp3A_1673 = math.exp %get3A_1672 : vector<16xf32>
    %add3A_1674 = arith.addf %broadcast_in_dim3A_1657, %exp3A_1673 : vector<16xf32>
    %get3A_1675 = arith.index_cast %sub3A_663 : i32 to index
    %get3A_1676 = arith.constant 2352 : index
    %get3A_1677 = tpu.vector_load %arg13[%get3A_1675, %get3A_1676] {strides = array<i32>} : memref<8x6400xf32, #tpu.memory_space<vmem>>, vector<16xf32>,
    %exp3A_1678 = math.exp %get3A_1677 : vector<16xf32>
    %add3A_1679 = arith.addf %broadcast_in_dim3A_1659, %exp3A_1678 : vector<16xf32>
    %get3A_1680 = arith.index_cast %sub3A_663 : i32 to index
    %get3A_1681 = arith.constant 2368 : index
    %get3A_1682 = tpu.vector_load %arg13[%get3A_1680, %get3A_1681] {strides = array<i32>} : memref<8x6400xf32, #tpu.memory_space<vmem>>, vector<16xf32>,
    %exp3A_1683 = math.exp %get3A_1682 : vector<16xf32>
    %add3A_1684 = arith.addf %add3A_1664, %exp3A_1683 : vector<16xf32>
    %get3A_1685 = arith.index_cast %sub3A_663 : i32 to index
    %get3A_1686 = arith.constant 2384 : index
    %get3A_1687 = tpu.vector_load %arg13[%get3A_1685, %get3A_1686] {strides = array<i32>} : memref<8x6400xf32, #tpu.memory_space<vmem>>, vector<16xf32>,
    %exp3A_1688 = math.exp %get3A_1687 : vector<16xf32>
    %add3A_1689 = arith.addf %add3A_1669, %exp3A_1688 : vector<16xf32>
    %get3A_1690 = arith.index_cast %sub3A_663 : i32 to index
    %get3A_1691 = arith.constant 2400 : index
    %get3A_1692 = tpu.vector_load %arg13[%get3A_1690, %get3A_1691] {strides = array<i32>} : memref<8x6400xf32, #tpu.memory_space<vmem>>, vector<16xf32>,
    %exp3A_1693 = math.exp %get3A_1692 : vector<16xf32>
    %add3A_1694 = arith.addf %add3A_1674, %exp3A_1693 : vector<16xf32>
    %get3A_1695 = arith.index_cast %sub3A_663 : i32 to index
    %get3A_1696 = arith.constant 2416 : index
    %get3A_1697 = tpu.vector_load %arg13[%get3A_1695, %get3A_1696] {strides = array<i32>} : memref<8x6400xf32, #tpu.memory_space<vmem>>, vector<16xf32>,
    %exp3A_1698 = math.exp %get3A_1697 : vector<16xf32>
    %add3A_1699 = arith.addf %add3A_1679, %exp3A_1698 : vector<16xf32>
    %get3A_1700 = arith.index_cast %sub3A_663 : i32 to index
    %get3A_1701 = arith.constant 2432 : index
    %get3A_1702 = tpu.vector_load %arg13[%get3A_1700, %get3A_1701] {strides = array<i32>} : memref<8x6400xf32, #tpu.memory_space<vmem>>, vector<16xf32>,
    %exp3A_1703 = math.exp %get3A_1702 : vector<16xf32>
    %add3A_1704 = arith.addf %add3A_1684, %exp3A_1703 : vector<16xf32>
    %get3A_1705 = arith.index_cast %sub3A_663 : i32 to index
    %get3A_1706 = arith.constant 2448 : index
    %get3A_1707 = tpu.vector_load %arg13[%get3A_1705, %get3A_1706] {strides = array<i32>} : memref<8x6400xf32, #tpu.memory_space<vmem>>, vector<16xf32>,
    %exp3A_1708 = math.exp %get3A_1707 : vector<16xf32>
    %add3A_1709 = arith.addf %add3A_1689, %exp3A_1708 : vector<16xf32>
    %get3A_1710 = arith.index_cast %sub3A_663 : i32 to index
    %get3A_1711 = arith.constant 2464 : index
    %get3A_1712 = tpu.vector_load %arg13[%get3A_1710, %get3A_1711] {strides = array<i32>} : memref<8x6400xf32, #tpu.memory_space<vmem>>, vector<16xf32>,
    %exp3A_1713 = math.exp %get3A_1712 : vector<16xf32>
    %add3A_1714 = arith.addf %add3A_1694, %exp3A_1713 : vector<16xf32>
    %get3A_1715 = arith.index_cast %sub3A_663 : i32 to index
    %get3A_1716 = arith.constant 2480 : index
    %get3A_1717 = tpu.vector_load %arg13[%get3A_1715, %get3A_1716] {strides = array<i32>} : memref<8x6400xf32, #tpu.memory_space<vmem>>, vector<16xf32>,
    %exp3A_1718 = math.exp %get3A_1717 : vector<16xf32>
    %add3A_1719 = arith.addf %add3A_1699, %exp3A_1718 : vector<16xf32>
    %get3A_1720 = arith.index_cast %sub3A_663 : i32 to index
    %get3A_1721 = arith.constant 2496 : index
    %get3A_1722 = tpu.vector_load %arg13[%get3A_1720, %get3A_1721] {strides = array<i32>} : memref<8x6400xf32, #tpu.memory_space<vmem>>, vector<16xf32>,
    %exp3A_1723 = math.exp %get3A_1722 : vector<16xf32>
    %add3A_1724 = arith.addf %add3A_1704, %exp3A_1723 : vector<16xf32>
    %get3A_1725 = arith.index_cast %sub3A_663 : i32 to index
    %get3A_1726 = arith.constant 2512 : index
    %get3A_1727 = tpu.vector_load %arg13[%get3A_1725, %get3A_1726] {strides = array<i32>} : memref<8x6400xf32, #tpu.memory_space<vmem>>, vector<16xf32>,
    %exp3A_1728 = math.exp %get3A_1727 : vector<16xf32>
    %add3A_1729 = arith.addf %add3A_1709, %exp3A_1728 : vector<16xf32>
    %get3A_1730 = arith.index_cast %sub3A_663 : i32 to index
    %get3A_1731 = arith.constant 2528 : index
    %get3A_1732 = tpu.vector_load %arg13[%get3A_1730, %get3A_1731] {strides = array<i32>} : memref<8x6400xf32, #tpu.memory_space<vmem>>, vector<16xf32>,
    %exp3A_1733 = math.exp %get3A_1732 : vector<16xf32>
    %add3A_1734 = arith.addf %add3A_1714, %exp3A_1733 : vector<16xf32>
    %get3A_1735 = arith.index_cast %sub3A_663 : i32 to index
    %get3A_1736 = arith.constant 2544 : index
    %get3A_1737 = tpu.vector_load %arg13[%get3A_1735, %get3A_1736] {strides = array<i32>} : memref<8x6400xf32, #tpu.memory_space<vmem>>, vector<16xf32>,
    %exp3A_1738 = math.exp %get3A_1737 : vector<16xf32>
    %add3A_1739 = arith.addf %add3A_1719, %exp3A_1738 : vector<16xf32>
    %add3A_1740 = arith.addf %add3A_1724, %add3A_1729 : vector<16xf32>
    %add3A_1741 = arith.addf %add3A_1734, %add3A_1739 : vector<16xf32>
    %add3A_1742 = arith.addf %add3A_1740, %add3A_1741 : vector<16xf32>
    %reduce_sum3A_1743 = arith.constant true
    %reduce_sum3A_1744 = vector.broadcast %reduce_sum3A_1743 : i1 to vector<16xi1>
    %reduce_sum3A_1745 = tpu.scan <sum>, %add3A_1742 masked %reduce_sum3A_1744 : vector<16xf32>, vector<16xi1> -> vector<16xf32>
    %reduce_sum3A_1746 = vector.extract %reduce_sum3A_1745[15] : f32 from vector<16xf32>
    %eq3A_1747 = arith.constant 9 : i32
    %eq3A_1748 = vector.broadcast %eq3A_1747 : i32 to vector<16xi32>
    %eq3A_1749 = arith.cmpi eq, %iota3A, %eq3A_1748 : vector<16xi32>
    %broadcast_in_dim3A_1750 = vector.broadcast %reduce_sum3A_1746 : f32 to vector<16xf32>
    %select_n3A_1751 = arith.select %eq3A_1749, %broadcast_in_dim3A_1750, %select_n3A_1651 : vector<16xi1>, vector<16xf32>
    %broadcast_in_dim3A_1752 = arith.constant 0.000000e+00 : f32
    %broadcast_in_dim3A_1753 = vector.broadcast %broadcast_in_dim3A_1752 : f32 to vector<16xf32>
    %broadcast_in_dim3A_1754 = arith.constant 0.000000e+00 : f32
    %broadcast_in_dim3A_1755 = vector.broadcast %broadcast_in_dim3A_1754 : f32 to vector<16xf32>
    %broadcast_in_dim3A_1756 = arith.constant 0.000000e+00 : f32
    %broadcast_in_dim3A_1757 = vector.broadcast %broadcast_in_dim3A_1756 : f32 to vector<16xf32>
    %broadcast_in_dim3A_1758 = arith.constant 0.000000e+00 : f32
    %broadcast_in_dim3A_1759 = vector.broadcast %broadcast_in_dim3A_1758 : f32 to vector<16xf32>
    %get3A_1760 = arith.index_cast %sub3A_663 : i32 to index
    %get3A_1761 = arith.constant 2560 : index
    %get3A_1762 = tpu.vector_load %arg13[%get3A_1760, %get3A_1761] {strides = array<i32>} : memref<8x6400xf32, #tpu.memory_space<vmem>>, vector<16xf32>,
    %exp3A_1763 = math.exp %get3A_1762 : vector<16xf32>
    %add3A_1764 = arith.addf %broadcast_in_dim3A_1753, %exp3A_1763 : vector<16xf32>
    %get3A_1765 = arith.index_cast %sub3A_663 : i32 to index
    %get3A_1766 = arith.constant 2576 : index
    %get3A_1767 = tpu.vector_load %arg13[%get3A_1765, %get3A_1766] {strides = array<i32>} : memref<8x6400xf32, #tpu.memory_space<vmem>>, vector<16xf32>,
    %exp3A_1768 = math.exp %get3A_1767 : vector<16xf32>
    %add3A_1769 = arith.addf %broadcast_in_dim3A_1755, %exp3A_1768 : vector<16xf32>
    %get3A_1770 = arith.index_cast %sub3A_663 : i32 to index
    %get3A_1771 = arith.constant 2592 : index
    %get3A_1772 = tpu.vector_load %arg13[%get3A_1770, %get3A_1771] {strides = array<i32>} : memref<8x6400xf32, #tpu.memory_space<vmem>>, vector<16xf32>,
    %exp3A_1773 = math.exp %get3A_1772 : vector<16xf32>
    %add3A_1774 = arith.addf %broadcast_in_dim3A_1757, %exp3A_1773 : vector<16xf32>
    %get3A_1775 = arith.index_cast %sub3A_663 : i32 to index
    %get3A_1776 = arith.constant 2608 : index
    %get3A_1777 = tpu.vector_load %arg13[%get3A_1775, %get3A_1776] {strides = array<i32>} : memref<8x6400xf32, #tpu.memory_space<vmem>>, vector<16xf32>,
    %exp3A_1778 = math.exp %get3A_1777 : vector<16xf32>
    %add3A_1779 = arith.addf %broadcast_in_dim3A_1759, %exp3A_1778 : vector<16xf32>
    %get3A_1780 = arith.index_cast %sub3A_663 : i32 to index
    %get3A_1781 = arith.constant 2624 : index
    %get3A_1782 = tpu.vector_load %arg13[%get3A_1780, %get3A_1781] {strides = array<i32>} : memref<8x6400xf32, #tpu.memory_space<vmem>>, vector<16xf32>,
    %exp3A_1783 = math.exp %get3A_1782 : vector<16xf32>
    %add3A_1784 = arith.addf %add3A_1764, %exp3A_1783 : vector<16xf32>
    %get3A_1785 = arith.index_cast %sub3A_663 : i32 to index
    %get3A_1786 = arith.constant 2640 : index
    %get3A_1787 = tpu.vector_load %arg13[%get3A_1785, %get3A_1786] {strides = array<i32>} : memref<8x6400xf32, #tpu.memory_space<vmem>>, vector<16xf32>,
    %exp3A_1788 = math.exp %get3A_1787 : vector<16xf32>
    %add3A_1789 = arith.addf %add3A_1769, %exp3A_1788 : vector<16xf32>
    %get3A_1790 = arith.index_cast %sub3A_663 : i32 to index
    %get3A_1791 = arith.constant 2656 : index
    %get3A_1792 = tpu.vector_load %arg13[%get3A_1790, %get3A_1791] {strides = array<i32>} : memref<8x6400xf32, #tpu.memory_space<vmem>>, vector<16xf32>,
    %exp3A_1793 = math.exp %get3A_1792 : vector<16xf32>
    %add3A_1794 = arith.addf %add3A_1774, %exp3A_1793 : vector<16xf32>
    %get3A_1795 = arith.index_cast %sub3A_663 : i32 to index
    %get3A_1796 = arith.constant 2672 : index
    %get3A_1797 = tpu.vector_load %arg13[%get3A_1795, %get3A_1796] {strides = array<i32>} : memref<8x6400xf32, #tpu.memory_space<vmem>>, vector<16xf32>,
    %exp3A_1798 = math.exp %get3A_1797 : vector<16xf32>
    %add3A_1799 = arith.addf %add3A_1779, %exp3A_1798 : vector<16xf32>
    %get3A_1800 = arith.index_cast %sub3A_663 : i32 to index
    %get3A_1801 = arith.constant 2688 : index
    %get3A_1802 = tpu.vector_load %arg13[%get3A_1800, %get3A_1801] {strides = array<i32>} : memref<8x6400xf32, #tpu.memory_space<vmem>>, vector<16xf32>,
    %exp3A_1803 = math.exp %get3A_1802 : vector<16xf32>
    %add3A_1804 = arith.addf %add3A_1784, %exp3A_1803 : vector<16xf32>
    %get3A_1805 = arith.index_cast %sub3A_663 : i32 to index
    %get3A_1806 = arith.constant 2704 : index
    %get3A_1807 = tpu.vector_load %arg13[%get3A_1805, %get3A_1806] {strides = array<i32>} : memref<8x6400xf32, #tpu.memory_space<vmem>>, vector<16xf32>,
    %exp3A_1808 = math.exp %get3A_1807 : vector<16xf32>
    %add3A_1809 = arith.addf %add3A_1789, %exp3A_1808 : vector<16xf32>
    %get3A_1810 = arith.index_cast %sub3A_663 : i32 to index
    %get3A_1811 = arith.constant 2720 : index
    %get3A_1812 = tpu.vector_load %arg13[%get3A_1810, %get3A_1811] {strides = array<i32>} : memref<8x6400xf32, #tpu.memory_space<vmem>>, vector<16xf32>,
    %exp3A_1813 = math.exp %get3A_1812 : vector<16xf32>
    %add3A_1814 = arith.addf %add3A_1794, %exp3A_1813 : vector<16xf32>
    %get3A_1815 = arith.index_cast %sub3A_663 : i32 to index
    %get3A_1816 = arith.constant 2736 : index
    %get3A_1817 = tpu.vector_load %arg13[%get3A_1815, %get3A_1816] {strides = array<i32>} : memref<8x6400xf32, #tpu.memory_space<vmem>>, vector<16xf32>,
    %exp3A_1818 = math.exp %get3A_1817 : vector<16xf32>
    %add3A_1819 = arith.addf %add3A_1799, %exp3A_1818 : vector<16xf32>
    %get3A_1820 = arith.index_cast %sub3A_663 : i32 to index
    %get3A_1821 = arith.constant 2752 : index
    %get3A_1822 = tpu.vector_load %arg13[%get3A_1820, %get3A_1821] {strides = array<i32>} : memref<8x6400xf32, #tpu.memory_space<vmem>>, vector<16xf32>,
    %exp3A_1823 = math.exp %get3A_1822 : vector<16xf32>
    %add3A_1824 = arith.addf %add3A_1804, %exp3A_1823 : vector<16xf32>
    %get3A_1825 = arith.index_cast %sub3A_663 : i32 to index
    %get3A_1826 = arith.constant 2768 : index
    %get3A_1827 = tpu.vector_load %arg13[%get3A_1825, %get3A_1826] {strides = array<i32>} : memref<8x6400xf32, #tpu.memory_space<vmem>>, vector<16xf32>,
    %exp3A_1828 = math.exp %get3A_1827 : vector<16xf32>
    %add3A_1829 = arith.addf %add3A_1809, %exp3A_1828 : vector<16xf32>
    %get3A_1830 = arith.index_cast %sub3A_663 : i32 to index
    %get3A_1831 = arith.constant 2784 : index
    %get3A_1832 = tpu.vector_load %arg13[%get3A_1830, %get3A_1831] {strides = array<i32>} : memref<8x6400xf32, #tpu.memory_space<vmem>>, vector<16xf32>,
    %exp3A_1833 = math.exp %get3A_1832 : vector<16xf32>
    %add3A_1834 = arith.addf %add3A_1814, %exp3A_1833 : vector<16xf32>
    %get3A_1835 = arith.index_cast %sub3A_663 : i32 to index
    %get3A_1836 = arith.constant 2800 : index
    %get3A_1837 = tpu.vector_load %arg13[%get3A_1835, %get3A_1836] {strides = array<i32>} : memref<8x6400xf32, #tpu.memory_space<vmem>>, vector<16xf32>,
    %exp3A_1838 = math.exp %get3A_1837 : vector<16xf32>
    %add3A_1839 = arith.addf %add3A_1819, %exp3A_1838 : vector<16xf32>
    %add3A_1840 = arith.addf %add3A_1824, %add3A_1829 : vector<16xf32>
    %add3A_1841 = arith.addf %add3A_1834, %add3A_1839 : vector<16xf32>
    %add3A_1842 = arith.addf %add3A_1840, %add3A_1841 : vector<16xf32>
    %reduce_sum3A_1843 = arith.constant true
    %reduce_sum3A_1844 = vector.broadcast %reduce_sum3A_1843 : i1 to vector<16xi1>
    %reduce_sum3A_1845 = tpu.scan <sum>, %add3A_1842 masked %reduce_sum3A_1844 : vector<16xf32>, vector<16xi1> -> vector<16xf32>
    %reduce_sum3A_1846 = vector.extract %reduce_sum3A_1845[15] : f32 from vector<16xf32>
    %eq3A_1847 = arith.constant 10 : i32
    %eq3A_1848 = vector.broadcast %eq3A_1847 : i32 to vector<16xi32>
    %eq3A_1849 = arith.cmpi eq, %iota3A, %eq3A_1848 : vector<16xi32>
    %broadcast_in_dim3A_1850 = vector.broadcast %reduce_sum3A_1846 : f32 to vector<16xf32>
    %select_n3A_1851 = arith.select %eq3A_1849, %broadcast_in_dim3A_1850, %select_n3A_1751 : vector<16xi1>, vector<16xf32>
    %broadcast_in_dim3A_1852 = arith.constant 0.000000e+00 : f32
    %broadcast_in_dim3A_1853 = vector.broadcast %broadcast_in_dim3A_1852 : f32 to vector<16xf32>
    %broadcast_in_dim3A_1854 = arith.constant 0.000000e+00 : f32
    %broadcast_in_dim3A_1855 = vector.broadcast %broadcast_in_dim3A_1854 : f32 to vector<16xf32>
    %broadcast_in_dim3A_1856 = arith.constant 0.000000e+00 : f32
    %broadcast_in_dim3A_1857 = vector.broadcast %broadcast_in_dim3A_1856 : f32 to vector<16xf32>
    %broadcast_in_dim3A_1858 = arith.constant 0.000000e+00 : f32
    %broadcast_in_dim3A_1859 = vector.broadcast %broadcast_in_dim3A_1858 : f32 to vector<16xf32>
    %get3A_1860 = arith.index_cast %sub3A_663 : i32 to index
    %get3A_1861 = arith.constant 2816 : index
    %get3A_1862 = tpu.vector_load %arg13[%get3A_1860, %get3A_1861] {strides = array<i32>} : memref<8x6400xf32, #tpu.memory_space<vmem>>, vector<16xf32>,
    %exp3A_1863 = math.exp %get3A_1862 : vector<16xf32>
    %add3A_1864 = arith.addf %broadcast_in_dim3A_1853, %exp3A_1863 : vector<16xf32>
    %get3A_1865 = arith.index_cast %sub3A_663 : i32 to index
    %get3A_1866 = arith.constant 2832 : index
    %get3A_1867 = tpu.vector_load %arg13[%get3A_1865, %get3A_1866] {strides = array<i32>} : memref<8x6400xf32, #tpu.memory_space<vmem>>, vector<16xf32>,
    %exp3A_1868 = math.exp %get3A_1867 : vector<16xf32>
    %add3A_1869 = arith.addf %broadcast_in_dim3A_1855, %exp3A_1868 : vector<16xf32>
    %get3A_1870 = arith.index_cast %sub3A_663 : i32 to index
    %get3A_1871 = arith.constant 2848 : index
    %get3A_1872 = tpu.vector_load %arg13[%get3A_1870, %get3A_1871] {strides = array<i32>} : memref<8x6400xf32, #tpu.memory_space<vmem>>, vector<16xf32>,
    %exp3A_1873 = math.exp %get3A_1872 : vector<16xf32>
    %add3A_1874 = arith.addf %broadcast_in_dim3A_1857, %exp3A_1873 : vector<16xf32>
    %get3A_1875 = arith.index_cast %sub3A_663 : i32 to index
    %get3A_1876 = arith.constant 2864 : index
    %get3A_1877 = tpu.vector_load %arg13[%get3A_1875, %get3A_1876] {strides = array<i32>} : memref<8x6400xf32, #tpu.memory_space<vmem>>, vector<16xf32>,
    %exp3A_1878 = math.exp %get3A_1877 : vector<16xf32>
    %add3A_1879 = arith.addf %broadcast_in_dim3A_1859, %exp3A_1878 : vector<16xf32>
    %get3A_1880 = arith.index_cast %sub3A_663 : i32 to index
    %get3A_1881 = arith.constant 2880 : index
    %get3A_1882 = tpu.vector_load %arg13[%get3A_1880, %get3A_1881] {strides = array<i32>} : memref<8x6400xf32, #tpu.memory_space<vmem>>, vector<16xf32>,
    %exp3A_1883 = math.exp %get3A_1882 : vector<16xf32>
    %add3A_1884 = arith.addf %add3A_1864, %exp3A_1883 : vector<16xf32>
    %get3A_1885 = arith.index_cast %sub3A_663 : i32 to index
    %get3A_1886 = arith.constant 2896 : index
    %get3A_1887 = tpu.vector_load %arg13[%get3A_1885, %get3A_1886] {strides = array<i32>} : memref<8x6400xf32, #tpu.memory_space<vmem>>, vector<16xf32>,
    %exp3A_1888 = math.exp %get3A_1887 : vector<16xf32>
    %add3A_1889 = arith.addf %add3A_1869, %exp3A_1888 : vector<16xf32>
    %get3A_1890 = arith.index_cast %sub3A_663 : i32 to index
    %get3A_1891 = arith.constant 2912 : index
    %get3A_1892 = tpu.vector_load %arg13[%get3A_1890, %get3A_1891] {strides = array<i32>} : memref<8x6400xf32, #tpu.memory_space<vmem>>, vector<16xf32>,
    %exp3A_1893 = math.exp %get3A_1892 : vector<16xf32>
    %add3A_1894 = arith.addf %add3A_1874, %exp3A_1893 : vector<16xf32>
    %get3A_1895 = arith.index_cast %sub3A_663 : i32 to index
    %get3A_1896 = arith.constant 2928 : index
    %get3A_1897 = tpu.vector_load %arg13[%get3A_1895, %get3A_1896] {strides = array<i32>} : memref<8x6400xf32, #tpu.memory_space<vmem>>, vector<16xf32>,
    %exp3A_1898 = math.exp %get3A_1897 : vector<16xf32>
    %add3A_1899 = arith.addf %add3A_1879, %exp3A_1898 : vector<16xf32>
    %get3A_1900 = arith.index_cast %sub3A_663 : i32 to index
    %get3A_1901 = arith.constant 2944 : index
    %get3A_1902 = tpu.vector_load %arg13[%get3A_1900, %get3A_1901] {strides = array<i32>} : memref<8x6400xf32, #tpu.memory_space<vmem>>, vector<16xf32>,
    %exp3A_1903 = math.exp %get3A_1902 : vector<16xf32>
    %add3A_1904 = arith.addf %add3A_1884, %exp3A_1903 : vector<16xf32>
    %get3A_1905 = arith.index_cast %sub3A_663 : i32 to index
    %get3A_1906 = arith.constant 2960 : index
    %get3A_1907 = tpu.vector_load %arg13[%get3A_1905, %get3A_1906] {strides = array<i32>} : memref<8x6400xf32, #tpu.memory_space<vmem>>, vector<16xf32>,
    %exp3A_1908 = math.exp %get3A_1907 : vector<16xf32>
    %add3A_1909 = arith.addf %add3A_1889, %exp3A_1908 : vector<16xf32>
    %get3A_1910 = arith.index_cast %sub3A_663 : i32 to index
    %get3A_1911 = arith.constant 2976 : index
    %get3A_1912 = tpu.vector_load %arg13[%get3A_1910, %get3A_1911] {strides = array<i32>} : memref<8x6400xf32, #tpu.memory_space<vmem>>, vector<16xf32>,
    %exp3A_1913 = math.exp %get3A_1912 : vector<16xf32>
    %add3A_1914 = arith.addf %add3A_1894, %exp3A_1913 : vector<16xf32>
    %get3A_1915 = arith.index_cast %sub3A_663 : i32 to index
    %get3A_1916 = arith.constant 2992 : index
    %get3A_1917 = tpu.vector_load %arg13[%get3A_1915, %get3A_1916] {strides = array<i32>} : memref<8x6400xf32, #tpu.memory_space<vmem>>, vector<16xf32>,
    %exp3A_1918 = math.exp %get3A_1917 : vector<16xf32>
    %add3A_1919 = arith.addf %add3A_1899, %exp3A_1918 : vector<16xf32>
    %get3A_1920 = arith.index_cast %sub3A_663 : i32 to index
    %get3A_1921 = arith.constant 3008 : index
    %get3A_1922 = tpu.vector_load %arg13[%get3A_1920, %get3A_1921] {strides = array<i32>} : memref<8x6400xf32, #tpu.memory_space<vmem>>, vector<16xf32>,
    %exp3A_1923 = math.exp %get3A_1922 : vector<16xf32>
    %add3A_1924 = arith.addf %add3A_1904, %exp3A_1923 : vector<16xf32>
    %get3A_1925 = arith.index_cast %sub3A_663 : i32 to index
    %get3A_1926 = arith.constant 3024 : index
    %get3A_1927 = tpu.vector_load %arg13[%get3A_1925, %get3A_1926] {strides = array<i32>} : memref<8x6400xf32, #tpu.memory_space<vmem>>, vector<16xf32>,
    %exp3A_1928 = math.exp %get3A_1927 : vector<16xf32>
    %add3A_1929 = arith.addf %add3A_1909, %exp3A_1928 : vector<16xf32>
    %get3A_1930 = arith.index_cast %sub3A_663 : i32 to index
    %get3A_1931 = arith.constant 3040 : index
    %get3A_1932 = tpu.vector_load %arg13[%get3A_1930, %get3A_1931] {strides = array<i32>} : memref<8x6400xf32, #tpu.memory_space<vmem>>, vector<16xf32>,
    %exp3A_1933 = math.exp %get3A_1932 : vector<16xf32>
    %add3A_1934 = arith.addf %add3A_1914, %exp3A_1933 : vector<16xf32>
    %get3A_1935 = arith.index_cast %sub3A_663 : i32 to index
    %get3A_1936 = arith.constant 3056 : index
    %get3A_1937 = tpu.vector_load %arg13[%get3A_1935, %get3A_1936] {strides = array<i32>} : memref<8x6400xf32, #tpu.memory_space<vmem>>, vector<16xf32>,
    %exp3A_1938 = math.exp %get3A_1937 : vector<16xf32>
    %add3A_1939 = arith.addf %add3A_1919, %exp3A_1938 : vector<16xf32>
    %add3A_1940 = arith.addf %add3A_1924, %add3A_1929 : vector<16xf32>
    %add3A_1941 = arith.addf %add3A_1934, %add3A_1939 : vector<16xf32>
    %add3A_1942 = arith.addf %add3A_1940, %add3A_1941 : vector<16xf32>
    %reduce_sum3A_1943 = arith.constant true
    %reduce_sum3A_1944 = vector.broadcast %reduce_sum3A_1943 : i1 to vector<16xi1>
    %reduce_sum3A_1945 = tpu.scan <sum>, %add3A_1942 masked %reduce_sum3A_1944 : vector<16xf32>, vector<16xi1> -> vector<16xf32>
    %reduce_sum3A_1946 = vector.extract %reduce_sum3A_1945[15] : f32 from vector<16xf32>
    %eq3A_1947 = arith.constant 11 : i32
    %eq3A_1948 = vector.broadcast %eq3A_1947 : i32 to vector<16xi32>
    %eq3A_1949 = arith.cmpi eq, %iota3A, %eq3A_1948 : vector<16xi32>
    %broadcast_in_dim3A_1950 = vector.broadcast %reduce_sum3A_1946 : f32 to vector<16xf32>
    %select_n3A_1951 = arith.select %eq3A_1949, %broadcast_in_dim3A_1950, %select_n3A_1851 : vector<16xi1>, vector<16xf32>
    %broadcast_in_dim3A_1952 = arith.constant 0.000000e+00 : f32
    %broadcast_in_dim3A_1953 = vector.broadcast %broadcast_in_dim3A_1952 : f32 to vector<16xf32>
    %broadcast_in_dim3A_1954 = arith.constant 0.000000e+00 : f32
    %broadcast_in_dim3A_1955 = vector.broadcast %broadcast_in_dim3A_1954 : f32 to vector<16xf32>
    %broadcast_in_dim3A_1956 = arith.constant 0.000000e+00 : f32
    %broadcast_in_dim3A_1957 = vector.broadcast %broadcast_in_dim3A_1956 : f32 to vector<16xf32>
    %broadcast_in_dim3A_1958 = arith.constant 0.000000e+00 : f32
    %broadcast_in_dim3A_1959 = vector.broadcast %broadcast_in_dim3A_1958 : f32 to vector<16xf32>
    %get3A_1960 = arith.index_cast %sub3A_663 : i32 to index
    %get3A_1961 = arith.constant 3072 : index
    %get3A_1962 = tpu.vector_load %arg13[%get3A_1960, %get3A_1961] {strides = array<i32>} : memref<8x6400xf32, #tpu.memory_space<vmem>>, vector<16xf32>,
    %exp3A_1963 = math.exp %get3A_1962 : vector<16xf32>
    %add3A_1964 = arith.addf %broadcast_in_dim3A_1953, %exp3A_1963 : vector<16xf32>
    %get3A_1965 = arith.index_cast %sub3A_663 : i32 to index
    %get3A_1966 = arith.constant 3088 : index
    %get3A_1967 = tpu.vector_load %arg13[%get3A_1965, %get3A_1966] {strides = array<i32>} : memref<8x6400xf32, #tpu.memory_space<vmem>>, vector<16xf32>,
    %exp3A_1968 = math.exp %get3A_1967 : vector<16xf32>
    %add3A_1969 = arith.addf %broadcast_in_dim3A_1955, %exp3A_1968 : vector<16xf32>
    %get3A_1970 = arith.index_cast %sub3A_663 : i32 to index
    %get3A_1971 = arith.constant 3104 : index
    %get3A_1972 = tpu.vector_load %arg13[%get3A_1970, %get3A_1971] {strides = array<i32>} : memref<8x6400xf32, #tpu.memory_space<vmem>>, vector<16xf32>,
    %exp3A_1973 = math.exp %get3A_1972 : vector<16xf32>
    %add3A_1974 = arith.addf %broadcast_in_dim3A_1957, %exp3A_1973 : vector<16xf32>
    %get3A_1975 = arith.index_cast %sub3A_663 : i32 to index
    %get3A_1976 = arith.constant 3120 : index
    %get3A_1977 = tpu.vector_load %arg13[%get3A_1975, %get3A_1976] {strides = array<i32>} : memref<8x6400xf32, #tpu.memory_space<vmem>>, vector<16xf32>,
    %exp3A_1978 = math.exp %get3A_1977 : vector<16xf32>
    %add3A_1979 = arith.addf %broadcast_in_dim3A_1959, %exp3A_1978 : vector<16xf32>
    %get3A_1980 = arith.index_cast %sub3A_663 : i32 to index
    %get3A_1981 = arith.constant 3136 : index
    %get3A_1982 = tpu.vector_load %arg13[%get3A_1980, %get3A_1981] {strides = array<i32>} : memref<8x6400xf32, #tpu.memory_space<vmem>>, vector<16xf32>,
    %exp3A_1983 = math.exp %get3A_1982 : vector<16xf32>
    %add3A_1984 = arith.addf %add3A_1964, %exp3A_1983 : vector<16xf32>
    %get3A_1985 = arith.index_cast %sub3A_663 : i32 to index
    %get3A_1986 = arith.constant 3152 : index
    %get3A_1987 = tpu.vector_load %arg13[%get3A_1985, %get3A_1986] {strides = array<i32>} : memref<8x6400xf32, #tpu.memory_space<vmem>>, vector<16xf32>,
    %exp3A_1988 = math.exp %get3A_1987 : vector<16xf32>
    %add3A_1989 = arith.addf %add3A_1969, %exp3A_1988 : vector<16xf32>
    %get3A_1990 = arith.index_cast %sub3A_663 : i32 to index
    %get3A_1991 = arith.constant 3168 : index
    %get3A_1992 = tpu.vector_load %arg13[%get3A_1990, %get3A_1991] {strides = array<i32>} : memref<8x6400xf32, #tpu.memory_space<vmem>>, vector<16xf32>,
    %exp3A_1993 = math.exp %get3A_1992 : vector<16xf32>
    %add3A_1994 = arith.addf %add3A_1974, %exp3A_1993 : vector<16xf32>
    %get3A_1995 = arith.index_cast %sub3A_663 : i32 to index
    %get3A_1996 = arith.constant 3184 : index
    %get3A_1997 = tpu.vector_load %arg13[%get3A_1995, %get3A_1996] {strides = array<i32>} : memref<8x6400xf32, #tpu.memory_space<vmem>>, vector<16xf32>,
    %exp3A_1998 = math.exp %get3A_1997 : vector<16xf32>
    %add3A_1999 = arith.addf %add3A_1979, %exp3A_1998 : vector<16xf32>
    %get3A_2000 = arith.index_cast %sub3A_663 : i32 to index
    %get3A_2001 = arith.constant 3200 : index
    %get3A_2002 = tpu.vector_load %arg13[%get3A_2000, %get3A_2001] {strides = array<i32>} : memref<8x6400xf32, #tpu.memory_space<vmem>>, vector<16xf32>,
    %exp3A_2003 = math.exp %get3A_2002 : vector<16xf32>
    %add3A_2004 = arith.addf %add3A_1984, %exp3A_2003 : vector<16xf32>
    %get3A_2005 = arith.index_cast %sub3A_663 : i32 to index
    %get3A_2006 = arith.constant 3216 : index
    %get3A_2007 = tpu.vector_load %arg13[%get3A_2005, %get3A_2006] {strides = array<i32>} : memref<8x6400xf32, #tpu.memory_space<vmem>>, vector<16xf32>,
    %exp3A_2008 = math.exp %get3A_2007 : vector<16xf32>
    %add3A_2009 = arith.addf %add3A_1989, %exp3A_2008 : vector<16xf32>
    %get3A_2010 = arith.index_cast %sub3A_663 : i32 to index
    %get3A_2011 = arith.constant 3232 : index
    %get3A_2012 = tpu.vector_load %arg13[%get3A_2010, %get3A_2011] {strides = array<i32>} : memref<8x6400xf32, #tpu.memory_space<vmem>>, vector<16xf32>,
    %exp3A_2013 = math.exp %get3A_2012 : vector<16xf32>
    %add3A_2014 = arith.addf %add3A_1994, %exp3A_2013 : vector<16xf32>
    %get3A_2015 = arith.index_cast %sub3A_663 : i32 to index
    %get3A_2016 = arith.constant 3248 : index
    %get3A_2017 = tpu.vector_load %arg13[%get3A_2015, %get3A_2016] {strides = array<i32>} : memref<8x6400xf32, #tpu.memory_space<vmem>>, vector<16xf32>,
    %exp3A_2018 = math.exp %get3A_2017 : vector<16xf32>
    %add3A_2019 = arith.addf %add3A_1999, %exp3A_2018 : vector<16xf32>
    %get3A_2020 = arith.index_cast %sub3A_663 : i32 to index
    %get3A_2021 = arith.constant 3264 : index
    %get3A_2022 = tpu.vector_load %arg13[%get3A_2020, %get3A_2021] {strides = array<i32>} : memref<8x6400xf32, #tpu.memory_space<vmem>>, vector<16xf32>,
    %exp3A_2023 = math.exp %get3A_2022 : vector<16xf32>
    %add3A_2024 = arith.addf %add3A_2004, %exp3A_2023 : vector<16xf32>
    %get3A_2025 = arith.index_cast %sub3A_663 : i32 to index
    %get3A_2026 = arith.constant 3280 : index
    %get3A_2027 = tpu.vector_load %arg13[%get3A_2025, %get3A_2026] {strides = array<i32>} : memref<8x6400xf32, #tpu.memory_space<vmem>>, vector<16xf32>,
    %exp3A_2028 = math.exp %get3A_2027 : vector<16xf32>
    %add3A_2029 = arith.addf %add3A_2009, %exp3A_2028 : vector<16xf32>
    %get3A_2030 = arith.index_cast %sub3A_663 : i32 to index
    %get3A_2031 = arith.constant 3296 : index
    %get3A_2032 = tpu.vector_load %arg13[%get3A_2030, %get3A_2031] {strides = array<i32>} : memref<8x6400xf32, #tpu.memory_space<vmem>>, vector<16xf32>,
    %exp3A_2033 = math.exp %get3A_2032 : vector<16xf32>
    %add3A_2034 = arith.addf %add3A_2014, %exp3A_2033 : vector<16xf32>
    %get3A_2035 = arith.index_cast %sub3A_663 : i32 to index
    %get3A_2036 = arith.constant 3312 : index
    %get3A_2037 = tpu.vector_load %arg13[%get3A_2035, %get3A_2036] {strides = array<i32>} : memref<8x6400xf32, #tpu.memory_space<vmem>>, vector<16xf32>,
    %exp3A_2038 = math.exp %get3A_2037 : vector<16xf32>
    %add3A_2039 = arith.addf %add3A_2019, %exp3A_2038 : vector<16xf32>
    %add3A_2040 = arith.addf %add3A_2024, %add3A_2029 : vector<16xf32>
    %add3A_2041 = arith.addf %add3A_2034, %add3A_2039 : vector<16xf32>
    %add3A_2042 = arith.addf %add3A_2040, %add3A_2041 : vector<16xf32>
    %reduce_sum3A_2043 = arith.constant true
    %reduce_sum3A_2044 = vector.broadcast %reduce_sum3A_2043 : i1 to vector<16xi1>
    %reduce_sum3A_2045 = tpu.scan <sum>, %add3A_2042 masked %reduce_sum3A_2044 : vector<16xf32>, vector<16xi1> -> vector<16xf32>
    %reduce_sum3A_2046 = vector.extract %reduce_sum3A_2045[15] : f32 from vector<16xf32>
    %eq3A_2047 = arith.constant 12 : i32
    %eq3A_2048 = vector.broadcast %eq3A_2047 : i32 to vector<16xi32>
    %eq3A_2049 = arith.cmpi eq, %iota3A, %eq3A_2048 : vector<16xi32>
    %broadcast_in_dim3A_2050 = vector.broadcast %reduce_sum3A_2046 : f32 to vector<16xf32>
    %select_n3A_2051 = arith.select %eq3A_2049, %broadcast_in_dim3A_2050, %select_n3A_1951 : vector<16xi1>, vector<16xf32>
    %dma_wait3A_2052 = arith.constant 2 : i32
    %dma_wait3A_2053 = arith.constant 0 : i32
    %dma_wait3A_2054 = arith.constant 3328 : i32
    %dma_wait3A_2055 = tpu.memref_slice %arg13[%dma_wait3A_2053, %dma_wait3A_2054] : memref<8x6400xf32, #tpu.memory_space<vmem>> -> memref<8x1536xf32, #tpu.memory_space<vmem>>
    %dma_wait3A_2056 = tpu.memref_slice %arg2[%reduce_max3A_504, %mul3A_662, %add3A_694] : memref<8x64x100000xf32, #tpu.memory_space<hbm>> -> memref<1x8x1536xf32, #tpu.memory_space<hbm>>
    %dma_wait3A_2057 = tpu.memref_squeeze %dma_wait3A_2056 : memref<1x8x1536xf32, #tpu.memory_space<hbm>> -> memref<8x1536xf32, #tpu.memory_space<hbm>>
    %dma_wait3A_2058 = tpu.memref_slice %arg22[%dma_wait3A_2052] : memref<4x!tpu.dma_semaphore, #tpu.memory_space<semaphore_mem>> -> memref<1x!tpu.dma_semaphore, #tpu.memory_space<semaphore_mem>>
    %dma_wait3A_2059 = tpu.memref_squeeze %dma_wait3A_2058 : memref<1x!tpu.dma_semaphore, #tpu.memory_space<semaphore_mem>> -> memref<!tpu.dma_semaphore, #tpu.memory_space<semaphore_mem>>
    %dma_wait3A_2060 = arith.constant 0 : i32
    %dma_wait3A_2061 = arith.constant 3328 : i32
    %dma_wait3A_2062 = tpu.memref_slice %arg13[%dma_wait3A_2060, %dma_wait3A_2061] : memref<8x6400xf32, #tpu.memory_space<vmem>> -> memref<8x1536xf32, #tpu.memory_space<vmem>>
    %dma_wait3A_2063 = tpu.memref_slice %arg2[%reduce_max3A_504, %mul3A_662, %add3A_694] : memref<8x64x100000xf32, #tpu.memory_space<hbm>> -> memref<1x8x1536xf32, #tpu.memory_space<hbm>>
    %dma_wait3A_2064 = tpu.memref_squeeze %dma_wait3A_2063 : memref<1x8x1536xf32, #tpu.memory_space<hbm>> -> memref<8x1536xf32, #tpu.memory_space<hbm>>
    tpu.wait_dma2 semaphore(%dma_wait3A_2059 : memref<!tpu.dma_semaphore, #tpu.memory_space<semaphore_mem>>) src(%dma_wait3A_2064 : memref<8x1536xf32, #tpu.memory_space<hbm>>) dst(%dma_wait3A_2062 : memref<8x1536xf32, #tpu.memory_space<vmem>>)
    %broadcast_in_dim3A_2065 = arith.constant 0.000000e+00 : f32
    %broadcast_in_dim3A_2066 = vector.broadcast %broadcast_in_dim3A_2065 : f32 to vector<16xf32>
    %broadcast_in_dim3A_2067 = arith.constant 0.000000e+00 : f32
    %broadcast_in_dim3A_2068 = vector.broadcast %broadcast_in_dim3A_2067 : f32 to vector<16xf32>
    %broadcast_in_dim3A_2069 = arith.constant 0.000000e+00 : f32
    %broadcast_in_dim3A_2070 = vector.broadcast %broadcast_in_dim3A_2069 : f32 to vector<16xf32>
    %broadcast_in_dim3A_2071 = arith.constant 0.000000e+00 : f32
    %broadcast_in_dim3A_2072 = vector.broadcast %broadcast_in_dim3A_2071 : f32 to vector<16xf32>
    %get3A_2073 = arith.index_cast %sub3A_663 : i32 to index
    %get3A_2074 = arith.constant 3328 : index
    %get3A_2075 = tpu.vector_load %arg13[%get3A_2073, %get3A_2074] {strides = array<i32>} : memref<8x6400xf32, #tpu.memory_space<vmem>>, vector<16xf32>,
    %exp3A_2076 = math.exp %get3A_2075 : vector<16xf32>
    %add3A_2077 = arith.addf %broadcast_in_dim3A_2066, %exp3A_2076 : vector<16xf32>
    %get3A_2078 = arith.index_cast %sub3A_663 : i32 to index
    %get3A_2079 = arith.constant 3344 : index
    %get3A_2080 = tpu.vector_load %arg13[%get3A_2078, %get3A_2079] {strides = array<i32>} : memref<8x6400xf32, #tpu.memory_space<vmem>>, vector<16xf32>,
    %exp3A_2081 = math.exp %get3A_2080 : vector<16xf32>
    %add3A_2082 = arith.addf %broadcast_in_dim3A_2068, %exp3A_2081 : vector<16xf32>
    %get3A_2083 = arith.index_cast %sub3A_663 : i32 to index
    %get3A_2084 = arith.constant 3360 : index
    %get3A_2085 = tpu.vector_load %arg13[%get3A_2083, %get3A_2084] {strides = array<i32>} : memref<8x6400xf32, #tpu.memory_space<vmem>>, vector<16xf32>,
    %exp3A_2086 = math.exp %get3A_2085 : vector<16xf32>
    %add3A_2087 = arith.addf %broadcast_in_dim3A_2070, %exp3A_2086 : vector<16xf32>
    %get3A_2088 = arith.index_cast %sub3A_663 : i32 to index
    %get3A_2089 = arith.constant 3376 : index
    %get3A_2090 = tpu.vector_load %arg13[%get3A_2088, %get3A_2089] {strides = array<i32>} : memref<8x6400xf32, #tpu.memory_space<vmem>>, vector<16xf32>,
    %exp3A_2091 = math.exp %get3A_2090 : vector<16xf32>
    %add3A_2092 = arith.addf %broadcast_in_dim3A_2072, %exp3A_2091 : vector<16xf32>
    %get3A_2093 = arith.index_cast %sub3A_663 : i32 to index
    %get3A_2094 = arith.constant 3392 : index
    %get3A_2095 = tpu.vector_load %arg13[%get3A_2093, %get3A_2094] {strides = array<i32>} : memref<8x6400xf32, #tpu.memory_space<vmem>>, vector<16xf32>,
    %exp3A_2096 = math.exp %get3A_2095 : vector<16xf32>
    %add3A_2097 = arith.addf %add3A_2077, %exp3A_2096 : vector<16xf32>
    %get3A_2098 = arith.index_cast %sub3A_663 : i32 to index
    %get3A_2099 = arith.constant 3408 : index
    %get3A_2100 = tpu.vector_load %arg13[%get3A_2098, %get3A_2099] {strides = array<i32>} : memref<8x6400xf32, #tpu.memory_space<vmem>>, vector<16xf32>,
    %exp3A_2101 = math.exp %get3A_2100 : vector<16xf32>
    %add3A_2102 = arith.addf %add3A_2082, %exp3A_2101 : vector<16xf32>
    %get3A_2103 = arith.index_cast %sub3A_663 : i32 to index
    %get3A_2104 = arith.constant 3424 : index
    %get3A_2105 = tpu.vector_load %arg13[%get3A_2103, %get3A_2104] {strides = array<i32>} : memref<8x6400xf32, #tpu.memory_space<vmem>>, vector<16xf32>,
    %exp3A_2106 = math.exp %get3A_2105 : vector<16xf32>
    %add3A_2107 = arith.addf %add3A_2087, %exp3A_2106 : vector<16xf32>
    %get3A_2108 = arith.index_cast %sub3A_663 : i32 to index
    %get3A_2109 = arith.constant 3440 : index
    %get3A_2110 = tpu.vector_load %arg13[%get3A_2108, %get3A_2109] {strides = array<i32>} : memref<8x6400xf32, #tpu.memory_space<vmem>>, vector<16xf32>,
    %exp3A_2111 = math.exp %get3A_2110 : vector<16xf32>
    %add3A_2112 = arith.addf %add3A_2092, %exp3A_2111 : vector<16xf32>
    %get3A_2113 = arith.index_cast %sub3A_663 : i32 to index
    %get3A_2114 = arith.constant 3456 : index
    %get3A_2115 = tpu.vector_load %arg13[%get3A_2113, %get3A_2114] {strides = array<i32>} : memref<8x6400xf32, #tpu.memory_space<vmem>>, vector<16xf32>,
    %exp3A_2116 = math.exp %get3A_2115 : vector<16xf32>
    %add3A_2117 = arith.addf %add3A_2097, %exp3A_2116 : vector<16xf32>
    %get3A_2118 = arith.index_cast %sub3A_663 : i32 to index
    %get3A_2119 = arith.constant 3472 : index
    %get3A_2120 = tpu.vector_load %arg13[%get3A_2118, %get3A_2119] {strides = array<i32>} : memref<8x6400xf32, #tpu.memory_space<vmem>>, vector<16xf32>,
    %exp3A_2121 = math.exp %get3A_2120 : vector<16xf32>
    %add3A_2122 = arith.addf %add3A_2102, %exp3A_2121 : vector<16xf32>
    %get3A_2123 = arith.index_cast %sub3A_663 : i32 to index
    %get3A_2124 = arith.constant 3488 : index
    %get3A_2125 = tpu.vector_load %arg13[%get3A_2123, %get3A_2124] {strides = array<i32>} : memref<8x6400xf32, #tpu.memory_space<vmem>>, vector<16xf32>,
    %exp3A_2126 = math.exp %get3A_2125 : vector<16xf32>
    %add3A_2127 = arith.addf %add3A_2107, %exp3A_2126 : vector<16xf32>
    %get3A_2128 = arith.index_cast %sub3A_663 : i32 to index
    %get3A_2129 = arith.constant 3504 : index
    %get3A_2130 = tpu.vector_load %arg13[%get3A_2128, %get3A_2129] {strides = array<i32>} : memref<8x6400xf32, #tpu.memory_space<vmem>>, vector<16xf32>,
    %exp3A_2131 = math.exp %get3A_2130 : vector<16xf32>
    %add3A_2132 = arith.addf %add3A_2112, %exp3A_2131 : vector<16xf32>
    %get3A_2133 = arith.index_cast %sub3A_663 : i32 to index
    %get3A_2134 = arith.constant 3520 : index
    %get3A_2135 = tpu.vector_load %arg13[%get3A_2133, %get3A_2134] {strides = array<i32>} : memref<8x6400xf32, #tpu.memory_space<vmem>>, vector<16xf32>,
    %exp3A_2136 = math.exp %get3A_2135 : vector<16xf32>
    %add3A_2137 = arith.addf %add3A_2117, %exp3A_2136 : vector<16xf32>
    %get3A_2138 = arith.index_cast %sub3A_663 : i32 to index
    %get3A_2139 = arith.constant 3536 : index
    %get3A_2140 = tpu.vector_load %arg13[%get3A_2138, %get3A_2139] {strides = array<i32>} : memref<8x6400xf32, #tpu.memory_space<vmem>>, vector<16xf32>,
    %exp3A_2141 = math.exp %get3A_2140 : vector<16xf32>
    %add3A_2142 = arith.addf %add3A_2122, %exp3A_2141 : vector<16xf32>
    %get3A_2143 = arith.index_cast %sub3A_663 : i32 to index
    %get3A_2144 = arith.constant 3552 : index
    %get3A_2145 = tpu.vector_load %arg13[%get3A_2143, %get3A_2144] {strides = array<i32>} : memref<8x6400xf32, #tpu.memory_space<vmem>>, vector<16xf32>,
    %exp3A_2146 = math.exp %get3A_2145 : vector<16xf32>
    %add3A_2147 = arith.addf %add3A_2127, %exp3A_2146 : vector<16xf32>
    %get3A_2148 = arith.index_cast %sub3A_663 : i32 to index
    %get3A_2149 = arith.constant 3568 : index
    %get3A_2150 = tpu.vector_load %arg13[%get3A_2148, %get3A_2149] {strides = array<i32>} : memref<8x6400xf32, #tpu.memory_space<vmem>>, vector<16xf32>,
    %exp3A_2151 = math.exp %get3A_2150 : vector<16xf32>
    %add3A_2152 = arith.addf %add3A_2132, %exp3A_2151 : vector<16xf32>
    %add3A_2153 = arith.addf %add3A_2137, %add3A_2142 : vector<16xf32>
    %add3A_2154 = arith.addf %add3A_2147, %add3A_2152 : vector<16xf32>
    %add3A_2155 = arith.addf %add3A_2153, %add3A_2154 : vector<16xf32>
    %reduce_sum3A_2156 = arith.constant true
    %reduce_sum3A_2157 = vector.broadcast %reduce_sum3A_2156 : i1 to vector<16xi1>
    %reduce_sum3A_2158 = tpu.scan <sum>, %add3A_2155 masked %reduce_sum3A_2157 : vector<16xf32>, vector<16xi1> -> vector<16xf32>
    %reduce_sum3A_2159 = vector.extract %reduce_sum3A_2158[15] : f32 from vector<16xf32>
    %eq3A_2160 = arith.constant 13 : i32
    %eq3A_2161 = vector.broadcast %eq3A_2160 : i32 to vector<16xi32>
    %eq3A_2162 = arith.cmpi eq, %iota3A, %eq3A_2161 : vector<16xi32>
    %broadcast_in_dim3A_2163 = vector.broadcast %reduce_sum3A_2159 : f32 to vector<16xf32>
    %select_n3A_2164 = arith.select %eq3A_2162, %broadcast_in_dim3A_2163, %select_n3A_2051 : vector<16xi1>, vector<16xf32>
    %broadcast_in_dim3A_2165 = arith.constant 0.000000e+00 : f32
    %broadcast_in_dim3A_2166 = vector.broadcast %broadcast_in_dim3A_2165 : f32 to vector<16xf32>
    %broadcast_in_dim3A_2167 = arith.constant 0.000000e+00 : f32
    %broadcast_in_dim3A_2168 = vector.broadcast %broadcast_in_dim3A_2167 : f32 to vector<16xf32>
    %broadcast_in_dim3A_2169 = arith.constant 0.000000e+00 : f32
    %broadcast_in_dim3A_2170 = vector.broadcast %broadcast_in_dim3A_2169 : f32 to vector<16xf32>
    %broadcast_in_dim3A_2171 = arith.constant 0.000000e+00 : f32
    %broadcast_in_dim3A_2172 = vector.broadcast %broadcast_in_dim3A_2171 : f32 to vector<16xf32>
    %get3A_2173 = arith.index_cast %sub3A_663 : i32 to index
    %get3A_2174 = arith.constant 3584 : index
    %get3A_2175 = tpu.vector_load %arg13[%get3A_2173, %get3A_2174] {strides = array<i32>} : memref<8x6400xf32, #tpu.memory_space<vmem>>, vector<16xf32>,
    %exp3A_2176 = math.exp %get3A_2175 : vector<16xf32>
    %add3A_2177 = arith.addf %broadcast_in_dim3A_2166, %exp3A_2176 : vector<16xf32>
    %get3A_2178 = arith.index_cast %sub3A_663 : i32 to index
    %get3A_2179 = arith.constant 3600 : index
    %get3A_2180 = tpu.vector_load %arg13[%get3A_2178, %get3A_2179] {strides = array<i32>} : memref<8x6400xf32, #tpu.memory_space<vmem>>, vector<16xf32>,
    %exp3A_2181 = math.exp %get3A_2180 : vector<16xf32>
    %add3A_2182 = arith.addf %broadcast_in_dim3A_2168, %exp3A_2181 : vector<16xf32>
    %get3A_2183 = arith.index_cast %sub3A_663 : i32 to index
    %get3A_2184 = arith.constant 3616 : index
    %get3A_2185 = tpu.vector_load %arg13[%get3A_2183, %get3A_2184] {strides = array<i32>} : memref<8x6400xf32, #tpu.memory_space<vmem>>, vector<16xf32>,
    %exp3A_2186 = math.exp %get3A_2185 : vector<16xf32>
    %add3A_2187 = arith.addf %broadcast_in_dim3A_2170, %exp3A_2186 : vector<16xf32>
    %get3A_2188 = arith.index_cast %sub3A_663 : i32 to index
    %get3A_2189 = arith.constant 3632 : index
    %get3A_2190 = tpu.vector_load %arg13[%get3A_2188, %get3A_2189] {strides = array<i32>} : memref<8x6400xf32, #tpu.memory_space<vmem>>, vector<16xf32>,
    %exp3A_2191 = math.exp %get3A_2190 : vector<16xf32>
    %add3A_2192 = arith.addf %broadcast_in_dim3A_2172, %exp3A_2191 : vector<16xf32>
    %get3A_2193 = arith.index_cast %sub3A_663 : i32 to index
    %get3A_2194 = arith.constant 3648 : index
    %get3A_2195 = tpu.vector_load %arg13[%get3A_2193, %get3A_2194] {strides = array<i32>} : memref<8x6400xf32, #tpu.memory_space<vmem>>, vector<16xf32>,
    %exp3A_2196 = math.exp %get3A_2195 : vector<16xf32>
    %add3A_2197 = arith.addf %add3A_2177, %exp3A_2196 : vector<16xf32>
    %get3A_2198 = arith.index_cast %sub3A_663 : i32 to index
    %get3A_2199 = arith.constant 3664 : index
    %get3A_2200 = tpu.vector_load %arg13[%get3A_2198, %get3A_2199] {strides = array<i32>} : memref<8x6400xf32, #tpu.memory_space<vmem>>, vector<16xf32>,
    %exp3A_2201 = math.exp %get3A_2200 : vector<16xf32>
    %add3A_2202 = arith.addf %add3A_2182, %exp3A_2201 : vector<16xf32>
    %get3A_2203 = arith.index_cast %sub3A_663 : i32 to index
    %get3A_2204 = arith.constant 3680 : index
    %get3A_2205 = tpu.vector_load %arg13[%get3A_2203, %get3A_2204] {strides = array<i32>} : memref<8x6400xf32, #tpu.memory_space<vmem>>, vector<16xf32>,
    %exp3A_2206 = math.exp %get3A_2205 : vector<16xf32>
    %add3A_2207 = arith.addf %add3A_2187, %exp3A_2206 : vector<16xf32>
    %get3A_2208 = arith.index_cast %sub3A_663 : i32 to index
    %get3A_2209 = arith.constant 3696 : index
    %get3A_2210 = tpu.vector_load %arg13[%get3A_2208, %get3A_2209] {strides = array<i32>} : memref<8x6400xf32, #tpu.memory_space<vmem>>, vector<16xf32>,
    %exp3A_2211 = math.exp %get3A_2210 : vector<16xf32>
    %add3A_2212 = arith.addf %add3A_2192, %exp3A_2211 : vector<16xf32>
    %get3A_2213 = arith.index_cast %sub3A_663 : i32 to index
    %get3A_2214 = arith.constant 3712 : index
    %get3A_2215 = tpu.vector_load %arg13[%get3A_2213, %get3A_2214] {strides = array<i32>} : memref<8x6400xf32, #tpu.memory_space<vmem>>, vector<16xf32>,
    %exp3A_2216 = math.exp %get3A_2215 : vector<16xf32>
    %add3A_2217 = arith.addf %add3A_2197, %exp3A_2216 : vector<16xf32>
    %get3A_2218 = arith.index_cast %sub3A_663 : i32 to index
    %get3A_2219 = arith.constant 3728 : index
    %get3A_2220 = tpu.vector_load %arg13[%get3A_2218, %get3A_2219] {strides = array<i32>} : memref<8x6400xf32, #tpu.memory_space<vmem>>, vector<16xf32>,
    %exp3A_2221 = math.exp %get3A_2220 : vector<16xf32>
    %add3A_2222 = arith.addf %add3A_2202, %exp3A_2221 : vector<16xf32>
    %get3A_2223 = arith.index_cast %sub3A_663 : i32 to index
    %get3A_2224 = arith.constant 3744 : index
    %get3A_2225 = tpu.vector_load %arg13[%get3A_2223, %get3A_2224] {strides = array<i32>} : memref<8x6400xf32, #tpu.memory_space<vmem>>, vector<16xf32>,
    %exp3A_2226 = math.exp %get3A_2225 : vector<16xf32>
    %add3A_2227 = arith.addf %add3A_2207, %exp3A_2226 : vector<16xf32>
    %get3A_2228 = arith.index_cast %sub3A_663 : i32 to index
    %get3A_2229 = arith.constant 3760 : index
    %get3A_2230 = tpu.vector_load %arg13[%get3A_2228, %get3A_2229] {strides = array<i32>} : memref<8x6400xf32, #tpu.memory_space<vmem>>, vector<16xf32>,
    %exp3A_2231 = math.exp %get3A_2230 : vector<16xf32>
    %add3A_2232 = arith.addf %add3A_2212, %exp3A_2231 : vector<16xf32>
    %get3A_2233 = arith.index_cast %sub3A_663 : i32 to index
    %get3A_2234 = arith.constant 3776 : index
    %get3A_2235 = tpu.vector_load %arg13[%get3A_2233, %get3A_2234] {strides = array<i32>} : memref<8x6400xf32, #tpu.memory_space<vmem>>, vector<16xf32>,
    %exp3A_2236 = math.exp %get3A_2235 : vector<16xf32>
    %add3A_2237 = arith.addf %add3A_2217, %exp3A_2236 : vector<16xf32>
    %get3A_2238 = arith.index_cast %sub3A_663 : i32 to index
    %get3A_2239 = arith.constant 3792 : index
    %get3A_2240 = tpu.vector_load %arg13[%get3A_2238, %get3A_2239] {strides = array<i32>} : memref<8x6400xf32, #tpu.memory_space<vmem>>, vector<16xf32>,
    %exp3A_2241 = math.exp %get3A_2240 : vector<16xf32>
    %add3A_2242 = arith.addf %add3A_2222, %exp3A_2241 : vector<16xf32>
    %get3A_2243 = arith.index_cast %sub3A_663 : i32 to index
    %get3A_2244 = arith.constant 3808 : index
    %get3A_2245 = tpu.vector_load %arg13[%get3A_2243, %get3A_2244] {strides = array<i32>} : memref<8x6400xf32, #tpu.memory_space<vmem>>, vector<16xf32>,
    %exp3A_2246 = math.exp %get3A_2245 : vector<16xf32>
    %add3A_2247 = arith.addf %add3A_2227, %exp3A_2246 : vector<16xf32>
    %get3A_2248 = arith.index_cast %sub3A_663 : i32 to index
    %get3A_2249 = arith.constant 3824 : index
    %get3A_2250 = tpu.vector_load %arg13[%get3A_2248, %get3A_2249] {strides = array<i32>} : memref<8x6400xf32, #tpu.memory_space<vmem>>, vector<16xf32>,
    %exp3A_2251 = math.exp %get3A_2250 : vector<16xf32>
    %add3A_2252 = arith.addf %add3A_2232, %exp3A_2251 : vector<16xf32>
    %add3A_2253 = arith.addf %add3A_2237, %add3A_2242 : vector<16xf32>
    %add3A_2254 = arith.addf %add3A_2247, %add3A_2252 : vector<16xf32>
    %add3A_2255 = arith.addf %add3A_2253, %add3A_2254 : vector<16xf32>
    %reduce_sum3A_2256 = arith.constant true
    %reduce_sum3A_2257 = vector.broadcast %reduce_sum3A_2256 : i1 to vector<16xi1>
    %reduce_sum3A_2258 = tpu.scan <sum>, %add3A_2255 masked %reduce_sum3A_2257 : vector<16xf32>, vector<16xi1> -> vector<16xf32>
    %reduce_sum3A_2259 = vector.extract %reduce_sum3A_2258[15] : f32 from vector<16xf32>
    %eq3A_2260 = arith.constant 14 : i32
    %eq3A_2261 = vector.broadcast %eq3A_2260 : i32 to vector<16xi32>
    %eq3A_2262 = arith.cmpi eq, %iota3A, %eq3A_2261 : vector<16xi32>
    %broadcast_in_dim3A_2263 = vector.broadcast %reduce_sum3A_2259 : f32 to vector<16xf32>
    %select_n3A_2264 = arith.select %eq3A_2262, %broadcast_in_dim3A_2263, %select_n3A_2164 : vector<16xi1>, vector<16xf32>
    %broadcast_in_dim3A_2265 = arith.constant 0.000000e+00 : f32
    %broadcast_in_dim3A_2266 = vector.broadcast %broadcast_in_dim3A_2265 : f32 to vector<16xf32>
    %broadcast_in_dim3A_2267 = arith.constant 0.000000e+00 : f32
    %broadcast_in_dim3A_2268 = vector.broadcast %broadcast_in_dim3A_2267 : f32 to vector<16xf32>
    %broadcast_in_dim3A_2269 = arith.constant 0.000000e+00 : f32
    %broadcast_in_dim3A_2270 = vector.broadcast %broadcast_in_dim3A_2269 : f32 to vector<16xf32>
    %broadcast_in_dim3A_2271 = arith.constant 0.000000e+00 : f32
    %broadcast_in_dim3A_2272 = vector.broadcast %broadcast_in_dim3A_2271 : f32 to vector<16xf32>
    %get3A_2273 = arith.index_cast %sub3A_663 : i32 to index
    %get3A_2274 = arith.constant 3840 : index
    %get3A_2275 = tpu.vector_load %arg13[%get3A_2273, %get3A_2274] {strides = array<i32>} : memref<8x6400xf32, #tpu.memory_space<vmem>>, vector<16xf32>,
    %exp3A_2276 = math.exp %get3A_2275 : vector<16xf32>
    %add3A_2277 = arith.addf %broadcast_in_dim3A_2266, %exp3A_2276 : vector<16xf32>
    %get3A_2278 = arith.index_cast %sub3A_663 : i32 to index
    %get3A_2279 = arith.constant 3856 : index
    %get3A_2280 = tpu.vector_load %arg13[%get3A_2278, %get3A_2279] {strides = array<i32>} : memref<8x6400xf32, #tpu.memory_space<vmem>>, vector<16xf32>,
    %exp3A_2281 = math.exp %get3A_2280 : vector<16xf32>
    %add3A_2282 = arith.addf %broadcast_in_dim3A_2268, %exp3A_2281 : vector<16xf32>
    %get3A_2283 = arith.index_cast %sub3A_663 : i32 to index
    %get3A_2284 = arith.constant 3872 : index
    %get3A_2285 = tpu.vector_load %arg13[%get3A_2283, %get3A_2284] {strides = array<i32>} : memref<8x6400xf32, #tpu.memory_space<vmem>>, vector<16xf32>,
    %exp3A_2286 = math.exp %get3A_2285 : vector<16xf32>
    %add3A_2287 = arith.addf %broadcast_in_dim3A_2270, %exp3A_2286 : vector<16xf32>
    %get3A_2288 = arith.index_cast %sub3A_663 : i32 to index
    %get3A_2289 = arith.constant 3888 : index
    %get3A_2290 = tpu.vector_load %arg13[%get3A_2288, %get3A_2289] {strides = array<i32>} : memref<8x6400xf32, #tpu.memory_space<vmem>>, vector<16xf32>,
    %exp3A_2291 = math.exp %get3A_2290 : vector<16xf32>
    %add3A_2292 = arith.addf %broadcast_in_dim3A_2272, %exp3A_2291 : vector<16xf32>
    %get3A_2293 = arith.index_cast %sub3A_663 : i32 to index
    %get3A_2294 = arith.constant 3904 : index
    %get3A_2295 = tpu.vector_load %arg13[%get3A_2293, %get3A_2294] {strides = array<i32>} : memref<8x6400xf32, #tpu.memory_space<vmem>>, vector<16xf32>,
    %exp3A_2296 = math.exp %get3A_2295 : vector<16xf32>
    %add3A_2297 = arith.addf %add3A_2277, %exp3A_2296 : vector<16xf32>
    %get3A_2298 = arith.index_cast %sub3A_663 : i32 to index
    %get3A_2299 = arith.constant 3920 : index
    %get3A_2300 = tpu.vector_load %arg13[%get3A_2298, %get3A_2299] {strides = array<i32>} : memref<8x6400xf32, #tpu.memory_space<vmem>>, vector<16xf32>,
    %exp3A_2301 = math.exp %get3A_2300 : vector<16xf32>
    %add3A_2302 = arith.addf %add3A_2282, %exp3A_2301 : vector<16xf32>
    %get3A_2303 = arith.index_cast %sub3A_663 : i32 to index
    %get3A_2304 = arith.constant 3936 : index
    %get3A_2305 = tpu.vector_load %arg13[%get3A_2303, %get3A_2304] {strides = array<i32>} : memref<8x6400xf32, #tpu.memory_space<vmem>>, vector<16xf32>,
    %exp3A_2306 = math.exp %get3A_2305 : vector<16xf32>
    %add3A_2307 = arith.addf %add3A_2287, %exp3A_2306 : vector<16xf32>
    %get3A_2308 = arith.index_cast %sub3A_663 : i32 to index
    %get3A_2309 = arith.constant 3952 : index
    %get3A_2310 = tpu.vector_load %arg13[%get3A_2308, %get3A_2309] {strides = array<i32>} : memref<8x6400xf32, #tpu.memory_space<vmem>>, vector<16xf32>,
    %exp3A_2311 = math.exp %get3A_2310 : vector<16xf32>
    %add3A_2312 = arith.addf %add3A_2292, %exp3A_2311 : vector<16xf32>
    %get3A_2313 = arith.index_cast %sub3A_663 : i32 to index
    %get3A_2314 = arith.constant 3968 : index
    %get3A_2315 = tpu.vector_load %arg13[%get3A_2313, %get3A_2314] {strides = array<i32>} : memref<8x6400xf32, #tpu.memory_space<vmem>>, vector<16xf32>,
    %exp3A_2316 = math.exp %get3A_2315 : vector<16xf32>
    %add3A_2317 = arith.addf %add3A_2297, %exp3A_2316 : vector<16xf32>
    %get3A_2318 = arith.index_cast %sub3A_663 : i32 to index
    %get3A_2319 = arith.constant 3984 : index
    %get3A_2320 = tpu.vector_load %arg13[%get3A_2318, %get3A_2319] {strides = array<i32>} : memref<8x6400xf32, #tpu.memory_space<vmem>>, vector<16xf32>,
    %exp3A_2321 = math.exp %get3A_2320 : vector<16xf32>
    %add3A_2322 = arith.addf %add3A_2302, %exp3A_2321 : vector<16xf32>
    %get3A_2323 = arith.index_cast %sub3A_663 : i32 to index
    %get3A_2324 = arith.constant 4000 : index
    %get3A_2325 = tpu.vector_load %arg13[%get3A_2323, %get3A_2324] {strides = array<i32>} : memref<8x6400xf32, #tpu.memory_space<vmem>>, vector<16xf32>,
    %exp3A_2326 = math.exp %get3A_2325 : vector<16xf32>
    %add3A_2327 = arith.addf %add3A_2307, %exp3A_2326 : vector<16xf32>
    %get3A_2328 = arith.index_cast %sub3A_663 : i32 to index
    %get3A_2329 = arith.constant 4016 : index
    %get3A_2330 = tpu.vector_load %arg13[%get3A_2328, %get3A_2329] {strides = array<i32>} : memref<8x6400xf32, #tpu.memory_space<vmem>>, vector<16xf32>,
    %exp3A_2331 = math.exp %get3A_2330 : vector<16xf32>
    %add3A_2332 = arith.addf %add3A_2312, %exp3A_2331 : vector<16xf32>
    %get3A_2333 = arith.index_cast %sub3A_663 : i32 to index
    %get3A_2334 = arith.constant 4032 : index
    %get3A_2335 = tpu.vector_load %arg13[%get3A_2333, %get3A_2334] {strides = array<i32>} : memref<8x6400xf32, #tpu.memory_space<vmem>>, vector<16xf32>,
    %exp3A_2336 = math.exp %get3A_2335 : vector<16xf32>
    %add3A_2337 = arith.addf %add3A_2317, %exp3A_2336 : vector<16xf32>
    %get3A_2338 = arith.index_cast %sub3A_663 : i32 to index
    %get3A_2339 = arith.constant 4048 : index
    %get3A_2340 = tpu.vector_load %arg13[%get3A_2338, %get3A_2339] {strides = array<i32>} : memref<8x6400xf32, #tpu.memory_space<vmem>>, vector<16xf32>,
    %exp3A_2341 = math.exp %get3A_2340 : vector<16xf32>
    %add3A_2342 = arith.addf %add3A_2322, %exp3A_2341 : vector<16xf32>
    %get3A_2343 = arith.index_cast %sub3A_663 : i32 to index
    %get3A_2344 = arith.constant 4064 : index
    %get3A_2345 = tpu.vector_load %arg13[%get3A_2343, %get3A_2344] {strides = array<i32>} : memref<8x6400xf32, #tpu.memory_space<vmem>>, vector<16xf32>,
    %exp3A_2346 = math.exp %get3A_2345 : vector<16xf32>
    %add3A_2347 = arith.addf %add3A_2327, %exp3A_2346 : vector<16xf32>
    %get3A_2348 = arith.index_cast %sub3A_663 : i32 to index
    %get3A_2349 = arith.constant 4080 : index
    %get3A_2350 = tpu.vector_load %arg13[%get3A_2348, %get3A_2349] {strides = array<i32>} : memref<8x6400xf32, #tpu.memory_space<vmem>>, vector<16xf32>,
    %exp3A_2351 = math.exp %get3A_2350 : vector<16xf32>
    %add3A_2352 = arith.addf %add3A_2332, %exp3A_2351 : vector<16xf32>
    %add3A_2353 = arith.addf %add3A_2337, %add3A_2342 : vector<16xf32>
    %add3A_2354 = arith.addf %add3A_2347, %add3A_2352 : vector<16xf32>
    %add3A_2355 = arith.addf %add3A_2353, %add3A_2354 : vector<16xf32>
    %reduce_sum3A_2356 = arith.constant true
    %reduce_sum3A_2357 = vector.broadcast %reduce_sum3A_2356 : i1 to vector<16xi1>
    %reduce_sum3A_2358 = tpu.scan <sum>, %add3A_2355 masked %reduce_sum3A_2357 : vector<16xf32>, vector<16xi1> -> vector<16xf32>
    %reduce_sum3A_2359 = vector.extract %reduce_sum3A_2358[15] : f32 from vector<16xf32>
    %eq3A_2360 = arith.constant 15 : i32
    %eq3A_2361 = vector.broadcast %eq3A_2360 : i32 to vector<16xi32>
    %eq3A_2362 = arith.cmpi eq, %iota3A, %eq3A_2361 : vector<16xi32>
    %broadcast_in_dim3A_2363 = vector.broadcast %reduce_sum3A_2359 : f32 to vector<16xf32>
    %select_n3A_2364 = arith.select %eq3A_2362, %broadcast_in_dim3A_2363, %select_n3A_2264 : vector<16xi1>, vector<16xf32>
    %broadcast_in_dim3A_2365 = arith.constant 0.000000e+00 : f32
    %broadcast_in_dim3A_2366 = vector.broadcast %broadcast_in_dim3A_2365 : f32 to vector<16xf32>
    %broadcast_in_dim3A_2367 = arith.constant 0.000000e+00 : f32
    %broadcast_in_dim3A_2368 = vector.broadcast %broadcast_in_dim3A_2367 : f32 to vector<16xf32>
    %broadcast_in_dim3A_2369 = arith.constant 0.000000e+00 : f32
    %broadcast_in_dim3A_2370 = vector.broadcast %broadcast_in_dim3A_2369 : f32 to vector<16xf32>
    %broadcast_in_dim3A_2371 = arith.constant 0.000000e+00 : f32
    %broadcast_in_dim3A_2372 = vector.broadcast %broadcast_in_dim3A_2371 : f32 to vector<16xf32>
    %get3A_2373 = arith.index_cast %sub3A_663 : i32 to index
    %get3A_2374 = arith.constant 4096 : index
    %get3A_2375 = tpu.vector_load %arg13[%get3A_2373, %get3A_2374] {strides = array<i32>} : memref<8x6400xf32, #tpu.memory_space<vmem>>, vector<16xf32>,
    %exp3A_2376 = math.exp %get3A_2375 : vector<16xf32>
    %add3A_2377 = arith.addf %broadcast_in_dim3A_2366, %exp3A_2376 : vector<16xf32>
    %get3A_2378 = arith.index_cast %sub3A_663 : i32 to index
    %get3A_2379 = arith.constant 4112 : index
    %get3A_2380 = tpu.vector_load %arg13[%get3A_2378, %get3A_2379] {strides = array<i32>} : memref<8x6400xf32, #tpu.memory_space<vmem>>, vector<16xf32>,
    %exp3A_2381 = math.exp %get3A_2380 : vector<16xf32>
    %add3A_2382 = arith.addf %broadcast_in_dim3A_2368, %exp3A_2381 : vector<16xf32>
    %get3A_2383 = arith.index_cast %sub3A_663 : i32 to index
    %get3A_2384 = arith.constant 4128 : index
    %get3A_2385 = tpu.vector_load %arg13[%get3A_2383, %get3A_2384] {strides = array<i32>} : memref<8x6400xf32, #tpu.memory_space<vmem>>, vector<16xf32>,
    %exp3A_2386 = math.exp %get3A_2385 : vector<16xf32>
    %add3A_2387 = arith.addf %broadcast_in_dim3A_2370, %exp3A_2386 : vector<16xf32>
    %get3A_2388 = arith.index_cast %sub3A_663 : i32 to index
    %get3A_2389 = arith.constant 4144 : index
    %get3A_2390 = tpu.vector_load %arg13[%get3A_2388, %get3A_2389] {strides = array<i32>} : memref<8x6400xf32, #tpu.memory_space<vmem>>, vector<16xf32>,
    %exp3A_2391 = math.exp %get3A_2390 : vector<16xf32>
    %add3A_2392 = arith.addf %broadcast_in_dim3A_2372, %exp3A_2391 : vector<16xf32>
    %get3A_2393 = arith.index_cast %sub3A_663 : i32 to index
    %get3A_2394 = arith.constant 4160 : index
    %get3A_2395 = tpu.vector_load %arg13[%get3A_2393, %get3A_2394] {strides = array<i32>} : memref<8x6400xf32, #tpu.memory_space<vmem>>, vector<16xf32>,
    %exp3A_2396 = math.exp %get3A_2395 : vector<16xf32>
    %add3A_2397 = arith.addf %add3A_2377, %exp3A_2396 : vector<16xf32>
    %get3A_2398 = arith.index_cast %sub3A_663 : i32 to index
    %get3A_2399 = arith.constant 4176 : index
    %get3A_2400 = tpu.vector_load %arg13[%get3A_2398, %get3A_2399] {strides = array<i32>} : memref<8x6400xf32, #tpu.memory_space<vmem>>, vector<16xf32>,
    %exp3A_2401 = math.exp %get3A_2400 : vector<16xf32>
    %add3A_2402 = arith.addf %add3A_2382, %exp3A_2401 : vector<16xf32>
    %get3A_2403 = arith.index_cast %sub3A_663 : i32 to index
    %get3A_2404 = arith.constant 4192 : index
    %get3A_2405 = tpu.vector_load %arg13[%get3A_2403, %get3A_2404] {strides = array<i32>} : memref<8x6400xf32, #tpu.memory_space<vmem>>, vector<16xf32>,
    %exp3A_2406 = math.exp %get3A_2405 : vector<16xf32>
    %add3A_2407 = arith.addf %add3A_2387, %exp3A_2406 : vector<16xf32>
    %get3A_2408 = arith.index_cast %sub3A_663 : i32 to index
    %get3A_2409 = arith.constant 4208 : index
    %get3A_2410 = tpu.vector_load %arg13[%get3A_2408, %get3A_2409] {strides = array<i32>} : memref<8x6400xf32, #tpu.memory_space<vmem>>, vector<16xf32>,
    %exp3A_2411 = math.exp %get3A_2410 : vector<16xf32>
    %add3A_2412 = arith.addf %add3A_2392, %exp3A_2411 : vector<16xf32>
    %get3A_2413 = arith.index_cast %sub3A_663 : i32 to index
    %get3A_2414 = arith.constant 4224 : index
    %get3A_2415 = tpu.vector_load %arg13[%get3A_2413, %get3A_2414] {strides = array<i32>} : memref<8x6400xf32, #tpu.memory_space<vmem>>, vector<16xf32>,
    %exp3A_2416 = math.exp %get3A_2415 : vector<16xf32>
    %add3A_2417 = arith.addf %add3A_2397, %exp3A_2416 : vector<16xf32>
    %get3A_2418 = arith.index_cast %sub3A_663 : i32 to index
    %get3A_2419 = arith.constant 4240 : index
    %get3A_2420 = tpu.vector_load %arg13[%get3A_2418, %get3A_2419] {strides = array<i32>} : memref<8x6400xf32, #tpu.memory_space<vmem>>, vector<16xf32>,
    %exp3A_2421 = math.exp %get3A_2420 : vector<16xf32>
    %add3A_2422 = arith.addf %add3A_2402, %exp3A_2421 : vector<16xf32>
    %get3A_2423 = arith.index_cast %sub3A_663 : i32 to index
    %get3A_2424 = arith.constant 4256 : index
    %get3A_2425 = tpu.vector_load %arg13[%get3A_2423, %get3A_2424] {strides = array<i32>} : memref<8x6400xf32, #tpu.memory_space<vmem>>, vector<16xf32>,
    %exp3A_2426 = math.exp %get3A_2425 : vector<16xf32>
    %add3A_2427 = arith.addf %add3A_2407, %exp3A_2426 : vector<16xf32>
    %get3A_2428 = arith.index_cast %sub3A_663 : i32 to index
    %get3A_2429 = arith.constant 4272 : index
    %get3A_2430 = tpu.vector_load %arg13[%get3A_2428, %get3A_2429] {strides = array<i32>} : memref<8x6400xf32, #tpu.memory_space<vmem>>, vector<16xf32>,
    %exp3A_2431 = math.exp %get3A_2430 : vector<16xf32>
    %add3A_2432 = arith.addf %add3A_2412, %exp3A_2431 : vector<16xf32>
    %get3A_2433 = arith.index_cast %sub3A_663 : i32 to index
    %get3A_2434 = arith.constant 4288 : index
    %get3A_2435 = tpu.vector_load %arg13[%get3A_2433, %get3A_2434] {strides = array<i32>} : memref<8x6400xf32, #tpu.memory_space<vmem>>, vector<16xf32>,
    %exp3A_2436 = math.exp %get3A_2435 : vector<16xf32>
    %add3A_2437 = arith.addf %add3A_2417, %exp3A_2436 : vector<16xf32>
    %get3A_2438 = arith.index_cast %sub3A_663 : i32 to index
    %get3A_2439 = arith.constant 4304 : index
    %get3A_2440 = tpu.vector_load %arg13[%get3A_2438, %get3A_2439] {strides = array<i32>} : memref<8x6400xf32, #tpu.memory_space<vmem>>, vector<16xf32>,
    %exp3A_2441 = math.exp %get3A_2440 : vector<16xf32>
    %add3A_2442 = arith.addf %add3A_2422, %exp3A_2441 : vector<16xf32>
    %get3A_2443 = arith.index_cast %sub3A_663 : i32 to index
    %get3A_2444 = arith.constant 4320 : index
    %get3A_2445 = tpu.vector_load %arg13[%get3A_2443, %get3A_2444] {strides = array<i32>} : memref<8x6400xf32, #tpu.memory_space<vmem>>, vector<16xf32>,
    %exp3A_2446 = math.exp %get3A_2445 : vector<16xf32>
    %add3A_2447 = arith.addf %add3A_2427, %exp3A_2446 : vector<16xf32>
    %get3A_2448 = arith.index_cast %sub3A_663 : i32 to index
    %get3A_2449 = arith.constant 4336 : index
    %get3A_2450 = tpu.vector_load %arg13[%get3A_2448, %get3A_2449] {strides = array<i32>} : memref<8x6400xf32, #tpu.memory_space<vmem>>, vector<16xf32>,
    %exp3A_2451 = math.exp %get3A_2450 : vector<16xf32>
    %add3A_2452 = arith.addf %add3A_2432, %exp3A_2451 : vector<16xf32>
    %add3A_2453 = arith.addf %add3A_2437, %add3A_2442 : vector<16xf32>
    %add3A_2454 = arith.addf %add3A_2447, %add3A_2452 : vector<16xf32>
    %add3A_2455 = arith.addf %add3A_2453, %add3A_2454 : vector<16xf32>
    %reduce_sum3A_2456 = arith.constant true
    %reduce_sum3A_2457 = vector.broadcast %reduce_sum3A_2456 : i1 to vector<16xi1>
    %reduce_sum3A_2458 = tpu.scan <sum>, %add3A_2455 masked %reduce_sum3A_2457 : vector<16xf32>, vector<16xi1> -> vector<16xf32>
    %reduce_sum3A_2459 = vector.extract %reduce_sum3A_2458[15] : f32 from vector<16xf32>
    %eq3A_2460 = arith.constant 0 : i32
    %eq3A_2461 = vector.broadcast %eq3A_2460 : i32 to vector<16xi32>
    %eq3A_2462 = arith.cmpi eq, %iota3A, %eq3A_2461 : vector<16xi32>
    %broadcast_in_dim3A_2463 = vector.broadcast %reduce_sum3A_2459 : f32 to vector<16xf32>
    %select_n3A_2464 = arith.select %eq3A_2462, %broadcast_in_dim3A_2463, %broadcast_in_dim3A_726 : vector<16xi1>, vector<16xf32>
    %broadcast_in_dim3A_2465 = arith.constant 0.000000e+00 : f32
    %broadcast_in_dim3A_2466 = vector.broadcast %broadcast_in_dim3A_2465 : f32 to vector<16xf32>
    %broadcast_in_dim3A_2467 = arith.constant 0.000000e+00 : f32
    %broadcast_in_dim3A_2468 = vector.broadcast %broadcast_in_dim3A_2467 : f32 to vector<16xf32>
    %broadcast_in_dim3A_2469 = arith.constant 0.000000e+00 : f32
    %broadcast_in_dim3A_2470 = vector.broadcast %broadcast_in_dim3A_2469 : f32 to vector<16xf32>
    %broadcast_in_dim3A_2471 = arith.constant 0.000000e+00 : f32
    %broadcast_in_dim3A_2472 = vector.broadcast %broadcast_in_dim3A_2471 : f32 to vector<16xf32>
    %get3A_2473 = arith.index_cast %sub3A_663 : i32 to index
    %get3A_2474 = arith.constant 4352 : index
    %get3A_2475 = tpu.vector_load %arg13[%get3A_2473, %get3A_2474] {strides = array<i32>} : memref<8x6400xf32, #tpu.memory_space<vmem>>, vector<16xf32>,
    %exp3A_2476 = math.exp %get3A_2475 : vector<16xf32>
    %add3A_2477 = arith.addf %broadcast_in_dim3A_2466, %exp3A_2476 : vector<16xf32>
    %get3A_2478 = arith.index_cast %sub3A_663 : i32 to index
    %get3A_2479 = arith.constant 4368 : index
    %get3A_2480 = tpu.vector_load %arg13[%get3A_2478, %get3A_2479] {strides = array<i32>} : memref<8x6400xf32, #tpu.memory_space<vmem>>, vector<16xf32>,
    %exp3A_2481 = math.exp %get3A_2480 : vector<16xf32>
    %add3A_2482 = arith.addf %broadcast_in_dim3A_2468, %exp3A_2481 : vector<16xf32>
    %get3A_2483 = arith.index_cast %sub3A_663 : i32 to index
    %get3A_2484 = arith.constant 4384 : index
    %get3A_2485 = tpu.vector_load %arg13[%get3A_2483, %get3A_2484] {strides = array<i32>} : memref<8x6400xf32, #tpu.memory_space<vmem>>, vector<16xf32>,
    %exp3A_2486 = math.exp %get3A_2485 : vector<16xf32>
    %add3A_2487 = arith.addf %broadcast_in_dim3A_2470, %exp3A_2486 : vector<16xf32>
    %get3A_2488 = arith.index_cast %sub3A_663 : i32 to index
    %get3A_2489 = arith.constant 4400 : index
    %get3A_2490 = tpu.vector_load %arg13[%get3A_2488, %get3A_2489] {strides = array<i32>} : memref<8x6400xf32, #tpu.memory_space<vmem>>, vector<16xf32>,
    %exp3A_2491 = math.exp %get3A_2490 : vector<16xf32>
    %add3A_2492 = arith.addf %broadcast_in_dim3A_2472, %exp3A_2491 : vector<16xf32>
    %get3A_2493 = arith.index_cast %sub3A_663 : i32 to index
    %get3A_2494 = arith.constant 4416 : index
    %get3A_2495 = tpu.vector_load %arg13[%get3A_2493, %get3A_2494] {strides = array<i32>} : memref<8x6400xf32, #tpu.memory_space<vmem>>, vector<16xf32>,
    %exp3A_2496 = math.exp %get3A_2495 : vector<16xf32>
    %add3A_2497 = arith.addf %add3A_2477, %exp3A_2496 : vector<16xf32>
    %get3A_2498 = arith.index_cast %sub3A_663 : i32 to index
    %get3A_2499 = arith.constant 4432 : index
    %get3A_2500 = tpu.vector_load %arg13[%get3A_2498, %get3A_2499] {strides = array<i32>} : memref<8x6400xf32, #tpu.memory_space<vmem>>, vector<16xf32>,
    %exp3A_2501 = math.exp %get3A_2500 : vector<16xf32>
    %add3A_2502 = arith.addf %add3A_2482, %exp3A_2501 : vector<16xf32>
    %get3A_2503 = arith.index_cast %sub3A_663 : i32 to index
    %get3A_2504 = arith.constant 4448 : index
    %get3A_2505 = tpu.vector_load %arg13[%get3A_2503, %get3A_2504] {strides = array<i32>} : memref<8x6400xf32, #tpu.memory_space<vmem>>, vector<16xf32>,
    %exp3A_2506 = math.exp %get3A_2505 : vector<16xf32>
    %add3A_2507 = arith.addf %add3A_2487, %exp3A_2506 : vector<16xf32>
    %get3A_2508 = arith.index_cast %sub3A_663 : i32 to index
    %get3A_2509 = arith.constant 4464 : index
    %get3A_2510 = tpu.vector_load %arg13[%get3A_2508, %get3A_2509] {strides = array<i32>} : memref<8x6400xf32, #tpu.memory_space<vmem>>, vector<16xf32>,
    %exp3A_2511 = math.exp %get3A_2510 : vector<16xf32>
    %add3A_2512 = arith.addf %add3A_2492, %exp3A_2511 : vector<16xf32>
    %get3A_2513 = arith.index_cast %sub3A_663 : i32 to index
    %get3A_2514 = arith.constant 4480 : index
    %get3A_2515 = tpu.vector_load %arg13[%get3A_2513, %get3A_2514] {strides = array<i32>} : memref<8x6400xf32, #tpu.memory_space<vmem>>, vector<16xf32>,
    %exp3A_2516 = math.exp %get3A_2515 : vector<16xf32>
    %add3A_2517 = arith.addf %add3A_2497, %exp3A_2516 : vector<16xf32>
    %get3A_2518 = arith.index_cast %sub3A_663 : i32 to index
    %get3A_2519 = arith.constant 4496 : index
    %get3A_2520 = tpu.vector_load %arg13[%get3A_2518, %get3A_2519] {strides = array<i32>} : memref<8x6400xf32, #tpu.memory_space<vmem>>, vector<16xf32>,
    %exp3A_2521 = math.exp %get3A_2520 : vector<16xf32>
    %add3A_2522 = arith.addf %add3A_2502, %exp3A_2521 : vector<16xf32>
    %get3A_2523 = arith.index_cast %sub3A_663 : i32 to index
    %get3A_2524 = arith.constant 4512 : index
    %get3A_2525 = tpu.vector_load %arg13[%get3A_2523, %get3A_2524] {strides = array<i32>} : memref<8x6400xf32, #tpu.memory_space<vmem>>, vector<16xf32>,
    %exp3A_2526 = math.exp %get3A_2525 : vector<16xf32>
    %add3A_2527 = arith.addf %add3A_2507, %exp3A_2526 : vector<16xf32>
    %get3A_2528 = arith.index_cast %sub3A_663 : i32 to index
    %get3A_2529 = arith.constant 4528 : index
    %get3A_2530 = tpu.vector_load %arg13[%get3A_2528, %get3A_2529] {strides = array<i32>} : memref<8x6400xf32, #tpu.memory_space<vmem>>, vector<16xf32>,
    %exp3A_2531 = math.exp %get3A_2530 : vector<16xf32>
    %add3A_2532 = arith.addf %add3A_2512, %exp3A_2531 : vector<16xf32>
    %get3A_2533 = arith.index_cast %sub3A_663 : i32 to index
    %get3A_2534 = arith.constant 4544 : index
    %get3A_2535 = tpu.vector_load %arg13[%get3A_2533, %get3A_2534] {strides = array<i32>} : memref<8x6400xf32, #tpu.memory_space<vmem>>, vector<16xf32>,
    %exp3A_2536 = math.exp %get3A_2535 : vector<16xf32>
    %add3A_2537 = arith.addf %add3A_2517, %exp3A_2536 : vector<16xf32>
    %get3A_2538 = arith.index_cast %sub3A_663 : i32 to index
    %get3A_2539 = arith.constant 4560 : index
    %get3A_2540 = tpu.vector_load %arg13[%get3A_2538, %get3A_2539] {strides = array<i32>} : memref<8x6400xf32, #tpu.memory_space<vmem>>, vector<16xf32>,
    %exp3A_2541 = math.exp %get3A_2540 : vector<16xf32>
    %add3A_2542 = arith.addf %add3A_2522, %exp3A_2541 : vector<16xf32>
    %get3A_2543 = arith.index_cast %sub3A_663 : i32 to index
    %get3A_2544 = arith.constant 4576 : index
    %get3A_2545 = tpu.vector_load %arg13[%get3A_2543, %get3A_2544] {strides = array<i32>} : memref<8x6400xf32, #tpu.memory_space<vmem>>, vector<16xf32>,
    %exp3A_2546 = math.exp %get3A_2545 : vector<16xf32>
    %add3A_2547 = arith.addf %add3A_2527, %exp3A_2546 : vector<16xf32>
    %get3A_2548 = arith.index_cast %sub3A_663 : i32 to index
    %get3A_2549 = arith.constant 4592 : index
    %get3A_2550 = tpu.vector_load %arg13[%get3A_2548, %get3A_2549] {strides = array<i32>} : memref<8x6400xf32, #tpu.memory_space<vmem>>, vector<16xf32>,
    %exp3A_2551 = math.exp %get3A_2550 : vector<16xf32>
    %add3A_2552 = arith.addf %add3A_2532, %exp3A_2551 : vector<16xf32>
    %add3A_2553 = arith.addf %add3A_2537, %add3A_2542 : vector<16xf32>
    %add3A_2554 = arith.addf %add3A_2547, %add3A_2552 : vector<16xf32>
    %add3A_2555 = arith.addf %add3A_2553, %add3A_2554 : vector<16xf32>
    %reduce_sum3A_2556 = arith.constant true
    %reduce_sum3A_2557 = vector.broadcast %reduce_sum3A_2556 : i1 to vector<16xi1>
    %reduce_sum3A_2558 = tpu.scan <sum>, %add3A_2555 masked %reduce_sum3A_2557 : vector<16xf32>, vector<16xi1> -> vector<16xf32>
    %reduce_sum3A_2559 = vector.extract %reduce_sum3A_2558[15] : f32 from vector<16xf32>
    %eq3A_2560 = arith.constant 1 : i32
    %eq3A_2561 = vector.broadcast %eq3A_2560 : i32 to vector<16xi32>
    %eq3A_2562 = arith.cmpi eq, %iota3A, %eq3A_2561 : vector<16xi32>
    %broadcast_in_dim3A_2563 = vector.broadcast %reduce_sum3A_2559 : f32 to vector<16xf32>
    %select_n3A_2564 = arith.select %eq3A_2562, %broadcast_in_dim3A_2563, %select_n3A_2464 : vector<16xi1>, vector<16xf32>
    %broadcast_in_dim3A_2565 = arith.constant 0.000000e+00 : f32
    %broadcast_in_dim3A_2566 = vector.broadcast %broadcast_in_dim3A_2565 : f32 to vector<16xf32>
    %broadcast_in_dim3A_2567 = arith.constant 0.000000e+00 : f32
    %broadcast_in_dim3A_2568 = vector.broadcast %broadcast_in_dim3A_2567 : f32 to vector<16xf32>
    %broadcast_in_dim3A_2569 = arith.constant 0.000000e+00 : f32
    %broadcast_in_dim3A_2570 = vector.broadcast %broadcast_in_dim3A_2569 : f32 to vector<16xf32>
    %broadcast_in_dim3A_2571 = arith.constant 0.000000e+00 : f32
    %broadcast_in_dim3A_2572 = vector.broadcast %broadcast_in_dim3A_2571 : f32 to vector<16xf32>
    %get3A_2573 = arith.index_cast %sub3A_663 : i32 to index
    %get3A_2574 = arith.constant 4608 : index
    %get3A_2575 = tpu.vector_load %arg13[%get3A_2573, %get3A_2574] {strides = array<i32>} : memref<8x6400xf32, #tpu.memory_space<vmem>>, vector<16xf32>,
    %exp3A_2576 = math.exp %get3A_2575 : vector<16xf32>
    %add3A_2577 = arith.addf %broadcast_in_dim3A_2566, %exp3A_2576 : vector<16xf32>
    %get3A_2578 = arith.index_cast %sub3A_663 : i32 to index
    %get3A_2579 = arith.constant 4624 : index
    %get3A_2580 = tpu.vector_load %arg13[%get3A_2578, %get3A_2579] {strides = array<i32>} : memref<8x6400xf32, #tpu.memory_space<vmem>>, vector<16xf32>,
    %exp3A_2581 = math.exp %get3A_2580 : vector<16xf32>
    %add3A_2582 = arith.addf %broadcast_in_dim3A_2568, %exp3A_2581 : vector<16xf32>
    %get3A_2583 = arith.index_cast %sub3A_663 : i32 to index
    %get3A_2584 = arith.constant 4640 : index
    %get3A_2585 = tpu.vector_load %arg13[%get3A_2583, %get3A_2584] {strides = array<i32>} : memref<8x6400xf32, #tpu.memory_space<vmem>>, vector<16xf32>,
    %exp3A_2586 = math.exp %get3A_2585 : vector<16xf32>
    %add3A_2587 = arith.addf %broadcast_in_dim3A_2570, %exp3A_2586 : vector<16xf32>
    %get3A_2588 = arith.index_cast %sub3A_663 : i32 to index
    %get3A_2589 = arith.constant 4656 : index
    %get3A_2590 = tpu.vector_load %arg13[%get3A_2588, %get3A_2589] {strides = array<i32>} : memref<8x6400xf32, #tpu.memory_space<vmem>>, vector<16xf32>,
    %exp3A_2591 = math.exp %get3A_2590 : vector<16xf32>
    %add3A_2592 = arith.addf %broadcast_in_dim3A_2572, %exp3A_2591 : vector<16xf32>
    %get3A_2593 = arith.index_cast %sub3A_663 : i32 to index
    %get3A_2594 = arith.constant 4672 : index
    %get3A_2595 = tpu.vector_load %arg13[%get3A_2593, %get3A_2594] {strides = array<i32>} : memref<8x6400xf32, #tpu.memory_space<vmem>>, vector<16xf32>,
    %exp3A_2596 = math.exp %get3A_2595 : vector<16xf32>
    %add3A_2597 = arith.addf %add3A_2577, %exp3A_2596 : vector<16xf32>
    %get3A_2598 = arith.index_cast %sub3A_663 : i32 to index
    %get3A_2599 = arith.constant 4688 : index
    %get3A_2600 = tpu.vector_load %arg13[%get3A_2598, %get3A_2599] {strides = array<i32>} : memref<8x6400xf32, #tpu.memory_space<vmem>>, vector<16xf32>,
    %exp3A_2601 = math.exp %get3A_2600 : vector<16xf32>
    %add3A_2602 = arith.addf %add3A_2582, %exp3A_2601 : vector<16xf32>
    %get3A_2603 = arith.index_cast %sub3A_663 : i32 to index
    %get3A_2604 = arith.constant 4704 : index
    %get3A_2605 = tpu.vector_load %arg13[%get3A_2603, %get3A_2604] {strides = array<i32>} : memref<8x6400xf32, #tpu.memory_space<vmem>>, vector<16xf32>,
    %exp3A_2606 = math.exp %get3A_2605 : vector<16xf32>
    %add3A_2607 = arith.addf %add3A_2587, %exp3A_2606 : vector<16xf32>
    %get3A_2608 = arith.index_cast %sub3A_663 : i32 to index
    %get3A_2609 = arith.constant 4720 : index
    %get3A_2610 = tpu.vector_load %arg13[%get3A_2608, %get3A_2609] {strides = array<i32>} : memref<8x6400xf32, #tpu.memory_space<vmem>>, vector<16xf32>,
    %exp3A_2611 = math.exp %get3A_2610 : vector<16xf32>
    %add3A_2612 = arith.addf %add3A_2592, %exp3A_2611 : vector<16xf32>
    %get3A_2613 = arith.index_cast %sub3A_663 : i32 to index
    %get3A_2614 = arith.constant 4736 : index
    %get3A_2615 = tpu.vector_load %arg13[%get3A_2613, %get3A_2614] {strides = array<i32>} : memref<8x6400xf32, #tpu.memory_space<vmem>>, vector<16xf32>,
    %exp3A_2616 = math.exp %get3A_2615 : vector<16xf32>
    %add3A_2617 = arith.addf %add3A_2597, %exp3A_2616 : vector<16xf32>
    %get3A_2618 = arith.index_cast %sub3A_663 : i32 to index
    %get3A_2619 = arith.constant 4752 : index
    %get3A_2620 = tpu.vector_load %arg13[%get3A_2618, %get3A_2619] {strides = array<i32>} : memref<8x6400xf32, #tpu.memory_space<vmem>>, vector<16xf32>,
    %exp3A_2621 = math.exp %get3A_2620 : vector<16xf32>
    %add3A_2622 = arith.addf %add3A_2602, %exp3A_2621 : vector<16xf32>
    %get3A_2623 = arith.index_cast %sub3A_663 : i32 to index
    %get3A_2624 = arith.constant 4768 : index
    %get3A_2625 = tpu.vector_load %arg13[%get3A_2623, %get3A_2624] {strides = array<i32>} : memref<8x6400xf32, #tpu.memory_space<vmem>>, vector<16xf32>,
    %exp3A_2626 = math.exp %get3A_2625 : vector<16xf32>
    %add3A_2627 = arith.addf %add3A_2607, %exp3A_2626 : vector<16xf32>
    %get3A_2628 = arith.index_cast %sub3A_663 : i32 to index
    %get3A_2629 = arith.constant 4784 : index
    %get3A_2630 = tpu.vector_load %arg13[%get3A_2628, %get3A_2629] {strides = array<i32>} : memref<8x6400xf32, #tpu.memory_space<vmem>>, vector<16xf32>,
    %exp3A_2631 = math.exp %get3A_2630 : vector<16xf32>
    %add3A_2632 = arith.addf %add3A_2612, %exp3A_2631 : vector<16xf32>
    %get3A_2633 = arith.index_cast %sub3A_663 : i32 to index
    %get3A_2634 = arith.constant 4800 : index
    %get3A_2635 = tpu.vector_load %arg13[%get3A_2633, %get3A_2634] {strides = array<i32>} : memref<8x6400xf32, #tpu.memory_space<vmem>>, vector<16xf32>,
    %exp3A_2636 = math.exp %get3A_2635 : vector<16xf32>
    %add3A_2637 = arith.addf %add3A_2617, %exp3A_2636 : vector<16xf32>
    %get3A_2638 = arith.index_cast %sub3A_663 : i32 to index
    %get3A_2639 = arith.constant 4816 : index
    %get3A_2640 = tpu.vector_load %arg13[%get3A_2638, %get3A_2639] {strides = array<i32>} : memref<8x6400xf32, #tpu.memory_space<vmem>>, vector<16xf32>,
    %exp3A_2641 = math.exp %get3A_2640 : vector<16xf32>
    %add3A_2642 = arith.addf %add3A_2622, %exp3A_2641 : vector<16xf32>
    %get3A_2643 = arith.index_cast %sub3A_663 : i32 to index
    %get3A_2644 = arith.constant 4832 : index
    %get3A_2645 = tpu.vector_load %arg13[%get3A_2643, %get3A_2644] {strides = array<i32>} : memref<8x6400xf32, #tpu.memory_space<vmem>>, vector<16xf32>,
    %exp3A_2646 = math.exp %get3A_2645 : vector<16xf32>
    %add3A_2647 = arith.addf %add3A_2627, %exp3A_2646 : vector<16xf32>
    %get3A_2648 = arith.index_cast %sub3A_663 : i32 to index
    %get3A_2649 = arith.constant 4848 : index
    %get3A_2650 = tpu.vector_load %arg13[%get3A_2648, %get3A_2649] {strides = array<i32>} : memref<8x6400xf32, #tpu.memory_space<vmem>>, vector<16xf32>,
    %exp3A_2651 = math.exp %get3A_2650 : vector<16xf32>
    %add3A_2652 = arith.addf %add3A_2632, %exp3A_2651 : vector<16xf32>
    %add3A_2653 = arith.addf %add3A_2637, %add3A_2642 : vector<16xf32>
    %add3A_2654 = arith.addf %add3A_2647, %add3A_2652 : vector<16xf32>
    %add3A_2655 = arith.addf %add3A_2653, %add3A_2654 : vector<16xf32>
    %reduce_sum3A_2656 = arith.constant true
    %reduce_sum3A_2657 = vector.broadcast %reduce_sum3A_2656 : i1 to vector<16xi1>
    %reduce_sum3A_2658 = tpu.scan <sum>, %add3A_2655 masked %reduce_sum3A_2657 : vector<16xf32>, vector<16xi1> -> vector<16xf32>
    %reduce_sum3A_2659 = vector.extract %reduce_sum3A_2658[15] : f32 from vector<16xf32>
    %eq3A_2660 = arith.constant 2 : i32
    %eq3A_2661 = vector.broadcast %eq3A_2660 : i32 to vector<16xi32>
    %eq3A_2662 = arith.cmpi eq, %iota3A, %eq3A_2661 : vector<16xi32>
    %broadcast_in_dim3A_2663 = vector.broadcast %reduce_sum3A_2659 : f32 to vector<16xf32>
    %select_n3A_2664 = arith.select %eq3A_2662, %broadcast_in_dim3A_2663, %select_n3A_2564 : vector<16xi1>, vector<16xf32>
    %dma_wait3A_2665 = arith.constant 3 : i32
    %dma_wait3A_2666 = arith.constant 0 : i32
    %dma_wait3A_2667 = arith.constant 4864 : i32
    %dma_wait3A_2668 = tpu.memref_slice %arg13[%dma_wait3A_2666, %dma_wait3A_2667] : memref<8x6400xf32, #tpu.memory_space<vmem>> -> memref<8x1536xf32, #tpu.memory_space<vmem>>
    %dma_wait3A_2669 = tpu.memref_slice %arg2[%reduce_max3A_504, %mul3A_662, %add3A_709] : memref<8x64x100000xf32, #tpu.memory_space<hbm>> -> memref<1x8x1536xf32, #tpu.memory_space<hbm>>
    %dma_wait3A_2670 = tpu.memref_squeeze %dma_wait3A_2669 : memref<1x8x1536xf32, #tpu.memory_space<hbm>> -> memref<8x1536xf32, #tpu.memory_space<hbm>>
    %dma_wait3A_2671 = tpu.memref_slice %arg22[%dma_wait3A_2665] : memref<4x!tpu.dma_semaphore, #tpu.memory_space<semaphore_mem>> -> memref<1x!tpu.dma_semaphore, #tpu.memory_space<semaphore_mem>>
    %dma_wait3A_2672 = tpu.memref_squeeze %dma_wait3A_2671 : memref<1x!tpu.dma_semaphore, #tpu.memory_space<semaphore_mem>> -> memref<!tpu.dma_semaphore, #tpu.memory_space<semaphore_mem>>
    %dma_wait3A_2673 = arith.constant 0 : i32
    %dma_wait3A_2674 = arith.constant 4864 : i32
    %dma_wait3A_2675 = tpu.memref_slice %arg13[%dma_wait3A_2673, %dma_wait3A_2674] : memref<8x6400xf32, #tpu.memory_space<vmem>> -> memref<8x1536xf32, #tpu.memory_space<vmem>>
    %dma_wait3A_2676 = tpu.memref_slice %arg2[%reduce_max3A_504, %mul3A_662, %add3A_709] : memref<8x64x100000xf32, #tpu.memory_space<hbm>> -> memref<1x8x1536xf32, #tpu.memory_space<hbm>>
    %dma_wait3A_2677 = tpu.memref_squeeze %dma_wait3A_2676 : memref<1x8x1536xf32, #tpu.memory_space<hbm>> -> memref<8x1536xf32, #tpu.memory_space<hbm>>
    tpu.wait_dma2 semaphore(%dma_wait3A_2672 : memref<!tpu.dma_semaphore, #tpu.memory_space<semaphore_mem>>) src(%dma_wait3A_2677 : memref<8x1536xf32, #tpu.memory_space<hbm>>) dst(%dma_wait3A_2675 : memref<8x1536xf32, #tpu.memory_space<vmem>>)
    %convert_element_type3A = arith.extui %eq3A_629 : i1 to i32
    %cond3A = arith.constant 0 : i32
    %cond3A_2678 = arith.cmpi ne, %convert_element_type3A, %cond3A : i32
    scf.if %cond3A_2678 {
      %broadcast_in_dim3A_3434 = arith.constant -1.000000e+30 : f32
      %broadcast_in_dim3A_3435 = vector.broadcast %broadcast_in_dim3A_3434 : f32 to vector<16xf32>
      %swap3A_3436 = arith.index_cast %sub3A_663 : i32 to index
      %swap3A_3437 = arith.constant 6304 : index
      %swap3A_3438 = tpu.vector_load %arg13[%swap3A_3436, %swap3A_3437] {strides = array<i32>} : memref<8x6400xf32, #tpu.memory_space<vmem>>, vector<16xf32>,
      tpu.vector_store %arg13[%swap3A_3436, %swap3A_3437], %broadcast_in_dim3A_3435 {strides = array<i32>} : memref<8x6400xf32, #tpu.memory_space<vmem>>, vector<16xf32>,
      %broadcast_in_dim3A_3439 = arith.constant -1.000000e+30 : f32
      %broadcast_in_dim3A_3440 = vector.broadcast %broadcast_in_dim3A_3439 : f32 to vector<16xf32>
      %swap3A_3441 = arith.index_cast %sub3A_663 : i32 to index
      %swap3A_3442 = arith.constant 6320 : index
      %swap3A_3443 = tpu.vector_load %arg13[%swap3A_3441, %swap3A_3442] {strides = array<i32>} : memref<8x6400xf32, #tpu.memory_space<vmem>>, vector<16xf32>,
      tpu.vector_store %arg13[%swap3A_3441, %swap3A_3442], %broadcast_in_dim3A_3440 {strides = array<i32>} : memref<8x6400xf32, #tpu.memory_space<vmem>>, vector<16xf32>,
      %broadcast_in_dim3A_3444 = arith.constant -1.000000e+30 : f32
      %broadcast_in_dim3A_3445 = vector.broadcast %broadcast_in_dim3A_3444 : f32 to vector<16xf32>
      %swap3A_3446 = arith.index_cast %sub3A_663 : i32 to index
      %swap3A_3447 = arith.constant 6336 : index
      %swap3A_3448 = tpu.vector_load %arg13[%swap3A_3446, %swap3A_3447] {strides = array<i32>} : memref<8x6400xf32, #tpu.memory_space<vmem>>, vector<16xf32>,
      tpu.vector_store %arg13[%swap3A_3446, %swap3A_3447], %broadcast_in_dim3A_3445 {strides = array<i32>} : memref<8x6400xf32, #tpu.memory_space<vmem>>, vector<16xf32>,
      %broadcast_in_dim3A_3449 = arith.constant -1.000000e+30 : f32
      %broadcast_in_dim3A_3450 = vector.broadcast %broadcast_in_dim3A_3449 : f32 to vector<16xf32>
      %swap3A_3451 = arith.index_cast %sub3A_663 : i32 to index
      %swap3A_3452 = arith.constant 6352 : index
      %swap3A_3453 = tpu.vector_load %arg13[%swap3A_3451, %swap3A_3452] {strides = array<i32>} : memref<8x6400xf32, #tpu.memory_space<vmem>>, vector<16xf32>,
      tpu.vector_store %arg13[%swap3A_3451, %swap3A_3452], %broadcast_in_dim3A_3450 {strides = array<i32>} : memref<8x6400xf32, #tpu.memory_space<vmem>>, vector<16xf32>,
      %broadcast_in_dim3A_3454 = arith.constant -1.000000e+30 : f32
      %broadcast_in_dim3A_3455 = vector.broadcast %broadcast_in_dim3A_3454 : f32 to vector<16xf32>
      %swap3A_3456 = arith.index_cast %sub3A_663 : i32 to index
      %swap3A_3457 = arith.constant 6368 : index
      %swap3A_3458 = tpu.vector_load %arg13[%swap3A_3456, %swap3A_3457] {strides = array<i32>} : memref<8x6400xf32, #tpu.memory_space<vmem>>, vector<16xf32>,
      tpu.vector_store %arg13[%swap3A_3456, %swap3A_3457], %broadcast_in_dim3A_3455 {strides = array<i32>} : memref<8x6400xf32, #tpu.memory_space<vmem>>, vector<16xf32>,
      %broadcast_in_dim3A_3459 = arith.constant -1.000000e+30 : f32
      %broadcast_in_dim3A_3460 = vector.broadcast %broadcast_in_dim3A_3459 : f32 to vector<16xf32>
      %swap3A_3461 = arith.index_cast %sub3A_663 : i32 to index
      %swap3A_3462 = arith.constant 6384 : index
      %swap3A_3463 = tpu.vector_load %arg13[%swap3A_3461, %swap3A_3462] {strides = array<i32>} : memref<8x6400xf32, #tpu.memory_space<vmem>>, vector<16xf32>,
      tpu.vector_store %arg13[%swap3A_3461, %swap3A_3462], %broadcast_in_dim3A_3460 {strides = array<i32>} : memref<8x6400xf32, #tpu.memory_space<vmem>>, vector<16xf32>,
    } else {
    }
    %broadcast_in_dim3A_2679 = arith.constant 0.000000e+00 : f32
    %broadcast_in_dim3A_2680 = vector.broadcast %broadcast_in_dim3A_2679 : f32 to vector<16xf32>
    %broadcast_in_dim3A_2681 = arith.constant 0.000000e+00 : f32
    %broadcast_in_dim3A_2682 = vector.broadcast %broadcast_in_dim3A_2681 : f32 to vector<16xf32>
    %broadcast_in_dim3A_2683 = arith.constant 0.000000e+00 : f32
    %broadcast_in_dim3A_2684 = vector.broadcast %broadcast_in_dim3A_2683 : f32 to vector<16xf32>
    %broadcast_in_dim3A_2685 = arith.constant 0.000000e+00 : f32
    %broadcast_in_dim3A_2686 = vector.broadcast %broadcast_in_dim3A_2685 : f32 to vector<16xf32>
    %get3A_2687 = arith.index_cast %sub3A_663 : i32 to index
    %get3A_2688 = arith.constant 4864 : index
    %get3A_2689 = tpu.vector_load %arg13[%get3A_2687, %get3A_2688] {strides = array<i32>} : memref<8x6400xf32, #tpu.memory_space<vmem>>, vector<16xf32>,
    %exp3A_2690 = math.exp %get3A_2689 : vector<16xf32>
    %add3A_2691 = arith.addf %broadcast_in_dim3A_2680, %exp3A_2690 : vector<16xf32>
    %get3A_2692 = arith.index_cast %sub3A_663 : i32 to index
    %get3A_2693 = arith.constant 4880 : index
    %get3A_2694 = tpu.vector_load %arg13[%get3A_2692, %get3A_2693] {strides = array<i32>} : memref<8x6400xf32, #tpu.memory_space<vmem>>, vector<16xf32>,
    %exp3A_2695 = math.exp %get3A_2694 : vector<16xf32>
    %add3A_2696 = arith.addf %broadcast_in_dim3A_2682, %exp3A_2695 : vector<16xf32>
    %get3A_2697 = arith.index_cast %sub3A_663 : i32 to index
    %get3A_2698 = arith.constant 4896 : index
    %get3A_2699 = tpu.vector_load %arg13[%get3A_2697, %get3A_2698] {strides = array<i32>} : memref<8x6400xf32, #tpu.memory_space<vmem>>, vector<16xf32>,
    %exp3A_2700 = math.exp %get3A_2699 : vector<16xf32>
    %add3A_2701 = arith.addf %broadcast_in_dim3A_2684, %exp3A_2700 : vector<16xf32>
    %get3A_2702 = arith.index_cast %sub3A_663 : i32 to index
    %get3A_2703 = arith.constant 4912 : index
    %get3A_2704 = tpu.vector_load %arg13[%get3A_2702, %get3A_2703] {strides = array<i32>} : memref<8x6400xf32, #tpu.memory_space<vmem>>, vector<16xf32>,
    %exp3A_2705 = math.exp %get3A_2704 : vector<16xf32>
    %add3A_2706 = arith.addf %broadcast_in_dim3A_2686, %exp3A_2705 : vector<16xf32>
    %get3A_2707 = arith.index_cast %sub3A_663 : i32 to index
    %get3A_2708 = arith.constant 4928 : index
    %get3A_2709 = tpu.vector_load %arg13[%get3A_2707, %get3A_2708] {strides = array<i32>} : memref<8x6400xf32, #tpu.memory_space<vmem>>, vector<16xf32>,
    %exp3A_2710 = math.exp %get3A_2709 : vector<16xf32>
    %add3A_2711 = arith.addf %add3A_2691, %exp3A_2710 : vector<16xf32>
    %get3A_2712 = arith.index_cast %sub3A_663 : i32 to index
    %get3A_2713 = arith.constant 4944 : index
    %get3A_2714 = tpu.vector_load %arg13[%get3A_2712, %get3A_2713] {strides = array<i32>} : memref<8x6400xf32, #tpu.memory_space<vmem>>, vector<16xf32>,
    %exp3A_2715 = math.exp %get3A_2714 : vector<16xf32>
    %add3A_2716 = arith.addf %add3A_2696, %exp3A_2715 : vector<16xf32>
    %get3A_2717 = arith.index_cast %sub3A_663 : i32 to index
    %get3A_2718 = arith.constant 4960 : index
    %get3A_2719 = tpu.vector_load %arg13[%get3A_2717, %get3A_2718] {strides = array<i32>} : memref<8x6400xf32, #tpu.memory_space<vmem>>, vector<16xf32>,
    %exp3A_2720 = math.exp %get3A_2719 : vector<16xf32>
    %add3A_2721 = arith.addf %add3A_2701, %exp3A_2720 : vector<16xf32>
    %get3A_2722 = arith.index_cast %sub3A_663 : i32 to index
    %get3A_2723 = arith.constant 4976 : index
    %get3A_2724 = tpu.vector_load %arg13[%get3A_2722, %get3A_2723] {strides = array<i32>} : memref<8x6400xf32, #tpu.memory_space<vmem>>, vector<16xf32>,
    %exp3A_2725 = math.exp %get3A_2724 : vector<16xf32>
    %add3A_2726 = arith.addf %add3A_2706, %exp3A_2725 : vector<16xf32>
    %get3A_2727 = arith.index_cast %sub3A_663 : i32 to index
    %get3A_2728 = arith.constant 4992 : index
    %get3A_2729 = tpu.vector_load %arg13[%get3A_2727, %get3A_2728] {strides = array<i32>} : memref<8x6400xf32, #tpu.memory_space<vmem>>, vector<16xf32>,
    %exp3A_2730 = math.exp %get3A_2729 : vector<16xf32>
    %add3A_2731 = arith.addf %add3A_2711, %exp3A_2730 : vector<16xf32>
    %get3A_2732 = arith.index_cast %sub3A_663 : i32 to index
    %get3A_2733 = arith.constant 5008 : index
    %get3A_2734 = tpu.vector_load %arg13[%get3A_2732, %get3A_2733] {strides = array<i32>} : memref<8x6400xf32, #tpu.memory_space<vmem>>, vector<16xf32>,
    %exp3A_2735 = math.exp %get3A_2734 : vector<16xf32>
    %add3A_2736 = arith.addf %add3A_2716, %exp3A_2735 : vector<16xf32>
    %get3A_2737 = arith.index_cast %sub3A_663 : i32 to index
    %get3A_2738 = arith.constant 5024 : index
    %get3A_2739 = tpu.vector_load %arg13[%get3A_2737, %get3A_2738] {strides = array<i32>} : memref<8x6400xf32, #tpu.memory_space<vmem>>, vector<16xf32>,
    %exp3A_2740 = math.exp %get3A_2739 : vector<16xf32>
    %add3A_2741 = arith.addf %add3A_2721, %exp3A_2740 : vector<16xf32>
    %get3A_2742 = arith.index_cast %sub3A_663 : i32 to index
    %get3A_2743 = arith.constant 5040 : index
    %get3A_2744 = tpu.vector_load %arg13[%get3A_2742, %get3A_2743] {strides = array<i32>} : memref<8x6400xf32, #tpu.memory_space<vmem>>, vector<16xf32>,
    %exp3A_2745 = math.exp %get3A_2744 : vector<16xf32>
    %add3A_2746 = arith.addf %add3A_2726, %exp3A_2745 : vector<16xf32>
    %get3A_2747 = arith.index_cast %sub3A_663 : i32 to index
    %get3A_2748 = arith.constant 5056 : index
    %get3A_2749 = tpu.vector_load %arg13[%get3A_2747, %get3A_2748] {strides = array<i32>} : memref<8x6400xf32, #tpu.memory_space<vmem>>, vector<16xf32>,
    %exp3A_2750 = math.exp %get3A_2749 : vector<16xf32>
    %add3A_2751 = arith.addf %add3A_2731, %exp3A_2750 : vector<16xf32>
    %get3A_2752 = arith.index_cast %sub3A_663 : i32 to index
    %get3A_2753 = arith.constant 5072 : index
    %get3A_2754 = tpu.vector_load %arg13[%get3A_2752, %get3A_2753] {strides = array<i32>} : memref<8x6400xf32, #tpu.memory_space<vmem>>, vector<16xf32>,
    %exp3A_2755 = math.exp %get3A_2754 : vector<16xf32>
    %add3A_2756 = arith.addf %add3A_2736, %exp3A_2755 : vector<16xf32>
    %get3A_2757 = arith.index_cast %sub3A_663 : i32 to index
    %get3A_2758 = arith.constant 5088 : index
    %get3A_2759 = tpu.vector_load %arg13[%get3A_2757, %get3A_2758] {strides = array<i32>} : memref<8x6400xf32, #tpu.memory_space<vmem>>, vector<16xf32>,
    %exp3A_2760 = math.exp %get3A_2759 : vector<16xf32>
    %add3A_2761 = arith.addf %add3A_2741, %exp3A_2760 : vector<16xf32>
    %get3A_2762 = arith.index_cast %sub3A_663 : i32 to index
    %get3A_2763 = arith.constant 5104 : index
    %get3A_2764 = tpu.vector_load %arg13[%get3A_2762, %get3A_2763] {strides = array<i32>} : memref<8x6400xf32, #tpu.memory_space<vmem>>, vector<16xf32>,
    %exp3A_2765 = math.exp %get3A_2764 : vector<16xf32>
    %add3A_2766 = arith.addf %add3A_2746, %exp3A_2765 : vector<16xf32>
    %add3A_2767 = arith.addf %add3A_2751, %add3A_2756 : vector<16xf32>
    %add3A_2768 = arith.addf %add3A_2761, %add3A_2766 : vector<16xf32>
    %add3A_2769 = arith.addf %add3A_2767, %add3A_2768 : vector<16xf32>
    %reduce_sum3A_2770 = arith.constant true
    %reduce_sum3A_2771 = vector.broadcast %reduce_sum3A_2770 : i1 to vector<16xi1>
    %reduce_sum3A_2772 = tpu.scan <sum>, %add3A_2769 masked %reduce_sum3A_2771 : vector<16xf32>, vector<16xi1> -> vector<16xf32>
    %reduce_sum3A_2773 = vector.extract %reduce_sum3A_2772[15] : f32 from vector<16xf32>
    %eq3A_2774 = arith.constant 3 : i32
    %eq3A_2775 = vector.broadcast %eq3A_2774 : i32 to vector<16xi32>
    %eq3A_2776 = arith.cmpi eq, %iota3A, %eq3A_2775 : vector<16xi32>
    %broadcast_in_dim3A_2777 = vector.broadcast %reduce_sum3A_2773 : f32 to vector<16xf32>
    %select_n3A_2778 = arith.select %eq3A_2776, %broadcast_in_dim3A_2777, %select_n3A_2664 : vector<16xi1>, vector<16xf32>
    %broadcast_in_dim3A_2779 = arith.constant 0.000000e+00 : f32
    %broadcast_in_dim3A_2780 = vector.broadcast %broadcast_in_dim3A_2779 : f32 to vector<16xf32>
    %broadcast_in_dim3A_2781 = arith.constant 0.000000e+00 : f32
    %broadcast_in_dim3A_2782 = vector.broadcast %broadcast_in_dim3A_2781 : f32 to vector<16xf32>
    %broadcast_in_dim3A_2783 = arith.constant 0.000000e+00 : f32
    %broadcast_in_dim3A_2784 = vector.broadcast %broadcast_in_dim3A_2783 : f32 to vector<16xf32>
    %broadcast_in_dim3A_2785 = arith.constant 0.000000e+00 : f32
    %broadcast_in_dim3A_2786 = vector.broadcast %broadcast_in_dim3A_2785 : f32 to vector<16xf32>
    %get3A_2787 = arith.index_cast %sub3A_663 : i32 to index
    %get3A_2788 = arith.constant 5120 : index
    %get3A_2789 = tpu.vector_load %arg13[%get3A_2787, %get3A_2788] {strides = array<i32>} : memref<8x6400xf32, #tpu.memory_space<vmem>>, vector<16xf32>,
    %exp3A_2790 = math.exp %get3A_2789 : vector<16xf32>
    %add3A_2791 = arith.addf %broadcast_in_dim3A_2780, %exp3A_2790 : vector<16xf32>
    %get3A_2792 = arith.index_cast %sub3A_663 : i32 to index
    %get3A_2793 = arith.constant 5136 : index
    %get3A_2794 = tpu.vector_load %arg13[%get3A_2792, %get3A_2793] {strides = array<i32>} : memref<8x6400xf32, #tpu.memory_space<vmem>>, vector<16xf32>,
    %exp3A_2795 = math.exp %get3A_2794 : vector<16xf32>
    %add3A_2796 = arith.addf %broadcast_in_dim3A_2782, %exp3A_2795 : vector<16xf32>
    %get3A_2797 = arith.index_cast %sub3A_663 : i32 to index
    %get3A_2798 = arith.constant 5152 : index
    %get3A_2799 = tpu.vector_load %arg13[%get3A_2797, %get3A_2798] {strides = array<i32>} : memref<8x6400xf32, #tpu.memory_space<vmem>>, vector<16xf32>,
    %exp3A_2800 = math.exp %get3A_2799 : vector<16xf32>
    %add3A_2801 = arith.addf %broadcast_in_dim3A_2784, %exp3A_2800 : vector<16xf32>
    %get3A_2802 = arith.index_cast %sub3A_663 : i32 to index
    %get3A_2803 = arith.constant 5168 : index
    %get3A_2804 = tpu.vector_load %arg13[%get3A_2802, %get3A_2803] {strides = array<i32>} : memref<8x6400xf32, #tpu.memory_space<vmem>>, vector<16xf32>,
    %exp3A_2805 = math.exp %get3A_2804 : vector<16xf32>
    %add3A_2806 = arith.addf %broadcast_in_dim3A_2786, %exp3A_2805 : vector<16xf32>
    %get3A_2807 = arith.index_cast %sub3A_663 : i32 to index
    %get3A_2808 = arith.constant 5184 : index
    %get3A_2809 = tpu.vector_load %arg13[%get3A_2807, %get3A_2808] {strides = array<i32>} : memref<8x6400xf32, #tpu.memory_space<vmem>>, vector<16xf32>,
    %exp3A_2810 = math.exp %get3A_2809 : vector<16xf32>
    %add3A_2811 = arith.addf %add3A_2791, %exp3A_2810 : vector<16xf32>
    %get3A_2812 = arith.index_cast %sub3A_663 : i32 to index
    %get3A_2813 = arith.constant 5200 : index
    %get3A_2814 = tpu.vector_load %arg13[%get3A_2812, %get3A_2813] {strides = array<i32>} : memref<8x6400xf32, #tpu.memory_space<vmem>>, vector<16xf32>,
    %exp3A_2815 = math.exp %get3A_2814 : vector<16xf32>
    %add3A_2816 = arith.addf %add3A_2796, %exp3A_2815 : vector<16xf32>
    %get3A_2817 = arith.index_cast %sub3A_663 : i32 to index
    %get3A_2818 = arith.constant 5216 : index
    %get3A_2819 = tpu.vector_load %arg13[%get3A_2817, %get3A_2818] {strides = array<i32>} : memref<8x6400xf32, #tpu.memory_space<vmem>>, vector<16xf32>,
    %exp3A_2820 = math.exp %get3A_2819 : vector<16xf32>
    %add3A_2821 = arith.addf %add3A_2801, %exp3A_2820 : vector<16xf32>
    %get3A_2822 = arith.index_cast %sub3A_663 : i32 to index
    %get3A_2823 = arith.constant 5232 : index
    %get3A_2824 = tpu.vector_load %arg13[%get3A_2822, %get3A_2823] {strides = array<i32>} : memref<8x6400xf32, #tpu.memory_space<vmem>>, vector<16xf32>,
    %exp3A_2825 = math.exp %get3A_2824 : vector<16xf32>
    %add3A_2826 = arith.addf %add3A_2806, %exp3A_2825 : vector<16xf32>
    %get3A_2827 = arith.index_cast %sub3A_663 : i32 to index
    %get3A_2828 = arith.constant 5248 : index
    %get3A_2829 = tpu.vector_load %arg13[%get3A_2827, %get3A_2828] {strides = array<i32>} : memref<8x6400xf32, #tpu.memory_space<vmem>>, vector<16xf32>,
    %exp3A_2830 = math.exp %get3A_2829 : vector<16xf32>
    %add3A_2831 = arith.addf %add3A_2811, %exp3A_2830 : vector<16xf32>
    %get3A_2832 = arith.index_cast %sub3A_663 : i32 to index
    %get3A_2833 = arith.constant 5264 : index
    %get3A_2834 = tpu.vector_load %arg13[%get3A_2832, %get3A_2833] {strides = array<i32>} : memref<8x6400xf32, #tpu.memory_space<vmem>>, vector<16xf32>,
    %exp3A_2835 = math.exp %get3A_2834 : vector<16xf32>
    %add3A_2836 = arith.addf %add3A_2816, %exp3A_2835 : vector<16xf32>
    %get3A_2837 = arith.index_cast %sub3A_663 : i32 to index
    %get3A_2838 = arith.constant 5280 : index
    %get3A_2839 = tpu.vector_load %arg13[%get3A_2837, %get3A_2838] {strides = array<i32>} : memref<8x6400xf32, #tpu.memory_space<vmem>>, vector<16xf32>,
    %exp3A_2840 = math.exp %get3A_2839 : vector<16xf32>
    %add3A_2841 = arith.addf %add3A_2821, %exp3A_2840 : vector<16xf32>
    %get3A_2842 = arith.index_cast %sub3A_663 : i32 to index
    %get3A_2843 = arith.constant 5296 : index
    %get3A_2844 = tpu.vector_load %arg13[%get3A_2842, %get3A_2843] {strides = array<i32>} : memref<8x6400xf32, #tpu.memory_space<vmem>>, vector<16xf32>,
    %exp3A_2845 = math.exp %get3A_2844 : vector<16xf32>
    %add3A_2846 = arith.addf %add3A_2826, %exp3A_2845 : vector<16xf32>
    %get3A_2847 = arith.index_cast %sub3A_663 : i32 to index
    %get3A_2848 = arith.constant 5312 : index
    %get3A_2849 = tpu.vector_load %arg13[%get3A_2847, %get3A_2848] {strides = array<i32>} : memref<8x6400xf32, #tpu.memory_space<vmem>>, vector<16xf32>,
    %exp3A_2850 = math.exp %get3A_2849 : vector<16xf32>
    %add3A_2851 = arith.addf %add3A_2831, %exp3A_2850 : vector<16xf32>
    %get3A_2852 = arith.index_cast %sub3A_663 : i32 to index
    %get3A_2853 = arith.constant 5328 : index
    %get3A_2854 = tpu.vector_load %arg13[%get3A_2852, %get3A_2853] {strides = array<i32>} : memref<8x6400xf32, #tpu.memory_space<vmem>>, vector<16xf32>,
    %exp3A_2855 = math.exp %get3A_2854 : vector<16xf32>
    %add3A_2856 = arith.addf %add3A_2836, %exp3A_2855 : vector<16xf32>
    %get3A_2857 = arith.index_cast %sub3A_663 : i32 to index
    %get3A_2858 = arith.constant 5344 : index
    %get3A_2859 = tpu.vector_load %arg13[%get3A_2857, %get3A_2858] {strides = array<i32>} : memref<8x6400xf32, #tpu.memory_space<vmem>>, vector<16xf32>,
    %exp3A_2860 = math.exp %get3A_2859 : vector<16xf32>
    %add3A_2861 = arith.addf %add3A_2841, %exp3A_2860 : vector<16xf32>
    %get3A_2862 = arith.index_cast %sub3A_663 : i32 to index
    %get3A_2863 = arith.constant 5360 : index
    %get3A_2864 = tpu.vector_load %arg13[%get3A_2862, %get3A_2863] {strides = array<i32>} : memref<8x6400xf32, #tpu.memory_space<vmem>>, vector<16xf32>,
    %exp3A_2865 = math.exp %get3A_2864 : vector<16xf32>
    %add3A_2866 = arith.addf %add3A_2846, %exp3A_2865 : vector<16xf32>
    %add3A_2867 = arith.addf %add3A_2851, %add3A_2856 : vector<16xf32>
    %add3A_2868 = arith.addf %add3A_2861, %add3A_2866 : vector<16xf32>
    %add3A_2869 = arith.addf %add3A_2867, %add3A_2868 : vector<16xf32>
    %reduce_sum3A_2870 = arith.constant true
    %reduce_sum3A_2871 = vector.broadcast %reduce_sum3A_2870 : i1 to vector<16xi1>
    %reduce_sum3A_2872 = tpu.scan <sum>, %add3A_2869 masked %reduce_sum3A_2871 : vector<16xf32>, vector<16xi1> -> vector<16xf32>
    %reduce_sum3A_2873 = vector.extract %reduce_sum3A_2872[15] : f32 from vector<16xf32>
    %eq3A_2874 = arith.constant 4 : i32
    %eq3A_2875 = vector.broadcast %eq3A_2874 : i32 to vector<16xi32>
    %eq3A_2876 = arith.cmpi eq, %iota3A, %eq3A_2875 : vector<16xi32>
    %broadcast_in_dim3A_2877 = vector.broadcast %reduce_sum3A_2873 : f32 to vector<16xf32>
    %select_n3A_2878 = arith.select %eq3A_2876, %broadcast_in_dim3A_2877, %select_n3A_2778 : vector<16xi1>, vector<16xf32>
    %broadcast_in_dim3A_2879 = arith.constant 0.000000e+00 : f32
    %broadcast_in_dim3A_2880 = vector.broadcast %broadcast_in_dim3A_2879 : f32 to vector<16xf32>
    %broadcast_in_dim3A_2881 = arith.constant 0.000000e+00 : f32
    %broadcast_in_dim3A_2882 = vector.broadcast %broadcast_in_dim3A_2881 : f32 to vector<16xf32>
    %broadcast_in_dim3A_2883 = arith.constant 0.000000e+00 : f32
    %broadcast_in_dim3A_2884 = vector.broadcast %broadcast_in_dim3A_2883 : f32 to vector<16xf32>
    %broadcast_in_dim3A_2885 = arith.constant 0.000000e+00 : f32
    %broadcast_in_dim3A_2886 = vector.broadcast %broadcast_in_dim3A_2885 : f32 to vector<16xf32>
    %get3A_2887 = arith.index_cast %sub3A_663 : i32 to index
    %get3A_2888 = arith.constant 5376 : index
    %get3A_2889 = tpu.vector_load %arg13[%get3A_2887, %get3A_2888] {strides = array<i32>} : memref<8x6400xf32, #tpu.memory_space<vmem>>, vector<16xf32>,
    %exp3A_2890 = math.exp %get3A_2889 : vector<16xf32>
    %add3A_2891 = arith.addf %broadcast_in_dim3A_2880, %exp3A_2890 : vector<16xf32>
    %get3A_2892 = arith.index_cast %sub3A_663 : i32 to index
    %get3A_2893 = arith.constant 5392 : index
    %get3A_2894 = tpu.vector_load %arg13[%get3A_2892, %get3A_2893] {strides = array<i32>} : memref<8x6400xf32, #tpu.memory_space<vmem>>, vector<16xf32>,
    %exp3A_2895 = math.exp %get3A_2894 : vector<16xf32>
    %add3A_2896 = arith.addf %broadcast_in_dim3A_2882, %exp3A_2895 : vector<16xf32>
    %get3A_2897 = arith.index_cast %sub3A_663 : i32 to index
    %get3A_2898 = arith.constant 5408 : index
    %get3A_2899 = tpu.vector_load %arg13[%get3A_2897, %get3A_2898] {strides = array<i32>} : memref<8x6400xf32, #tpu.memory_space<vmem>>, vector<16xf32>,
    %exp3A_2900 = math.exp %get3A_2899 : vector<16xf32>
    %add3A_2901 = arith.addf %broadcast_in_dim3A_2884, %exp3A_2900 : vector<16xf32>
    %get3A_2902 = arith.index_cast %sub3A_663 : i32 to index
    %get3A_2903 = arith.constant 5424 : index
    %get3A_2904 = tpu.vector_load %arg13[%get3A_2902, %get3A_2903] {strides = array<i32>} : memref<8x6400xf32, #tpu.memory_space<vmem>>, vector<16xf32>,
    %exp3A_2905 = math.exp %get3A_2904 : vector<16xf32>
    %add3A_2906 = arith.addf %broadcast_in_dim3A_2886, %exp3A_2905 : vector<16xf32>
    %get3A_2907 = arith.index_cast %sub3A_663 : i32 to index
    %get3A_2908 = arith.constant 5440 : index
    %get3A_2909 = tpu.vector_load %arg13[%get3A_2907, %get3A_2908] {strides = array<i32>} : memref<8x6400xf32, #tpu.memory_space<vmem>>, vector<16xf32>,
    %exp3A_2910 = math.exp %get3A_2909 : vector<16xf32>
    %add3A_2911 = arith.addf %add3A_2891, %exp3A_2910 : vector<16xf32>
    %get3A_2912 = arith.index_cast %sub3A_663 : i32 to index
    %get3A_2913 = arith.constant 5456 : index
    %get3A_2914 = tpu.vector_load %arg13[%get3A_2912, %get3A_2913] {strides = array<i32>} : memref<8x6400xf32, #tpu.memory_space<vmem>>, vector<16xf32>,
    %exp3A_2915 = math.exp %get3A_2914 : vector<16xf32>
    %add3A_2916 = arith.addf %add3A_2896, %exp3A_2915 : vector<16xf32>
    %get3A_2917 = arith.index_cast %sub3A_663 : i32 to index
    %get3A_2918 = arith.constant 5472 : index
    %get3A_2919 = tpu.vector_load %arg13[%get3A_2917, %get3A_2918] {strides = array<i32>} : memref<8x6400xf32, #tpu.memory_space<vmem>>, vector<16xf32>,
    %exp3A_2920 = math.exp %get3A_2919 : vector<16xf32>
    %add3A_2921 = arith.addf %add3A_2901, %exp3A_2920 : vector<16xf32>
    %get3A_2922 = arith.index_cast %sub3A_663 : i32 to index
    %get3A_2923 = arith.constant 5488 : index
    %get3A_2924 = tpu.vector_load %arg13[%get3A_2922, %get3A_2923] {strides = array<i32>} : memref<8x6400xf32, #tpu.memory_space<vmem>>, vector<16xf32>,
    %exp3A_2925 = math.exp %get3A_2924 : vector<16xf32>
    %add3A_2926 = arith.addf %add3A_2906, %exp3A_2925 : vector<16xf32>
    %get3A_2927 = arith.index_cast %sub3A_663 : i32 to index
    %get3A_2928 = arith.constant 5504 : index
    %get3A_2929 = tpu.vector_load %arg13[%get3A_2927, %get3A_2928] {strides = array<i32>} : memref<8x6400xf32, #tpu.memory_space<vmem>>, vector<16xf32>,
    %exp3A_2930 = math.exp %get3A_2929 : vector<16xf32>
    %add3A_2931 = arith.addf %add3A_2911, %exp3A_2930 : vector<16xf32>
    %get3A_2932 = arith.index_cast %sub3A_663 : i32 to index
    %get3A_2933 = arith.constant 5520 : index
    %get3A_2934 = tpu.vector_load %arg13[%get3A_2932, %get3A_2933] {strides = array<i32>} : memref<8x6400xf32, #tpu.memory_space<vmem>>, vector<16xf32>,
    %exp3A_2935 = math.exp %get3A_2934 : vector<16xf32>
    %add3A_2936 = arith.addf %add3A_2916, %exp3A_2935 : vector<16xf32>
    %get3A_2937 = arith.index_cast %sub3A_663 : i32 to index
    %get3A_2938 = arith.constant 5536 : index
    %get3A_2939 = tpu.vector_load %arg13[%get3A_2937, %get3A_2938] {strides = array<i32>} : memref<8x6400xf32, #tpu.memory_space<vmem>>, vector<16xf32>,
    %exp3A_2940 = math.exp %get3A_2939 : vector<16xf32>
    %add3A_2941 = arith.addf %add3A_2921, %exp3A_2940 : vector<16xf32>
    %get3A_2942 = arith.index_cast %sub3A_663 : i32 to index
    %get3A_2943 = arith.constant 5552 : index
    %get3A_2944 = tpu.vector_load %arg13[%get3A_2942, %get3A_2943] {strides = array<i32>} : memref<8x6400xf32, #tpu.memory_space<vmem>>, vector<16xf32>,
    %exp3A_2945 = math.exp %get3A_2944 : vector<16xf32>
    %add3A_2946 = arith.addf %add3A_2926, %exp3A_2945 : vector<16xf32>
    %get3A_2947 = arith.index_cast %sub3A_663 : i32 to index
    %get3A_2948 = arith.constant 5568 : index
    %get3A_2949 = tpu.vector_load %arg13[%get3A_2947, %get3A_2948] {strides = array<i32>} : memref<8x6400xf32, #tpu.memory_space<vmem>>, vector<16xf32>,
    %exp3A_2950 = math.exp %get3A_2949 : vector<16xf32>
    %add3A_2951 = arith.addf %add3A_2931, %exp3A_2950 : vector<16xf32>
    %get3A_2952 = arith.index_cast %sub3A_663 : i32 to index
    %get3A_2953 = arith.constant 5584 : index
    %get3A_2954 = tpu.vector_load %arg13[%get3A_2952, %get3A_2953] {strides = array<i32>} : memref<8x6400xf32, #tpu.memory_space<vmem>>, vector<16xf32>,
    %exp3A_2955 = math.exp %get3A_2954 : vector<16xf32>
    %add3A_2956 = arith.addf %add3A_2936, %exp3A_2955 : vector<16xf32>
    %get3A_2957 = arith.index_cast %sub3A_663 : i32 to index
    %get3A_2958 = arith.constant 5600 : index
    %get3A_2959 = tpu.vector_load %arg13[%get3A_2957, %get3A_2958] {strides = array<i32>} : memref<8x6400xf32, #tpu.memory_space<vmem>>, vector<16xf32>,
    %exp3A_2960 = math.exp %get3A_2959 : vector<16xf32>
    %add3A_2961 = arith.addf %add3A_2941, %exp3A_2960 : vector<16xf32>
    %get3A_2962 = arith.index_cast %sub3A_663 : i32 to index
    %get3A_2963 = arith.constant 5616 : index
    %get3A_2964 = tpu.vector_load %arg13[%get3A_2962, %get3A_2963] {strides = array<i32>} : memref<8x6400xf32, #tpu.memory_space<vmem>>, vector<16xf32>,
    %exp3A_2965 = math.exp %get3A_2964 : vector<16xf32>
    %add3A_2966 = arith.addf %add3A_2946, %exp3A_2965 : vector<16xf32>
    %add3A_2967 = arith.addf %add3A_2951, %add3A_2956 : vector<16xf32>
    %add3A_2968 = arith.addf %add3A_2961, %add3A_2966 : vector<16xf32>
    %add3A_2969 = arith.addf %add3A_2967, %add3A_2968 : vector<16xf32>
    %reduce_sum3A_2970 = arith.constant true
    %reduce_sum3A_2971 = vector.broadcast %reduce_sum3A_2970 : i1 to vector<16xi1>
    %reduce_sum3A_2972 = tpu.scan <sum>, %add3A_2969 masked %reduce_sum3A_2971 : vector<16xf32>, vector<16xi1> -> vector<16xf32>
    %reduce_sum3A_2973 = vector.extract %reduce_sum3A_2972[15] : f32 from vector<16xf32>
    %eq3A_2974 = arith.constant 5 : i32
    %eq3A_2975 = vector.broadcast %eq3A_2974 : i32 to vector<16xi32>
    %eq3A_2976 = arith.cmpi eq, %iota3A, %eq3A_2975 : vector<16xi32>
    %broadcast_in_dim3A_2977 = vector.broadcast %reduce_sum3A_2973 : f32 to vector<16xf32>
    %select_n3A_2978 = arith.select %eq3A_2976, %broadcast_in_dim3A_2977, %select_n3A_2878 : vector<16xi1>, vector<16xf32>
    %broadcast_in_dim3A_2979 = arith.constant 0.000000e+00 : f32
    %broadcast_in_dim3A_2980 = vector.broadcast %broadcast_in_dim3A_2979 : f32 to vector<16xf32>
    %broadcast_in_dim3A_2981 = arith.constant 0.000000e+00 : f32
    %broadcast_in_dim3A_2982 = vector.broadcast %broadcast_in_dim3A_2981 : f32 to vector<16xf32>
    %broadcast_in_dim3A_2983 = arith.constant 0.000000e+00 : f32
    %broadcast_in_dim3A_2984 = vector.broadcast %broadcast_in_dim3A_2983 : f32 to vector<16xf32>
    %broadcast_in_dim3A_2985 = arith.constant 0.000000e+00 : f32
    %broadcast_in_dim3A_2986 = vector.broadcast %broadcast_in_dim3A_2985 : f32 to vector<16xf32>
    %get3A_2987 = arith.index_cast %sub3A_663 : i32 to index
    %get3A_2988 = arith.constant 5632 : index
    %get3A_2989 = tpu.vector_load %arg13[%get3A_2987, %get3A_2988] {strides = array<i32>} : memref<8x6400xf32, #tpu.memory_space<vmem>>, vector<16xf32>,
    %exp3A_2990 = math.exp %get3A_2989 : vector<16xf32>
    %add3A_2991 = arith.addf %broadcast_in_dim3A_2980, %exp3A_2990 : vector<16xf32>
    %get3A_2992 = arith.index_cast %sub3A_663 : i32 to index
    %get3A_2993 = arith.constant 5648 : index
    %get3A_2994 = tpu.vector_load %arg13[%get3A_2992, %get3A_2993] {strides = array<i32>} : memref<8x6400xf32, #tpu.memory_space<vmem>>, vector<16xf32>,
    %exp3A_2995 = math.exp %get3A_2994 : vector<16xf32>
    %add3A_2996 = arith.addf %broadcast_in_dim3A_2982, %exp3A_2995 : vector<16xf32>
    %get3A_2997 = arith.index_cast %sub3A_663 : i32 to index
    %get3A_2998 = arith.constant 5664 : index
    %get3A_2999 = tpu.vector_load %arg13[%get3A_2997, %get3A_2998] {strides = array<i32>} : memref<8x6400xf32, #tpu.memory_space<vmem>>, vector<16xf32>,
    %exp3A_3000 = math.exp %get3A_2999 : vector<16xf32>
    %add3A_3001 = arith.addf %broadcast_in_dim3A_2984, %exp3A_3000 : vector<16xf32>
    %get3A_3002 = arith.index_cast %sub3A_663 : i32 to index
    %get3A_3003 = arith.constant 5680 : index
    %get3A_3004 = tpu.vector_load %arg13[%get3A_3002, %get3A_3003] {strides = array<i32>} : memref<8x6400xf32, #tpu.memory_space<vmem>>, vector<16xf32>,
    %exp3A_3005 = math.exp %get3A_3004 : vector<16xf32>
    %add3A_3006 = arith.addf %broadcast_in_dim3A_2986, %exp3A_3005 : vector<16xf32>
    %get3A_3007 = arith.index_cast %sub3A_663 : i32 to index
    %get3A_3008 = arith.constant 5696 : index
    %get3A_3009 = tpu.vector_load %arg13[%get3A_3007, %get3A_3008] {strides = array<i32>} : memref<8x6400xf32, #tpu.memory_space<vmem>>, vector<16xf32>,
    %exp3A_3010 = math.exp %get3A_3009 : vector<16xf32>
    %add3A_3011 = arith.addf %add3A_2991, %exp3A_3010 : vector<16xf32>
    %get3A_3012 = arith.index_cast %sub3A_663 : i32 to index
    %get3A_3013 = arith.constant 5712 : index
    %get3A_3014 = tpu.vector_load %arg13[%get3A_3012, %get3A_3013] {strides = array<i32>} : memref<8x6400xf32, #tpu.memory_space<vmem>>, vector<16xf32>,
    %exp3A_3015 = math.exp %get3A_3014 : vector<16xf32>
    %add3A_3016 = arith.addf %add3A_2996, %exp3A_3015 : vector<16xf32>
    %get3A_3017 = arith.index_cast %sub3A_663 : i32 to index
    %get3A_3018 = arith.constant 5728 : index
    %get3A_3019 = tpu.vector_load %arg13[%get3A_3017, %get3A_3018] {strides = array<i32>} : memref<8x6400xf32, #tpu.memory_space<vmem>>, vector<16xf32>,
    %exp3A_3020 = math.exp %get3A_3019 : vector<16xf32>
    %add3A_3021 = arith.addf %add3A_3001, %exp3A_3020 : vector<16xf32>
    %get3A_3022 = arith.index_cast %sub3A_663 : i32 to index
    %get3A_3023 = arith.constant 5744 : index
    %get3A_3024 = tpu.vector_load %arg13[%get3A_3022, %get3A_3023] {strides = array<i32>} : memref<8x6400xf32, #tpu.memory_space<vmem>>, vector<16xf32>,
    %exp3A_3025 = math.exp %get3A_3024 : vector<16xf32>
    %add3A_3026 = arith.addf %add3A_3006, %exp3A_3025 : vector<16xf32>
    %get3A_3027 = arith.index_cast %sub3A_663 : i32 to index
    %get3A_3028 = arith.constant 5760 : index
    %get3A_3029 = tpu.vector_load %arg13[%get3A_3027, %get3A_3028] {strides = array<i32>} : memref<8x6400xf32, #tpu.memory_space<vmem>>, vector<16xf32>,
    %exp3A_3030 = math.exp %get3A_3029 : vector<16xf32>
    %add3A_3031 = arith.addf %add3A_3011, %exp3A_3030 : vector<16xf32>
    %get3A_3032 = arith.index_cast %sub3A_663 : i32 to index
    %get3A_3033 = arith.constant 5776 : index
    %get3A_3034 = tpu.vector_load %arg13[%get3A_3032, %get3A_3033] {strides = array<i32>} : memref<8x6400xf32, #tpu.memory_space<vmem>>, vector<16xf32>,
    %exp3A_3035 = math.exp %get3A_3034 : vector<16xf32>
    %add3A_3036 = arith.addf %add3A_3016, %exp3A_3035 : vector<16xf32>
    %get3A_3037 = arith.index_cast %sub3A_663 : i32 to index
    %get3A_3038 = arith.constant 5792 : index
    %get3A_3039 = tpu.vector_load %arg13[%get3A_3037, %get3A_3038] {strides = array<i32>} : memref<8x6400xf32, #tpu.memory_space<vmem>>, vector<16xf32>,
    %exp3A_3040 = math.exp %get3A_3039 : vector<16xf32>
    %add3A_3041 = arith.addf %add3A_3021, %exp3A_3040 : vector<16xf32>
    %get3A_3042 = arith.index_cast %sub3A_663 : i32 to index
    %get3A_3043 = arith.constant 5808 : index
    %get3A_3044 = tpu.vector_load %arg13[%get3A_3042, %get3A_3043] {strides = array<i32>} : memref<8x6400xf32, #tpu.memory_space<vmem>>, vector<16xf32>,
    %exp3A_3045 = math.exp %get3A_3044 : vector<16xf32>
    %add3A_3046 = arith.addf %add3A_3026, %exp3A_3045 : vector<16xf32>
    %get3A_3047 = arith.index_cast %sub3A_663 : i32 to index
    %get3A_3048 = arith.constant 5824 : index
    %get3A_3049 = tpu.vector_load %arg13[%get3A_3047, %get3A_3048] {strides = array<i32>} : memref<8x6400xf32, #tpu.memory_space<vmem>>, vector<16xf32>,
    %exp3A_3050 = math.exp %get3A_3049 : vector<16xf32>
    %add3A_3051 = arith.addf %add3A_3031, %exp3A_3050 : vector<16xf32>
    %get3A_3052 = arith.index_cast %sub3A_663 : i32 to index
    %get3A_3053 = arith.constant 5840 : index
    %get3A_3054 = tpu.vector_load %arg13[%get3A_3052, %get3A_3053] {strides = array<i32>} : memref<8x6400xf32, #tpu.memory_space<vmem>>, vector<16xf32>,
    %exp3A_3055 = math.exp %get3A_3054 : vector<16xf32>
    %add3A_3056 = arith.addf %add3A_3036, %exp3A_3055 : vector<16xf32>
    %get3A_3057 = arith.index_cast %sub3A_663 : i32 to index
    %get3A_3058 = arith.constant 5856 : index
    %get3A_3059 = tpu.vector_load %arg13[%get3A_3057, %get3A_3058] {strides = array<i32>} : memref<8x6400xf32, #tpu.memory_space<vmem>>, vector<16xf32>,
    %exp3A_3060 = math.exp %get3A_3059 : vector<16xf32>
    %add3A_3061 = arith.addf %add3A_3041, %exp3A_3060 : vector<16xf32>
    %get3A_3062 = arith.index_cast %sub3A_663 : i32 to index
    %get3A_3063 = arith.constant 5872 : index
    %get3A_3064 = tpu.vector_load %arg13[%get3A_3062, %get3A_3063] {strides = array<i32>} : memref<8x6400xf32, #tpu.memory_space<vmem>>, vector<16xf32>,
    %exp3A_3065 = math.exp %get3A_3064 : vector<16xf32>
    %add3A_3066 = arith.addf %add3A_3046, %exp3A_3065 : vector<16xf32>
    %add3A_3067 = arith.addf %add3A_3051, %add3A_3056 : vector<16xf32>
    %add3A_3068 = arith.addf %add3A_3061, %add3A_3066 : vector<16xf32>
    %add3A_3069 = arith.addf %add3A_3067, %add3A_3068 : vector<16xf32>
    %reduce_sum3A_3070 = arith.constant true
    %reduce_sum3A_3071 = vector.broadcast %reduce_sum3A_3070 : i1 to vector<16xi1>
    %reduce_sum3A_3072 = tpu.scan <sum>, %add3A_3069 masked %reduce_sum3A_3071 : vector<16xf32>, vector<16xi1> -> vector<16xf32>
    %reduce_sum3A_3073 = vector.extract %reduce_sum3A_3072[15] : f32 from vector<16xf32>
    %eq3A_3074 = arith.constant 6 : i32
    %eq3A_3075 = vector.broadcast %eq3A_3074 : i32 to vector<16xi32>
    %eq3A_3076 = arith.cmpi eq, %iota3A, %eq3A_3075 : vector<16xi32>
    %broadcast_in_dim3A_3077 = vector.broadcast %reduce_sum3A_3073 : f32 to vector<16xf32>
    %select_n3A_3078 = arith.select %eq3A_3076, %broadcast_in_dim3A_3077, %select_n3A_2978 : vector<16xi1>, vector<16xf32>
    %broadcast_in_dim3A_3079 = arith.constant 0.000000e+00 : f32
    %broadcast_in_dim3A_3080 = vector.broadcast %broadcast_in_dim3A_3079 : f32 to vector<16xf32>
    %broadcast_in_dim3A_3081 = arith.constant 0.000000e+00 : f32
    %broadcast_in_dim3A_3082 = vector.broadcast %broadcast_in_dim3A_3081 : f32 to vector<16xf32>
    %broadcast_in_dim3A_3083 = arith.constant 0.000000e+00 : f32
    %broadcast_in_dim3A_3084 = vector.broadcast %broadcast_in_dim3A_3083 : f32 to vector<16xf32>
    %broadcast_in_dim3A_3085 = arith.constant 0.000000e+00 : f32
    %broadcast_in_dim3A_3086 = vector.broadcast %broadcast_in_dim3A_3085 : f32 to vector<16xf32>
    %get3A_3087 = arith.index_cast %sub3A_663 : i32 to index
    %get3A_3088 = arith.constant 5888 : index
    %get3A_3089 = tpu.vector_load %arg13[%get3A_3087, %get3A_3088] {strides = array<i32>} : memref<8x6400xf32, #tpu.memory_space<vmem>>, vector<16xf32>,
    %exp3A_3090 = math.exp %get3A_3089 : vector<16xf32>
    %add3A_3091 = arith.addf %broadcast_in_dim3A_3080, %exp3A_3090 : vector<16xf32>
    %get3A_3092 = arith.index_cast %sub3A_663 : i32 to index
    %get3A_3093 = arith.constant 5904 : index
    %get3A_3094 = tpu.vector_load %arg13[%get3A_3092, %get3A_3093] {strides = array<i32>} : memref<8x6400xf32, #tpu.memory_space<vmem>>, vector<16xf32>,
    %exp3A_3095 = math.exp %get3A_3094 : vector<16xf32>
    %add3A_3096 = arith.addf %broadcast_in_dim3A_3082, %exp3A_3095 : vector<16xf32>
    %get3A_3097 = arith.index_cast %sub3A_663 : i32 to index
    %get3A_3098 = arith.constant 5920 : index
    %get3A_3099 = tpu.vector_load %arg13[%get3A_3097, %get3A_3098] {strides = array<i32>} : memref<8x6400xf32, #tpu.memory_space<vmem>>, vector<16xf32>,
    %exp3A_3100 = math.exp %get3A_3099 : vector<16xf32>
    %add3A_3101 = arith.addf %broadcast_in_dim3A_3084, %exp3A_3100 : vector<16xf32>
    %get3A_3102 = arith.index_cast %sub3A_663 : i32 to index
    %get3A_3103 = arith.constant 5936 : index
    %get3A_3104 = tpu.vector_load %arg13[%get3A_3102, %get3A_3103] {strides = array<i32>} : memref<8x6400xf32, #tpu.memory_space<vmem>>, vector<16xf32>,
    %exp3A_3105 = math.exp %get3A_3104 : vector<16xf32>
    %add3A_3106 = arith.addf %broadcast_in_dim3A_3086, %exp3A_3105 : vector<16xf32>
    %get3A_3107 = arith.index_cast %sub3A_663 : i32 to index
    %get3A_3108 = arith.constant 5952 : index
    %get3A_3109 = tpu.vector_load %arg13[%get3A_3107, %get3A_3108] {strides = array<i32>} : memref<8x6400xf32, #tpu.memory_space<vmem>>, vector<16xf32>,
    %exp3A_3110 = math.exp %get3A_3109 : vector<16xf32>
    %add3A_3111 = arith.addf %add3A_3091, %exp3A_3110 : vector<16xf32>
    %get3A_3112 = arith.index_cast %sub3A_663 : i32 to index
    %get3A_3113 = arith.constant 5968 : index
    %get3A_3114 = tpu.vector_load %arg13[%get3A_3112, %get3A_3113] {strides = array<i32>} : memref<8x6400xf32, #tpu.memory_space<vmem>>, vector<16xf32>,
    %exp3A_3115 = math.exp %get3A_3114 : vector<16xf32>
    %add3A_3116 = arith.addf %add3A_3096, %exp3A_3115 : vector<16xf32>
    %get3A_3117 = arith.index_cast %sub3A_663 : i32 to index
    %get3A_3118 = arith.constant 5984 : index
    %get3A_3119 = tpu.vector_load %arg13[%get3A_3117, %get3A_3118] {strides = array<i32>} : memref<8x6400xf32, #tpu.memory_space<vmem>>, vector<16xf32>,
    %exp3A_3120 = math.exp %get3A_3119 : vector<16xf32>
    %add3A_3121 = arith.addf %add3A_3101, %exp3A_3120 : vector<16xf32>
    %get3A_3122 = arith.index_cast %sub3A_663 : i32 to index
    %get3A_3123 = arith.constant 6000 : index
    %get3A_3124 = tpu.vector_load %arg13[%get3A_3122, %get3A_3123] {strides = array<i32>} : memref<8x6400xf32, #tpu.memory_space<vmem>>, vector<16xf32>,
    %exp3A_3125 = math.exp %get3A_3124 : vector<16xf32>
    %add3A_3126 = arith.addf %add3A_3106, %exp3A_3125 : vector<16xf32>
    %get3A_3127 = arith.index_cast %sub3A_663 : i32 to index
    %get3A_3128 = arith.constant 6016 : index
    %get3A_3129 = tpu.vector_load %arg13[%get3A_3127, %get3A_3128] {strides = array<i32>} : memref<8x6400xf32, #tpu.memory_space<vmem>>, vector<16xf32>,
    %exp3A_3130 = math.exp %get3A_3129 : vector<16xf32>
    %add3A_3131 = arith.addf %add3A_3111, %exp3A_3130 : vector<16xf32>
    %get3A_3132 = arith.index_cast %sub3A_663 : i32 to index
    %get3A_3133 = arith.constant 6032 : index
    %get3A_3134 = tpu.vector_load %arg13[%get3A_3132, %get3A_3133] {strides = array<i32>} : memref<8x6400xf32, #tpu.memory_space<vmem>>, vector<16xf32>,
    %exp3A_3135 = math.exp %get3A_3134 : vector<16xf32>
    %add3A_3136 = arith.addf %add3A_3116, %exp3A_3135 : vector<16xf32>
    %get3A_3137 = arith.index_cast %sub3A_663 : i32 to index
    %get3A_3138 = arith.constant 6048 : index
    %get3A_3139 = tpu.vector_load %arg13[%get3A_3137, %get3A_3138] {strides = array<i32>} : memref<8x6400xf32, #tpu.memory_space<vmem>>, vector<16xf32>,
    %exp3A_3140 = math.exp %get3A_3139 : vector<16xf32>
    %add3A_3141 = arith.addf %add3A_3121, %exp3A_3140 : vector<16xf32>
    %get3A_3142 = arith.index_cast %sub3A_663 : i32 to index
    %get3A_3143 = arith.constant 6064 : index
    %get3A_3144 = tpu.vector_load %arg13[%get3A_3142, %get3A_3143] {strides = array<i32>} : memref<8x6400xf32, #tpu.memory_space<vmem>>, vector<16xf32>,
    %exp3A_3145 = math.exp %get3A_3144 : vector<16xf32>
    %add3A_3146 = arith.addf %add3A_3126, %exp3A_3145 : vector<16xf32>
    %get3A_3147 = arith.index_cast %sub3A_663 : i32 to index
    %get3A_3148 = arith.constant 6080 : index
    %get3A_3149 = tpu.vector_load %arg13[%get3A_3147, %get3A_3148] {strides = array<i32>} : memref<8x6400xf32, #tpu.memory_space<vmem>>, vector<16xf32>,
    %exp3A_3150 = math.exp %get3A_3149 : vector<16xf32>
    %add3A_3151 = arith.addf %add3A_3131, %exp3A_3150 : vector<16xf32>
    %get3A_3152 = arith.index_cast %sub3A_663 : i32 to index
    %get3A_3153 = arith.constant 6096 : index
    %get3A_3154 = tpu.vector_load %arg13[%get3A_3152, %get3A_3153] {strides = array<i32>} : memref<8x6400xf32, #tpu.memory_space<vmem>>, vector<16xf32>,
    %exp3A_3155 = math.exp %get3A_3154 : vector<16xf32>
    %add3A_3156 = arith.addf %add3A_3136, %exp3A_3155 : vector<16xf32>
    %get3A_3157 = arith.index_cast %sub3A_663 : i32 to index
    %get3A_3158 = arith.constant 6112 : index
    %get3A_3159 = tpu.vector_load %arg13[%get3A_3157, %get3A_3158] {strides = array<i32>} : memref<8x6400xf32, #tpu.memory_space<vmem>>, vector<16xf32>,
    %exp3A_3160 = math.exp %get3A_3159 : vector<16xf32>
    %add3A_3161 = arith.addf %add3A_3141, %exp3A_3160 : vector<16xf32>
    %get3A_3162 = arith.index_cast %sub3A_663 : i32 to index
    %get3A_3163 = arith.constant 6128 : index
    %get3A_3164 = tpu.vector_load %arg13[%get3A_3162, %get3A_3163] {strides = array<i32>} : memref<8x6400xf32, #tpu.memory_space<vmem>>, vector<16xf32>,
    %exp3A_3165 = math.exp %get3A_3164 : vector<16xf32>
    %add3A_3166 = arith.addf %add3A_3146, %exp3A_3165 : vector<16xf32>
    %add3A_3167 = arith.addf %add3A_3151, %add3A_3156 : vector<16xf32>
    %add3A_3168 = arith.addf %add3A_3161, %add3A_3166 : vector<16xf32>
    %add3A_3169 = arith.addf %add3A_3167, %add3A_3168 : vector<16xf32>
    %reduce_sum3A_3170 = arith.constant true
    %reduce_sum3A_3171 = vector.broadcast %reduce_sum3A_3170 : i1 to vector<16xi1>
    %reduce_sum3A_3172 = tpu.scan <sum>, %add3A_3169 masked %reduce_sum3A_3171 : vector<16xf32>, vector<16xi1> -> vector<16xf32>
    %reduce_sum3A_3173 = vector.extract %reduce_sum3A_3172[15] : f32 from vector<16xf32>
    %eq3A_3174 = arith.constant 7 : i32
    %eq3A_3175 = vector.broadcast %eq3A_3174 : i32 to vector<16xi32>
    %eq3A_3176 = arith.cmpi eq, %iota3A, %eq3A_3175 : vector<16xi32>
    %broadcast_in_dim3A_3177 = vector.broadcast %reduce_sum3A_3173 : f32 to vector<16xf32>
    %select_n3A_3178 = arith.select %eq3A_3176, %broadcast_in_dim3A_3177, %select_n3A_3078 : vector<16xi1>, vector<16xf32>
    %broadcast_in_dim3A_3179 = arith.constant 0.000000e+00 : f32
    %broadcast_in_dim3A_3180 = vector.broadcast %broadcast_in_dim3A_3179 : f32 to vector<16xf32>
    %broadcast_in_dim3A_3181 = arith.constant 0.000000e+00 : f32
    %broadcast_in_dim3A_3182 = vector.broadcast %broadcast_in_dim3A_3181 : f32 to vector<16xf32>
    %broadcast_in_dim3A_3183 = arith.constant 0.000000e+00 : f32
    %broadcast_in_dim3A_3184 = vector.broadcast %broadcast_in_dim3A_3183 : f32 to vector<16xf32>
    %broadcast_in_dim3A_3185 = arith.constant 0.000000e+00 : f32
    %broadcast_in_dim3A_3186 = vector.broadcast %broadcast_in_dim3A_3185 : f32 to vector<16xf32>
    %get3A_3187 = arith.index_cast %sub3A_663 : i32 to index
    %get3A_3188 = arith.constant 6144 : index
    %get3A_3189 = tpu.vector_load %arg13[%get3A_3187, %get3A_3188] {strides = array<i32>} : memref<8x6400xf32, #tpu.memory_space<vmem>>, vector<16xf32>,
    %exp3A_3190 = math.exp %get3A_3189 : vector<16xf32>
    %add3A_3191 = arith.addf %broadcast_in_dim3A_3180, %exp3A_3190 : vector<16xf32>
    %get3A_3192 = arith.index_cast %sub3A_663 : i32 to index
    %get3A_3193 = arith.constant 6160 : index
    %get3A_3194 = tpu.vector_load %arg13[%get3A_3192, %get3A_3193] {strides = array<i32>} : memref<8x6400xf32, #tpu.memory_space<vmem>>, vector<16xf32>,
    %exp3A_3195 = math.exp %get3A_3194 : vector<16xf32>
    %add3A_3196 = arith.addf %broadcast_in_dim3A_3182, %exp3A_3195 : vector<16xf32>
    %get3A_3197 = arith.index_cast %sub3A_663 : i32 to index
    %get3A_3198 = arith.constant 6176 : index
    %get3A_3199 = tpu.vector_load %arg13[%get3A_3197, %get3A_3198] {strides = array<i32>} : memref<8x6400xf32, #tpu.memory_space<vmem>>, vector<16xf32>,
    %exp3A_3200 = math.exp %get3A_3199 : vector<16xf32>
    %add3A_3201 = arith.addf %broadcast_in_dim3A_3184, %exp3A_3200 : vector<16xf32>
    %get3A_3202 = arith.index_cast %sub3A_663 : i32 to index
    %get3A_3203 = arith.constant 6192 : index
    %get3A_3204 = tpu.vector_load %arg13[%get3A_3202, %get3A_3203] {strides = array<i32>} : memref<8x6400xf32, #tpu.memory_space<vmem>>, vector<16xf32>,
    %exp3A_3205 = math.exp %get3A_3204 : vector<16xf32>
    %add3A_3206 = arith.addf %broadcast_in_dim3A_3186, %exp3A_3205 : vector<16xf32>
    %get3A_3207 = arith.index_cast %sub3A_663 : i32 to index
    %get3A_3208 = arith.constant 6208 : index
    %get3A_3209 = tpu.vector_load %arg13[%get3A_3207, %get3A_3208] {strides = array<i32>} : memref<8x6400xf32, #tpu.memory_space<vmem>>, vector<16xf32>,
    %exp3A_3210 = math.exp %get3A_3209 : vector<16xf32>
    %add3A_3211 = arith.addf %add3A_3191, %exp3A_3210 : vector<16xf32>
    %get3A_3212 = arith.index_cast %sub3A_663 : i32 to index
    %get3A_3213 = arith.constant 6224 : index
    %get3A_3214 = tpu.vector_load %arg13[%get3A_3212, %get3A_3213] {strides = array<i32>} : memref<8x6400xf32, #tpu.memory_space<vmem>>, vector<16xf32>,
    %exp3A_3215 = math.exp %get3A_3214 : vector<16xf32>
    %add3A_3216 = arith.addf %add3A_3196, %exp3A_3215 : vector<16xf32>
    %get3A_3217 = arith.index_cast %sub3A_663 : i32 to index
    %get3A_3218 = arith.constant 6240 : index
    %get3A_3219 = tpu.vector_load %arg13[%get3A_3217, %get3A_3218] {strides = array<i32>} : memref<8x6400xf32, #tpu.memory_space<vmem>>, vector<16xf32>,
    %exp3A_3220 = math.exp %get3A_3219 : vector<16xf32>
    %add3A_3221 = arith.addf %add3A_3201, %exp3A_3220 : vector<16xf32>
    %get3A_3222 = arith.index_cast %sub3A_663 : i32 to index
    %get3A_3223 = arith.constant 6256 : index
    %get3A_3224 = tpu.vector_load %arg13[%get3A_3222, %get3A_3223] {strides = array<i32>} : memref<8x6400xf32, #tpu.memory_space<vmem>>, vector<16xf32>,
    %exp3A_3225 = math.exp %get3A_3224 : vector<16xf32>
    %add3A_3226 = arith.addf %add3A_3206, %exp3A_3225 : vector<16xf32>
    %get3A_3227 = arith.index_cast %sub3A_663 : i32 to index
    %get3A_3228 = arith.constant 6272 : index
    %get3A_3229 = tpu.vector_load %arg13[%get3A_3227, %get3A_3228] {strides = array<i32>} : memref<8x6400xf32, #tpu.memory_space<vmem>>, vector<16xf32>,
    %exp3A_3230 = math.exp %get3A_3229 : vector<16xf32>
    %add3A_3231 = arith.addf %add3A_3211, %exp3A_3230 : vector<16xf32>
    %get3A_3232 = arith.index_cast %sub3A_663 : i32 to index
    %get3A_3233 = arith.constant 6288 : index
    %get3A_3234 = tpu.vector_load %arg13[%get3A_3232, %get3A_3233] {strides = array<i32>} : memref<8x6400xf32, #tpu.memory_space<vmem>>, vector<16xf32>,
    %exp3A_3235 = math.exp %get3A_3234 : vector<16xf32>
    %add3A_3236 = arith.addf %add3A_3216, %exp3A_3235 : vector<16xf32>
    %get3A_3237 = arith.index_cast %sub3A_663 : i32 to index
    %get3A_3238 = arith.constant 6304 : index
    %get3A_3239 = tpu.vector_load %arg13[%get3A_3237, %get3A_3238] {strides = array<i32>} : memref<8x6400xf32, #tpu.memory_space<vmem>>, vector<16xf32>,
    %exp3A_3240 = math.exp %get3A_3239 : vector<16xf32>
    %add3A_3241 = arith.addf %add3A_3221, %exp3A_3240 : vector<16xf32>
    %get3A_3242 = arith.index_cast %sub3A_663 : i32 to index
    %get3A_3243 = arith.constant 6320 : index
    %get3A_3244 = tpu.vector_load %arg13[%get3A_3242, %get3A_3243] {strides = array<i32>} : memref<8x6400xf32, #tpu.memory_space<vmem>>, vector<16xf32>,
    %exp3A_3245 = math.exp %get3A_3244 : vector<16xf32>
    %add3A_3246 = arith.addf %add3A_3226, %exp3A_3245 : vector<16xf32>
    %get3A_3247 = arith.index_cast %sub3A_663 : i32 to index
    %get3A_3248 = arith.constant 6336 : index
    %get3A_3249 = tpu.vector_load %arg13[%get3A_3247, %get3A_3248] {strides = array<i32>} : memref<8x6400xf32, #tpu.memory_space<vmem>>, vector<16xf32>,
    %exp3A_3250 = math.exp %get3A_3249 : vector<16xf32>
    %add3A_3251 = arith.addf %add3A_3231, %exp3A_3250 : vector<16xf32>
    %get3A_3252 = arith.index_cast %sub3A_663 : i32 to index
    %get3A_3253 = arith.constant 6352 : index
    %get3A_3254 = tpu.vector_load %arg13[%get3A_3252, %get3A_3253] {strides = array<i32>} : memref<8x6400xf32, #tpu.memory_space<vmem>>, vector<16xf32>,
    %exp3A_3255 = math.exp %get3A_3254 : vector<16xf32>
    %add3A_3256 = arith.addf %add3A_3236, %exp3A_3255 : vector<16xf32>
    %get3A_3257 = arith.index_cast %sub3A_663 : i32 to index
    %get3A_3258 = arith.constant 6368 : index
    %get3A_3259 = tpu.vector_load %arg13[%get3A_3257, %get3A_3258] {strides = array<i32>} : memref<8x6400xf32, #tpu.memory_space<vmem>>, vector<16xf32>,
    %exp3A_3260 = math.exp %get3A_3259 : vector<16xf32>
    %add3A_3261 = arith.addf %add3A_3241, %exp3A_3260 : vector<16xf32>
    %get3A_3262 = arith.index_cast %sub3A_663 : i32 to index
    %get3A_3263 = arith.constant 6384 : index
    %get3A_3264 = tpu.vector_load %arg13[%get3A_3262, %get3A_3263] {strides = array<i32>} : memref<8x6400xf32, #tpu.memory_space<vmem>>, vector<16xf32>,
    %exp3A_3265 = math.exp %get3A_3264 : vector<16xf32>
    %add3A_3266 = arith.addf %add3A_3246, %exp3A_3265 : vector<16xf32>
    %add3A_3267 = arith.addf %add3A_3251, %add3A_3256 : vector<16xf32>
    %add3A_3268 = arith.addf %add3A_3261, %add3A_3266 : vector<16xf32>
    %add3A_3269 = arith.addf %add3A_3267, %add3A_3268 : vector<16xf32>
    %reduce_sum3A_3270 = arith.constant true
    %reduce_sum3A_3271 = vector.broadcast %reduce_sum3A_3270 : i1 to vector<16xi1>
    %reduce_sum3A_3272 = tpu.scan <sum>, %add3A_3269 masked %reduce_sum3A_3271 : vector<16xf32>, vector<16xi1> -> vector<16xf32>
    %reduce_sum3A_3273 = vector.extract %reduce_sum3A_3272[15] : f32 from vector<16xf32>
    %eq3A_3274 = arith.constant 8 : i32
    %eq3A_3275 = vector.broadcast %eq3A_3274 : i32 to vector<16xi32>
    %eq3A_3276 = arith.cmpi eq, %iota3A, %eq3A_3275 : vector<16xi32>
    %broadcast_in_dim3A_3277 = vector.broadcast %reduce_sum3A_3273 : f32 to vector<16xf32>
    %select_n3A_3278 = arith.select %eq3A_3276, %broadcast_in_dim3A_3277, %select_n3A_3178 : vector<16xi1>, vector<16xf32>
    %ge3A = vector.broadcast %select_n3A_636 : i32 to vector<16xi32>
    %ge3A_3279 = arith.cmpi sge, %iota3A, %ge3A : vector<16xi32>
    %jit3A_3280 = arith.constant 0.000000e+00 : f32
    %broadcast_in_dim3A_3281 = vector.broadcast %jit3A_3280 : f32 to vector<16xf32>
    %select_n3A_3282 = arith.select %ge3A_3279, %select_n3A_2364, %broadcast_in_dim3A_3281 : vector<16xi1>, vector<16xf32>
    %broadcast_in_dim3A_3283 = arith.constant true
    %broadcast_in_dim3A_3284 = vector.broadcast %broadcast_in_dim3A_3283 : i1 to vector<16xi1>
    %masked_cumsum3A_3285 = tpu.scan <sum>, %select_n3A_3282 masked %broadcast_in_dim3A_3284 : vector<16xf32>, vector<16xi1> -> vector<16xf32>
    %broadcast_in_dim3A_3286 = arith.constant true
    %broadcast_in_dim3A_3287 = vector.broadcast %broadcast_in_dim3A_3286 : i1 to vector<16xi1>
    %masked_cumsum3A_3288 = tpu.scan <sum>, %select_n3A_3278 masked %broadcast_in_dim3A_3287 : vector<16xf32>, vector<16xi1> -> vector<16xf32>
    %reduce_max3A_3289 = arith.constant true
    %reduce_max3A_3290 = vector.broadcast %reduce_max3A_3289 : i1 to vector<16xi1>
    %reduce_max3A_3291 = tpu.scan <max>, %masked_cumsum3A_3285 masked %reduce_max3A_3290 : vector<16xf32>, vector<16xi1> -> vector<16xf32>
    %reduce_max3A_3292 = vector.extract %reduce_max3A_3291[15] : f32 from vector<16xf32>
    %add3A_3293 = vector.broadcast %reduce_max3A_3292 : f32 to vector<16xf32>
    %add3A_3294 = arith.addf %masked_cumsum3A_3288, %add3A_3293 : vector<16xf32>
    %reduce_max3A_3295 = arith.constant true
    %reduce_max3A_3296 = vector.broadcast %reduce_max3A_3295 : i1 to vector<16xi1>
    %reduce_max3A_3297 = tpu.scan <max>, %add3A_3294 masked %reduce_max3A_3296 : vector<16xf32>, vector<16xi1> -> vector<16xf32>
    %reduce_max3A_3298 = vector.extract %reduce_max3A_3297[15] : f32 from vector<16xf32>
    %broadcast_in_dim3A_3299 = vector.broadcast %reduce_max3A_3298 : f32 to vector<16xf32>
    %swap3A = arith.constant 0 : index
    %swap3A_3300 = tpu.vector_load %arg14[%swap3A] {strides = array<i32>} : memref<16xf32, #tpu.memory_space<vmem>>, vector<16xf32>,
    tpu.vector_store %arg14[%swap3A], %broadcast_in_dim3A_3299 {strides = array<i32>} : memref<16xf32, #tpu.memory_space<vmem>>, vector<16xf32>,
    %mul3A_3301 = arith.constant 16 : i32
    %mul3A_3302 = arith.muli %arg1, %mul3A_3301 : i32
    "tpu.region"() ({
      %run_scoped3A = tpu.sem_alloc : memref<!tpu.dma_semaphore, #tpu.memory_space<semaphore_mem>>
      %dma_start3A_3434 = tpu.memref_slice %arg20[%mul3A_3302] : memref<256xf32, #tpu.memory_space<vmem_shared>> -> memref<16xf32, #tpu.memory_space<vmem_shared>>
      %dma_start3A_3435 = tpu.memref_slice %arg20[%mul3A_3302] : memref<256xf32, #tpu.memory_space<vmem_shared>> -> memref<16xf32, #tpu.memory_space<vmem_shared>>
      tpu.enqueue_dma source(%arg14 : memref<16xf32, #tpu.memory_space<vmem>>) target(%dma_start3A_3435 : memref<16xf32, #tpu.memory_space<vmem_shared>>) target_semaphore(%run_scoped3A : memref<!tpu.dma_semaphore, #tpu.memory_space<semaphore_mem>>)
      %dma_wait3A_3436 = tpu.memref_slice %arg20[%mul3A_3302] : memref<256xf32, #tpu.memory_space<vmem_shared>> -> memref<16xf32, #tpu.memory_space<vmem_shared>>
      %dma_wait3A_3437 = tpu.memref_slice %arg20[%mul3A_3302] : memref<256xf32, #tpu.memory_space<vmem_shared>> -> memref<16xf32, #tpu.memory_space<vmem_shared>>
      tpu.wait_dma2 semaphore(%run_scoped3A : memref<!tpu.dma_semaphore, #tpu.memory_space<semaphore_mem>>) src(%arg14 : memref<16xf32, #tpu.memory_space<vmem>>) dst(%dma_wait3A_3437 : memref<16xf32, #tpu.memory_space<vmem_shared>>)
      tpu.yield
    }) : () -> ()
    %barrier3A = arith.constant 0 : index
    tpu.barrier barrier_id(%barrier3A)
    "tpu.region"() ({
      %run_scoped3A = tpu.sem_alloc : memref<!tpu.dma_semaphore, #tpu.memory_space<semaphore_mem>>
      tpu.enqueue_dma source(%arg20 : memref<256xf32, #tpu.memory_space<vmem_shared>>) target(%arg16 : memref<256xf32, #tpu.memory_space<vmem>>) target_semaphore(%run_scoped3A : memref<!tpu.dma_semaphore, #tpu.memory_space<semaphore_mem>>)
      tpu.wait_dma2 semaphore(%run_scoped3A : memref<!tpu.dma_semaphore, #tpu.memory_space<semaphore_mem>>) src(%arg20 : memref<256xf32, #tpu.memory_space<vmem_shared>>) dst(%arg16 : memref<256xf32, #tpu.memory_space<vmem>>)
      tpu.yield
    }) : () -> ()
    %mul3A_3303 = arith.constant 16 : i32
    %mul3A_3304 = vector.broadcast %mul3A_3303 : i32 to vector<16xi32>
    %mul3A_3305 = arith.muli %iota3A, %mul3A_3304 : vector<16xi32>
    %gather3A = tpu.vector_load_idx %arg16[%mul3A_3305] : memref<256xf32, #tpu.memory_space<vmem>>[vector<16xi32>], vector<16xf32>,
    %reduce_sum3A_3306 = arith.constant true
    %reduce_sum3A_3307 = vector.broadcast %reduce_sum3A_3306 : i1 to vector<16xi1>
    %reduce_sum3A_3308 = tpu.scan <sum>, %gather3A masked %reduce_sum3A_3307 : vector<16xf32>, vector<16xi1> -> vector<16xf32>
    %reduce_sum3A_3309 = vector.extract %reduce_sum3A_3308[15] : f32 from vector<16xf32>
    %lt3A_3310 = vector.broadcast %arg1 : i32 to vector<16xi32>
    %lt3A_3311 = arith.cmpi slt, %iota3A, %lt3A_3310 : vector<16xi32>
    %jit3A_3312 = arith.constant 0.000000e+00 : f32
    %broadcast_in_dim3A_3313 = vector.broadcast %jit3A_3312 : f32 to vector<16xf32>
    %select_n3A_3314 = arith.select %lt3A_3311, %gather3A, %broadcast_in_dim3A_3313 : vector<16xi1>, vector<16xf32>
    %reduce_sum3A_3315 = arith.constant true
    %reduce_sum3A_3316 = vector.broadcast %reduce_sum3A_3315 : i1 to vector<16xi1>
    %reduce_sum3A_3317 = tpu.scan <sum>, %select_n3A_3314 masked %reduce_sum3A_3316 : vector<16xf32>, vector<16xi1> -> vector<16xf32>
    %reduce_sum3A_3318 = vector.extract %reduce_sum3A_3317[15] : f32 from vector<16xf32>
    %sub3A_3319 = arith.constant 1.000000e+00 : f32
    %sub3A_3320 = arith.subf %sub3A_3319, %reduce_sum3A_484 : f32
    %mul3A_3321 = arith.mulf %reduce_sum3A_3309, %sub3A_3320 : f32
    %sub3A_3322 = arith.subf %mul3A_3321, %reduce_sum3A_3318 : f32
    %lt3A_3323 = vector.broadcast %sub3A_3322 : f32 to vector<16xf32>
    %lt3A_3324 = arith.cmpf olt, %masked_cumsum3A_3285, %lt3A_3323 : vector<16xf32>
    %ge3A_3325 = vector.broadcast %select_n3A_636 : i32 to vector<16xi32>
    %ge3A_3326 = arith.cmpi sge, %iota3A, %ge3A_3325 : vector<16xi32>
    %and3A_3327 = arith.andi %lt3A_3324, %ge3A_3326 : vector<16xi1>
    %lt3A_3328 = vector.broadcast %sub3A_3322 : f32 to vector<16xf32>
    %lt3A_3329 = arith.cmpf olt, %add3A_3294, %lt3A_3328 : vector<16xf32>
    %lt3A_3330 = arith.constant 9 : i32
    %lt3A_3331 = vector.broadcast %lt3A_3330 : i32 to vector<16xi32>
    %lt3A_3332 = arith.cmpi slt, %iota3A, %lt3A_3331 : vector<16xi32>
    %and3A_3333 = arith.andi %lt3A_3329, %lt3A_3332 : vector<16xi1>
    %all_reduce_population_count3A_3334 = tpu.all_reduce %and3A_3327 {dim = 0 : i64, kind = #tpu.reduction_kind<sum>} : vector<16xi1> -> vector<16xi32>
    %reduce_max3A_3335 = arith.constant true
    %reduce_max3A_3336 = vector.broadcast %reduce_max3A_3335 : i1 to vector<16xi1>
    %reduce_max3A_3337 = arith.constant -2147483648 : i32
    %reduce_max3A_3338 = vector.broadcast %reduce_max3A_3337 : i32 to vector<16xi32>
    %reduce_max3A_3339 = arith.xori %all_reduce_population_count3A_3334, %reduce_max3A_3338 : vector<16xi32>
    %reduce_max3A_3340 = tpu.scan <max>, %reduce_max3A_3339 masked %reduce_max3A_3336 : vector<16xi32>, vector<16xi1> -> vector<16xi32>
    %reduce_max3A_3341 = arith.xori %reduce_max3A_3340, %reduce_max3A_3338 : vector<16xi32>
    %reduce_max3A_3342 = vector.extract %reduce_max3A_3341[15] : i32 from vector<16xi32>
    %all_reduce_population_count3A_3343 = tpu.all_reduce %and3A_3333 {dim = 0 : i64, kind = #tpu.reduction_kind<sum>} : vector<16xi1> -> vector<16xi32>
    %reduce_max3A_3344 = arith.constant true
    %reduce_max3A_3345 = vector.broadcast %reduce_max3A_3344 : i1 to vector<16xi1>
    %reduce_max3A_3346 = arith.constant -2147483648 : i32
    %reduce_max3A_3347 = vector.broadcast %reduce_max3A_3346 : i32 to vector<16xi32>
    %reduce_max3A_3348 = arith.xori %all_reduce_population_count3A_3343, %reduce_max3A_3347 : vector<16xi32>
    %reduce_max3A_3349 = tpu.scan <max>, %reduce_max3A_3348 masked %reduce_max3A_3345 : vector<16xi32>, vector<16xi1> -> vector<16xi32>
    %reduce_max3A_3350 = arith.xori %reduce_max3A_3349, %reduce_max3A_3347 : vector<16xi32>
    %reduce_max3A_3351 = vector.extract %reduce_max3A_3350[15] : i32 from vector<16xi32>
    %add3A_3352 = arith.addi %reduce_max3A_3342, %reduce_max3A_3351 : i32
    %add3A_3353 = arith.addi %select_n3A_636, %add3A_3352 : i32
    %sub3A_3354 = arith.constant 1 : i32
    %sub3A_3355 = arith.subi %add3A_3353, %sub3A_3354 : i32
    %eq3A_3356 = vector.broadcast %sub3A_3355 : i32 to vector<16xi32>
    %eq3A_3357 = arith.cmpi eq, %iota3A, %eq3A_3356 : vector<16xi32>
    %jit3A_3358 = arith.constant 0.000000e+00 : f32
    %broadcast_in_dim3A_3359 = vector.broadcast %jit3A_3358 : f32 to vector<16xf32>
    %select_n3A_3360 = arith.select %eq3A_3357, %masked_cumsum3A_3285, %broadcast_in_dim3A_3359 : vector<16xi1>, vector<16xf32>
    %reduce_sum3A_3361 = arith.constant true
    %reduce_sum3A_3362 = vector.broadcast %reduce_sum3A_3361 : i1 to vector<16xi1>
    %reduce_sum3A_3363 = tpu.scan <sum>, %select_n3A_3360 masked %reduce_sum3A_3362 : vector<16xf32>, vector<16xi1> -> vector<16xf32>
    %reduce_sum3A_3364 = vector.extract %reduce_sum3A_3363[15] : f32 from vector<16xf32>
    %sub3A_3365 = arith.constant 1 : i32
    %sub3A_3366 = arith.subi %add3A_3353, %sub3A_3365 : i32
    %sub3A_3367 = arith.constant 16 : i32
    %sub3A_3368 = arith.subi %sub3A_3366, %sub3A_3367 : i32
    %eq3A_3369 = vector.broadcast %sub3A_3368 : i32 to vector<16xi32>
    %eq3A_3370 = arith.cmpi eq, %iota3A, %eq3A_3369 : vector<16xi32>
    %jit3A_3371 = arith.constant 0.000000e+00 : f32
    %broadcast_in_dim3A_3372 = vector.broadcast %jit3A_3371 : f32 to vector<16xf32>
    %select_n3A_3373 = arith.select %eq3A_3370, %add3A_3294, %broadcast_in_dim3A_3372 : vector<16xi1>, vector<16xf32>
    %reduce_sum3A_3374 = arith.constant true
    %reduce_sum3A_3375 = vector.broadcast %reduce_sum3A_3374 : i1 to vector<16xi1>
    %reduce_sum3A_3376 = tpu.scan <sum>, %select_n3A_3373 masked %reduce_sum3A_3375 : vector<16xf32>, vector<16xi1> -> vector<16xf32>
    %reduce_sum3A_3377 = vector.extract %reduce_sum3A_3376[15] : f32 from vector<16xf32>
    %add3A_3378 = arith.addf %reduce_sum3A_3364, %reduce_sum3A_3377 : f32
    %mul3A_3379 = arith.constant 16 : i32
    %mul3A_3380 = arith.muli %add3A_3353, %mul3A_3379 : i32
    %add3A_3381 = arith.constant 16 : i32
    %add3A_3382 = arith.addi %mul3A_3380, %add3A_3381 : i32
    %min3A = arith.constant 400 : i32
    %min3A_3383 = arith.minsi %add3A_3382, %min3A : i32
    %broadcast_in_dim3A_3384 = arith.constant 0 : i32
    %broadcast_in_dim3A_3385 = vector.broadcast %broadcast_in_dim3A_3384 : i32 to vector<16xi32>
    %while3A = arith.subi %min3A_3383, %mul3A_3380 : i32
    %while3A_3386 = arith.addi %mul3A_3380, %while3A : i32
    %while3A_3387 = arith.constant 1 : i32
    %while3A_3388 = arith.divsi %while3A, %while3A_3387 : i32
    %while3A_3389 = arith.muli %while3A_3388, %while3A_3387 : i32
    %while3A_3390 = arith.addi %mul3A_3380, %while3A_3389 : i32
    %while3A_3391 = arith.constant 1 : i32
    %while3A_3392:2 = scf.for %while3A_3434 = %mul3A_3380 to %while3A_3390 step %while3A_3391 iter_args(%while3A_3435 = %add3A_3378, %while3A_3436 = %broadcast_in_dim3A_3385) -> (f32, vector<16xi32>)  : i32 {
      %mul3A_3437 = arith.constant 16 : i32
      %mul3A_3438 = arith.muli %while3A_3434, %mul3A_3437 : i32
      %get3A_3439 = arith.index_cast %sub3A_663 : i32 to index
      %get3A_3440 = arith.index_cast %mul3A_3438 : i32 to index
      %get3A_3441 = tpu.vector_load %arg13[%get3A_3439, %get3A_3440] {strides = array<i32>} : memref<8x6400xf32, #tpu.memory_space<vmem>>, vector<16xf32>,
      %exp3A_3442 = math.exp %get3A_3441 : vector<16xf32>
      %broadcast_in_dim3A_3443 = arith.constant true
      %broadcast_in_dim3A_3444 = vector.broadcast %broadcast_in_dim3A_3443 : i1 to vector<16xi1>
      %masked_cumsum3A_3445 = tpu.scan <sum>, %exp3A_3442 masked %broadcast_in_dim3A_3444 : vector<16xf32>, vector<16xi1> -> vector<16xf32>
      %add3A_3446 = vector.broadcast %while3A_3435 : f32 to vector<16xf32>
      %add3A_3447 = arith.addf %masked_cumsum3A_3445, %add3A_3446 : vector<16xf32>
      %lt3A_3448 = vector.broadcast %sub3A_3322 : f32 to vector<16xf32>
      %lt3A_3449 = arith.cmpf olt, %add3A_3447, %lt3A_3448 : vector<16xf32>
      %jit3A_3450 = arith.constant 1 : i32
      %jit3A_3451 = arith.constant 0 : i32
      %broadcast_in_dim3A_3452 = vector.broadcast %jit3A_3450 : i32 to vector<16xi32>
      %broadcast_in_dim3A_3453 = vector.broadcast %jit3A_3451 : i32 to vector<16xi32>
      %select_n3A_3454 = arith.select %lt3A_3449, %broadcast_in_dim3A_3452, %broadcast_in_dim3A_3453 : vector<16xi1>, vector<16xi32>
      %add3A_3455 = arith.addi %while3A_3436, %select_n3A_3454 : vector<16xi32>
      %reduce_max3A_3456 = arith.constant true
      %reduce_max3A_3457 = vector.broadcast %reduce_max3A_3456 : i1 to vector<16xi1>
      %reduce_max3A_3458 = tpu.scan <max>, %add3A_3447 masked %reduce_max3A_3457 : vector<16xf32>, vector<16xi1> -> vector<16xf32>
      %reduce_max3A_3459 = vector.extract %reduce_max3A_3458[15] : f32 from vector<16xf32>
      scf.yield %reduce_max3A_3459, %add3A_3455 : f32, vector<16xi32>
    }
    %while3A_3393 = arith.constant 1 : i32
    %while3A_3394:2 = scf.for %while3A_3434 = %while3A_3390 to %while3A_3386 step %while3A_3393 iter_args(%while3A_3435 = %while3A_3392#0, %while3A_3436 = %while3A_3392#1) -> (f32, vector<16xi32>)  : i32 {
      %mul3A_3437 = arith.constant 16 : i32
      %mul3A_3438 = arith.muli %while3A_3434, %mul3A_3437 : i32
      %get3A_3439 = arith.index_cast %sub3A_663 : i32 to index
      %get3A_3440 = arith.index_cast %mul3A_3438 : i32 to index
      %get3A_3441 = tpu.vector_load %arg13[%get3A_3439, %get3A_3440] {strides = array<i32>} : memref<8x6400xf32, #tpu.memory_space<vmem>>, vector<16xf32>,
      %exp3A_3442 = math.exp %get3A_3441 : vector<16xf32>
      %broadcast_in_dim3A_3443 = arith.constant true
      %broadcast_in_dim3A_3444 = vector.broadcast %broadcast_in_dim3A_3443 : i1 to vector<16xi1>
      %masked_cumsum3A_3445 = tpu.scan <sum>, %exp3A_3442 masked %broadcast_in_dim3A_3444 : vector<16xf32>, vector<16xi1> -> vector<16xf32>
      %add3A_3446 = vector.broadcast %while3A_3435 : f32 to vector<16xf32>
      %add3A_3447 = arith.addf %masked_cumsum3A_3445, %add3A_3446 : vector<16xf32>
      %lt3A_3448 = vector.broadcast %sub3A_3322 : f32 to vector<16xf32>
      %lt3A_3449 = arith.cmpf olt, %add3A_3447, %lt3A_3448 : vector<16xf32>
      %jit3A_3450 = arith.constant 1 : i32
      %jit3A_3451 = arith.constant 0 : i32
      %broadcast_in_dim3A_3452 = vector.broadcast %jit3A_3450 : i32 to vector<16xi32>
      %broadcast_in_dim3A_3453 = vector.broadcast %jit3A_3451 : i32 to vector<16xi32>
      %select_n3A_3454 = arith.select %lt3A_3449, %broadcast_in_dim3A_3452, %broadcast_in_dim3A_3453 : vector<16xi1>, vector<16xi32>
      %add3A_3455 = arith.addi %while3A_3436, %select_n3A_3454 : vector<16xi32>
      %reduce_max3A_3456 = arith.constant true
      %reduce_max3A_3457 = vector.broadcast %reduce_max3A_3456 : i1 to vector<16xi1>
      %reduce_max3A_3458 = tpu.scan <max>, %add3A_3447 masked %reduce_max3A_3457 : vector<16xf32>, vector<16xi1> -> vector<16xf32>
      %reduce_max3A_3459 = vector.extract %reduce_max3A_3458[15] : f32 from vector<16xf32>
      scf.yield %reduce_max3A_3459, %add3A_3455 : f32, vector<16xi32>
    }
    %reduce_sum3A_3395 = arith.constant true
    %reduce_sum3A_3396 = vector.broadcast %reduce_sum3A_3395 : i1 to vector<16xi1>
    %reduce_sum3A_3397 = tpu.scan <sum>, %while3A_3394#1 masked %reduce_sum3A_3396 : vector<16xi32>, vector<16xi1> -> vector<16xi32>
    %reduce_sum3A_3398 = vector.extract %reduce_sum3A_3397[15] : i32 from vector<16xi32>
    %mul3A_3399 = arith.constant 256 : i32
    %mul3A_3400 = arith.muli %add3A_3352, %mul3A_3399 : i32
    %add3A_3401 = arith.addi %reduce_sum3A_3398, %mul3A_3400 : i32
    %broadcast_in_dim3A_3402 = vector.broadcast %add3A_3401 : i32 to vector<16xi32>
    %swap3A_3403 = arith.constant 0 : index
    %swap3A_3404 = tpu.vector_load %arg15[%swap3A_3403] {strides = array<i32>} : memref<16xi32, #tpu.memory_space<vmem>>, vector<16xi32>,
    tpu.vector_store %arg15[%swap3A_3403], %broadcast_in_dim3A_3402 {strides = array<i32>} : memref<16xi32, #tpu.memory_space<vmem>>, vector<16xi32>,
    %mul3A_3405 = arith.constant 16 : i32
    %mul3A_3406 = arith.muli %arg1, %mul3A_3405 : i32
    "tpu.region"() ({
      %run_scoped3A = tpu.sem_alloc : memref<!tpu.dma_semaphore, #tpu.memory_space<semaphore_mem>>
      %dma_start3A_3434 = tpu.memref_slice %arg21[%mul3A_3406] : memref<256xi32, #tpu.memory_space<vmem_shared>> -> memref<16xi32, #tpu.memory_space<vmem_shared>>
      %dma_start3A_3435 = tpu.memref_slice %arg21[%mul3A_3406] : memref<256xi32, #tpu.memory_space<vmem_shared>> -> memref<16xi32, #tpu.memory_space<vmem_shared>>
      tpu.enqueue_dma source(%arg15 : memref<16xi32, #tpu.memory_space<vmem>>) target(%dma_start3A_3435 : memref<16xi32, #tpu.memory_space<vmem_shared>>) target_semaphore(%run_scoped3A : memref<!tpu.dma_semaphore, #tpu.memory_space<semaphore_mem>>)
      %dma_wait3A_3436 = tpu.memref_slice %arg21[%mul3A_3406] : memref<256xi32, #tpu.memory_space<vmem_shared>> -> memref<16xi32, #tpu.memory_space<vmem_shared>>
      %dma_wait3A_3437 = tpu.memref_slice %arg21[%mul3A_3406] : memref<256xi32, #tpu.memory_space<vmem_shared>> -> memref<16xi32, #tpu.memory_space<vmem_shared>>
      tpu.wait_dma2 semaphore(%run_scoped3A : memref<!tpu.dma_semaphore, #tpu.memory_space<semaphore_mem>>) src(%arg15 : memref<16xi32, #tpu.memory_space<vmem>>) dst(%dma_wait3A_3437 : memref<16xi32, #tpu.memory_space<vmem_shared>>)
      tpu.yield
    }) : () -> ()
    %barrier3A_3407 = arith.constant 0 : index
    tpu.barrier barrier_id(%barrier3A_3407)
    "tpu.region"() ({
      %run_scoped3A = tpu.sem_alloc : memref<!tpu.dma_semaphore, #tpu.memory_space<semaphore_mem>>
      tpu.enqueue_dma source(%arg21 : memref<256xi32, #tpu.memory_space<vmem_shared>>) target(%arg17 : memref<256xi32, #tpu.memory_space<vmem>>) target_semaphore(%run_scoped3A : memref<!tpu.dma_semaphore, #tpu.memory_space<semaphore_mem>>)
      tpu.wait_dma2 semaphore(%run_scoped3A : memref<!tpu.dma_semaphore, #tpu.memory_space<semaphore_mem>>) src(%arg21 : memref<256xi32, #tpu.memory_space<vmem_shared>>) dst(%arg17 : memref<256xi32, #tpu.memory_space<vmem>>)
      tpu.yield
    }) : () -> ()
    %mul3A_3408 = arith.constant 16 : i32
    %mul3A_3409 = vector.broadcast %mul3A_3408 : i32 to vector<16xi32>
    %mul3A_3410 = arith.muli %iota3A, %mul3A_3409 : vector<16xi32>
    %gather3A_3411 = tpu.vector_load_idx %arg17[%mul3A_3410] : memref<256xi32, #tpu.memory_space<vmem>>[vector<16xi32>], vector<16xi32>,
    %reduce_sum3A_3412 = arith.constant true
    %reduce_sum3A_3413 = vector.broadcast %reduce_sum3A_3412 : i1 to vector<16xi1>
    %reduce_sum3A_3414 = tpu.scan <sum>, %gather3A_3411 masked %reduce_sum3A_3413 : vector<16xi32>, vector<16xi1> -> vector<16xi32>
    %reduce_sum3A_3415 = vector.extract %reduce_sum3A_3414[15] : i32 from vector<16xi32>
    %min3A_3416 = arith.constant 99999 : i32
    %min3A_3417 = arith.minsi %reduce_sum3A_3415, %min3A_3416 : i32
    %swap3A_3418 = arith.constant 0 : index
    %swap3A_3419 = tpu.vector_load %arg18[%swap3A_3418] {strides = array<i32>} : memref<16xi32, #tpu.memory_space<vmem>>, vector<16xi32>,
    tpu.vector_store %arg18[%swap3A_3418], %select_n3A_627 {strides = array<i32>} : memref<16xi32, #tpu.memory_space<vmem>>, vector<16xi32>,
    %eq3A_3420 = arith.constant 0 : i32
    %eq3A_3421 = vector.broadcast %eq3A_3420 : i32 to vector<16xi32>
    %eq3A_3422 = arith.cmpi eq, %iota3A, %eq3A_3421 : vector<16xi32>
    %eq3A_3423 = arith.constant 1 : i32
    %eq3A_3424 = vector.broadcast %eq3A_3423 : i32 to vector<16xi32>
    %eq3A_3425 = arith.cmpi eq, %iota3A, %eq3A_3424 : vector<16xi32>
    %jit3A_3426 = arith.constant 0 : i32
    %broadcast_in_dim3A_3427 = vector.broadcast %min3A_3417 : i32 to vector<16xi32>
    %broadcast_in_dim3A_3428 = vector.broadcast %jit3A_3426 : i32 to vector<16xi32>
    %select_n3A_3429 = arith.select %eq3A_3425, %broadcast_in_dim3A_3427, %broadcast_in_dim3A_3428 : vector<16xi1>, vector<16xi32>
    %broadcast_in_dim3A_3430 = vector.broadcast %reduce_max3A_504 : i32 to vector<16xi32>
    %select_n3A_3431 = arith.select %eq3A_3422, %broadcast_in_dim3A_3430, %select_n3A_3429 : vector<16xi1>, vector<16xi32>
    %swap3A_3432 = arith.constant 0 : index
    %swap3A_3433 = tpu.vector_load %arg19[%swap3A_3432] {strides = array<i32>} : memref<16xi32, #tpu.memory_space<vmem>>, vector<16xi32>,
    tpu.vector_store %arg19[%swap3A_3432], %select_n3A_3431 {strides = array<i32>} : memref<16xi32, #tpu.memory_space<vmem>>, vector<16xi32>,
    "tpu.region"() ({
      %run_scoped3A = tpu.sem_alloc : memref<!tpu.dma_semaphore, #tpu.memory_space<semaphore_mem>>
      %dma_start3A_3434 = arith.constant 0 : i32
      %dma_start3A_3435 = tpu.memref_slice %arg18[%dma_start3A_3434] : memref<16xi32, #tpu.memory_space<vmem>> -> memref<8xi32, #tpu.memory_space<vmem>>
      %dma_start3A_3436 = arith.constant 0 : i32
      %dma_start3A_3437 = tpu.memref_slice %arg18[%dma_start3A_3436] : memref<16xi32, #tpu.memory_space<vmem>> -> memref<8xi32, #tpu.memory_space<vmem>>
      tpu.enqueue_dma source(%dma_start3A_3437 : memref<8xi32, #tpu.memory_space<vmem>>) target(%arg7 : memref<8xi32, #tpu.memory_space<hbm>>) target_semaphore(%run_scoped3A : memref<!tpu.dma_semaphore, #tpu.memory_space<semaphore_mem>>)
      %dma_wait3A_3438 = arith.constant 0 : i32
      %dma_wait3A_3439 = tpu.memref_slice %arg18[%dma_wait3A_3438] : memref<16xi32, #tpu.memory_space<vmem>> -> memref<8xi32, #tpu.memory_space<vmem>>
      %dma_wait3A_3440 = arith.constant 0 : i32
      %dma_wait3A_3441 = tpu.memref_slice %arg18[%dma_wait3A_3440] : memref<16xi32, #tpu.memory_space<vmem>> -> memref<8xi32, #tpu.memory_space<vmem>>
      tpu.wait_dma2 semaphore(%run_scoped3A : memref<!tpu.dma_semaphore, #tpu.memory_space<semaphore_mem>>) src(%dma_wait3A_3441 : memref<8xi32, #tpu.memory_space<vmem>>) dst(%arg7 : memref<8xi32, #tpu.memory_space<hbm>>)
      tpu.yield
    }) : () -> ()
    "tpu.region"() ({
      %run_scoped3A = tpu.sem_alloc : memref<!tpu.dma_semaphore, #tpu.memory_space<semaphore_mem>>
      %dma_start3A_3434 = arith.constant 0 : i32
      %dma_start3A_3435 = tpu.memref_slice %arg19[%dma_start3A_3434] : memref<16xi32, #tpu.memory_space<vmem>> -> memref<8xi32, #tpu.memory_space<vmem>>
      %dma_start3A_3436 = arith.constant 0 : i32
      %dma_start3A_3437 = tpu.memref_slice %arg19[%dma_start3A_3436] : memref<16xi32, #tpu.memory_space<vmem>> -> memref<8xi32, #tpu.memory_space<vmem>>
      tpu.enqueue_dma source(%dma_start3A_3437 : memref<8xi32, #tpu.memory_space<vmem>>) target(%arg8 : memref<8xi32, #tpu.memory_space<hbm>>) target_semaphore(%run_scoped3A : memref<!tpu.dma_semaphore, #tpu.memory_space<semaphore_mem>>)
      %dma_wait3A_3438 = arith.constant 0 : i32
      %dma_wait3A_3439 = tpu.memref_slice %arg19[%dma_wait3A_3438] : memref<16xi32, #tpu.memory_space<vmem>> -> memref<8xi32, #tpu.memory_space<vmem>>
      %dma_wait3A_3440 = arith.constant 0 : i32
      %dma_wait3A_3441 = tpu.memref_slice %arg19[%dma_wait3A_3440] : memref<16xi32, #tpu.memory_space<vmem>> -> memref<8xi32, #tpu.memory_space<vmem>>
      tpu.wait_dma2 semaphore(%run_scoped3A : memref<!tpu.dma_semaphore, #tpu.memory_space<semaphore_mem>>) src(%dma_wait3A_3441 : memref<8xi32, #tpu.memory_space<vmem>>) dst(%arg8 : memref<8xi32, #tpu.memory_space<hbm>>)
      tpu.yield
    }) : () -> ()
    return
  }
}

</mosaic_0001>

<sc_bundles>
// kernel: kernel.3.cloned.1.call-start
scs
__scs_entry_jumppad:
0x0: {  	(pc) =	sbr.rel $0x88, $3  }
0x1: {  	(tag) =	ssettag $0x0;
	lr =	simm.s32 $0x1  }
0x2: {  	[smem:$0x3F9C] =	sst lr;
	_ =	strace $0xD0000000  }
0x3: {  	_ = 	snop  }
0x4: {  	_ = 	snop  }
0x5: {  	_ = 	snop  }
0x6: {  	_ = 	snop  }
0x7: {  	_ = 	snop  }
__scs_overlays_trampoline_lowered:
0x8: {  	[smem:$0x3FAB] =	sst s0  }
0x9: {  	[smem:$0x3FAC] =	sst s1  }
0xa: {  	[smem:$0x3FAD] =	sst s2  }
0xb: {  	[smem:$0x3FAE] =	sst s3  }
0xc: {  	[smem:$0x3FAF] =	sst s4  }
0xd: {  	[smem:$0x3FB0] =	sst s5  }
0xe: {  	[smem:$0x3FB1] =	sst s6  }
0xf: {  	[smem:$0x3FB2] =	sst s7  }
0x10: {  	[smem:$0x3FB3] =	sst s8  }
0x11: {  	[smem:$0x3FB4] =	sst s9;
	s0 =	simm.s32 @!p0 $0x0  }
0x12: {  	s1 =	sld [smem:$0x3F9A];
	s0 =	simm.s32 @p0 $0x1  }
0x13: {  	[smem:$0x3FB5] =	sst s0;
	s0 =	simm.s32 @!p1 $0x0  }
0x14: {  	s2 =	sld [smem:$0x3F99];
	s0 =	simm.s32 @p1 $0x1  }
0x15: {  	[smem:$0x3FB6] =	sst s0;
	s0 =	simm.s32 @!p2 $0x0  }
0x16: {  	s3 =	sld [smem:$0x3FDB];
	s0 =	simm.s32 @p2 $0x1  }
0x17: {  	s4 =	simm.s32 $0x1BF5;
	[smem:$0x3FB8] =	sst s0  }
0x18: {  	s0 =	sld [smem:$0x3F9B];
	_ =	swait.ge [sflag:s4], $0x0  }
0x19: {  	s7 =	sld [smem:$0x3F9C]  }
0x1a: {  	s8 =	sadd.s32 $0xFFFFE003, lr  }
0x1b: {  	s9 =	sadd.s32 $0xFFFFFEF7, lr;
	s5 =	simm.s32 $0xFFFFFFFF;
	p2 =	slt.u32 s8, $0xFFFFF086  }
0x1c: {  	p1 =	slt.u32 s9, $0xF7A;
	s5 =	simm.s32 @!p2 $0x0  }
0x1d: {  	s5 =	simm.s32 @p1 $0x1;
	p0 =	seq.s32 s7, s2  }
0x1e: {  	s7 =	smul.u32 @!p0 $0xF7A, s2;
	p2 =	seq.s32 @!p0 s5, $0x0  }
0x1f: {  	s9 =	smul.u32 $0xF7A, s1;
	s8 =	simm.s32 @!p0 $0x1BF5;
	p2 =	por !p2, p0  }
0x20: {  	[sflag:s8] =	ssyncset.s32 @!p0 $0xFFFFF086;
	s6 =	sadd.s32 @!p0 s3, s7;
	s7 =	simm.s32 @!p0 $0x108  }
0x21: {  	s3 =	sadd.s32 s3, s9;
	s6 =	sadd.s32 @!p0 $0x88, s6;
	s7 =	simm.s32 @p2 $0x1082  }
0x22: {  	[simem:s7], [sflag:s8] =	dma.local @!p0 [hbm:s6], $0xF7A  }
0x23: {  	s9 =	sor.u32 $0xD0000000, s2;
	s6 =	simm.s32 $0x108;
	_ =	swait.ge @!p0 [sflag:s8], $0x0  }
0x24: {  	s3 =	sadd.s32 $0x88, s3;
	s6 =	simm.s32 @!p1 $0x1082;
	[sflag:s4] =	ssyncset.s32 $0xFFFFF086  }
0x25: {  	[simem:s6], [sflag:s4] =	dma.local [hbm:s3], $0xF7A  }
0x26: {  	[smem:$0x3F9C] =	sst s1;
	(tag) =	ssettag s2;
	_ =	strace s9  }
0x27: {  	s1 =	sld [smem:$0x3FAC]  }
0x28: {  	s2 =	sld [smem:$0x3FAD]  }
0x29: {  	s4 =	sld [smem:$0x3FAF]  }
0x2a: {  	p0 =	seq.s32 s5, $0x0;
	s5 =	sld [smem:$0x3FB0]  }
0x2b: {  	s6 =	sld [smem:$0x3FB1]  }
0x2c: {  	s7 =	sld [smem:$0x3FB2]  }
0x2d: {  	s3 =	simm.s32 $0x108;
	s8 =	sld [smem:$0x3FB3]  }
0x2e: {  	s3 =	simm.s32 @!p0 $0x1082;
	s9 =	sld [smem:$0x3FB4]  }
0x2f: {  	lr =	sadd.s32 s0, s3;
	s0 =	sld [smem:$0x3FAB]  }
0x30: {  	s3 =	sld [smem:$0x3FAE]  }
0x31: {  	[smem:$0x3FB7] =	sst s10  }
0x32: {  	s10 =	sld [smem:$0x3FB5];
	_ =	sdelay $0x3  }
0x33: {  	p0 =	seq.s32 s10, $0x1;
	s10 =	sld [smem:$0x3FB7];
	_ =	sdelay $0x3  }
0x34: {  	[smem:$0x3FB7] =	sst s10  }
0x35: {  	s10 =	sld [smem:$0x3FB6];
	_ =	sdelay $0x3  }
0x36: {  	p1 =	seq.s32 s10, $0x1;
	s10 =	sld [smem:$0x3FB7];
	_ =	sdelay $0x3  }
0x37: {  	[smem:$0x3FB7] =	sst s10  }
0x38: {  	s10 =	sld [smem:$0x3FB8]  }
0x39: {  	_ = 	snop;
	(pc) =	sbr.ind lr, $3  }
0x3a: {  	_ = 	snop  }
0x3b: {  	_ = 	snop  }
0x3c: {  	p2 =	seq.s32 s10, $0x1;
	s10 =	sld [smem:$0x3FB7]  }
0x3d: {  	_ =	shalt  }
0x3e: {  	_ =	shalt  }
0x3f: {  	_ =	shalt  }
0x40: {  	_ =	shalt  }
0x41: {  	_ =	shalt  }
0x42: {  	_ =	shalt  }
0x43: {  	_ =	shalt  }
0x44: {  	_ =	shalt  }
0x45: {  	_ =	shalt  }
0x46: {  	_ =	shalt  }
0x47: {  	_ =	shalt  }
0x48: {  	_ =	shalt  }
0x49: {  	_ =	shalt  }
0x4a: {  	_ =	shalt  }
0x4b: {  	_ =	shalt  }
0x4c: {  	_ =	shalt  }
0x4d: {  	_ =	shalt  }
0x4e: {  	_ =	shalt  }
0x4f: {  	_ =	shalt  }
0x50: {  	_ =	shalt  }
0x51: {  	_ =	shalt  }
0x52: {  	_ =	shalt  }
0x53: {  	_ =	shalt  }
0x54: {  	_ =	shalt  }
0x55: {  	_ =	shalt  }
0x56: {  	_ =	shalt  }
0x57: {  	_ =	shalt  }
0x58: {  	_ =	shalt  }
0x59: {  	_ =	shalt  }
0x5a: {  	_ =	shalt  }
0x5b: {  	_ =	shalt  }
0x5c: {  	_ =	shalt  }
0x5d: {  	_ =	shalt  }
0x5e: {  	_ =	shalt  }
0x5f: {  	_ =	shalt  }
0x60: {  	_ =	shalt  }
0x61: {  	_ =	shalt  }
0x62: {  	_ =	shalt  }
0x63: {  	_ =	shalt  }
0x64: {  	_ =	shalt  }
0x65: {  	_ =	shalt  }
0x66: {  	_ =	shalt  }
0x67: {  	_ =	shalt  }
0x68: {  	_ =	shalt  }
0x69: {  	_ =	shalt  }
0x6a: {  	_ =	shalt  }
0x6b: {  	_ =	shalt  }
0x6c: {  	_ =	shalt  }
0x6d: {  	_ =	shalt  }
0x6e: {  	_ =	shalt  }
0x6f: {  	_ =	shalt  }
0x70: {  	_ =	shalt  }
0x71: {  	_ =	shalt  }
0x72: {  	_ =	shalt  }
0x73: {  	_ =	shalt  }
0x74: {  	_ =	shalt  }
0x75: {  	_ =	shalt  }
0x76: {  	_ =	shalt  }
0x77: {  	_ =	shalt  }
0x78: {  	_ =	shalt  }
0x79: {  	_ =	shalt  }
0x7a: {  	_ =	shalt  }
0x7b: {  	_ =	shalt  }
0x7c: {  	_ =	shalt  }
0x7d: {  	_ =	shalt  }
0x7e: {  	_ =	shalt  }
0x7f: {  	_ =	shalt  }
0x80: {  	_ =	shalt  }
0x81: {  	_ =	shalt  }
0x82: {  	_ =	shalt  }
0x83: {  	_ =	shalt  }
0x84: {  	_ =	shalt  }
0x85: {  	_ =	shalt  }
0x86: {  	_ =	shalt  }
0x87: {  	_ =	shalt  }
.Lfunc_end0:
.L_simem_size_0:
called_computation_lowered:
.L_overlay_start_0:
0x88: {  	s0 =	sld [smem:$0x3FD9]  }
0x89: {  	s1 =	sld [smem:$0x3FFE];
	_ =	sdelay $0x3  }
0x8a: {  	s0 =	sadd.s32 s1, s0  }
0x8b: {  	[smem:$0x3FC3] =	sst s0  }
0x8c: {  	_ = 	snop  }
0x8d: {  	s0 =	sld [smem:$0x3FC9]  }
0x8e: {  	s13 =	sld [smem:$0x3FC8]  }
0x8f: {  	s2 =	sld [smem:$0x3FD0]  }
0x90: {  	s3 =	sld [smem:$0x3FC7]  }
0x91: {  	s4 =	sld [smem:$0x3FC6]  }
0x92: {  	s6 =	simm.s32 $0xA;
	s7 =	simm.s32 $0x10;
	s5 =	sld [smem:$0x3FC5]  }
0x93: {  	[smem:s7], [sflag:s6] =	dma.local [hbm:s2], $0x1  }
0x94: {  	_ =	swait.eq [sflag:s6], $0x1  }
0x95: {  	[sflag:s6] =	ssyncset.done $0x0  }
0x96: {  	[sflag:s6] =	ssyncadd.s32 $0xFFFFFFFF  }
0x97: {  	s14 =	sld [smem:$0x10];
	(tm) =	ssettm $0x1  }
0x98: {  	s15 =	sld [smem:$0x3FFB];
	_ =	sdelay $0x3  }
0x99: {  	_ =	strace s15  }
0x9a: {  	s6 =	sld [smem:$0x3FFC];
	_ =	sdelay $0x3  }
0x9b: {  	_ =	strace s6  }
0x9c: {  	s6 =	sld [smem:$0x3FFD];
	_ =	sdelay $0x3  }
0x9d: {  	_ =	strace s6  }
0x9e: {  	_ =	strace $0x8FFFFFFF  }
0x9f: {  	s16 =	sld [smem:$0x3FDB];
	_ =	sdelay $0x1  }
0xa0: {  	s17 =	simm.s32 $_scs_section_size  }
0xa1: {  	s8 =	simm.s32 $_size__tile_overlayer_lowered;
	s9 =	simm.s32 $_tile_overlayer_lowered  }
0xa2: {  	s20 =	simm.s32 $0x1BFF;
	s19 =	sshll.u32 s9, $0x1;
	s6 =	sadd.s32 s17, s16  }
0xa3: {  	s10 =	simm.s32 $0x0;
	s18 =	sshll.u32 s8, $0x1;
	s8 =	sadd.s32 s19, s6  }
0xa4: {  	[timem:s10], [sflag:s20] =	dma.local [hbm:s8], s18  }
0xa5: {  	_ =	swait.ge [sflag:s20], s18  }
0xa6: {  	s7 =	ssub.s32 $0x0, s18;
	[sflag:s20] =	ssyncset.done $0x0  }
0xa7: {  	[sflag:s20] =	ssyncadd.s32 s7;
	_ =	sdelay $0x1  }
0xa8: {  	s21 =	simm.s32 $0x1B8B  }
0xa9: {  	_ =	swait.ge [sflag:s21], $0x1  }
0xaa: {  	[sflag:s21] =	ssyncset.done $0x0  }
0xab: {  	s23 =	simm.s32 $0x1B8E;
	s22 =	sld [smem:$0x3FFE];
	[sflag:s21] =	ssyncadd.s32 $0xFFFFFFFF  }
0xac: {  	s24 =	simm.s32 $execute0_lowered;
	[smem:$0x3FD2] =	sst s23  }
0xad: {  	s8 =	sshll.u32 s24, $0x1;
	_ =	strace $0x80000046;
	[dreg:$0x1] =	wrdreg $0xFFFFFFFF  }
0xae: {  	s25 =	simm.s32 $_size_execute0_lowered;
	s6 =	sadd.s32 s6, s8;
	[dreg:$0x0] =	wrdreg $0x0  }
0xaf: {  	s8 =	sshll.u32 s25, $0x1;
	[dreg:$0x2] =	wrdreg s6  }
0xb0: {  	[dreg:$0x3] =	wrdreg s8  }
0xb1: {  	[dreg:$0x4] =	wrdreg $0xC0  }
0xb2: {  	_ =	task [dreg:s10], $0x5FFFF  }
0xb3: {  	[dreg:$0x1] =	wrdreg $0xFFFFFFFF  }
0xb4: {  	[dreg:$0x0] =	wrdreg $0x60  }
0xb5: {  	[dreg:$0x2] =	wrdreg s4  }
0xb6: {  	[dreg:$0x3] =	wrdreg s3  }
0xb7: {  	[dreg:$0x4] =	wrdreg s0  }
0xb8: {  	[dreg:$0x5] =	wrdreg s13  }
0xb9: {  	[dreg:$0x6] =	wrdreg s5  }
0xba: {  	[dreg:$0x7] =	wrdreg s14  }
0xbb: {  	[dreg:$0x8] =	wrdreg s22  }
0xbc: {  	[dreg:$0x9] =	wrdreg $0xD1800  }
0xbd: {  	[dreg:$0xa] =	wrdreg $0xD1900  }
0xbe: {  	[dreg:$0xb] =	wrdreg $0x9  }
0xbf: {  	_ =	task.clear_ibuf [dreg:s10], $0xCFFFF;
	_ =	strace $0x90000046  }
0xc0: {  	s26 =	simm.s32 $0x9;
	_ =	strace $0x80000048  }
0xc1: {  	_ =	swait.ge [sflag:s26], $0x1  }
0xc2: {  	[sflag:s26] =	ssyncadd.s32 $0xFFFFFFFF  }
0xc3: {  	_ =	strace $0x90000048  }
0xc4: {  	_ =	sfence  }
0xc5: {  	s28 =	sld [smem:$0x0];
	_ =	sdelay $0x1  }
0xc6: {  	s29 =	srdreg.scid  }
0xc7: {  	s30 =	sshll.u32 s29, $0xD;
	s31 =	sshrl.u32 s29, $0x2  }
0xc8: {  	s1 =	sand.u32 $0x1, s29;
	s2 =	sand.u32 $0x4000, s30;
	s0 =	sadd.s32 s31, s28  }
0xc9: {  	s1 =	sor.u32 s2, s1;
	s0 =	sshll.u32 s0, $0x11  }
0xca: {  	s0 =	sor.u32 s0, s1  }
0xcb: {  	s0 =	sadd.s32 $0x8F2B, s0  }
0xcc: {  	[sflag:s0] =	ssyncadd.remote.s32 $0x1  }
0xcd: {  	_ =	sfence.sel $0xFFFF  }
0xce: {  	[dreg:$0x0] =	wrdreg $0xFFFFFFFF;
	(pc) =	sbr.abs _section_cstart, $3  }
0xcf: {  	[dreg:$0x1] =	wrdreg $0xFFFFFFFF  }
0xd0: {  	_ =	task.clear_ibuf [dreg:s10], $0x2FFFF;
	_ =	strace $0x9FFFFFFF  }
0xd1: {  	(tm) =	ssettm $0x7FFFFFFF  }
tec
execute0_lowered:
.L_overlay_start_1:
0x0: {  	(tag) =	ssettag $0x1  }
0x1: {  	s8 =	rddreg [dreg:$0x0]  }
0x2: {  	s7 =	rddreg [dreg:$0x1]  }
0x3: {  	s3 =	rddreg [dreg:$0x2]  }
0x4: {  	s9 =	rddreg [dreg:$0x3]  }
0x5: {  	s10 =	rddreg [dreg:$0x4]  }
0x6: {  	s1 =	rddreg [dreg:$0x5]  }
0x7: {  	s5 =	rddreg [dreg:$0x6]  }
0x8: {  	s6 =	rddreg [dreg:$0x7]  }
0x9: {  	s4 =	rddreg [dreg:$0x8];
	s2 =	simm.s32 $0x0  }
0xa: {  	[smem:$0x7FF] =	sst s2  }
0xb: {  	s0 =	rddreg [dreg:$0x9];
	_ =	strace $0x80000047  }
0xc: {  	[tilespmem:s2], [sflag:$0x5] =	stream.linear.gather [hbm4b:s3+s2], $0x2, $0x38;
	[tilespmem:$0xD1A0] =	vst v63  }
0xd: {  	s3 =	simm.s32 $0x5  }
0xe: {  	_ =	swait.ge [sflag:s3], $0x2  }
0xf: {  	[sflag:s3] =	ssyncset.done $0x0  }
0x10: {  	s11 =	simm.s32 $0x80;
	[sflag:s3] =	ssyncadd.s32 $0xFFFFFFFE  }
0x11: {  	[tilespmem:s11], [sflag:$0x5] =	stream.linear.gather [hbm4b:s9+s2], $0x8, $0x38;
	[tilespmem:$0xD1A0] =	vst v63  }
0x12: {  	_ =	swait.ge [sflag:s3], $0x8  }
0x13: {  	[sflag:s3] =	ssyncset.done $0x0  }
0x14: {  	s25 =	simm.s32 $0x100;
	[sflag:s3] =	ssyncadd.s32 $0xFFFFFFF8  }
0x15: {  	[tilespmem:s25], [sflag:$0x5] =	stream.linear.gather [hbm4b:s10+s2], $0x8, $0x38;
	[tilespmem:$0xD1A0] =	vst v63  }
0x16: {  	_ =	swait.ge [sflag:s3], $0x8  }
0x17: {  	[sflag:s3] =	ssyncset.done $0x0  }
0x18: {  	[sflag:s3] =	ssyncadd.s32 $0xFFFFFFF8  }
0x19: {  	v0 =	vld [tilespmem:$0x0];
	_ =	sdelay $0x3  }
0x1a: {  	vm0 =	vmmov $0x1  }
0x1b: {  	vm3 =	vcmask $0x308;
	v1 =	vnsel vm0, $0x0, v0  }
0x1c: {  	v0 =	vsel vm3, $0x0, v0;
	(xrf0) =	vadd.scan.msk.s32 $0xffff, v1  }
0x1d: {  	(xrf0) =	vadd.scan.msk.s32 $0xffff, v0;
	_ =	sdelay $0x4  }
0x1e: {  	v1, _, _ =	vpop (xrf0)  }
0x1f: {  	v0, _, _ =	vpop (xrf0)  }
0x20: {  	v2 =	vbroadcast v0, $0xF  }
0x21: {  	v0 =	vlaneseq.u32  }
0x22: {  	v1 =	vbroadcast v1, $0xF;
	v3 =	vadd.s32 v0, v2  }
0x23: {  	v4 =	vshrl.u32 v3, $0x13;
	v5 =	vshll.u32 v3, $0xD  }
0x24: {  	v3 =	vadd.s32 v1, v3;
	v4 =	vor.u32 v4, v5  }
0x25: {  	v4 =	vxor.u32 v4, v3  }
0x26: {  	v5 =	vshrl.u32 v4, $0x11;
	v6 =	vshll.u32 v4, $0xF  }
0x27: {  	v3 =	vadd.s32 v3, v4;
	v4 =	vor.u32 v5, v6  }
0x28: {  	v4 =	vxor.u32 v4, v3  }
0x29: {  	v5 =	vshrl.u32 v4, $0x6;
	v6 =	vshll.u32 v4, $0x1A  }
0x2a: {  	v3 =	vadd.s32 v3, v4;
	v4 =	vor.u32 v5, v6  }
0x2b: {  	v4 =	vxor.u32 v4, v3  }
0x2c: {  	v5 =	vshrl.u32 v4, $0x1A;
	v6 =	vshll.u32 v4, $0x6  }
0x2d: {  	v7 =	vxor.u32 v1, v2;
	v3 =	vadd.s32 v3, v4;
	v4 =	vor.u32 v5, v6  }
0x2e: {  	v5 =	vxor.u32 $0x1BD11BDA, v7;
	v4 =	vxor.u32 v4, v3  }
0x2f: {  	v4 =	vadd.s32 v4, v5  }
0x30: {  	v4 =	vadd.s32 $0x1, v4  }
0x31: {  	v3 =	vadd.s32 v2, v3;
	v6 =	vshrl.u32 v4, $0xF;
	v7 =	vshll.u32 v4, $0x11  }
0x32: {  	v3 =	vadd.s32 v4, v3;
	v4 =	vor.u32 v6, v7  }
0x33: {  	v4 =	vxor.u32 v4, v3  }
0x34: {  	v6 =	vshrl.u32 v4, $0x3;
	v7 =	vshll.u32 v4, $0x1D  }
0x35: {  	v3 =	vadd.s32 v3, v4;
	v4 =	vor.u32 v6, v7  }
0x36: {  	v4 =	vxor.u32 v4, v3  }
0x37: {  	v6 =	vshrl.u32 v4, $0x10;
	v7 =	vshll.u32 v4, $0x10  }
0x38: {  	v3 =	vadd.s32 v3, v4;
	v4 =	vor.u32 v6, v7  }
0x39: {  	v4 =	vxor.u32 v4, v3  }
0x3a: {  	v6 =	vshrl.u32 v4, $0x8;
	v7 =	vshll.u32 v4, $0x18  }
0x3b: {  	v3 =	vadd.s32 v3, v4;
	v4 =	vor.u32 v6, v7  }
0x3c: {  	v4 =	vxor.u32 v4, v3  }
0x3d: {  	v4 =	vadd.s32 v4, v1  }
0x3e: {  	v4 =	vadd.s32 $0x2, v4  }
0x3f: {  	v3 =	vadd.s32 v5, v3;
	v6 =	vshrl.u32 v4, $0x13;
	v7 =	vshll.u32 v4, $0xD  }
0x40: {  	v3 =	vadd.s32 v4, v3;
	v4 =	vor.u32 v6, v7  }
0x41: {  	v4 =	vxor.u32 v4, v3  }
0x42: {  	v6 =	vshrl.u32 v4, $0x11;
	v7 =	vshll.u32 v4, $0xF  }
0x43: {  	v3 =	vadd.s32 v3, v4;
	v4 =	vor.u32 v6, v7  }
0x44: {  	v4 =	vxor.u32 v4, v3  }
0x45: {  	v6 =	vshrl.u32 v4, $0x6;
	v7 =	vshll.u32 v4, $0x1A  }
0x46: {  	v3 =	vadd.s32 v3, v4;
	v4 =	vor.u32 v6, v7  }
0x47: {  	v4 =	vxor.u32 v4, v3  }
0x48: {  	v6 =	vshrl.u32 v4, $0x1A;
	v7 =	vshll.u32 v4, $0x6  }
0x49: {  	v3 =	vadd.s32 v3, v4;
	v4 =	vor.u32 v6, v7  }
0x4a: {  	v4 =	vxor.u32 v4, v3  }
0x4b: {  	v4 =	vadd.s32 v4, v2  }
0x4c: {  	v4 =	vadd.s32 $0x3, v4  }
0x4d: {  	v3 =	vadd.s32 v1, v3;
	v6 =	vshrl.u32 v4, $0xF;
	v7 =	vshll.u32 v4, $0x11  }
0x4e: {  	v3 =	vadd.s32 v4, v3;
	v4 =	vor.u32 v6, v7  }
0x4f: {  	v4 =	vxor.u32 v4, v3  }
0x50: {  	v6 =	vshrl.u32 v4, $0x3;
	v7 =	vshll.u32 v4, $0x1D  }
0x51: {  	v3 =	vadd.s32 v3, v4;
	v4 =	vor.u32 v6, v7  }
0x52: {  	v4 =	vxor.u32 v4, v3  }
0x53: {  	v6 =	vshrl.u32 v4, $0x10;
	v7 =	vshll.u32 v4, $0x10  }
0x54: {  	v3 =	vadd.s32 v3, v4;
	v4 =	vor.u32 v6, v7  }
0x55: {  	v4 =	vxor.u32 v4, v3  }
0x56: {  	v6 =	vshrl.u32 v4, $0x8;
	v7 =	vshll.u32 v4, $0x18  }
0x57: {  	v3 =	vadd.s32 v3, v4;
	v4 =	vor.u32 v6, v7  }
0x58: {  	v4 =	vxor.u32 v4, v3  }
0x59: {  	v4 =	vadd.s32 v4, v5  }
0x5a: {  	v4 =	vadd.s32 $0x4, v4  }
0x5b: {  	v2 =	vadd.s32 v2, v3;
	v3 =	vshrl.u32 v4, $0x13;
	v6 =	vshll.u32 v4, $0xD  }
0x5c: {  	v2 =	vadd.s32 v4, v2;
	v3 =	vor.u32 v3, v6  }
0x5d: {  	v3 =	vxor.u32 v3, v2  }
0x5e: {  	v4 =	vshrl.u32 v3, $0x11;
	v6 =	vshll.u32 v3, $0xF  }
0x5f: {  	v2 =	vadd.s32 v2, v3;
	v3 =	vor.u32 v4, v6  }
0x60: {  	v3 =	vxor.u32 v3, v2  }
0x61: {  	v4 =	vshrl.u32 v3, $0x6;
	v6 =	vshll.u32 v3, $0x1A  }
0x62: {  	v2 =	vadd.s32 v2, v3;
	v3 =	vor.u32 v4, v6  }
0x63: {  	v3 =	vxor.u32 v3, v2  }
0x64: {  	v4 =	vshrl.u32 v3, $0x1A;
	v6 =	vshll.u32 v3, $0x6  }
0x65: {  	v2 =	vadd.s32 v2, v3;
	v3 =	vor.u32 v4, v6  }
0x66: {  	v3 =	vxor.u32 v3, v2  }
0x67: {  	v1 =	vadd.s32 v3, v1  }
0x68: {  	v1 =	vadd.s32 $0x5, v1  }
0x69: {  	v2 =	vadd.s32 v5, v2;
	v3 =	vshrl.u32 v1, $0x13;
	v4 =	vshll.u32 v1, $0xD  }
0x6a: {  	v5 =	vadd.s32 v2, v1;
	v3 =	vor.u32 v3, v4  }
0x6b: {  	v3 =	vxor.u32 v3, v5  }
0x6c: {  	v4 =	vshrl.u32 v3, $0x11;
	v6 =	vshll.u32 v3, $0xF  }
0x6d: {  	v3 =	vadd.s32 v5, v3;
	v4 =	vor.u32 v4, v6  }
0x6e: {  	v4 =	vxor.u32 v4, v3  }
0x6f: {  	v5 =	vshrl.u32 v4, $0x6;
	v6 =	vshll.u32 v4, $0x1A  }
0x70: {  	v3 =	vadd.s32 v3, v4;
	v4 =	vor.u32 v5, v6  }
0x71: {  	v4 =	vxor.u32 v4, v3  }
0x72: {  	v5 =	vshrl.u32 v4, $0x1A;
	v6 =	vshll.u32 v4, $0x6  }
0x73: {  	v7 =	vxor.u32 v1, v2;
	v3 =	vadd.s32 v3, v4;
	v4 =	vor.u32 v5, v6  }
0x74: {  	v5 =	vxor.u32 $0x1BD11BDA, v7;
	v4 =	vxor.u32 v4, v3  }
0x75: {  	v4 =	vadd.s32 v4, v5  }
0x76: {  	v4 =	vadd.s32 $0x1, v4  }
0x77: {  	v3 =	vadd.s32 v1, v3;
	v6 =	vshrl.u32 v4, $0xF;
	v7 =	vshll.u32 v4, $0x11  }
0x78: {  	v3 =	vadd.s32 v4, v3;
	v4 =	vor.u32 v6, v7  }
0x79: {  	v4 =	vxor.u32 v4, v3  }
0x7a: {  	v6 =	vshrl.u32 v4, $0x3;
	v7 =	vshll.u32 v4, $0x1D  }
0x7b: {  	v3 =	vadd.s32 v3, v4;
	v4 =	vor.u32 v6, v7  }
0x7c: {  	v4 =	vxor.u32 v4, v3  }
0x7d: {  	v6 =	vshrl.u32 v4, $0x10;
	v7 =	vshll.u32 v4, $0x10  }
0x7e: {  	v3 =	vadd.s32 v3, v4;
	v4 =	vor.u32 v6, v7  }
0x7f: {  	v4 =	vxor.u32 v4, v3  }
0x80: {  	v6 =	vshrl.u32 v4, $0x8;
	v7 =	vshll.u32 v4, $0x18  }
0x81: {  	v3 =	vadd.s32 v3, v4;
	v4 =	vor.u32 v6, v7  }
0x82: {  	v4 =	vxor.u32 v4, v3  }
0x83: {  	v4 =	vadd.s32 v4, v2  }
0x84: {  	v4 =	vadd.s32 $0x2, v4  }
0x85: {  	v3 =	vadd.s32 v5, v3;
	v6 =	vshrl.u32 v4, $0x13;
	v7 =	vshll.u32 v4, $0xD  }
0x86: {  	v3 =	vadd.s32 v4, v3;
	v4 =	vor.u32 v6, v7  }
0x87: {  	v4 =	vxor.u32 v4, v3  }
0x88: {  	v6 =	vshrl.u32 v4, $0x11;
	v7 =	vshll.u32 v4, $0xF  }
0x89: {  	v3 =	vadd.s32 v3, v4;
	v4 =	vor.u32 v6, v7  }
0x8a: {  	v4 =	vxor.u32 v4, v3  }
0x8b: {  	v6 =	vshrl.u32 v4, $0x6;
	v7 =	vshll.u32 v4, $0x1A  }
0x8c: {  	v3 =	vadd.s32 v3, v4;
	v4 =	vor.u32 v6, v7  }
0x8d: {  	v4 =	vxor.u32 v4, v3  }
0x8e: {  	v6 =	vshrl.u32 v4, $0x1A;
	v7 =	vshll.u32 v4, $0x6  }
0x8f: {  	v3 =	vadd.s32 v3, v4;
	v4 =	vor.u32 v6, v7  }
0x90: {  	v4 =	vxor.u32 v4, v3  }
0x91: {  	v4 =	vadd.s32 v4, v1  }
0x92: {  	v4 =	vadd.s32 $0x3, v4  }
0x93: {  	v3 =	vadd.s32 v2, v3;
	v6 =	vshrl.u32 v4, $0xF;
	v7 =	vshll.u32 v4, $0x11  }
0x94: {  	v3 =	vadd.s32 v4, v3;
	v4 =	vor.u32 v6, v7  }
0x95: {  	v4 =	vxor.u32 v4, v3  }
0x96: {  	v6 =	vshrl.u32 v4, $0x3;
	v7 =	vshll.u32 v4, $0x1D  }
0x97: {  	v3 =	vadd.s32 v3, v4;
	v4 =	vor.u32 v6, v7  }
0x98: {  	v4 =	vxor.u32 v4, v3  }
0x99: {  	v6 =	vshrl.u32 v4, $0x10;
	v7 =	vshll.u32 v4, $0x10  }
0x9a: {  	v3 =	vadd.s32 v3, v4;
	v4 =	vor.u32 v6, v7  }
0x9b: {  	v4 =	vxor.u32 v4, v3  }
0x9c: {  	v6 =	vshrl.u32 v4, $0x8;
	v7 =	vshll.u32 v4, $0x18  }
0x9d: {  	v3 =	vadd.s32 v3, v4;
	v4 =	vor.u32 v6, v7  }
0x9e: {  	v4 =	vxor.u32 v4, v3  }
0x9f: {  	v4 =	vadd.s32 v4, v5  }
0xa0: {  	v4 =	vadd.s32 $0x4, v4  }
0xa1: {  	v1 =	vadd.s32 v1, v3;
	v3 =	vshrl.u32 v4, $0x13;
	v6 =	vshll.u32 v4, $0xD  }
0xa2: {  	v1 =	vadd.s32 v4, v1;
	v3 =	vor.u32 v3, v6  }
0xa3: {  	v3 =	vxor.u32 v3, v1  }
0xa4: {  	v4 =	vshrl.u32 v3, $0x11;
	v6 =	vshll.u32 v3, $0xF  }
0xa5: {  	v7 =	vld [tilespmem:$0x100];
	v1 =	vadd.s32 v1, v3;
	v3 =	vor.u32 v4, v6  }
0xa6: {  	v3 =	vxor.u32 v3, v1  }
0xa7: {  	v4 =	vshrl.u32 v3, $0x6;
	v6 =	vshll.u32 v3, $0x1A  }
0xa8: {  	v1 =	vadd.s32 v1, v3;
	v3 =	vor.u32 v4, v6  }
0xa9: {  	v3 =	vxor.u32 v3, v1  }
0xaa: {  	v7 =	vmul.f32 $1.442695020e+00, v7;
	v4 =	vshrl.u32 v3, $0x1A;
	v6 =	vshll.u32 v3, $0x6  }
0xab: {  	v1 =	vadd.s32 v1, v3;
	v3 =	vor.u32 v4, v6  }
0xac: {  	(erf) = vpow2.f32 v7;
	v3 =	vxor.u32 v3, v1  }
0xad: {  	v2 =	vadd.s32 v3, v2  }
0xae: {  	v1 =	vadd.s32 v5, v1;
	v2 =	vadd.s32 $0x5, v2  }
0xaf: {  	v1 =	vxor.u32 v1, v2  }
0xb0: {  	v1 =	vshrl.u32 v1, $0x9  }
0xb1: {  	v1 =	vor.u32 $0x3F800000, v1  }
0xb2: {  	v1 =	vadd.f32 $-1.000000000e+00, v1;
	_ =	sdelay $0x1  }
0xb3: {  	v3 =	vmax.f32 v1, $0.0e+00  }
0xb4: {  	vm2 =	vmmov $0xff;
	v2 =	vpop (erf);
	v1 =	vnsel vm0, $0x0, v3  }
0xb5: {  	(xrf2) =	vadd.scan.msk.f32 $0xffff, v1;
	v1 =	vnsel vm2, $0x0, v2  }
0xb6: {  	(xrf2) =	vadd.scan.msk.f32 $0xffff, v1;
	_ =	sdelay $0x8  }
0xb7: {  	v1, _, _ =	vpop (xrf2)  }
0xb8: {  	v2, _, _ =	vpop (xrf2)  }
0xb9: {  	(xrf0) =	vmax.scan.msk.f32 $0xffff, v2;
	_ =	sdelay $0x4  }
0xba: {  	(v2sf) =	vpush v1, $0xF  }
0xbb: {  	v1, _, _ =	vpop (xrf0)  }
0xbc: {  	(v2sf) =	vpush v1, $0xF;
	_ =	sdelay $0xc  }
0xbd: {  	s26 =	spop (v2sf)  }
0xbe: {  	s9 =	ssub.f32 $1.000000000e+00, s26  }
0xbf: {  	s28 =	spop (v2sf)  }
0xc0: {  	s9 =	smul.f32 s9, s28;
	_ =	sdelay $0x1  }
0xc1: {  	vm1 =	vlt.f32 v2, s9  }
0xc2: {  	v1 =	vmpcnt.ones.xlane vm1;
	_ =	sdelay $0x1  }
0xc3: {  	v1 =	vxor.u32 $0x80000000, v1  }
0xc4: {  	(xrf0) =	vmax.scan.msk.u32 $0xffff, v1;
	_ =	sdelay $0x5  }
0xc5: {  	v1, _, _ =	vpop (xrf0)  }
0xc6: {  	(v2sf) =	vpush v1, $0xF;
	_ =	sdelay $0xc  }
0xc7: {  	v2 =	vld [tilespmem:$0x80];
	_ =	sdelay $0x1  }
0xc8: {  	s29 =	spop (v2sf)  }
0xc9: {  	s30 =	sxor.u32 $0x80000000, s29  }
0xca: {  	v1 =	vmov s30  }
0xcb: {  	v2 =	vnsel vm2, $0x0, v2;
	vm1 =	veq.s32 v1, v0  }
0xcc: {  	v4 =	vnsel vm1, $0x0, v2  }
0xcd: {  	(xrf0) =	vadd.scan.msk.s32 $0xffff, v4;
	_ =	sdelay $0x4  }
0xce: {  	v4 =	vsel vm3, $0x0, v3  }
0xcf: {  	(xrf2) =	vadd.scan.msk.f32 $0xffff, v4;
	v5, _, _ =	vpop (xrf0)  }
0xd0: {  	(v2sf) =	vpush v5, $0xF;
	_ =	sdelay $0x8  }
0xd1: {  	v4, _, _ =	vpop (xrf2)  }
0xd2: {  	(v2sf) =	vpush v4, $0xF;
	_ =	sdelay $0x4  }
0xd3: {  	s31 =	spop (v2sf)  }
0xd4: {  	s12 =	sand.u32 $0x7, s31  }
0xd5: {  	s13 =	sshra.s32 s31, $0x1F;
	p0 =	slt.s32 s31, $0x1;
	p1 =	sne.s32 s12, $0x0  }
0xd6: {  	s14 =	sshrl.u32 s13, $0x1D;
	p0 =	por !p0, !p1  }
0xd7: {  	s13 =	simm.s32 $0x1;
	s12 =	sadd.s32 s14, s31;
	p0 =	por !p0, !p0  }
0xd8: {  	s12 =	sshrl.u32 s12, $0x3;
	s13 =	simm.s32 @!p0 $0x0  }
0xd9: {  	s12 =	ssub.s32 s12, s13  }
0xda: {  	s9 =	sshll.u32 s29, $0xD;
	s12 =	sshll.u32 s12, $0xA  }
0xdb: {  	s9 =	sadd.s32 s9, s12  }
0xdc: {  	s9 =	sshrl.u32 s9, $0x3  }
0xdd: {  	s16 =	simm.s32 $0x180;
	s15 =	spop (v2sf);
	s7 =	sadd.s32 s7, s9  }
0xde: {  	[tilespmem:s16], [sflag:$0x5] =	stream.linear.gather [hbm4b:s7+s2], $0x400, $0x38;
	[tilespmem:$0xD1A0] =	vst v63  }
0xdf: {  	_ =	swait.ge [sflag:s3], $0x400  }
0xe0: {  	s17 =	sshll.u32 s31, $0x7;
	[sflag:s3] =	ssyncset.done $0x0  }
0xe1: {  	s7 =	ssub.s32 s17, s12;
	[sflag:s3] =	ssyncadd.s32 $0xFFFFFC00  }
0xe2: {  	v4 =	vld [tilespmem:s7+$0x180];
	_ =	sdelay $0x4  }
0xe3: {  	v4 =	vmul.f32 $1.442695020e+00, v4;
	_ =	sdelay $0x1  }
0xe4: {  	(erf) = vpow2.f32 v4;
	_ =	sdelay $0x2  }
0xe5: {  	v4 =	vld [tilespmem:s7+$0x190];
	_ =	sdelay $0x4  }
0xe6: {  	v4 =	vmul.f32 $1.442695020e+00, v4  }
0xe7: {  	v5 =	vpop (erf)  }
0xe8: {  	(erf) = vpow2.f32 v4;
	(xrf2) =	vadd.scan.msk.f32 $0xffff, v5;
	_ =	sdelay $0x3  }
0xe9: {  	v4 =	vld [tilespmem:s7+$0x1A0];
	_ =	sdelay $0x4  }
0xea: {  	v4 =	vmul.f32 $1.442695020e+00, v4;
	v6 =	vpop (erf)  }
0xeb: {  	v5, _, _ =	vpop (xrf2)  }
0xec: {  	(erf) = vpow2.f32 v4;
	(xrf2) =	vadd.scan.msk.f32 $0xffff, v6;
	v7 =	vadd.f32 $0.0e+00, v5;
	_ =	sdelay $0x1  }
0xed: {  	(xrf0) =	vmax.scan.msk.f32 $0xffff, v7;
	_ =	sdelay $0x1  }
0xee: {  	v4 =	vld [tilespmem:s7+$0x1B0];
	_ =	sdelay $0x3  }
0xef: {  	v6, _, _ =	vpop (xrf0)  }
0xf0: {  	v4 =	vmul.f32 $1.442695020e+00, v4;
	v7 =	vpop (erf);
	v6 =	vbroadcast v6, $0xF  }
0xf1: {  	v8, _, _ =	vpop (xrf2)  }
0xf2: {  	(erf) = vpow2.f32 v4;
	(xrf2) =	vadd.scan.msk.f32 $0xffff, v7;
	v6 =	vadd.f32 v6, v8;
	_ =	sdelay $0x1  }
0xf3: {  	(xrf0) =	vmax.scan.msk.f32 $0xffff, v6;
	_ =	sdelay $0x5  }
0xf4: {  	v4, _, _ =	vpop (xrf0)  }
0xf5: {  	v8 =	vpop (erf);
	v4 =	vbroadcast v4, $0xF  }
0xf6: {  	v7, _, _ =	vpop (xrf2)  }
0xf7: {  	(xrf2) =	vadd.scan.msk.f32 $0xffff, v8;
	v4 =	vadd.f32 v4, v7;
	_ =	sdelay $0x1  }
0xf8: {  	(xrf0) =	vmax.scan.msk.f32 $0xffff, v4;
	_ =	sdelay $0x5  }
0xf9: {  	v7, _, _ =	vpop (xrf0)  }
0xfa: {  	v7 =	vbroadcast v7, $0xF  }
0xfb: {  	v8, _, _ =	vpop (xrf2)  }
0xfc: {  	v7 =	vadd.f32 v7, v8;
	_ =	sdelay $0x1  }
0xfd: {  	(xrf0) =	vmax.scan.msk.f32 $0xffff, v7;
	_ =	sdelay $0x5  }
0xfe: {  	v8, _, _ =	vpop (xrf0)  }
0xff: {  	(v2sf) =	vpush v8, $0xF;
	_ =	sdelay $0xd  }
0x100: {  	s18 =	ssub.f32 $1.000000000e+00, s15  }
0x101: {  	s19 =	spop (v2sf)  }
0x102: {  	s7 =	smul.f32 s18, s19;
	_ =	sdelay $0x1  }
0x103: {  	vm9 =	vlt.f32 v5, s7;
	vm4 =	vlt.f32 v6, s7  }
0x104: {  	vm10 =	vlt.f32 v4, s7;
	v5 =	vmpcnt.ones.xlane vm9;
	v6 =	vmpcnt.ones.xlane vm4  }
0x105: {  	vm11 =	vlt.f32 v7, s7;
	v4 =	vmpcnt.ones.xlane vm10  }
0x106: {  	v5 =	vadd.s32 v5, v6;
	v6 =	vmpcnt.ones.xlane vm11  }
0x107: {  	v4 =	vadd.s32 v4, v5  }
0x108: {  	v4 =	vadd.s32 v6, v4  }
0x109: {  	v4 =	vxor.u32 $0x80000000, v4  }
0x10a: {  	(xrf0) =	vmax.scan.msk.u32 $0xffff, v4;
	_ =	sdelay $0x5  }
0x10b: {  	v4, _, _ =	vpop (xrf0)  }
0x10c: {  	(v2sf) =	vpush v4, $0xF;
	_ =	sdelay $0x8  }
0x10d: {  	vm12 =	vcmask $0x70C  }
0x10e: {  	v3 =	vsel vm12, $0x0, v3  }
0x10f: {  	(xrf2) =	vadd.scan.msk.f32 $0xffff, v3;
	_ =	sdelay $0x3  }
0x110: {  	s20 =	spop (v2sf)  }
0x111: {  	s9 =	sxor.u32 $0x80000000, s20  }
0x112: {  	p5 =	sgt.s32 s20, $0xFFFFFFFF;
	s21 =	sand.u32 $0x7, s20;
	p4 =	slt.s32 s9, $0x1  }
0x113: {  	s22 =	sshra.s32 s9, $0x1F;
	p6 =	sne.s32 s21, $0x0;
	p0 =	por p5, p4  }
0x114: {  	s23 =	sshrl.u32 s22, $0x1D;
	p0 =	por !p6, !p0  }
0x115: {  	s11 =	simm.s32 $0x1;
	s7 =	sadd.s32 s23, s9;
	p0 =	por !p0, !p0  }
0x116: {  	v3, _, _ =	vpop (xrf2);
	s7 =	sshra.s32 s7, $0x3;
	s11 =	simm.s32 @!p0 $0x0  }
0x117: {  	s10 =	smul.u32 $0x61C000, s30;
	(v2sf) =	vpush v3, $0xF;
	s11 =	ssub.s32 s7, s11  }
0x118: {  	s7 =	stileid.u32;
	s24 =	smul.u32 $0xC3800, s11  }
0x119: {  	s14 =	smul.u32 $0x1900, s7  }
0x11a: {  	p0 =	seq.s32 s7, $0xF;
	s10 =	sadd.s32 s10, s24  }
0x11b: {  	s14 =	simm.s32 @p0 $0x16E00;
	s13 =	sshrl.u32 s10, $0x3  }
0x11c: {  	s25 =	simm.s32 $0x580;
	s13 =	sadd.s32 s14, s13;
	s14 =	sshll.u32 s14, $0x3  }
0x11d: {  	s28 =	simm.s32 $0x3D80;
	s13 =	sand.u32 $0x1FFFFF00, s13;
	s10 =	sadd.s32 s10, s14  }
0x11e: {  	s30 =	simm.s32 $0x6D80;
	s13 =	sadd.s32 s8, s13;
	s26 =	sadd.s32 $0x3800, s10  }
0x11f: {  	[tilespmem:s25], [sflag:$0x1] =	stream.linear.gather [hbm4b:s13+s2], $0x3800, $0x38;
	[tilespmem:$0xD1A0] =	vst v63  }
0x120: {  	s31 =	simm.s32 $0x1;
	s16 =	simm.s32 $0x9D80;
	s13 =	sshrl.u32 s26, $0x3  }
0x121: {  	s11 =	sshll.u32 s11, $0x3;
	s29 =	sadd.s32 $0x6800, s10;
	s13 =	sadd.s32 s8, s13  }
0x122: {  	[tilespmem:s28], [sflag:$0x2] =	stream.linear.gather [hbm4b:s13+s2], $0x3000, $0x38;
	[tilespmem:$0xD1A0] =	vst v63  }
0x123: {  	s11 =	ssub.s32 s20, s11;
	s10 =	sadd.s32 $0x9800, s10;
	s13 =	sshrl.u32 s29, $0x3  }
0x124: {  	s14 =	sshrl.u32 s11, $0x3;
	s10 =	sshrl.u32 s10, $0x3;
	s13 =	sadd.s32 s8, s13  }
0x125: {  	[tilespmem:s30], [sflag:$0x3] =	stream.linear.gather [hbm4b:s13+s2], $0x3000, $0x38;
	[tilespmem:$0xD1A0] =	vst v63  }
0x126: {  	s14 =	smul.u32 $0x32000, s14;
	s15 =	spop (v2sf);
	s8 =	sadd.s32 s8, s10  }
0x127: {  	[tilespmem:s16], [sflag:$0x4] =	stream.linear.gather [hbm4b:s8+s2], $0x3000, $0x38;
	[tilespmem:$0xD1A0] =	vst v63  }
0x128: {  	s17 =	sshll.u32 s20, $0x7;
	s12 =	sshra.s32 s14, $0x2;
	_ =	swait.ge [sflag:s31], $0x3800  }
0x129: {  	s10 =	sand.u32 $0x380, s17;
	s8 =	sor.u32 $0x580, s12;
	[sflag:s31] =	ssyncset.done $0x0  }
0x12a: {  	s18 =	sadd.s32 s10, s8;
	[sflag:s31] =	ssyncadd.s32 $0xFFFFC800  }
0x12b: {  	v3 =	vld [tilespmem:s18+$0x0]  }
0x12c: {  	v4 =	vld [tilespmem:s18+$0x10]  }
0x12d: {  	v5 =	vld [tilespmem:s18+$0x20]  }
0x12e: {  	v6 =	vld [tilespmem:s18+$0x30]  }
0x12f: {  	v7 =	vld [tilespmem:s18+$0x40]  }
0x130: {  	v8 =	vld [tilespmem:s18+$0x50];
	v3 =	vmul.f32 $1.442695020e+00, v3  }
0x131: {  	v9 =	vld [tilespmem:s18+$0x60];
	v4 =	vmul.f32 $1.442695020e+00, v4  }
0x132: {  	(erf) = vpow2.f32 v3;
	v3 =	vmul.f32 $1.442695020e+00, v5;
	v5 =	vld [tilespmem:s18+$0x70]  }
0x133: {  	(erf) = vpow2.f32 v4;
	v4 =	vmul.f32 $1.442695020e+00, v6;
	v6 =	vld [tilespmem:s18+$0x400]  }
0x134: {  	(erf) = vpow2.f32 v3;
	v3 =	vmul.f32 $1.442695020e+00, v7;
	v7 =	vld [tilespmem:s18+$0x410]  }
0x135: {  	(erf) = vpow2.f32 v4;
	v4 =	vmul.f32 $1.442695020e+00, v8;
	v8 =	vld [tilespmem:s18+$0x420]  }
0x136: {  	v35 =	vld [tilespmem:s18+$0x430];
	(erf) = vpow2.f32 v3;
	v3 =	vmul.f32 $1.442695020e+00, v9  }
0x137: {  	(erf) = vpow2.f32 v4;
	v4 =	vmul.f32 $1.442695020e+00, v5;
	v5 =	vld [tilespmem:s18+$0x440]  }
0x138: {  	(erf) = vpow2.f32 v3;
	v3 =	vmul.f32 $1.442695020e+00, v6;
	v6 =	vld [tilespmem:s18+$0x450]  }
0x139: {  	(erf) = vpow2.f32 v4;
	v4 =	vmul.f32 $1.442695020e+00, v7;
	v7 =	vld [tilespmem:s18+$0x460]  }
0x13a: {  	s19 =	sor.u32 s10, s12;
	(erf) = vpow2.f32 v3;
	v3 =	vmul.f32 $1.442695020e+00, v8;
	v8 =	vld [tilespmem:s18+$0x470]  }
0x13b: {  	v36 =	vld [tilespmem:s19+$0xD80];
	v10 =	vpop (erf);
	(erf) = vpow2.f32 v4;
	v4 =	vmul.f32 $1.442695020e+00, v35  }
0x13c: {  	v11 =	vpop (erf);
	(erf) = vpow2.f32 v3;
	v3 =	vmul.f32 $1.442695020e+00, v5;
	v5 =	vld [tilespmem:s19+$0xD90]  }
0x13d: {  	v12 =	vpop (erf);
	(erf) = vpow2.f32 v4;
	v4 =	vmul.f32 $1.442695020e+00, v6;
	v6 =	vld [tilespmem:s19+$0xDA0]  }
0x13e: {  	v13 =	vpop (erf);
	(erf) = vpow2.f32 v3;
	v3 =	vmul.f32 $1.442695020e+00, v7;
	v7 =	vld [tilespmem:s19+$0xDB0]  }
0x13f: {  	v14 =	vpop (erf);
	(erf) = vpow2.f32 v4;
	v4 =	vmul.f32 $1.442695020e+00, v8;
	v8 =	vld [tilespmem:s19+$0xDC0]  }
0x140: {  	v37 =	vld [tilespmem:s19+$0xDD0];
	v15 =	vpop (erf);
	(erf) = vpow2.f32 v3;
	v3 =	vmul.f32 $1.442695020e+00, v36  }
0x141: {  	v16 =	vpop (erf);
	(erf) = vpow2.f32 v4;
	v4 =	vmul.f32 $1.442695020e+00, v5;
	v5 =	vld [tilespmem:s19+$0xDE0]  }
0x142: {  	v38 =	vpop (erf);
	(erf) = vpow2.f32 v3;
	v3 =	vmul.f32 $1.442695020e+00, v6;
	v6 =	vld [tilespmem:s19+$0xDF0]  }
0x143: {  	v39 =	vpop (erf);
	(erf) = vpow2.f32 v4;
	v4 =	vmul.f32 $1.442695020e+00, v7;
	v7 =	vld [tilespmem:s19+$0x1180]  }
0x144: {  	v10 =	vadd.f32 $0.0e+00, v10;
	v40 =	vpop (erf);
	(erf) = vpow2.f32 v3;
	v3 =	vmul.f32 $1.442695020e+00, v8;
	v8 =	vld [tilespmem:s19+$0x1190]  }
0x145: {  	v42 =	vld [tilespmem:s19+$0x11A0];
	v11 =	vadd.f32 $0.0e+00, v11;
	v41 =	vpop (erf);
	(erf) = vpow2.f32 v4;
	v4 =	vmul.f32 $1.442695020e+00, v37  }
0x146: {  	v12 =	vadd.f32 $0.0e+00, v12;
	v43 =	vpop (erf);
	(erf) = vpow2.f32 v3;
	v3 =	vmul.f32 $1.442695020e+00, v5;
	v5 =	vld [tilespmem:s19+$0x11B0]  }
0x147: {  	v13 =	vadd.f32 $0.0e+00, v13;
	v44 =	vpop (erf);
	(erf) = vpow2.f32 v4;
	v4 =	vmul.f32 $1.442695020e+00, v6;
	v6 =	vld [tilespmem:s19+$0x11C0]  }
0x148: {  	v10 =	vadd.f32 v14, v10;
	v45 =	vpop (erf);
	(erf) = vpow2.f32 v3;
	v3 =	vmul.f32 $1.442695020e+00, v7;
	v7 =	vld [tilespmem:s19+$0x11D0]  }
0x149: {  	v11 =	vadd.f32 v15, v11;
	v46 =	vpop (erf);
	(erf) = vpow2.f32 v4;
	v4 =	vmul.f32 $1.442695020e+00, v8;
	v8 =	vld [tilespmem:s19+$0x11E0]  }
0x14a: {  	v48 =	vld [tilespmem:s19+$0x11F0];
	v12 =	vadd.f32 v16, v12;
	v47 =	vpop (erf);
	(erf) = vpow2.f32 v3;
	v3 =	vmul.f32 $1.442695020e+00, v42  }
0x14b: {  	v13 =	vadd.f32 v38, v13;
	v49 =	vpop (erf);
	(erf) = vpow2.f32 v4;
	v4 =	vmul.f32 $1.442695020e+00, v5;
	v5 =	vld [tilespmem:s19+$0x1580]  }
0x14c: {  	v10 =	vadd.f32 v39, v10;
	v50 =	vpop (erf);
	(erf) = vpow2.f32 v3;
	v3 =	vmul.f32 $1.442695020e+00, v6;
	v6 =	vld [tilespmem:s19+$0x1590]  }
0x14d: {  	v11 =	vadd.f32 v40, v11;
	v51 =	vpop (erf);
	(erf) = vpow2.f32 v4;
	v4 =	vmul.f32 $1.442695020e+00, v7;
	v7 =	vld [tilespmem:s19+$0x15A0]  }
0x14e: {  	v12 =	vadd.f32 v41, v12;
	v52 =	vpop (erf);
	(erf) = vpow2.f32 v3;
	v3 =	vmul.f32 $1.442695020e+00, v8;
	v8 =	vld [tilespmem:s19+$0x15B0]  }
0x14f: {  	v54 =	vld [tilespmem:s19+$0x15C0];
	v13 =	vadd.f32 v43, v13;
	v53 =	vpop (erf);
	(erf) = vpow2.f32 v4;
	v4 =	vmul.f32 $1.442695020e+00, v48  }
0x150: {  	v18 =	vld [tilespmem:s19+$0x15D0];
	v10 =	vadd.f32 v44, v10;
	v17 =	vpop (erf);
	(erf) = vpow2.f32 v3;
	v5 =	vmul.f32 $1.442695020e+00, v5  }
0x151: {  	v11 =	vadd.f32 v45, v11;
	v55 =	vpop (erf);
	(erf) = vpow2.f32 v4;
	v4 =	vmul.f32 $1.442695020e+00, v6;
	v6 =	vld [tilespmem:s19+$0x15E0]  }
0x152: {  	v12 =	vadd.f32 v46, v12;
	v57 =	vpop (erf);
	(erf) = vpow2.f32 v5;
	v5 =	vmul.f32 $1.442695020e+00, v7;
	v7 =	vld [tilespmem:s19+$0x15F0]  }
0x153: {  	v13 =	vadd.f32 v47, v13;
	v19 =	vpop (erf);
	(erf) = vpow2.f32 v4;
	v4 =	vmul.f32 $1.442695020e+00, v8;
	v8 =	vld [tilespmem:s19+$0x1980]  }
0x154: {  	v58 =	vld [tilespmem:s19+$0x1990];
	v10 =	vadd.f32 v11, v10;
	v20 =	vpop (erf);
	(erf) = vpow2.f32 v5;
	v5 =	vmul.f32 $1.442695020e+00, v54  }
0x155: {  	v59 =	vld [tilespmem:s19+$0x19A0];
	v56 =	vadd.f32 $0.0e+00, v49;
	v21 =	vpop (erf);
	(erf) = vpow2.f32 v4;
	v4 =	vmul.f32 $1.442695020e+00, v18  }
0x156: {  	v12 =	vadd.f32 v13, v12;
	v60 =	vpop (erf);
	(erf) = vpow2.f32 v5;
	v5 =	vmul.f32 $1.442695020e+00, v6;
	v6 =	vld [tilespmem:s19+$0x19B0]  }
0x157: {  	v15 =	vadd.f32 $0.0e+00, v50;
	v61 =	vpop (erf);
	(erf) = vpow2.f32 v4;
	v4 =	vmul.f32 $1.442695020e+00, v7;
	v7 =	vld [tilespmem:s19+$0x19C0]  }
0x158: {  	v16 =	vadd.f32 $0.0e+00, v51;
	v62 =	vpop (erf);
	(erf) = vpow2.f32 v5;
	v5 =	vmul.f32 $1.442695020e+00, v8;
	v8 =	vld [tilespmem:s19+$0x19D0]  }
0x159: {  	v24 =	vld [tilespmem:s19+$0x19E0];
	v11 =	vadd.f32 $0.0e+00, v52;
	v63 =	vpop (erf);
	(erf) = vpow2.f32 v4;
	v4 =	vmul.f32 $1.442695020e+00, v58  }
0x15a: {  	v26 =	vld [tilespmem:s19+$0x19F0];
	v3 =	vadd.f32 v12, v10;
	v25 =	vpop (erf);
	(erf) = vpow2.f32 v5;
	v5 =	vmul.f32 $1.442695020e+00, v59  }
0x15b: {  	v12 =	vadd.f32 v53, v56;
	v27 =	vpop (erf);
	(erf) = vpow2.f32 v4;
	v4 =	vmul.f32 $1.442695020e+00, v6;
	v6 =	vld [tilespmem:s19+$0x1D80]  }
0x15c: {  	v15 =	vadd.f32 v17, v15;
	v28 =	vpop (erf);
	(erf) = vpow2.f32 v5;
	v5 =	vmul.f32 $1.442695020e+00, v7;
	v7 =	vld [tilespmem:s19+$0x1D90]  }
0x15d: {  	v10 =	vadd.f32 v55, v16;
	v29 =	vpop (erf);
	(erf) = vpow2.f32 v4;
	v4 =	vmul.f32 $1.442695020e+00, v8;
	v8 =	vld [tilespmem:s19+$0x1DA0]  }
0x15e: {  	v31 =	vld [tilespmem:s19+$0x1DB0];
	v11 =	vadd.f32 v57, v11;
	v30 =	vpop (erf);
	(erf) = vpow2.f32 v5;
	v5 =	vmul.f32 $1.442695020e+00, v24  }
0x15f: {  	v33 =	vld [tilespmem:s19+$0x1DC0];
	v12 =	vadd.f32 v19, v12;
	v32 =	vpop (erf);
	(erf) = vpow2.f32 v4;
	v4 =	vmul.f32 $1.442695020e+00, v26  }
0x160: {  	v15 =	vadd.f32 v20, v15;
	v34 =	vpop (erf);
	(erf) = vpow2.f32 v5;
	v5 =	vmul.f32 $1.442695020e+00, v6;
	v6 =	vld [tilespmem:s19+$0x1DD0]  }
0x161: {  	v10 =	vadd.f32 v21, v10;
	v35 =	vpop (erf);
	(erf) = vpow2.f32 v4;
	v4 =	vmul.f32 $1.442695020e+00, v7;
	v7 =	vld [tilespmem:s19+$0x1DE0]  }
0x162: {  	v11 =	vadd.f32 v60, v11;
	v36 =	vpop (erf);
	(erf) = vpow2.f32 v5;
	v5 =	vmul.f32 $1.442695020e+00, v8;
	v8 =	vld [tilespmem:s19+$0x1DF0]  }
0x163: {  	v38 =	vld [tilespmem:s19+$0x2180];
	v12 =	vadd.f32 v61, v12;
	v37 =	vpop (erf);
	(erf) = vpow2.f32 v4;
	v4 =	vmul.f32 $1.442695020e+00, v31  }
0x164: {  	v39 =	vld [tilespmem:s19+$0x2190];
	v15 =	vadd.f32 v62, v15;
	v22 =	vpop (erf);
	(erf) = vpow2.f32 v5;
	v5 =	vmul.f32 $1.442695020e+00, v33  }
0x165: {  	v10 =	vadd.f32 v63, v10;
	v23 =	vpop (erf);
	(erf) = vpow2.f32 v4;
	v4 =	vmul.f32 $1.442695020e+00, v6;
	v6 =	vld [tilespmem:s19+$0x21A0]  }
0x166: {  	v11 =	vadd.f32 v25, v11;
	v24 =	vpop (erf);
	(erf) = vpow2.f32 v5;
	v5 =	vmul.f32 $1.442695020e+00, v7;
	v7 =	vld [tilespmem:s19+$0x21B0]  }
0x167: {  	v12 =	vadd.f32 v15, v12;
	v25 =	vpop (erf);
	(erf) = vpow2.f32 v4;
	v4 =	vmul.f32 $1.442695020e+00, v8;
	v8 =	vld [tilespmem:s19+$0x21C0]  }
0x168: {  	v41 =	vld [tilespmem:s19+$0x21D0];
	v20 =	vadd.f32 $0.0e+00, v27;
	v40 =	vpop (erf);
	(erf) = vpow2.f32 v5;
	v5 =	vmul.f32 $1.442695020e+00, v38  }
0x169: {  	v43 =	vld [tilespmem:s19+$0x21E0];
	v10 =	vadd.f32 v11, v10;
	v42 =	vpop (erf);
	(erf) = vpow2.f32 v4;
	v4 =	vmul.f32 $1.442695020e+00, v39  }
0x16a: {  	v21 =	vadd.f32 $0.0e+00, v28;
	v44 =	vpop (erf);
	(erf) = vpow2.f32 v5;
	v5 =	vmul.f32 $1.442695020e+00, v6;
	v6 =	vld [tilespmem:s19+$0x21F0]  }
0x16b: {  	v13 =	vadd.f32 $0.0e+00, v29;
	v45 =	vpop (erf);
	(erf) = vpow2.f32 v4;
	v4 =	vmul.f32 $1.442695020e+00, v7;
	v7 =	vld [tilespmem:s19+$0x2580]  }
0x16c: {  	v17 =	vadd.f32 $0.0e+00, v30;
	v46 =	vpop (erf);
	(erf) = vpow2.f32 v5;
	v5 =	vmul.f32 $1.442695020e+00, v8;
	v8 =	vld [tilespmem:s19+$0x2590]  }
0x16d: {  	v48 =	vld [tilespmem:s19+$0x25A0];
	v10 =	vadd.f32 v10, v12;
	v47 =	vpop (erf);
	(erf) = vpow2.f32 v4;
	v4 =	vmul.f32 $1.442695020e+00, v41  }
0x16e: {  	v50 =	vld [tilespmem:s19+$0x25B0];
	v16 =	vadd.f32 v32, v20;
	v49 =	vpop (erf);
	(erf) = vpow2.f32 v5;
	v5 =	vmul.f32 $1.442695020e+00, v43  }
0x16f: {  	v14 =	vadd.f32 v34, v21;
	v51 =	vpop (erf);
	(erf) = vpow2.f32 v4;
	v4 =	vmul.f32 $1.442695020e+00, v6;
	v6 =	vld [tilespmem:s19+$0x25C0]  }
0x170: {  	v13 =	vadd.f32 v35, v13;
	v52 =	vpop (erf);
	(erf) = vpow2.f32 v5;
	v5 =	vmul.f32 $1.442695020e+00, v7;
	v7 =	vld [tilespmem:s19+$0x25D0]  }
0x171: {  	v15 =	vadd.f32 v36, v17;
	v53 =	vpop (erf);
	(erf) = vpow2.f32 v4;
	v4 =	vmul.f32 $1.442695020e+00, v8;
	v8 =	vld [tilespmem:s19+$0x25E0]  }
0x172: {  	v55 =	vld [tilespmem:s19+$0x25F0];
	v11 =	vadd.f32 v37, v16;
	v54 =	vpop (erf);
	(erf) = vpow2.f32 v5;
	v5 =	vmul.f32 $1.442695020e+00, v48  }
0x173: {  	v57 =	vld [tilespmem:s19+$0x2980];
	v14 =	vadd.f32 v22, v14;
	v56 =	vpop (erf);
	(erf) = vpow2.f32 v4;
	v4 =	vmul.f32 $1.442695020e+00, v50  }
0x174: {  	v13 =	vadd.f32 v23, v13;
	v58 =	vpop (erf);
	(erf) = vpow2.f32 v5;
	v5 =	vmul.f32 $1.442695020e+00, v6;
	v6 =	vld [tilespmem:s19+$0x2990]  }
0x175: {  	v15 =	vadd.f32 v24, v15;
	v59 =	vpop (erf);
	(erf) = vpow2.f32 v4;
	v4 =	vmul.f32 $1.442695020e+00, v7;
	v7 =	vld [tilespmem:s19+$0x29A0]  }
0x176: {  	v11 =	vadd.f32 v25, v11;
	v60 =	vpop (erf);
	(erf) = vpow2.f32 v5;
	v5 =	vmul.f32 $1.442695020e+00, v8;
	v8 =	vld [tilespmem:s19+$0x29B0]  }
0x177: {  	v62 =	vld [tilespmem:s19+$0x29C0];
	v14 =	vadd.f32 v40, v14;
	v61 =	vpop (erf);
	(erf) = vpow2.f32 v4;
	v4 =	vmul.f32 $1.442695020e+00, v55  }
0x178: {  	v63 =	vld [tilespmem:s19+$0x29D0];
	v13 =	vadd.f32 v42, v13;
	v26 =	vpop (erf);
	(erf) = vpow2.f32 v5;
	v5 =	vmul.f32 $1.442695020e+00, v57  }
0x179: {  	v15 =	vadd.f32 v44, v15;
	v27 =	vpop (erf);
	(erf) = vpow2.f32 v4;
	v4 =	vmul.f32 $1.442695020e+00, v6  }
0x17a: {  	v11 =	vadd.f32 v14, v11;
	v6 =	vld [tilespmem:s19+$0x29E0];
	v28 =	vpop (erf);
	(erf) = vpow2.f32 v5;
	v5 =	vmul.f32 $1.442695020e+00, v7  }
0x17b: {  	v17 =	vadd.f32 $0.0e+00, v45;
	v7 =	vld [tilespmem:s19+$0x29F0];
	v29 =	vpop (erf);
	(erf) = vpow2.f32 v4;
	v4 =	vmul.f32 $1.442695020e+00, v8  }
0x17c: {  	v16 =	vadd.f32 $0.0e+00, v46;
	v32 =	vpop (erf);
	(erf) = vpow2.f32 v5;
	v5 =	vmul.f32 $1.442695020e+00, v62  }
0x17d: {  	v13 =	vadd.f32 v15, v13;
	v34 =	vpop (erf);
	(erf) = vpow2.f32 v4;
	v4 =	vmul.f32 $1.442695020e+00, v63  }
0x17e: {  	v33 =	vadd.f32 v52, v16;
	v8 =	vadd.f32 v51, v17;
	v36 =	vpop (erf);
	(erf) = vpow2.f32 v5  }
0x17f: {  	v22 =	vadd.f32 $0.0e+00, v47;
	v5 =	vmul.f32 $1.442695020e+00, v6;
	v37 =	vpop (erf);
	(erf) = vpow2.f32 v4  }
0x180: {  	v4 =	vmul.f32 $1.442695020e+00, v7;
	v7 =	vadd.f32 v56, v8;
	v8 =	vadd.f32 v58, v33  }
0x181: {  	v11 =	vadd.f32 v13, v11;
	v23 =	vadd.f32 $0.0e+00, v49  }
0x182: {  	v35 =	vadd.f32 v53, v22;
	v41 =	vadd.f32 $0.0e+00, v29;
	v38 =	vpop (erf);
	(erf) = vpow2.f32 v5  }
0x183: {  	v42 =	vadd.f32 $0.0e+00, v32;
	v6 =	vadd.f32 v54, v23;
	v39 =	vpop (erf);
	(erf) = vpow2.f32 v4  }
0x184: {  	v4 =	vadd.f32 v61, v7;
	v7 =	vadd.f32 v26, v8;
	v8 =	vpop (erf)  }
0x185: {  	v16 =	vadd.f32 $0.0e+00, v34;
	v44 =	vadd.f32 $0.0e+00, v36;
	v40 =	vpop (erf)  }
0x186: {  	v5 =	vadd.f32 v59, v35;
	v6 =	vadd.f32 v60, v6;
	v43 =	vpop (erf)  }
0x187: {  	v14 =	vadd.f32 v37, v41;
	v9 =	vadd.f32 v38, v42;
	v45 =	vpop (erf)  }
0x188: {  	v5 =	vadd.f32 v27, v5;
	v6 =	vadd.f32 v28, v6;
	v46 =	vpop (erf)  }
0x189: {  	v12 =	vadd.f32 v39, v16;
	v8 =	vadd.f32 v8, v44;
	v47 =	vpop (erf)  }
0x18a: {  	v13 =	vadd.f32 v40, v14;
	v9 =	vadd.f32 v43, v9;
	v48 =	vpop (erf)  }
0x18b: {  	v12 =	vadd.f32 v45, v12;
	v8 =	vadd.f32 v46, v8;
	v49 =	vpop (erf)  }
0x18c: {  	v13 =	vadd.f32 v47, v13;
	v9 =	vadd.f32 v48, v9;
	v50 =	vpop (erf)  }
0x18d: {  	v12 =	vadd.f32 v49, v12;
	v8 =	vadd.f32 v50, v8  }
0x18e: {  	v4 =	vadd.f32 v7, v4;
	v5 =	vadd.f32 v6, v5;
	v6 =	vld [tilespmem:s19+$0x2D80]  }
0x18f: {  	(xrf2) =	vadd.scan.msk.f32 $0xffff, v3;
	v3 =	vadd.f32 v9, v13;
	v7 =	vadd.f32 v8, v12;
	v8 =	vld [tilespmem:s19+$0x2D90]  }
0x190: {  	(xrf2) =	vadd.scan.msk.f32 $0xffff, v10;
	v4 =	vadd.f32 v5, v4;
	v5 =	vld [tilespmem:s19+$0x2DA0]  }
0x191: {  	(xrf2) =	vadd.scan.msk.f32 $0xffff, v11;
	v3 =	vadd.f32 v7, v3;
	v7 =	vld [tilespmem:s19+$0x2DB0]  }
0x192: {  	(xrf2) =	vadd.scan.msk.f32 $0xffff, v4;
	v4 =	vld [tilespmem:s19+$0x2DC0]  }
0x193: {  	(xrf2) =	vadd.scan.msk.f32 $0xffff, v3;
	v3 =	vmul.f32 $1.442695020e+00, v6;
	v6 =	vld [tilespmem:s19+$0x2DD0]  }
0x194: {  	v51 =	vld [tilespmem:s19+$0x2DE0];
	v8 =	vmul.f32 $1.442695020e+00, v8  }
0x195: {  	v52 =	vld [tilespmem:s19+$0x2DF0];
	(erf) = vpow2.f32 v3;
	v3 =	vmul.f32 $1.442695020e+00, v5  }
0x196: {  	(erf) = vpow2.f32 v8;
	v5 =	vmul.f32 $1.442695020e+00, v7;
	v7 =	vld [tilespmem:s19+$0x3180]  }
0x197: {  	v8 =	vld [tilespmem:s19+$0x3190];
	(erf) = vpow2.f32 v3;
	v3 =	vmul.f32 $1.442695020e+00, v4  }
0x198: {  	v53 =	vld [tilespmem:s19+$0x31A0];
	(erf) = vpow2.f32 v5;
	v6 =	vmul.f32 $1.442695020e+00, v6  }
0x199: {  	v54 =	vld [tilespmem:s19+$0x31B0];
	(erf) = vpow2.f32 v3;
	v3 =	vmul.f32 $1.442695020e+00, v51  }
0x19a: {  	v10 =	vmul.f32 $1.442695020e+00, v52;
	v55 =	vld [tilespmem:s19+$0x31C0];
	v4, _, _ =	vpop (xrf2);
	(erf) = vpow2.f32 v6  }
0x19b: {  	v56 =	vld [tilespmem:s19+$0x31D0];
	v5, _, _ =	vpop (xrf2);
	(erf) = vpow2.f32 v3;
	v3 =	vmul.f32 $1.442695020e+00, v7  }
0x19c: {  	v58 =	vld [tilespmem:s19+$0x31E0];
	v57 =	vmul.f32 $1.442695020e+00, v8;
	v6, _, _ =	vpop (xrf2);
	(erf) = vpow2.f32 v10  }
0x19d: {  	v7, _, _ =	vpop (xrf2);
	(erf) = vpow2.f32 v3;
	v3 =	vmul.f32 $1.442695020e+00, v53  }
0x19e: {  	v9 =	vmul.f32 $1.442695020e+00, v54;
	v8, _, _ =	vpop (xrf2);
	(erf) = vpow2.f32 v57  }
0x19f: {  	v59 =	vpop (erf);
	(erf) = vpow2.f32 v3;
	v3 =	vmul.f32 $1.442695020e+00, v55  }
0x1a0: {  	v62 =	vmul.f32 $1.442695020e+00, v56;
	v60 =	vpop (erf);
	(erf) = vpow2.f32 v9  }
0x1a1: {  	v61 =	vpop (erf);
	(erf) = vpow2.f32 v3;
	v3 =	vmul.f32 $1.442695020e+00, v58  }
0x1a2: {  	v63 =	vpop (erf)  }
0x1a3: {  	v33 =	vpop (erf);
	(erf) = vpow2.f32 v62  }
0x1a4: {  	v34 =	vpop (erf);
	(erf) = vpow2.f32 v3  }
0x1a5: {  	v3 =	vpop (erf)  }
0x1a6: {  	v15 =	vpop (erf)  }
0x1a7: {  	v16 =	vpop (erf)  }
0x1a8: {  	v17 =	vpop (erf)  }
0x1a9: {  	v18 =	vpop (erf)  }
0x1aa: {  	v19 =	vpop (erf)  }
0x1ab: {  	v20 =	vpop (erf)  }
0x1ac: {  	v21 =	vpop (erf)  }
0x1ad: {  	v22 =	vpop (erf)  }
0x1ae: {  	v35 =	vld [tilespmem:s19+$0x31F0]  }
0x1af: {  	v36 =	vld [tilespmem:s19+$0x3580]  }
0x1b0: {  	v37 =	vld [tilespmem:s19+$0x3590]  }
0x1b1: {  	v38 =	vld [tilespmem:s19+$0x35A0]  }
0x1b2: {  	v39 =	vld [tilespmem:s19+$0x35B0]  }
0x1b3: {  	v40 =	vld [tilespmem:s19+$0x35C0];
	v23 =	vmul.f32 $1.442695020e+00, v35  }
0x1b4: {  	v41 =	vld [tilespmem:s19+$0x35D0];
	v24 =	vmul.f32 $1.442695020e+00, v36  }
0x1b5: {  	v43 =	vld [tilespmem:s19+$0x35E0];
	v42 =	vmul.f32 $1.442695020e+00, v37;
	(erf) = vpow2.f32 v23  }
0x1b6: {  	v45 =	vld [tilespmem:s19+$0x35F0];
	v44 =	vmul.f32 $1.442695020e+00, v38;
	(erf) = vpow2.f32 v24  }
0x1b7: {  	v47 =	vld [tilespmem:s19+$0x3980];
	v46 =	vmul.f32 $1.442695020e+00, v39;
	(erf) = vpow2.f32 v42  }
0x1b8: {  	v49 =	vld [tilespmem:s19+$0x3990];
	v48 =	vmul.f32 $1.442695020e+00, v40;
	(erf) = vpow2.f32 v44  }
0x1b9: {  	v51 =	vld [tilespmem:s19+$0x39A0];
	v50 =	vmul.f32 $1.442695020e+00, v41;
	(erf) = vpow2.f32 v46  }
0x1ba: {  	v53 =	vld [tilespmem:s19+$0x39B0];
	v52 =	vmul.f32 $1.442695020e+00, v43;
	(erf) = vpow2.f32 v48  }
0x1bb: {  	v55 =	vld [tilespmem:s19+$0x39C0];
	v54 =	vmul.f32 $1.442695020e+00, v45;
	(erf) = vpow2.f32 v50  }
0x1bc: {  	v11 =	vadd.f32 $0.0e+00, v59;
	v57 =	vld [tilespmem:s19+$0x39D0];
	v56 =	vmul.f32 $1.442695020e+00, v47;
	(erf) = vpow2.f32 v52  }
0x1bd: {  	v10 =	vadd.f32 $0.0e+00, v60;
	v59 =	vld [tilespmem:s19+$0x39E0];
	v58 =	vmul.f32 $1.442695020e+00, v49;
	(erf) = vpow2.f32 v54  }
0x1be: {  	v12 =	vadd.f32 $0.0e+00, v61;
	v61 =	vld [tilespmem:s19+$0x39F0];
	v60 =	vmul.f32 $1.442695020e+00, v51;
	v30 =	vpop (erf);
	(erf) = vpow2.f32 v56  }
0x1bf: {  	v13 =	vadd.f32 $0.0e+00, v63;
	v62 =	vmul.f32 $1.442695020e+00, v53;
	v31 =	vpop (erf);
	(erf) = vpow2.f32 v58  }
0x1c0: {  	v11 =	vadd.f32 v33, v11;
	v32 =	vmul.f32 $1.442695020e+00, v55;
	v63 =	vpop (erf);
	(erf) = vpow2.f32 v60  }
0x1c1: {  	v9 =	vadd.f32 v34, v10;
	v34 =	vmul.f32 $1.442695020e+00, v57;
	v33 =	vpop (erf);
	(erf) = vpow2.f32 v62  }
0x1c2: {  	v3 =	vadd.f32 v3, v12;
	v36 =	vmul.f32 $1.442695020e+00, v59;
	v35 =	vpop (erf);
	(erf) = vpow2.f32 v32  }
0x1c3: {  	v13 =	vadd.f32 v15, v13;
	v38 =	vmul.f32 $1.442695020e+00, v61;
	v37 =	vpop (erf);
	(erf) = vpow2.f32 v34  }
0x1c4: {  	v11 =	vadd.f32 v16, v11;
	v9 =	vadd.f32 v17, v9;
	v39 =	vpop (erf);
	(erf) = vpow2.f32 v36  }
0x1c5: {  	v3 =	vadd.f32 v18, v3;
	v13 =	vadd.f32 v19, v13;
	v40 =	vpop (erf);
	(erf) = vpow2.f32 v38  }
0x1c6: {  	v11 =	vadd.f32 v20, v11;
	v9 =	vadd.f32 v21, v9;
	v41 =	vpop (erf)  }
0x1c7: {  	v3 =	vadd.f32 v22, v3;
	v13 =	vadd.f32 v30, v13;
	v42 =	vpop (erf)  }
0x1c8: {  	v43 =	vadd.f32 $0.0e+00, v31;
	v14 =	vadd.f32 $0.0e+00, v63;
	v44 =	vpop (erf)  }
0x1c9: {  	v10 =	vadd.f32 $0.0e+00, v33;
	v12 =	vadd.f32 $0.0e+00, v35;
	v45 =	vpop (erf)  }
0x1ca: {  	v15 =	vadd.f32 v37, v43;
	v14 =	vadd.f32 v39, v14;
	v46 =	vpop (erf)  }
0x1cb: {  	v10 =	vadd.f32 v40, v10;
	v12 =	vadd.f32 v41, v12;
	v47 =	vpop (erf)  }
0x1cc: {  	v15 =	vadd.f32 v42, v15;
	v14 =	vadd.f32 v44, v14;
	v48 =	vpop (erf)  }
0x1cd: {  	v10 =	vadd.f32 v45, v10;
	v12 =	vadd.f32 v46, v12;
	v49 =	vpop (erf)  }
0x1ce: {  	v15 =	vadd.f32 v47, v15;
	v14 =	vadd.f32 v48, v14;
	v50 =	vpop (erf)  }
0x1cf: {  	v10 =	vadd.f32 v49, v10;
	v12 =	vadd.f32 v50, v12  }
0x1d0: {  	v9 =	vadd.f32 v9, v11;
	v3 =	vadd.f32 v13, v3  }
0x1d1: {  	v51 =	vadd.f32 v14, v15;
	v10 =	vadd.f32 v12, v10  }
0x1d2: {  	v3 =	vadd.f32 v3, v9  }
0x1d3: {  	v52 =	vadd.f32 v10, v51  }
0x1d4: {  	(xrf2) =	vadd.scan.msk.f32 $0xffff, v3  }
0x1d5: {  	(xrf2) =	vadd.scan.msk.f32 $0xffff, v52;
	_ =	sdelay $0x8  }
0x1d6: {  	v11, _, _ =	vpop (xrf2)  }
0x1d7: {  	s20 =	simm.s32 $0x2;
	v3, _, _ =	vpop (xrf2)  }
0x1d8: {  	_ =	swait.ge [sflag:s20], $0x3000  }
0x1d9: {  	[sflag:s20] =	ssyncset.done $0x0  }
0x1da: {  	[sflag:s20] =	ssyncadd.s32 $0xFFFFD000  }
0x1db: {  	v53 =	vld [tilespmem:s19+$0x3D80]  }
0x1dc: {  	v54 =	vld [tilespmem:s19+$0x3D90]  }
0x1dd: {  	v55 =	vld [tilespmem:s19+$0x3DA0]  }
0x1de: {  	v56 =	vld [tilespmem:s19+$0x3DB0]  }
0x1df: {  	v57 =	vld [tilespmem:s19+$0x3DC0]  }
0x1e0: {  	v58 =	vld [tilespmem:s19+$0x3DD0]  }
0x1e1: {  	v59 =	vld [tilespmem:s19+$0x3DE0]  }
0x1e2: {  	v61 =	vld [tilespmem:s19+$0x3DF0]  }
0x1e3: {  	v63 =	vld [tilespmem:s19+$0x4180]  }
0x1e4: {  	v21 =	vld [tilespmem:s19+$0x4190];
	v9 =	vmul.f32 $1.442695020e+00, v53  }
0x1e5: {  	v23 =	vld [tilespmem:s19+$0x41A0];
	v10 =	vmul.f32 $1.442695020e+00, v54;
	v60 =	vmul.f32 $1.442695020e+00, v55  }
0x1e6: {  	v25 =	vld [tilespmem:s19+$0x41B0];
	v62 =	vmul.f32 $1.442695020e+00, v56;
	v20 =	vmul.f32 $1.442695020e+00, v57  }
0x1e7: {  	v27 =	vld [tilespmem:s19+$0x41C0];
	v22 =	vmul.f32 $1.442695020e+00, v58;
	v24 =	vmul.f32 $1.442695020e+00, v59  }
0x1e8: {  	v29 =	vld [tilespmem:s19+$0x41D0];
	v26 =	vmul.f32 $1.442695020e+00, v61;
	v28 =	vmul.f32 $1.442695020e+00, v63  }
0x1e9: {  	v31 =	vld [tilespmem:s19+$0x41E0];
	v30 =	vmul.f32 $1.442695020e+00, v21;
	(erf) = vpow2.f32 v9  }
0x1ea: {  	v33 =	vld [tilespmem:s19+$0x41F0];
	v32 =	vmul.f32 $1.442695020e+00, v23;
	(erf) = vpow2.f32 v10  }
0x1eb: {  	v36 =	vld [tilespmem:s19+$0x4580];
	v35 =	vmul.f32 $1.442695020e+00, v25;
	(erf) = vpow2.f32 v60  }
0x1ec: {  	v39 =	vld [tilespmem:s19+$0x4590];
	v38 =	vmul.f32 $1.442695020e+00, v27;
	(erf) = vpow2.f32 v62  }
0x1ed: {  	v42 =	vld [tilespmem:s19+$0x45A0];
	v41 =	vmul.f32 $1.442695020e+00, v29;
	(erf) = vpow2.f32 v20  }
0x1ee: {  	v45 =	vld [tilespmem:s19+$0x45B0];
	v44 =	vmul.f32 $1.442695020e+00, v31;
	(erf) = vpow2.f32 v22  }
0x1ef: {  	v51 =	vld [tilespmem:s19+$0x45D0];
	v47 =	vmul.f32 $1.442695020e+00, v33;
	(erf) = vpow2.f32 v24  }
0x1f0: {  	v48 =	vld [tilespmem:s19+$0x45C0];
	v50 =	vmul.f32 $1.442695020e+00, v36;
	(erf) = vpow2.f32 v26  }
0x1f1: {  	v53 =	vmul.f32 $1.442695020e+00, v39;
	v57 =	vld [tilespmem:s19+$0x45F0];
	(erf) = vpow2.f32 v28  }
0x1f2: {  	v54 =	vld [tilespmem:s19+$0x45E0];
	v56 =	vmul.f32 $1.442695020e+00, v42;
	v34 =	vpop (erf);
	(erf) = vpow2.f32 v30  }
0x1f3: {  	v59 =	vmul.f32 $1.442695020e+00, v45;
	v60 =	vld [tilespmem:s19+$0x4980];
	v37 =	vpop (erf);
	(erf) = vpow2.f32 v32  }
0x1f4: {  	v63 =	vld [tilespmem:s19+$0x4990];
	v25 =	vmul.f32 $1.442695020e+00, v51;
	v40 =	vpop (erf);
	(erf) = vpow2.f32 v35  }
0x1f5: {  	v62 =	vmul.f32 $1.442695020e+00, v48;
	v26 =	vld [tilespmem:s19+$0x49A0];
	v43 =	vpop (erf);
	(erf) = vpow2.f32 v38  }
0x1f6: {  	v29 =	vld [tilespmem:s19+$0x49B0];
	v31 =	vmul.f32 $1.442695020e+00, v57;
	v46 =	vpop (erf);
	(erf) = vpow2.f32 v41  }
0x1f7: {  	v28 =	vmul.f32 $1.442695020e+00, v54;
	v49 =	vpop (erf);
	(erf) = vpow2.f32 v44  }
0x1f8: {  	v17 =	vadd.f32 $0.0e+00, v34;
	v32 =	vld [tilespmem:s19+$0x49C0];
	v34 =	vmul.f32 $1.442695020e+00, v60;
	v52 =	vpop (erf);
	(erf) = vpow2.f32 v47  }
0x1f9: {  	v18 =	vadd.f32 $0.0e+00, v37;
	v35 =	vld [tilespmem:s19+$0x49D0];
	v37 =	vmul.f32 $1.442695020e+00, v63;
	v55 =	vpop (erf);
	(erf) = vpow2.f32 v50  }
0x1fa: {  	v19 =	vadd.f32 $0.0e+00, v40;
	v38 =	vld [tilespmem:s19+$0x49E0];
	v40 =	vmul.f32 $1.442695020e+00, v26;
	v58 =	vpop (erf);
	(erf) = vpow2.f32 v53  }
0x1fb: {  	v20 =	vadd.f32 $0.0e+00, v43;
	v41 =	vld [tilespmem:s19+$0x49F0];
	v43 =	vmul.f32 $1.442695020e+00, v29;
	v61 =	vpop (erf);
	(erf) = vpow2.f32 v56  }
0x1fc: {  	v17 =	vadd.f32 v46, v17;
	v44 =	vld [tilespmem:s19+$0x4D80];
	v18 =	vadd.f32 v49, v18;
	v24 =	vpop (erf);
	(erf) = vpow2.f32 v59  }
0x1fd: {  	v46 =	vmul.f32 $1.442695020e+00, v32;
	v47 =	vld [tilespmem:s19+$0x4D90];
	v19 =	vadd.f32 v52, v19;
	v27 =	vpop (erf);
	(erf) = vpow2.f32 v62  }
0x1fe: {  	v49 =	vmul.f32 $1.442695020e+00, v35;
	v50 =	vld [tilespmem:s19+$0x4DA0];
	v20 =	vadd.f32 v55, v20;
	v30 =	vpop (erf);
	(erf) = vpow2.f32 v25  }
0x1ff: {  	v52 =	vmul.f32 $1.442695020e+00, v38;
	v53 =	vld [tilespmem:s19+$0x4DB0];
	v17 =	vadd.f32 v58, v17;
	v33 =	vpop (erf);
	(erf) = vpow2.f32 v28  }
0x200: {  	v55 =	vmul.f32 $1.442695020e+00, v41;
	v56 =	vld [tilespmem:s19+$0x4DC0];
	v18 =	vadd.f32 v61, v18;
	v36 =	vpop (erf);
	(erf) = vpow2.f32 v31  }
0x201: {  	v58 =	vmul.f32 $1.442695020e+00, v44;
	v59 =	vld [tilespmem:s19+$0x4DD0];
	v19 =	vadd.f32 v24, v19;
	v39 =	vpop (erf);
	(erf) = vpow2.f32 v34  }
0x202: {  	v61 =	vmul.f32 $1.442695020e+00, v47;
	v62 =	vld [tilespmem:s19+$0x4DE0];
	v20 =	vadd.f32 v27, v20;
	v42 =	vpop (erf);
	(erf) = vpow2.f32 v37  }
0x203: {  	v29 =	vld [tilespmem:s19+$0x4DF0];
	v17 =	vadd.f32 v30, v17;
	v28 =	vmul.f32 $1.442695020e+00, v50;
	v45 =	vpop (erf);
	(erf) = vpow2.f32 v40  }
0x204: {  	v50 =	vld [tilespmem:s19+$0x51E0];
	v18 =	vadd.f32 v33, v18;
	v31 =	vmul.f32 $1.442695020e+00, v53;
	v48 =	vpop (erf);
	(erf) = vpow2.f32 v43  }
0x205: {  	v32 =	vld [tilespmem:s19+$0x5180];
	v19 =	vadd.f32 v36, v19;
	v34 =	vmul.f32 $1.442695020e+00, v56;
	v51 =	vpop (erf);
	(erf) = vpow2.f32 v46  }
0x206: {  	v53 =	vld [tilespmem:s19+$0x51F0];
	v20 =	vadd.f32 v39, v20;
	v37 =	vmul.f32 $1.442695020e+00, v59;
	v54 =	vpop (erf);
	(erf) = vpow2.f32 v49  }
0x207: {  	v35 =	vld [tilespmem:s19+$0x5190];
	v17 =	vadd.f32 v18, v17;
	v40 =	vmul.f32 $1.442695020e+00, v62;
	v57 =	vpop (erf);
	(erf) = vpow2.f32 v52  }
0x208: {  	v56 =	vld [tilespmem:s19+$0x5580];
	v21 =	vadd.f32 $0.0e+00, v42;
	v43 =	vmul.f32 $1.442695020e+00, v29;
	v60 =	vpop (erf);
	(erf) = vpow2.f32 v55  }
0x209: {  	v38 =	vld [tilespmem:s19+$0x51A0];
	v19 =	vadd.f32 v20, v19;
	v16 =	vmul.f32 $1.442695020e+00, v50;
	v63 =	vpop (erf);
	(erf) = vpow2.f32 v58  }
0x20a: {  	v41 =	vld [tilespmem:s19+$0x51B0];
	v18 =	vadd.f32 $0.0e+00, v45;
	v46 =	vmul.f32 $1.442695020e+00, v32;
	v30 =	vpop (erf);
	(erf) = vpow2.f32 v61  }
0x20b: {  	v62 =	vld [tilespmem:s19+$0x55A0];
	v20 =	vadd.f32 $0.0e+00, v48;
	v12 =	vmul.f32 $1.442695020e+00, v53;
	v33 =	vpop (erf);
	(erf) = vpow2.f32 v28  }
0x20c: {  	v44 =	vld [tilespmem:s19+$0x51C0];
	v22 =	vadd.f32 $0.0e+00, v51;
	v49 =	vmul.f32 $1.442695020e+00, v35;
	v36 =	vpop (erf);
	(erf) = vpow2.f32 v31  }
0x20d: {  	v47 =	vld [tilespmem:s19+$0x51D0];
	v9 =	vadd.f32 v19, v17;
	v13 =	vmul.f32 $1.442695020e+00, v56;
	v39 =	vpop (erf);
	(erf) = vpow2.f32 v34  }
0x20e: {  	v21 =	vadd.f32 v54, v21;
	v52 =	vmul.f32 $1.442695020e+00, v38;
	v42 =	vpop (erf);
	(erf) = vpow2.f32 v37  }
0x20f: {  	v59 =	vld [tilespmem:s19+$0x5590];
	v18 =	vadd.f32 v57, v18;
	v55 =	vmul.f32 $1.442695020e+00, v41;
	v45 =	vpop (erf);
	(erf) = vpow2.f32 v40  }
0x210: {  	v41 =	vmul.f32 $1.442695020e+00, v62;
	v20 =	vadd.f32 v60, v20;
	v48 =	vpop (erf);
	(erf) = vpow2.f32 v43  }
0x211: {  	v58 =	vmul.f32 $1.442695020e+00, v44;
	v22 =	vadd.f32 v63, v22;
	v31 =	vld [tilespmem:s19+$0x55B0];
	v51 =	vpop (erf);
	(erf) = vpow2.f32 v46  }
0x212: {  	v61 =	vmul.f32 $1.442695020e+00, v47;
	v18 =	vadd.f32 v33, v18;
	v33 =	vld [tilespmem:s19+$0x55C0];
	v54 =	vpop (erf);
	(erf) = vpow2.f32 v49  }
0x213: {  	v35 =	vld [tilespmem:s19+$0x55D0];
	v21 =	vadd.f32 v30, v21;
	v20 =	vadd.f32 v36, v20;
	v57 =	vpop (erf);
	(erf) = vpow2.f32 v52  }
0x214: {  	v38 =	vld [tilespmem:s19+$0x55E0];
	v22 =	vadd.f32 v39, v22;
	v37 =	vmul.f32 $1.442695020e+00, v59;
	v60 =	vpop (erf);
	(erf) = vpow2.f32 v55  }
0x215: {  	v21 =	vadd.f32 v42, v21;
	v18 =	vadd.f32 v45, v18;
	v63 =	vpop (erf);
	(erf) = vpow2.f32 v58  }
0x216: {  	v42 =	vld [tilespmem:s19+$0x55F0];
	v20 =	vadd.f32 v48, v20;
	v45 =	vmul.f32 $1.442695020e+00, v31;
	v32 =	vpop (erf);
	(erf) = vpow2.f32 v61  }
0x217: {  	v46 =	vld [tilespmem:s19+$0x5980];
	v48 =	vmul.f32 $1.442695020e+00, v33;
	v22 =	vadd.f32 v51, v22;
	v34 =	vpop (erf);
	(erf) = vpow2.f32 v16  }
0x218: {  	v18 =	vadd.f32 v18, v21;
	v49 =	vld [tilespmem:s19+$0x5990];
	v51 =	vmul.f32 $1.442695020e+00, v35;
	v36 =	vpop (erf);
	(erf) = vpow2.f32 v12  }
0x219: {  	v35 =	vld [tilespmem:s19+$0x59F0];
	v39 =	vadd.f32 $0.0e+00, v54;
	v54 =	vmul.f32 $1.442695020e+00, v38;
	v40 =	vpop (erf);
	(erf) = vpow2.f32 v13  }
0x21a: {  	v52 =	vld [tilespmem:s19+$0x59A0];
	v20 =	vadd.f32 v22, v20;
	v43 =	vadd.f32 $0.0e+00, v57;
	v44 =	vpop (erf);
	(erf) = vpow2.f32 v37  }
0x21b: {  	v38 =	vld [tilespmem:s19+$0x5D80];
	v57 =	vmul.f32 $1.442695020e+00, v42;
	v25 =	vadd.f32 $0.0e+00, v60;
	v47 =	vpop (erf);
	(erf) = vpow2.f32 v41  }
0x21c: {  	v55 =	vld [tilespmem:s19+$0x59B0];
	v10 =	vadd.f32 v20, v18;
	v60 =	vmul.f32 $1.442695020e+00, v46;
	v50 =	vpop (erf);
	(erf) = vpow2.f32 v45  }
0x21d: {  	v58 =	vld [tilespmem:s19+$0x59C0];
	v21 =	vadd.f32 $0.0e+00, v63;
	v63 =	vmul.f32 $1.442695020e+00, v49;
	v53 =	vpop (erf);
	(erf) = vpow2.f32 v48  }
0x21e: {  	v61 =	vld [tilespmem:s19+$0x59D0];
	v19 =	vadd.f32 v32, v39;
	v49 =	vmul.f32 $1.442695020e+00, v35;
	v56 =	vpop (erf);
	(erf) = vpow2.f32 v51  }
0x21f: {  	v32 =	vld [tilespmem:s19+$0x59E0];
	v17 =	vadd.f32 v34, v43;
	v34 =	vmul.f32 $1.442695020e+00, v52;
	v59 =	vpop (erf);
	(erf) = vpow2.f32 v54  }
0x220: {  	v52 =	vmul.f32 $1.442695020e+00, v38;
	v18 =	vadd.f32 v36, v25;
	v62 =	vpop (erf);
	(erf) = vpow2.f32 v57  }
0x221: {  	v20 =	vadd.f32 v40, v21;
	v37 =	vmul.f32 $1.442695020e+00, v55;
	v41 =	vld [tilespmem:s19+$0x5D90];
	v33 =	vpop (erf);
	(erf) = vpow2.f32 v60  }
0x222: {  	v40 =	vmul.f32 $1.442695020e+00, v58;
	v19 =	vadd.f32 v44, v19;
	v44 =	vld [tilespmem:s19+$0x5DA0];
	v36 =	vpop (erf);
	(erf) = vpow2.f32 v63  }
0x223: {  	v43 =	vmul.f32 $1.442695020e+00, v61;
	v17 =	vadd.f32 v47, v17;
	v47 =	vld [tilespmem:s19+$0x5DB0];
	v39 =	vpop (erf);
	(erf) = vpow2.f32 v34  }
0x224: {  	v46 =	vmul.f32 $1.442695020e+00, v32;
	v18 =	vadd.f32 v50, v18;
	v50 =	vld [tilespmem:s19+$0x5DC0];
	v42 =	vpop (erf);
	(erf) = vpow2.f32 v37  }
0x225: {  	v20 =	vadd.f32 v53, v20;
	v53 =	vld [tilespmem:s19+$0x5DD0];
	v19 =	vadd.f32 v56, v19;
	v45 =	vpop (erf);
	(erf) = vpow2.f32 v40  }
0x226: {  	v56 =	vld [tilespmem:s19+$0x5DE0];
	v17 =	vadd.f32 v59, v17;
	v55 =	vmul.f32 $1.442695020e+00, v41;
	v48 =	vpop (erf);
	(erf) = vpow2.f32 v43  }
0x227: {  	v58 =	vmul.f32 $1.442695020e+00, v44;
	v44 =	vld [tilespmem:s19+$0x61C0];
	v18 =	vadd.f32 v62, v18;
	v51 =	vpop (erf);
	(erf) = vpow2.f32 v46  }
0x228: {  	v59 =	vld [tilespmem:s19+$0x5DF0];
	v61 =	vmul.f32 $1.442695020e+00, v47;
	v20 =	vadd.f32 v33, v20;
	v54 =	vpop (erf);
	(erf) = vpow2.f32 v49  }
0x229: {  	v62 =	vld [tilespmem:s19+$0x6180];
	v28 =	vadd.f32 $0.0e+00, v36;
	v36 =	vmul.f32 $1.442695020e+00, v50;
	v57 =	vpop (erf);
	(erf) = vpow2.f32 v52  }
0x22a: {  	v37 =	vld [tilespmem:s19+$0x6190];
	v29 =	vadd.f32 $0.0e+00, v39;
	v39 =	vmul.f32 $1.442695020e+00, v53;
	v60 =	vpop (erf);
	(erf) = vpow2.f32 v55  }
0x22b: {  	v17 =	vadd.f32 v17, v19;
	v41 =	vmul.f32 $1.442695020e+00, v56;
	v53 =	vld [tilespmem:s19+$0x61F0];
	v63 =	vpop (erf);
	(erf) = vpow2.f32 v58  }
0x22c: {  	v18 =	vadd.f32 v20, v18;
	v40 =	vld [tilespmem:s19+$0x61A0];
	v56 =	vmul.f32 $1.442695020e+00, v44;
	v38 =	vpop (erf);
	(erf) = vpow2.f32 v61  }
0x22d: {  	v22 =	vadd.f32 $0.0e+00, v42;
	v42 =	vld [tilespmem:s19+$0x61B0];
	v43 =	vmul.f32 $1.442695020e+00, v59;
	v32 =	vpop (erf);
	(erf) = vpow2.f32 v36  }
0x22e: {  	v47 =	vld [tilespmem:s19+$0x61D0];
	v23 =	vadd.f32 $0.0e+00, v45;
	v46 =	vmul.f32 $1.442695020e+00, v62;
	v33 =	vpop (erf);
	(erf) = vpow2.f32 v39  }
0x22f: {  	v50 =	vld [tilespmem:s19+$0x61E0];
	v25 =	vadd.f32 v48, v28;
	v49 =	vmul.f32 $1.442695020e+00, v37;
	v45 =	vpop (erf);
	(erf) = vpow2.f32 v41  }
0x230: {  	v59 =	vld [tilespmem:s19+$0x65A0];
	v21 =	vadd.f32 v51, v29;
	v62 =	vmul.f32 $1.442695020e+00, v53;
	v48 =	vpop (erf);
	(erf) = vpow2.f32 v43  }
0x231: {  	v22 =	vadd.f32 v54, v22;
	v52 =	vmul.f32 $1.442695020e+00, v40;
	v51 =	vpop (erf);
	(erf) = vpow2.f32 v46  }
0x232: {  	v19 =	vadd.f32 v57, v23;
	v54 =	vmul.f32 $1.442695020e+00, v42;
	v55 =	vld [tilespmem:s19+$0x6580];
	v23 =	vpop (erf);
	(erf) = vpow2.f32 v49  }
0x233: {  	v57 =	vld [tilespmem:s19+$0x6590];
	v20 =	vadd.f32 v60, v25;
	v58 =	vmul.f32 $1.442695020e+00, v47;
	v25 =	vpop (erf);
	(erf) = vpow2.f32 v52  }
0x234: {  	v37 =	vld [tilespmem:s19+$0x65D0];
	v60 =	vmul.f32 $1.442695020e+00, v50;
	v30 =	vpop (erf);
	(erf) = vpow2.f32 v54  }
0x235: {  	v40 =	vmul.f32 $1.442695020e+00, v59;
	v21 =	vadd.f32 v63, v21;
	v61 =	vld [tilespmem:s19+$0x65B0];
	v31 =	vpop (erf);
	(erf) = vpow2.f32 v56  }
0x236: {  	v63 =	vld [tilespmem:s19+$0x65C0];
	v19 =	vadd.f32 v32, v19;
	v20 =	vadd.f32 v33, v20;
	v32 =	vpop (erf);
	(erf) = vpow2.f32 v58  }
0x237: {  	v36 =	vmul.f32 $1.442695020e+00, v55;
	v21 =	vadd.f32 v45, v21;
	v33 =	vpop (erf);
	(erf) = vpow2.f32 v60  }
0x238: {  	v22 =	vadd.f32 v38, v22;
	v39 =	vld [tilespmem:s19+$0x65E0];
	v38 =	vmul.f32 $1.442695020e+00, v57;
	v28 =	vpop (erf);
	(erf) = vpow2.f32 v62  }
0x239: {  	v47 =	vmul.f32 $1.442695020e+00, v37;
	v41 =	vld [tilespmem:s19+$0x65F0];
	v29 =	vpop (erf);
	(erf) = vpow2.f32 v36  }
0x23a: {  	v17 =	vadd.f32 v18, v17;
	v43 =	vld [tilespmem:s19+$0x6980];
	v42 =	vmul.f32 $1.442695020e+00, v61;
	v24 =	vpop (erf);
	(erf) = vpow2.f32 v38  }
0x23b: {  	v45 =	vld [tilespmem:s19+$0x6990];
	v44 =	vmul.f32 $1.442695020e+00, v63;
	v20 =	vadd.f32 v21, v20;
	v21 =	vpop (erf);
	(erf) = vpow2.f32 v40  }
0x23c: {  	v22 =	vadd.f32 v48, v22;
	v48 =	vld [tilespmem:s19+$0x69A0];
	v19 =	vadd.f32 v51, v19;
	v46 =	vpop (erf);
	(erf) = vpow2.f32 v42  }
0x23d: {  	v51 =	vld [tilespmem:s19+$0x69B0];
	v50 =	vmul.f32 $1.442695020e+00, v39;
	v23 =	vadd.f32 $0.0e+00, v23;
	v49 =	vpop (erf);
	(erf) = vpow2.f32 v44  }
0x23e: {  	v19 =	vadd.f32 v19, v22;
	v53 =	vmul.f32 $1.442695020e+00, v41;
	v54 =	vld [tilespmem:s19+$0x69C0];
	v52 =	vpop (erf);
	(erf) = vpow2.f32 v47  }
0x23f: {  	v25 =	vadd.f32 $0.0e+00, v25;
	v55 =	vmul.f32 $1.442695020e+00, v43;
	v56 =	vld [tilespmem:s19+$0x69D0];
	v34 =	vpop (erf);
	(erf) = vpow2.f32 v50  }
0x240: {  	v57 =	vmul.f32 $1.442695020e+00, v45;
	v30 =	vadd.f32 $0.0e+00, v30;
	v58 =	vld [tilespmem:s19+$0x69E0];
	v35 =	vpop (erf);
	(erf) = vpow2.f32 v53  }
0x241: {  	v19 =	vadd.f32 v19, v20;
	v59 =	vmul.f32 $1.442695020e+00, v48;
	v60 =	vld [tilespmem:s19+$0x69F0];
	v36 =	vpop (erf);
	(erf) = vpow2.f32 v55  }
0x242: {  	v31 =	vadd.f32 $0.0e+00, v31;
	v61 =	vmul.f32 $1.442695020e+00, v51;
	v37 =	vpop (erf);
	(erf) = vpow2.f32 v57  }
0x243: {  	v23 =	vadd.f32 v32, v23;
	v63 =	vmul.f32 $1.442695020e+00, v54;
	v62 =	vpop (erf);
	(erf) = vpow2.f32 v59  }
0x244: {  	v25 =	vadd.f32 v33, v25;
	v33 =	vmul.f32 $1.442695020e+00, v56;
	v32 =	vpop (erf);
	(erf) = vpow2.f32 v61  }
0x245: {  	v38 =	vadd.f32 v28, v30;
	v40 =	vmul.f32 $1.442695020e+00, v58;
	v39 =	vpop (erf);
	(erf) = vpow2.f32 v63  }
0x246: {  	v41 =	vadd.f32 v29, v31;
	v43 =	vmul.f32 $1.442695020e+00, v60;
	v42 =	vpop (erf);
	(erf) = vpow2.f32 v33  }
0x247: {  	v21 =	vadd.f32 v21, v25;
	v44 =	vadd.f32 v24, v23;
	v45 =	vpop (erf);
	(erf) = vpow2.f32 v40  }
0x248: {  	v46 =	vadd.f32 v46, v38;
	v14 =	vadd.f32 v49, v41;
	v47 =	vpop (erf);
	(erf) = vpow2.f32 v43  }
0x249: {  	v48 =	vadd.f32 v52, v44;
	v49 =	vadd.f32 v34, v21;
	v50 =	vpop (erf)  }
0x24a: {  	v13 =	vadd.f32 v35, v46;
	v14 =	vadd.f32 v36, v14;
	v51 =	vpop (erf)  }
0x24b: {  	v52 =	vadd.f32 $0.0e+00, v37;
	v53 =	vadd.f32 $0.0e+00, v62;
	v54 =	vpop (erf)  }
0x24c: {  	v55 =	vadd.f32 $0.0e+00, v32;
	v56 =	vadd.f32 $0.0e+00, v39;
	v57 =	vpop (erf)  }
0x24d: {  	v21 =	vadd.f32 v42, v52;
	v22 =	vadd.f32 v45, v53;
	v58 =	vpop (erf)  }
0x24e: {  	v16 =	vadd.f32 v47, v55;
	v18 =	vadd.f32 v50, v56;
	v59 =	vpop (erf)  }
0x24f: {  	v20 =	vadd.f32 v51, v21;
	v60 =	vadd.f32 v54, v22;
	v61 =	vpop (erf)  }
0x250: {  	v16 =	vadd.f32 v57, v16;
	v18 =	vadd.f32 v58, v18;
	v62 =	vpop (erf)  }
0x251: {  	v20 =	vadd.f32 v59, v20;
	v21 =	vadd.f32 v61, v60;
	v63 =	vpop (erf)  }
0x252: {  	v16 =	vadd.f32 v62, v16;
	v18 =	vadd.f32 v63, v18  }
0x253: {  	(xrf2) =	vadd.scan.msk.f32 $0xffff, v9;
	v23 =	vadd.f32 v49, v48;
	v24 =	vadd.f32 v14, v13  }
0x254: {  	(xrf2) =	vadd.scan.msk.f32 $0xffff, v10;
	v25 =	vadd.f32 v21, v20;
	v26 =	vadd.f32 v18, v16  }
0x255: {  	(xrf2) =	vadd.scan.msk.f32 $0xffff, v17;
	v9 =	vadd.f32 v24, v23  }
0x256: {  	(xrf2) =	vadd.scan.msk.f32 $0xffff, v19;
	v10 =	vadd.f32 v26, v25  }
0x257: {  	(xrf2) =	vadd.scan.msk.f32 $0xffff, v9  }
0x258: {  	(xrf2) =	vadd.scan.msk.f32 $0xffff, v10;
	_ =	sdelay $0x4  }
0x259: {  	v15, _, _ =	vpop (xrf2)  }
0x25a: {  	v14, _, _ =	vpop (xrf2)  }
0x25b: {  	v13, _, _ =	vpop (xrf2)  }
0x25c: {  	v12, _, _ =	vpop (xrf2)  }
0x25d: {  	v10, _, _ =	vpop (xrf2)  }
0x25e: {  	s21 =	simm.s32 $0x3;
	v9, _, _ =	vpop (xrf2)  }
0x25f: {  	_ =	swait.ge [sflag:s21], $0x3000  }
0x260: {  	[sflag:s21] =	ssyncset.done $0x0  }
0x261: {  	[sflag:s21] =	ssyncadd.s32 $0xFFFFD000  }
0x262: {  	v27 =	vld [tilespmem:s19+$0x6D80]  }
0x263: {  	v28 =	vld [tilespmem:s19+$0x6D90]  }
0x264: {  	v29 =	vld [tilespmem:s19+$0x6DA0]  }
0x265: {  	v30 =	vld [tilespmem:s19+$0x6DB0]  }
0x266: {  	v31 =	vld [tilespmem:s19+$0x6DC0]  }
0x267: {  	v32 =	vld [tilespmem:s19+$0x6DD0]  }
0x268: {  	v33 =	vld [tilespmem:s19+$0x6DE0]  }
0x269: {  	v35 =	vld [tilespmem:s19+$0x6DF0];
	v16 =	vmul.f32 $1.442695020e+00, v27;
	v17 =	vmul.f32 $1.442695020e+00, v28  }
0x26a: {  	v37 =	vld [tilespmem:s19+$0x7180];
	v34 =	vmul.f32 $1.442695020e+00, v29;
	v36 =	vmul.f32 $1.442695020e+00, v30  }
0x26b: {  	v39 =	vld [tilespmem:s19+$0x7190];
	v38 =	vmul.f32 $1.442695020e+00, v31;
	(erf) = vpow2.f32 v16  }
0x26c: {  	v41 =	vld [tilespmem:s19+$0x71A0];
	v40 =	vmul.f32 $1.442695020e+00, v32;
	(erf) = vpow2.f32 v17  }
0x26d: {  	v43 =	vld [tilespmem:s19+$0x71B0];
	v42 =	vmul.f32 $1.442695020e+00, v33;
	(erf) = vpow2.f32 v34  }
0x26e: {  	v45 =	vld [tilespmem:s19+$0x71C0];
	v44 =	vmul.f32 $1.442695020e+00, v35;
	(erf) = vpow2.f32 v36  }
0x26f: {  	v47 =	vld [tilespmem:s19+$0x71D0];
	v46 =	vmul.f32 $1.442695020e+00, v37;
	(erf) = vpow2.f32 v38  }
0x270: {  	v49 =	vld [tilespmem:s19+$0x71E0];
	v48 =	vmul.f32 $1.442695020e+00, v39;
	(erf) = vpow2.f32 v40  }
0x271: {  	v51 =	vld [tilespmem:s19+$0x71F0];
	v50 =	vmul.f32 $1.442695020e+00, v41;
	(erf) = vpow2.f32 v42  }
0x272: {  	v53 =	vld [tilespmem:s19+$0x7580];
	v52 =	vmul.f32 $1.442695020e+00, v43;
	(erf) = vpow2.f32 v44  }
0x273: {  	v55 =	vld [tilespmem:s19+$0x7590];
	v54 =	vmul.f32 $1.442695020e+00, v45;
	(erf) = vpow2.f32 v46  }
0x274: {  	v57 =	vld [tilespmem:s19+$0x75A0];
	v56 =	vmul.f32 $1.442695020e+00, v47;
	v23 =	vpop (erf);
	(erf) = vpow2.f32 v48  }
0x275: {  	v59 =	vld [tilespmem:s19+$0x75B0];
	v58 =	vmul.f32 $1.442695020e+00, v49;
	v24 =	vpop (erf);
	(erf) = vpow2.f32 v50  }
0x276: {  	v62 =	vld [tilespmem:s19+$0x75C0];
	v61 =	vmul.f32 $1.442695020e+00, v51;
	v25 =	vpop (erf);
	(erf) = vpow2.f32 v52  }
0x277: {  	v37 =	vld [tilespmem:s19+$0x75D0];
	v36 =	vmul.f32 $1.442695020e+00, v53;
	v26 =	vpop (erf);
	(erf) = vpow2.f32 v54  }
0x278: {  	v39 =	vld [tilespmem:s19+$0x75E0];
	v38 =	vmul.f32 $1.442695020e+00, v55;
	v60 =	vpop (erf);
	(erf) = vpow2.f32 v56  }
0x279: {  	v41 =	vld [tilespmem:s19+$0x75F0];
	v40 =	vmul.f32 $1.442695020e+00, v57;
	v63 =	vpop (erf);
	(erf) = vpow2.f32 v58  }
0x27a: {  	v43 =	vld [tilespmem:s19+$0x7980];
	v42 =	vmul.f32 $1.442695020e+00, v59;
	v29 =	vpop (erf);
	(erf) = vpow2.f32 v61  }
0x27b: {  	v55 =	vld [tilespmem:s19+$0x79E0];
	v44 =	vmul.f32 $1.442695020e+00, v62;
	v30 =	vpop (erf);
	(erf) = vpow2.f32 v36  }
0x27c: {  	v45 =	vld [tilespmem:s19+$0x7990];
	v46 =	vmul.f32 $1.442695020e+00, v37;
	v31 =	vpop (erf);
	(erf) = vpow2.f32 v38  }
0x27d: {  	v47 =	vld [tilespmem:s19+$0x79A0];
	v48 =	vmul.f32 $1.442695020e+00, v39;
	v32 =	vpop (erf);
	(erf) = vpow2.f32 v40  }
0x27e: {  	v49 =	vld [tilespmem:s19+$0x79B0];
	v50 =	vmul.f32 $1.442695020e+00, v41;
	v33 =	vpop (erf);
	(erf) = vpow2.f32 v42  }
0x27f: {  	v51 =	vld [tilespmem:s19+$0x79C0];
	v23 =	vadd.f32 $0.0e+00, v23;
	v52 =	vmul.f32 $1.442695020e+00, v43;
	v34 =	vpop (erf);
	(erf) = vpow2.f32 v44  }
0x280: {  	v53 =	vld [tilespmem:s19+$0x79D0];
	v24 =	vadd.f32 $0.0e+00, v24;
	v43 =	vmul.f32 $1.442695020e+00, v55;
	v35 =	vpop (erf);
	(erf) = vpow2.f32 v46  }
0x281: {  	v54 =	vmul.f32 $1.442695020e+00, v45;
	v25 =	vadd.f32 $0.0e+00, v25;
	v36 =	vpop (erf);
	(erf) = vpow2.f32 v48  }
0x282: {  	v57 =	vld [tilespmem:s19+$0x79F0];
	v56 =	vmul.f32 $1.442695020e+00, v47;
	v26 =	vadd.f32 $0.0e+00, v26;
	v37 =	vpop (erf);
	(erf) = vpow2.f32 v50  }
0x283: {  	v58 =	vmul.f32 $1.442695020e+00, v49;
	v59 =	vadd.f32 v60, v23;
	v38 =	vpop (erf);
	(erf) = vpow2.f32 v52  }
0x284: {  	v61 =	vmul.f32 $1.442695020e+00, v51;
	v62 =	vadd.f32 v63, v24;
	v39 =	vpop (erf);
	(erf) = vpow2.f32 v54  }
0x285: {  	v41 =	vadd.f32 v29, v25;
	v40 =	vmul.f32 $1.442695020e+00, v53;
	v60 =	vpop (erf);
	(erf) = vpow2.f32 v56  }
0x286: {  	v18 =	vadd.f32 v31, v59;
	v44 =	vadd.f32 v30, v26;
	v63 =	vpop (erf);
	(erf) = vpow2.f32 v58  }
0x287: {  	v19 =	vadd.f32 v32, v62;
	v46 =	vmul.f32 $1.442695020e+00, v57;
	v42 =	vpop (erf);
	(erf) = vpow2.f32 v61  }
0x288: {  	v48 =	vadd.f32 v33, v41;
	v49 =	vadd.f32 v34, v44;
	v45 =	vpop (erf);
	(erf) = vpow2.f32 v40  }
0x289: {  	v51 =	vadd.f32 v35, v18;
	v52 =	vadd.f32 v36, v19;
	v47 =	vpop (erf);
	(erf) = vpow2.f32 v43  }
0x28a: {  	v16 =	vadd.f32 v37, v48;
	v20 =	vadd.f32 v38, v49;
	v50 =	vpop (erf);
	(erf) = vpow2.f32 v46  }
0x28b: {  	v55 =	vadd.f32 $0.0e+00, v39;
	v53 =	vpop (erf)  }
0x28c: {  	v17 =	vadd.f32 v52, v51;
	v16 =	vadd.f32 v20, v16;
	v54 =	vpop (erf)  }
0x28d: {  	v23 =	vadd.f32 $0.0e+00, v60;
	v24 =	vadd.f32 $0.0e+00, v63;
	v56 =	vpop (erf)  }
0x28e: {  	v25 =	vadd.f32 $0.0e+00, v42;
	v16 =	vadd.f32 v16, v17;
	v57 =	vpop (erf)  }
0x28f: {  	v26 =	vadd.f32 v45, v55;
	v22 =	vadd.f32 v47, v23;
	v58 =	vpop (erf)  }
0x290: {  	v27 =	vld [tilespmem:s19+$0x7D80];
	v21 =	vadd.f32 v50, v24;
	v19 =	vadd.f32 v53, v25;
	v59 =	vpop (erf)  }
0x291: {  	v29 =	vld [tilespmem:s19+$0x7D90];
	v60 =	vadd.f32 v54, v26;
	v22 =	vadd.f32 v56, v22;
	v61 =	vpop (erf)  }
0x292: {  	v30 =	vld [tilespmem:s19+$0x7DA0];
	v21 =	vadd.f32 v57, v21;
	v19 =	vadd.f32 v58, v19;
	v62 =	vpop (erf)  }
0x293: {  	v31 =	vld [tilespmem:s19+$0x7DB0];
	v24 =	vadd.f32 v59, v60;
	v22 =	vadd.f32 v61, v22;
	v63 =	vpop (erf)  }
0x294: {  	v21 =	vadd.f32 v62, v21;
	v19 =	vadd.f32 v63, v19  }
0x295: {  	v32 =	vld [tilespmem:s19+$0x7DC0];
	v18 =	vmul.f32 $1.442695020e+00, v27;
	(xrf2) =	vadd.scan.msk.f32 $0xffff, v16  }
0x296: {  	v33 =	vld [tilespmem:s19+$0x7DD0];
	v28 =	vadd.f32 v22, v24;
	v19 =	vadd.f32 v19, v21;
	v21 =	vmul.f32 $1.442695020e+00, v29  }
0x297: {  	v34 =	vld [tilespmem:s19+$0x7DE0];
	v17 =	vmul.f32 $1.442695020e+00, v30;
	(erf) = vpow2.f32 v18  }
0x298: {  	v35 =	vld [tilespmem:s19+$0x7DF0];
	v20 =	vmul.f32 $1.442695020e+00, v31;
	v19 =	vadd.f32 v19, v28;
	(erf) = vpow2.f32 v21  }
0x299: {  	v36 =	vld [tilespmem:s19+$0x8180];
	(erf) = vpow2.f32 v17  }
0x29a: {  	v37 =	vld [tilespmem:s19+$0x8190];
	v16 =	vmul.f32 $1.442695020e+00, v32;
	(xrf2) =	vadd.scan.msk.f32 $0xffff, v19;
	(erf) = vpow2.f32 v20  }
0x29b: {  	v39 =	vld [tilespmem:s19+$0x81A0];
	v38 =	vmul.f32 $1.442695020e+00, v33  }
0x29c: {  	v41 =	vld [tilespmem:s19+$0x81B0];
	v40 =	vmul.f32 $1.442695020e+00, v34;
	(erf) = vpow2.f32 v16  }
0x29d: {  	v42 =	vld [tilespmem:s19+$0x81C0];
	v18 =	vmul.f32 $1.442695020e+00, v35;
	(erf) = vpow2.f32 v38  }
0x29e: {  	v21 =	vmul.f32 $1.442695020e+00, v36;
	(erf) = vpow2.f32 v40  }
0x29f: {  	v43 =	vmul.f32 $1.442695020e+00, v37;
	v17, _, _ =	vpop (xrf2);
	(erf) = vpow2.f32 v18  }
0x2a0: {  	v44 =	vpop (erf);
	v19 =	vmul.f32 $1.442695020e+00, v39;
	(erf) = vpow2.f32 v21  }
0x2a1: {  	v45 =	vmul.f32 $1.442695020e+00, v41;
	(erf) = vpow2.f32 v43;
	v46 =	vpop (erf)  }
0x2a2: {  	v47 =	vmul.f32 $1.442695020e+00, v42;
	(erf) = vpow2.f32 v19;
	v48 =	vpop (erf)  }
0x2a3: {  	(erf) = vpow2.f32 v45;
	v49 =	vpop (erf)  }
0x2a4: {  	(erf) = vpow2.f32 v47;
	v16, _, _ =	vpop (xrf2)  }
0x2a5: {  	v19 =	vpop (erf)  }
0x2a6: {  	v23 =	vpop (erf)  }
0x2a7: {  	v50 =	vld [tilespmem:s19+$0x81D0];
	v24 =	vpop (erf)  }
0x2a8: {  	v26 =	vpop (erf)  }
0x2a9: {  	v27 =	vpop (erf)  }
0x2aa: {  	v28 =	vpop (erf)  }
0x2ab: {  	v29 =	vpop (erf)  }
0x2ac: {  	v25 =	vmul.f32 $1.442695020e+00, v50;
	v30 =	vpop (erf)  }
0x2ad: {  	v31 =	vpop (erf)  }
0x2ae: {  	(erf) = vpow2.f32 v25  }
0x2af: {  	v25 =	vld [tilespmem:s19+$0x81E0]  }
0x2b0: {  	v51 =	vld [tilespmem:s19+$0x81F0]  }
0x2b1: {  	v52 =	vld [tilespmem:s19+$0x8580]  }
0x2b2: {  	v53 =	vld [tilespmem:s19+$0x8590]  }
0x2b3: {  	v54 =	vld [tilespmem:s19+$0x85A0]  }
0x2b4: {  	v55 =	vld [tilespmem:s19+$0x85B0]  }
0x2b5: {  	v56 =	vld [tilespmem:s19+$0x85C0]  }
0x2b6: {  	v58 =	vld [tilespmem:s19+$0x85D0];
	v25 =	vmul.f32 $1.442695020e+00, v25;
	v32 =	vmul.f32 $1.442695020e+00, v51  }
0x2b7: {  	v60 =	vld [tilespmem:s19+$0x85E0];
	v57 =	vmul.f32 $1.442695020e+00, v52;
	v59 =	vmul.f32 $1.442695020e+00, v53  }
0x2b8: {  	v62 =	vld [tilespmem:s19+$0x85F0];
	v61 =	vmul.f32 $1.442695020e+00, v54;
	(erf) = vpow2.f32 v25  }
0x2b9: {  	v40 =	vld [tilespmem:s19+$0x8980];
	v63 =	vmul.f32 $1.442695020e+00, v55;
	(erf) = vpow2.f32 v32  }
0x2ba: {  	v42 =	vld [tilespmem:s19+$0x8990];
	v41 =	vmul.f32 $1.442695020e+00, v56;
	(erf) = vpow2.f32 v57  }
0x2bb: {  	v21 =	vadd.f32 $0.0e+00, v44;
	v44 =	vld [tilespmem:s19+$0x89A0];
	v43 =	vmul.f32 $1.442695020e+00, v58;
	(erf) = vpow2.f32 v59  }
0x2bc: {  	v20 =	vadd.f32 $0.0e+00, v46;
	v46 =	vld [tilespmem:s19+$0x89B0];
	v45 =	vmul.f32 $1.442695020e+00, v60;
	(erf) = vpow2.f32 v61  }
0x2bd: {  	v22 =	vadd.f32 $0.0e+00, v48;
	v50 =	vld [tilespmem:s19+$0x89D0];
	v47 =	vmul.f32 $1.442695020e+00, v62;
	(erf) = vpow2.f32 v63  }
0x2be: {  	v18 =	vadd.f32 $0.0e+00, v49;
	v49 =	vmul.f32 $1.442695020e+00, v40;
	v53 =	vld [tilespmem:s19+$0x89E0];
	(erf) = vpow2.f32 v41  }
0x2bf: {  	v19 =	vadd.f32 v19, v21;
	v48 =	vld [tilespmem:s19+$0x89C0];
	v52 =	vmul.f32 $1.442695020e+00, v42;
	(erf) = vpow2.f32 v43  }
0x2c0: {  	v20 =	vadd.f32 v23, v20;
	v55 =	vmul.f32 $1.442695020e+00, v44;
	v56 =	vld [tilespmem:s19+$0x89F0];
	v51 =	vpop (erf);
	(erf) = vpow2.f32 v45  }
0x2c1: {  	v22 =	vadd.f32 v24, v22;
	v58 =	vmul.f32 $1.442695020e+00, v46;
	v62 =	vld [tilespmem:s19+$0x8D90];
	(erf) = vpow2.f32 v47;
	v54 =	vpop (erf)  }
0x2c2: {  	v18 =	vadd.f32 v26, v18;
	v40 =	vmul.f32 $1.442695020e+00, v50;
	v59 =	vld [tilespmem:s19+$0x8D80];
	(erf) = vpow2.f32 v49;
	v57 =	vpop (erf)  }
0x2c3: {  	v19 =	vadd.f32 v27, v19;
	v42 =	vmul.f32 $1.442695020e+00, v53;
	v53 =	vld [tilespmem:s19+$0x9180];
	(erf) = vpow2.f32 v52;
	v60 =	vpop (erf)  }
0x2c4: {  	v20 =	vadd.f32 v28, v20;
	v61 =	vmul.f32 $1.442695020e+00, v48;
	v41 =	vld [tilespmem:s19+$0x8DA0];
	(erf) = vpow2.f32 v55;
	v63 =	vpop (erf)  }
0x2c5: {  	v22 =	vadd.f32 v29, v22;
	v44 =	vmul.f32 $1.442695020e+00, v56;
	v43 =	vld [tilespmem:s19+$0x8DB0];
	(erf) = vpow2.f32 v58;
	v28 =	vpop (erf)  }
0x2c6: {  	v20 =	vadd.f32 v51, v20;
	v51 =	vld [tilespmem:s19+$0x8DF0];
	v48 =	vmul.f32 $1.442695020e+00, v62;
	(erf) = vpow2.f32 v61;
	v29 =	vpop (erf)  }
0x2c7: {  	v18 =	vadd.f32 v30, v18;
	v45 =	vld [tilespmem:s19+$0x8DC0];
	v46 =	vmul.f32 $1.442695020e+00, v59;
	(erf) = vpow2.f32 v40;
	v30 =	vpop (erf)  }
0x2c8: {  	v19 =	vadd.f32 v31, v19;
	v62 =	vmul.f32 $1.442695020e+00, v53;
	v47 =	vld [tilespmem:s19+$0x8DD0];
	(erf) = vpow2.f32 v42;
	v31 =	vpop (erf)  }
0x2c9: {  	v49 =	vld [tilespmem:s19+$0x8DE0];
	v22 =	vadd.f32 v54, v22;
	v50 =	vmul.f32 $1.442695020e+00, v41;
	(erf) = vpow2.f32 v44;
	v21 =	vpop (erf)  }
0x2ca: {  	v18 =	vadd.f32 v57, v18;
	v52 =	vmul.f32 $1.442695020e+00, v43;
	(erf) = vpow2.f32 v46;
	v23 =	vpop (erf)  }
0x2cb: {  	v55 =	vld [tilespmem:s19+$0x9190];
	v26 =	vadd.f32 $0.0e+00, v60;
	v60 =	vmul.f32 $1.442695020e+00, v51;
	(erf) = vpow2.f32 v48;
	v24 =	vpop (erf)  }
0x2cc: {  	v19 =	vadd.f32 v20, v19;
	v57 =	vld [tilespmem:s19+$0x91A0];
	v54 =	vmul.f32 $1.442695020e+00, v45;
	(erf) = vpow2.f32 v50;
	v20 =	vpop (erf)  }
0x2cd: {  	v59 =	vld [tilespmem:s19+$0x91B0];
	v18 =	vadd.f32 v18, v22;
	v56 =	vmul.f32 $1.442695020e+00, v47;
	(erf) = vpow2.f32 v52;
	v22 =	vpop (erf)  }
0x2ce: {  	v61 =	vld [tilespmem:s19+$0x91C0];
	v58 =	vmul.f32 $1.442695020e+00, v49;
	(erf) = vpow2.f32 v54;
	v38 =	vpop (erf)  }
0x2cf: {  	v27 =	vadd.f32 $0.0e+00, v63;
	v63 =	vld [tilespmem:s19+$0x91D0];
	v28 =	vadd.f32 $0.0e+00, v28;
	(erf) = vpow2.f32 v56;
	v39 =	vpop (erf)  }
0x2d0: {  	v45 =	vld [tilespmem:s19+$0x91E0];
	v29 =	vadd.f32 $0.0e+00, v29;
	v44 =	vmul.f32 $1.442695020e+00, v55;
	(erf) = vpow2.f32 v58;
	v40 =	vpop (erf)  }
0x2d1: {  	v47 =	vld [tilespmem:s19+$0x91F0];
	v26 =	vadd.f32 v30, v26;
	v46 =	vmul.f32 $1.442695020e+00, v57;
	(erf) = vpow2.f32 v60;
	v41 =	vpop (erf)  }
0x2d2: {  	v49 =	vld [tilespmem:s19+$0x9580];
	v27 =	vadd.f32 v31, v27;
	v48 =	vmul.f32 $1.442695020e+00, v59;
	(erf) = vpow2.f32 v62;
	v30 =	vpop (erf)  }
0x2d3: {  	v51 =	vld [tilespmem:s19+$0x9590];
	v21 =	vadd.f32 v21, v28;
	v50 =	vmul.f32 $1.442695020e+00, v61;
	(erf) = vpow2.f32 v44;
	v31 =	vpop (erf)  }
0x2d4: {  	v23 =	vadd.f32 v23, v29;
	v61 =	vld [tilespmem:s19+$0x95E0];
	v52 =	vmul.f32 $1.442695020e+00, v63;
	(erf) = vpow2.f32 v46;
	v28 =	vpop (erf)  }
0x2d5: {  	v53 =	vld [tilespmem:s19+$0x95A0];
	v24 =	vadd.f32 v24, v26;
	v54 =	vmul.f32 $1.442695020e+00, v45;
	(erf) = vpow2.f32 v48;
	v29 =	vpop (erf)  }
0x2d6: {  	v55 =	vld [tilespmem:s19+$0x95B0];
	v20 =	vadd.f32 v20, v27;
	v56 =	vmul.f32 $1.442695020e+00, v47;
	(erf) = vpow2.f32 v50;
	v26 =	vpop (erf)  }
0x2d7: {  	v57 =	vld [tilespmem:s19+$0x95C0];
	v21 =	vadd.f32 v22, v21;
	v58 =	vmul.f32 $1.442695020e+00, v49;
	(erf) = vpow2.f32 v52;
	v27 =	vpop (erf)  }
0x2d8: {  	v59 =	vld [tilespmem:s19+$0x95D0];
	v23 =	vadd.f32 v38, v23;
	v60 =	vmul.f32 $1.442695020e+00, v51;
	(erf) = vpow2.f32 v54;
	v22 =	vpop (erf)  }
0x2d9: {  	v63 =	vld [tilespmem:s19+$0x95F0];
	v24 =	vadd.f32 v39, v24;
	v49 =	vmul.f32 $1.442695020e+00, v61;
	(erf) = vpow2.f32 v56;
	v38 =	vpop (erf)  }
0x2da: {  	v45 =	vld [tilespmem:s19+$0x9980];
	v20 =	vadd.f32 v40, v20;
	v62 =	vmul.f32 $1.442695020e+00, v53;
	(erf) = vpow2.f32 v58;
	v39 =	vpop (erf)  }
0x2db: {  	v44 =	vmul.f32 $1.442695020e+00, v55;
	v23 =	vadd.f32 v30, v23;
	(erf) = vpow2.f32 v60;
	v40 =	vpop (erf)  }
0x2dc: {  	v47 =	vld [tilespmem:s19+$0x9990];
	v21 =	vadd.f32 v41, v21;
	v46 =	vmul.f32 $1.442695020e+00, v57;
	(erf) = vpow2.f32 v62;
	v41 =	vpop (erf)  }
0x2dd: {  	v18 =	vadd.f32 v18, v19;
	v48 =	vmul.f32 $1.442695020e+00, v59;
	v50 =	vld [tilespmem:s19+$0x99A0];
	(erf) = vpow2.f32 v44;
	v30 =	vpop (erf)  }
0x2de: {  	v51 =	vmul.f32 $1.442695020e+00, v63;
	v20 =	vadd.f32 v20, v24;
	v52 =	vld [tilespmem:s19+$0x99B0];
	(erf) = vpow2.f32 v46;
	v24 =	vpop (erf)  }
0x2df: {  	v53 =	vmul.f32 $1.442695020e+00, v45;
	v21 =	vadd.f32 v23, v21;
	v54 =	vld [tilespmem:s19+$0x99C0];
	(erf) = vpow2.f32 v48;
	v23 =	vpop (erf)  }
0x2e0: {  	v57 =	vld [tilespmem:s19+$0x99D0];
	v28 =	vadd.f32 $0.0e+00, v28;
	v29 =	vadd.f32 $0.0e+00, v29;
	(erf) = vpow2.f32 v49;
	v55 =	vpop (erf)  }
0x2e1: {  	v20 =	vadd.f32 v21, v20;
	v56 =	vmul.f32 $1.442695020e+00, v47;
	v60 =	vld [tilespmem:s19+$0x99E0];
	(erf) = vpow2.f32 v51;
	v59 =	vpop (erf)  }
0x2e2: {  	v63 =	vld [tilespmem:s19+$0x99F0];
	v26 =	vadd.f32 $0.0e+00, v26;
	v62 =	vmul.f32 $1.442695020e+00, v50;
	(erf) = vpow2.f32 v53;
	v61 =	vpop (erf)  }
0x2e3: {  	v22 =	vadd.f32 v22, v28;
	v36 =	vmul.f32 $1.442695020e+00, v52;
	(erf) = vpow2.f32 v56;
	v42 =	vpop (erf)  }
0x2e4: {  	v58 =	vadd.f32 $0.0e+00, v31;
	v44 =	vmul.f32 $1.442695020e+00, v54;
	v43 =	vpop (erf);
	(erf) = vpow2.f32 v62  }
0x2e5: {  	v29 =	vadd.f32 v38, v29;
	v46 =	vmul.f32 $1.442695020e+00, v57;
	v45 =	vpop (erf);
	(erf) = vpow2.f32 v36  }
0x2e6: {  	v21 =	vadd.f32 v27, v58;
	v25 =	vmul.f32 $1.442695020e+00, v60;
	v47 =	vpop (erf);
	(erf) = vpow2.f32 v44  }
0x2e7: {  	v26 =	vadd.f32 v39, v26;
	v49 =	vmul.f32 $1.442695020e+00, v63;
	v48 =	vpop (erf);
	(erf) = vpow2.f32 v46  }
0x2e8: {  	v22 =	vadd.f32 v41, v22;
	v21 =	vadd.f32 v40, v21;
	v50 =	vpop (erf);
	(erf) = vpow2.f32 v25  }
0x2e9: {  	v24 =	vadd.f32 v24, v26;
	v51 =	vadd.f32 v30, v29;
	v52 =	vpop (erf);
	(erf) = vpow2.f32 v49  }
0x2ea: {  	v21 =	vadd.f32 v23, v21;
	v19 =	vadd.f32 v55, v22;
	v53 =	vpop (erf)  }
0x2eb: {  	v54 =	vadd.f32 v59, v51;
	v24 =	vadd.f32 v61, v24;
	v55 =	vpop (erf)  }
0x2ec: {  	v56 =	vadd.f32 $0.0e+00, v42;
	v27 =	vadd.f32 $0.0e+00, v43;
	v57 =	vpop (erf)  }
0x2ed: {  	v28 =	vadd.f32 $0.0e+00, v45;
	v58 =	vadd.f32 $0.0e+00, v47;
	v59 =	vpop (erf)  }
0x2ee: {  	v29 =	vadd.f32 v48, v56;
	v27 =	vadd.f32 v50, v27;
	v60 =	vpop (erf)  }
0x2ef: {  	v26 =	vadd.f32 v52, v28;
	v22 =	vadd.f32 v53, v58;
	v61 =	vpop (erf)  }
0x2f0: {  	v25 =	vadd.f32 v55, v29;
	v27 =	vadd.f32 v57, v27;
	v62 =	vpop (erf)  }
0x2f1: {  	v26 =	vadd.f32 v59, v26;
	v22 =	vadd.f32 v60, v22;
	v63 =	vpop (erf)  }
0x2f2: {  	v25 =	vadd.f32 v61, v25;
	v27 =	vadd.f32 v62, v27;
	v33 =	vpop (erf)  }
0x2f3: {  	v26 =	vadd.f32 v63, v26;
	v22 =	vadd.f32 v33, v22  }
0x2f4: {  	v19 =	vadd.f32 v19, v21;
	v34 =	vadd.f32 v24, v54  }
0x2f5: {  	v35 =	vadd.f32 v27, v25;
	v22 =	vadd.f32 v22, v26  }
0x2f6: {  	(xrf2) =	vadd.scan.msk.f32 $0xffff, v18;
	v36 =	vadd.f32 v34, v19  }
0x2f7: {  	(xrf2) =	vadd.scan.msk.f32 $0xffff, v20;
	v37 =	vadd.f32 v22, v35  }
0x2f8: {  	(xrf2) =	vadd.scan.msk.f32 $0xffff, v36  }
0x2f9: {  	(xrf2) =	vadd.scan.msk.f32 $0xffff, v37;
	_ =	sdelay $0x6  }
0x2fa: {  	v20, _, _ =	vpop (xrf2)  }
0x2fb: {  	v21, _, _ =	vpop (xrf2)  }
0x2fc: {  	v19, _, _ =	vpop (xrf2)  }
0x2fd: {  	s22 =	simm.s32 $0x4;
	v18, _, _ =	vpop (xrf2)  }
0x2fe: {  	_ =	swait.ge [sflag:s22], $0x3000  }
0x2ff: {  	p1 =	sne.s32 s7, $0xF;
	[sflag:s22] =	ssyncset.done $0x0  }
0x300: {  	s13 =	sadd.s32 @!p1 s10, s12;
	v22 =	vimm.f32 @!p1 $-1.000000020e+30;
	[sflag:s22] =	ssyncadd.s32 $0xFFFFD000  }
0x301: {  	[tilespmem:s13+$0xC9A0] =	vst @!p1 v22  }
0x302: {  	[tilespmem:s13+$0xC9B0] =	vst @!p1 v22  }
0x303: {  	[tilespmem:s13+$0xC9C0] =	vst @!p1 v22  }
0x304: {  	[tilespmem:s13+$0xC9D0] =	vst @!p1 v22  }
0x305: {  	[tilespmem:s13+$0xC9E0] =	vst @!p1 v22  }
0x306: {  	s12 =	sadd.s32 s10, s12;
	[tilespmem:s13+$0xC9F0] =	vst @!p1 v22  }
0x307: {  	v22 =	vld [tilespmem:s12+$0x9D80]  }
0x308: {  	v38 =	vld [tilespmem:s12+$0x9D90]  }
0x309: {  	v39 =	vld [tilespmem:s12+$0x9DA0]  }
0x30a: {  	v40 =	vld [tilespmem:s12+$0x9DB0]  }
0x30b: {  	v4 =	vbroadcast v4, $0xF;
	v41 =	vld [tilespmem:s12+$0x9DC0]  }
0x30c: {  	v5 =	vbroadcast v5, $0xF;
	v6 =	vbroadcast v6, $0xF;
	v42 =	vld [tilespmem:s12+$0x9DD0]  }
0x30d: {  	v7 =	vbroadcast v7, $0xF;
	v43 =	vld [tilespmem:s12+$0x9DE0];
	v22 =	vmul.f32 $1.442695020e+00, v22  }
0x30e: {  	v8 =	vbroadcast v8, $0xF;
	v45 =	vld [tilespmem:s12+$0x9DF0];
	v23 =	vmul.f32 $1.442695020e+00, v38  }
0x30f: {  	v47 =	vld [tilespmem:s12+$0xA180];
	v44 =	vmul.f32 $1.442695020e+00, v39;
	(erf) = vpow2.f32 v22  }
0x310: {  	v49 =	vld [tilespmem:s12+$0xA190];
	v46 =	vmul.f32 $1.442695020e+00, v40;
	(erf) = vpow2.f32 v23  }
0x311: {  	vm13 =	vmmov $0x3;
	v50 =	vld [tilespmem:s12+$0xA1A0];
	v48 =	vmul.f32 $1.442695020e+00, v41;
	(erf) = vpow2.f32 v44  }
0x312: {  	v4 =	vsel vm0, v4, v5;
	v52 =	vld [tilespmem:s12+$0xA1B0];
	v5 =	vmul.f32 $1.442695020e+00, v42;
	(erf) = vpow2.f32 v46  }
0x313: {  	v4 =	vsel vm13, v4, v6;
	v6 =	vld [tilespmem:s12+$0xA1C0];
	v51 =	vmul.f32 $1.442695020e+00, v43;
	(erf) = vpow2.f32 v48  }
0x314: {  	vm14 =	vmmov $0x7;
	v54 =	vld [tilespmem:s12+$0xA1D0];
	(erf) = vpow2.f32 v5;
	v5 =	vmul.f32 $1.442695020e+00, v45  }
0x315: {  	v4 =	vsel vm14, v4, v7;
	v7 =	vld [tilespmem:s12+$0xA1E0];
	v53 =	vmul.f32 $1.442695020e+00, v47;
	(erf) = vpow2.f32 v51  }
0x316: {  	v56 =	vld [tilespmem:s12+$0xA1F0];
	(erf) = vpow2.f32 v5;
	v5 =	vmul.f32 $1.442695020e+00, v49  }
0x317: {  	vm15 =	vmmov $0xf;
	v58 =	vld [tilespmem:s12+$0xA580];
	v55 =	vmul.f32 $1.442695020e+00, v50;
	(erf) = vpow2.f32 v53  }
0x318: {  	v4 =	vsel vm15, v4, v8;
	v60 =	vld [tilespmem:s12+$0xA590];
	v8 =	vpop (erf);
	(erf) = vpow2.f32 v5;
	v5 =	vmul.f32 $1.442695020e+00, v52  }
0x319: {  	v63 =	vld [tilespmem:s12+$0xA5B0];
	v6 =	vmul.f32 $1.442695020e+00, v6;
	v57 =	vpop (erf);
	(erf) = vpow2.f32 v55  }
0x31a: {  	v34 =	vld [tilespmem:s12+$0xA5D0];
	v59 =	vpop (erf);
	(erf) = vpow2.f32 v5;
	v5 =	vmul.f32 $1.442695020e+00, v54  }
0x31b: {  	v61 =	vpop (erf);
	(erf) = vpow2.f32 v6;
	v6 =	vmul.f32 $1.442695020e+00, v7;
	v7 =	vld [tilespmem:s12+$0xA5A0]  }
0x31c: {  	v36 =	vld [tilespmem:s12+$0xA5E0];
	v62 =	vpop (erf);
	(erf) = vpow2.f32 v5;
	v5 =	vmul.f32 $1.442695020e+00, v56  }
0x31d: {  	v11 =	vbroadcast v11, $0xF;
	v32 =	vpop (erf);
	(erf) = vpow2.f32 v6;
	v6 =	vld [tilespmem:s12+$0xA5C0]  }
0x31e: {  	v39 =	vld [tilespmem:s12+$0xA980];
	v33 =	vpop (erf);
	(erf) = vpow2.f32 v5;
	v5 =	vmul.f32 $1.442695020e+00, v58  }
0x31f: {  	vm6 =	vmmov $0x1f;
	v24 =	vmul.f32 $1.442695020e+00, v60;
	v42 =	vld [tilespmem:s12+$0xA9A0];
	v22 =	vmul.f32 $1.442695020e+00, v34;
	v35 =	vpop (erf)  }
0x320: {  	v4 =	vsel vm6, v4, v11;
	v37 =	vpop (erf);
	(erf) = vpow2.f32 v5;
	v5 =	vmul.f32 $1.442695020e+00, v7;
	v7 =	vld [tilespmem:s12+$0xA5F0]  }
0x321: {  	v50 =	vld [tilespmem:s12+$0xA9F0];
	v23 =	vmul.f32 $1.442695020e+00, v63;
	v8 =	vadd.f32 $0.0e+00, v8;
	v38 =	vpop (erf);
	(erf) = vpow2.f32 v24  }
0x322: {  	v25 =	vadd.f32 $0.0e+00, v57;
	v40 =	vpop (erf);
	(erf) = vpow2.f32 v5;
	v5 =	vmul.f32 $1.442695020e+00, v6;
	v6 =	vld [tilespmem:s12+$0xA990]  }
0x323: {  	v34 =	vld [tilespmem:s12+$0xADF0];
	v11 =	vadd.f32 $0.0e+00, v59;
	v26 =	vadd.f32 $0.0e+00, v61;
	v41 =	vpop (erf);
	(erf) = vpow2.f32 v23  }
0x324: {  	v44 =	vld [tilespmem:s12+$0xA9B0];
	v8 =	vadd.f32 v62, v8;
	v43 =	vpop (erf);
	(erf) = vpow2.f32 v5;
	v5 =	vmul.f32 $1.442695020e+00, v36  }
0x325: {  	v46 =	vld [tilespmem:s12+$0xA9C0];
	v25 =	vadd.f32 v32, v25;
	v45 =	vpop (erf);
	(erf) = vpow2.f32 v22;
	v7 =	vmul.f32 $1.442695020e+00, v7  }
0x326: {  	v48 =	vld [tilespmem:s12+$0xA9D0];
	v11 =	vadd.f32 v33, v11;
	v47 =	vpop (erf);
	(erf) = vpow2.f32 v5;
	v5 =	vmul.f32 $1.442695020e+00, v39  }
0x327: {  	v26 =	vadd.f32 v35, v26;
	v49 =	vpop (erf);
	(erf) = vpow2.f32 v7;
	v6 =	vmul.f32 $1.442695020e+00, v6;
	v7 =	vld [tilespmem:s12+$0xA9E0]  }
0x328: {  	v52 =	vld [tilespmem:s12+$0xAD80];
	v8 =	vadd.f32 v37, v8;
	(erf) = vpow2.f32 v5;
	v5 =	vmul.f32 $1.442695020e+00, v42  }
0x329: {  	v54 =	vld [tilespmem:s12+$0xAD90];
	v25 =	vadd.f32 v38, v25;
	v51 =	vpop (erf);
	(erf) = vpow2.f32 v6;
	v6 =	vmul.f32 $1.442695020e+00, v44  }
0x32a: {  	v59 =	vld [tilespmem:s12+$0xADC0];
	v11 =	vadd.f32 v40, v11;
	v53 =	vpop (erf);
	(erf) = vpow2.f32 v5;
	v5 =	vmul.f32 $1.442695020e+00, v46  }
0x32b: {  	v26 =	vadd.f32 v41, v26;
	v46 =	vld [tilespmem:s12+$0xB1E0];
	v55 =	vpop (erf);
	(erf) = vpow2.f32 v6;
	v6 =	vmul.f32 $1.442695020e+00, v48  }
0x32c: {  	v56 =	vld [tilespmem:s12+$0xADA0];
	v8 =	vadd.f32 v43, v8;
	v57 =	vpop (erf);
	(erf) = vpow2.f32 v5;
	v5 =	vmul.f32 $1.442695020e+00, v7  }
0x32d: {  	v25 =	vadd.f32 v45, v25;
	v48 =	vld [tilespmem:s12+$0xB1F0];
	v58 =	vpop (erf);
	(erf) = vpow2.f32 v6;
	v6 =	vmul.f32 $1.442695020e+00, v50  }
0x32e: {  	v11 =	vadd.f32 v47, v11;
	v26 =	vadd.f32 v49, v26;
	v7 =	vld [tilespmem:s12+$0xADB0];
	v60 =	vpop (erf);
	(erf) = vpow2.f32 v5  }
0x32f: {  	v8 =	vadd.f32 v25, v8;
	v50 =	vld [tilespmem:s12+$0xB580];
	v5 =	vmul.f32 $1.442695020e+00, v52;
	v62 =	vpop (erf);
	(erf) = vpow2.f32 v6  }
0x330: {  	v61 =	vld [tilespmem:s12+$0xADD0];
	v11 =	vadd.f32 v26, v11;
	v6 =	vmul.f32 $1.442695020e+00, v54;
	v23 =	vmul.f32 $1.442695020e+00, v46  }
0x331: {  	v63 =	vld [tilespmem:s12+$0xADE0];
	v25 =	vadd.f32 $0.0e+00, v51;
	v33 =	vpop (erf);
	(erf) = vpow2.f32 v5;
	v5 =	vmul.f32 $1.442695020e+00, v56  }
0x332: {  	v37 =	vld [tilespmem:s12+$0xB190];
	v26 =	vadd.f32 $0.0e+00, v53;
	v56 =	vmul.f32 $1.442695020e+00, v48;
	v35 =	vpop (erf);
	(erf) = vpow2.f32 v6  }
0x333: {  	v28 =	vadd.f32 $0.0e+00, v55;
	v52 =	vld [tilespmem:s12+$0xB590];
	v6 =	vmul.f32 $1.442695020e+00, v7;
	v36 =	vpop (erf);
	(erf) = vpow2.f32 v5  }
0x334: {  	v29 =	vadd.f32 $0.0e+00, v57;
	v7 =	vld [tilespmem:s12+$0xB180];
	v5 =	vmul.f32 $1.442695020e+00, v59;
	v22 =	vmul.f32 $1.442695020e+00, v50  }
0x335: {  	v25 =	vadd.f32 v58, v25;
	v59 =	vld [tilespmem:s12+$0xB5D0];
	v38 =	vpop (erf);
	(erf) = vpow2.f32 v6;
	v6 =	vmul.f32 $1.442695020e+00, v61  }
0x336: {  	v39 =	vld [tilespmem:s12+$0xB1A0];
	v26 =	vadd.f32 v60, v26;
	v40 =	vpop (erf);
	(erf) = vpow2.f32 v5;
	v5 =	vmul.f32 $1.442695020e+00, v63  }
0x337: {  	v41 =	vld [tilespmem:s12+$0xB1B0];
	v28 =	vadd.f32 v62, v28;
	v42 =	vpop (erf);
	(erf) = vpow2.f32 v6;
	v6 =	vmul.f32 $1.442695020e+00, v34  }
0x338: {  	v43 =	vld [tilespmem:s12+$0xB1C0];
	v26 =	vadd.f32 v36, v26;
	v62 =	vmul.f32 $1.442695020e+00, v52;
	v44 =	vpop (erf);
	(erf) = vpow2.f32 v5  }
0x339: {  	v29 =	vadd.f32 v33, v29;
	v5 =	vmul.f32 $1.442695020e+00, v7;
	v7 =	vld [tilespmem:s12+$0xB1D0];
	v45 =	vpop (erf);
	(erf) = vpow2.f32 v6  }
0x33a: {  	v55 =	vld [tilespmem:s12+$0xB5B0];
	v6 =	vmul.f32 $1.442695020e+00, v37;
	v26 =	vadd.f32 v44, v26;
	v44 =	vmul.f32 $1.442695020e+00, v59  }
0x33b: {  	v25 =	vadd.f32 v35, v25;
	v47 =	vpop (erf);
	(erf) = vpow2.f32 v5;
	v5 =	vmul.f32 $1.442695020e+00, v39  }
0x33c: {  	v28 =	vadd.f32 v38, v28;
	v49 =	vpop (erf);
	(erf) = vpow2.f32 v6;
	v6 =	vmul.f32 $1.442695020e+00, v41  }
0x33d: {  	v29 =	vadd.f32 v40, v29;
	v37 =	vld [tilespmem:s12+$0xB5F0];
	v51 =	vpop (erf);
	(erf) = vpow2.f32 v5;
	v5 =	vmul.f32 $1.442695020e+00, v43  }
0x33e: {  	v25 =	vadd.f32 v42, v25;
	v53 =	vpop (erf);
	(erf) = vpow2.f32 v6;
	v6 =	vmul.f32 $1.442695020e+00, v7;
	v7 =	vld [tilespmem:s12+$0xB5A0]  }
0x33f: {  	v42 =	vld [tilespmem:s12+$0xB990];
	v28 =	vadd.f32 v45, v28;
	v39 =	vmul.f32 $1.442695020e+00, v55;
	v54 =	vpop (erf);
	(erf) = vpow2.f32 v5  }
0x340: {  	v57 =	vld [tilespmem:s12+$0xB5C0];
	v29 =	vadd.f32 v47, v29;
	v5 =	vadd.f32 v11, v8;
	v8 =	vpop (erf);
	(erf) = vpow2.f32 v6  }
0x341: {  	v25 =	vadd.f32 v26, v25;
	v47 =	vld [tilespmem:s12+$0xB9B0];
	v60 =	vadd.f32 $0.0e+00, v49;
	v58 =	vpop (erf);
	(erf) = vpow2.f32 v23  }
0x342: {  	v63 =	vld [tilespmem:s12+$0xB5E0];
	v28 =	vadd.f32 v29, v28;
	v49 =	vmul.f32 $1.442695020e+00, v37;
	v61 =	vpop (erf);
	(erf) = vpow2.f32 v56  }
0x343: {  	v31 =	vadd.f32 $0.0e+00, v51;
	v36 =	vpop (erf);
	(erf) = vpow2.f32 v22;
	v7 =	vmul.f32 $1.442695020e+00, v7  }
0x344: {  	v40 =	vld [tilespmem:s12+$0xB980];
	v29 =	vadd.f32 $0.0e+00, v54;
	v54 =	vmul.f32 $1.442695020e+00, v42;
	v38 =	vpop (erf);
	(erf) = vpow2.f32 v62  }
0x345: {  	v52 =	vld [tilespmem:s12+$0xB9D0];
	v26 =	vadd.f32 $0.0e+00, v53;
	v41 =	vpop (erf);
	(erf) = vpow2.f32 v7;
	v7 =	vmul.f32 $1.442695020e+00, v57  }
0x346: {  	v45 =	vld [tilespmem:s12+$0xB9A0];
	v6 =	vadd.f32 v28, v25;
	v59 =	vmul.f32 $1.442695020e+00, v47;
	v43 =	vpop (erf);
	(erf) = vpow2.f32 v39  }
0x347: {  	v8 =	vadd.f32 v8, v60;
	v57 =	vld [tilespmem:s12+$0xB9F0];
	v46 =	vpop (erf);
	(erf) = vpow2.f32 v7;
	v7 =	vmul.f32 $1.442695020e+00, v63  }
0x348: {  	v50 =	vld [tilespmem:s12+$0xB9C0];
	v25 =	vadd.f32 v58, v31;
	v26 =	vadd.f32 v61, v26;
	v48 =	vpop (erf);
	(erf) = vpow2.f32 v44  }
0x349: {  	v29 =	vadd.f32 v36, v29;
	v62 =	vld [tilespmem:s12+$0xBD90];
	v51 =	vpop (erf);
	(erf) = vpow2.f32 v7;
	v7 =	vmul.f32 $1.442695020e+00, v40  }
0x34a: {  	v55 =	vld [tilespmem:s12+$0xB9E0];
	v8 =	vadd.f32 v38, v8;
	v39 =	vmul.f32 $1.442695020e+00, v52;
	v53 =	vpop (erf);
	(erf) = vpow2.f32 v49  }
0x34b: {  	v25 =	vadd.f32 v41, v25;
	v56 =	vpop (erf);
	(erf) = vpow2.f32 v7;
	v7 =	vmul.f32 $1.442695020e+00, v45  }
0x34c: {  	v60 =	vld [tilespmem:s12+$0xBD80];
	v26 =	vadd.f32 v43, v26;
	v44 =	vmul.f32 $1.442695020e+00, v57;
	v58 =	vpop (erf);
	(erf) = vpow2.f32 v54  }
0x34d: {  	v42 =	vld [tilespmem:s12+$0xBDB0];
	v29 =	vadd.f32 v46, v29;
	v61 =	vpop (erf);
	(erf) = vpow2.f32 v7;
	v7 =	vmul.f32 $1.442695020e+00, v50  }
0x34e: {  	v8 =	vadd.f32 v48, v8;
	v40 =	vld [tilespmem:s12+$0xBDA0];
	v49 =	vmul.f32 $1.442695020e+00, v62;
	v63 =	vpop (erf);
	(erf) = vpow2.f32 v59  }
0x34f: {  	v47 =	vld [tilespmem:s12+$0xBDD0];
	v25 =	vadd.f32 v51, v25;
	v41 =	vpop (erf);
	(erf) = vpow2.f32 v7;
	v7 =	vmul.f32 $1.442695020e+00, v55  }
0x350: {  	v26 =	vadd.f32 v53, v26;
	v45 =	vld [tilespmem:s12+$0xBDC0];
	v29 =	vadd.f32 v56, v29;
	v43 =	vpop (erf);
	(erf) = vpow2.f32 v39  }
0x351: {  	v52 =	vld [tilespmem:s12+$0xBDF0];
	v8 =	vadd.f32 v25, v8;
	v46 =	vpop (erf);
	(erf) = vpow2.f32 v7;
	v7 =	vmul.f32 $1.442695020e+00, v60  }
0x352: {  	v54 =	vmul.f32 $1.442695020e+00, v42;
	v50 =	vld [tilespmem:s12+$0xBDE0];
	v28 =	vadd.f32 $0.0e+00, v58;
	v48 =	vpop (erf);
	(erf) = vpow2.f32 v44  }
0x353: {  	v57 =	vld [tilespmem:s12+$0xC190];
	v26 =	vadd.f32 v29, v26;
	v51 =	vpop (erf);
	(erf) = vpow2.f32 v7;
	v7 =	vmul.f32 $1.442695020e+00, v40  }
0x354: {  	v31 =	vadd.f32 $0.0e+00, v61;
	v59 =	vmul.f32 $1.442695020e+00, v47;
	v55 =	vld [tilespmem:s12+$0xC180];
	v53 =	vpop (erf);
	(erf) = vpow2.f32 v49  }
0x355: {  	v28 =	vadd.f32 v43, v28;
	v43 =	vld [tilespmem:s12+$0xC1D0];
	v56 =	vpop (erf);
	(erf) = vpow2.f32 v7;
	v7 =	vmul.f32 $1.442695020e+00, v45  }
0x356: {  	v30 =	vadd.f32 $0.0e+00, v63;
	v60 =	vld [tilespmem:s12+$0xC1A0];
	v40 =	vmul.f32 $1.442695020e+00, v52;
	v58 =	vpop (erf);
	(erf) = vpow2.f32 v54  }
0x357: {  	v62 =	vld [tilespmem:s12+$0xC1B0];
	v33 =	vadd.f32 $0.0e+00, v41;
	v61 =	vpop (erf);
	(erf) = vpow2.f32 v7;
	v7 =	vmul.f32 $1.442695020e+00, v50  }
0x358: {  	v41 =	vld [tilespmem:s12+$0xC1C0];
	v31 =	vadd.f32 v46, v31;
	v45 =	vmul.f32 $1.442695020e+00, v57;
	v63 =	vpop (erf);
	(erf) = vpow2.f32 v59  }
0x359: {  	v25 =	vadd.f32 v48, v30;
	v48 =	vld [tilespmem:s12+$0xC1F0];
	v42 =	vpop (erf);
	(erf) = vpow2.f32 v7;
	v7 =	vmul.f32 $1.442695020e+00, v55  }
0x35a: {  	v46 =	vld [tilespmem:s12+$0xC1E0];
	v29 =	vadd.f32 v51, v33;
	v54 =	vmul.f32 $1.442695020e+00, v43;
	v44 =	vpop (erf);
	(erf) = vpow2.f32 v40  }
0x35b: {  	v28 =	vadd.f32 v53, v28;
	v53 =	vld [tilespmem:s12+$0xC590];
	v47 =	vpop (erf);
	(erf) = vpow2.f32 v7;
	v7 =	vmul.f32 $1.442695020e+00, v60  }
0x35c: {  	v51 =	vld [tilespmem:s12+$0xC580];
	v31 =	vadd.f32 v56, v31;
	v50 =	vmul.f32 $1.442695020e+00, v62;
	v49 =	vpop (erf);
	(erf) = vpow2.f32 v45  }
0x35d: {  	v56 =	vld [tilespmem:s12+$0xC5B0];
	v25 =	vadd.f32 v58, v25;
	v52 =	vpop (erf);
	(erf) = vpow2.f32 v7;
	v7 =	vmul.f32 $1.442695020e+00, v41  }
0x35e: {  	v29 =	vadd.f32 v61, v29;
	v57 =	vmul.f32 $1.442695020e+00, v48;
	v55 =	vld [tilespmem:s12+$0xC5A0];
	v38 =	vpop (erf);
	(erf) = vpow2.f32 v50  }
0x35f: {  	v28 =	vadd.f32 v63, v28;
	v63 =	vld [tilespmem:s12+$0xC5F0];
	v39 =	vpop (erf);
	(erf) = vpow2.f32 v7;
	v7 =	vmul.f32 $1.442695020e+00, v46  }
0x360: {  	v58 =	vld [tilespmem:s12+$0xC5C0];
	v31 =	vadd.f32 v42, v31;
	v61 =	vmul.f32 $1.442695020e+00, v53;
	v34 =	vpop (erf);
	(erf) = vpow2.f32 v54  }
0x361: {  	v60 =	vld [tilespmem:s12+$0xC5D0];
	v29 =	vadd.f32 v47, v29;
	v59 =	vpop (erf);
	(erf) = vpow2.f32 v7;
	v7 =	vmul.f32 $1.442695020e+00, v51  }
0x362: {  	v62 =	vld [tilespmem:s12+$0xC5E0];
	v25 =	vadd.f32 v44, v25;
	v43 =	vmul.f32 $1.442695020e+00, v56;
	v30 =	vpop (erf);
	(erf) = vpow2.f32 v57  }
0x363: {  	v53 =	vld [tilespmem:s12+$0xC9D0];
	v28 =	vadd.f32 v31, v28;
	v33 =	vpop (erf);
	(erf) = vpow2.f32 v7;
	v7 =	vmul.f32 $1.442695020e+00, v55  }
0x364: {  	v44 =	vld [tilespmem:s12+$0xC980];
	v50 =	vmul.f32 $1.442695020e+00, v63;
	v31 =	vpop (erf);
	(erf) = vpow2.f32 v61  }
0x365: {  	v45 =	vld [tilespmem:s12+$0xC990];
	v25 =	vadd.f32 v29, v25;
	v29 =	vpop (erf);
	(erf) = vpow2.f32 v7;
	v7 =	vmul.f32 $1.442695020e+00, v58  }
0x366: {  	v8 =	vadd.f32 v26, v8;
	v47 =	vld [tilespmem:s12+$0xC9A0];
	v46 =	vmul.f32 $1.442695020e+00, v60;
	v26 =	vpop (erf);
	(erf) = vpow2.f32 v43  }
0x367: {  	v48 =	vld [tilespmem:s12+$0xC9B0];
	v25 =	vadd.f32 v25, v28;
	v28 =	vpop (erf);
	(erf) = vpow2.f32 v7;
	v7 =	vmul.f32 $1.442695020e+00, v62  }
0x368: {  	v36 =	vadd.f32 $0.0e+00, v49;
	v63 =	vmul.f32 $1.442695020e+00, v53;
	v51 =	vld [tilespmem:s12+$0xC9C0];
	v49 =	vpop (erf);
	(erf) = vpow2.f32 v46  }
0x369: {  	v56 =	vld [tilespmem:s12+$0xC9E0];
	v37 =	vadd.f32 $0.0e+00, v52;
	v52 =	vpop (erf);
	(erf) = vpow2.f32 v7;
	v7 =	vmul.f32 $1.442695020e+00, v44  }
0x36a: {  	v55 =	vmul.f32 $1.442695020e+00, v45;
	v54 =	vpop (erf);
	(erf) = vpow2.f32 v50  }
0x36b: {  	v38 =	vadd.f32 $0.0e+00, v38;
	v58 =	vld [tilespmem:s12+$0xC9F0];
	v57 =	vpop (erf);
	(erf) = vpow2.f32 v7;
	v7 =	vmul.f32 $1.442695020e+00, v47  }
0x36c: {  	v60 =	vmul.f32 $1.442695020e+00, v48;
	v35 =	vadd.f32 v59, v37;
	v59 =	vpop (erf);
	(erf) = vpow2.f32 v55  }
0x36d: {  	v34 =	vadd.f32 v34, v36;
	v27 =	vmul.f32 $1.442695020e+00, v51;
	v61 =	vpop (erf);
	(erf) = vpow2.f32 v7  }
0x36e: {  	v24 =	vmul.f32 $1.442695020e+00, v56;
	v30 =	vadd.f32 v30, v38;
	v62 =	vpop (erf);
	(erf) = vpow2.f32 v60  }
0x36f: {  	v43 =	vadd.f32 v31, v34;
	v7 =	vadd.f32 $0.0e+00, v39;
	v39 =	vpop (erf);
	(erf) = vpow2.f32 v27  }
0x370: {  	v46 =	vadd.f32 v29, v35;
	v45 =	vmul.f32 $1.442695020e+00, v58;
	v44 =	vpop (erf);
	(erf) = vpow2.f32 v63  }
0x371: {  	v3 =	vbroadcast v3, $0xF;
	v26 =	vadd.f32 v26, v30;
	v47 =	vpop (erf);
	(erf) = vpow2.f32 v24  }
0x372: {  	v48 =	vadd.f32 v49, v43;
	v22 =	vadd.f32 v52, v46;
	v49 =	vpop (erf);
	(erf) = vpow2.f32 v45  }
0x373: {  	vm7 =	vmmov $0x3f;
	v26 =	vadd.f32 v54, v26;
	v7 =	vadd.f32 v33, v7;
	v50 =	vpop (erf)  }
0x374: {  	v3 =	vsel vm7, v4, v3;
	v52 =	vadd.f32 $0.0e+00, v59;
	v4 =	vadd.f32 $0.0e+00, v61;
	v51 =	vpop (erf)  }
0x375: {  	vm8 =	vmmov $0x7f;
	v54 =	vadd.f32 $0.0e+00, v62;
	v7 =	vadd.f32 v28, v7;
	v53 =	vpop (erf)  }
0x376: {  	vm9 =	vmmov $0x3ff;
	v23 =	vadd.f32 $0.0e+00, v39;
	v30 =	vadd.f32 v44, v52;
	v55 =	vpop (erf)  }
0x377: {  	vm10 =	vmmov $0x7ff;
	v4 =	vadd.f32 v47, v4;
	v7 =	vadd.f32 v57, v7;
	v56 =	vpop (erf)  }
0x378: {  	v15 =	vbroadcast v15, $0xF;
	v58 =	vadd.f32 v49, v54;
	v11 =	vadd.f32 v50, v23;
	v57 =	vpop (erf)  }
0x379: {  	v14 =	vbroadcast v14, $0xF;
	v60 =	vadd.f32 v51, v30;
	v4 =	vadd.f32 v53, v4;
	v59 =	vpop (erf)  }
0x37a: {  	v3 =	vsel vm8, v3, v15;
	v15 =	vadd.f32 v55, v58;
	v11 =	vadd.f32 v56, v11;
	v61 =	vpop (erf)  }
0x37b: {  	v3 =	vsel vm2, v3, v14;
	v14 =	vadd.f32 v57, v60;
	v4 =	vadd.f32 v59, v4;
	v62 =	vpop (erf)  }
0x37c: {  	v13 =	vbroadcast v13, $0xF;
	v63 =	vadd.f32 v61, v15;
	v11 =	vadd.f32 v62, v11  }
0x37d: {  	vm2 =	vmmov $0x1ff;
	(xrf2) =	vadd.scan.msk.f32 $0xffff, v5;
	v5 =	vadd.f32 v22, v48;
	v7 =	vadd.f32 v7, v26  }
0x37e: {  	v12 =	vbroadcast v12, $0xF;
	(xrf2) =	vadd.scan.msk.f32 $0xffff, v6;
	v4 =	vadd.f32 v4, v14;
	v6 =	vadd.f32 v11, v63  }
0x37f: {  	v3 =	vsel vm2, v3, v13;
	(xrf2) =	vadd.scan.msk.f32 $0xffff, v8;
	v5 =	vadd.f32 v7, v5;
	v7 =	vbroadcast v10, $0xF  }
0x380: {  	v3 =	vsel vm9, v3, v12;
	(xrf2) =	vadd.scan.msk.f32 $0xffff, v25;
	v4 =	vadd.f32 v6, v4;
	v6 =	vbroadcast v9, $0xF  }
0x381: {  	vm11 =	vmmov $0xfff;
	v3 =	vsel vm10, v3, v7;
	(xrf2) =	vadd.scan.msk.f32 $0xffff, v5;
	v5 =	vbroadcast v17, $0xF  }
0x382: {  	vm12 =	vmmov $0x1fff;
	s12 =	simm.s32 $0x9;
	v3 =	vsel vm11, v3, v6;
	(xrf2) =	vadd.scan.msk.f32 $0xffff, v4;
	v4 =	vbroadcast v16, $0xF  }
0x383: {  	vm13 =	vmmov $0x3fff;
	vm14 =	vmmov $0x7fff;
	s12 =	simm.s32 @!p0 $0x0;
	v3 =	vsel vm12, v3, v5  }
0x384: {  	v5 =	vmov s12;
	v3 =	vsel vm13, v3, v4;
	v4 =	vadd.s32 $0x1, v0  }
0x385: {  	v6 =	vbroadcast v21, $0xF;
	v3 =	vsel vm14, v3, v20;
	vm15 =	vlt.u32 v5, v4  }
0x386: {  	v3 =	vnsel vm15, $0x0, v3  }
0x387: {  	v4 =	vbroadcast v19, $0xF;
	v5 =	vnsel vm0, $0x0, v6;
	v6 =	vbroadcast v18, $0xF  }
0x388: {  	vm5 =	vcmask $0x324;
	v7, _, _ =	vpop (xrf2);
	(xrf2) =	vadd.scan.msk.f32 $0xffff, v3  }
0x389: {  	vm6 =	vcmask $0x724;
	v4 =	vsel vm5, v5, v4;
	v5 =	vbroadcast v7, $0xF;
	v3, _, _ =	vpop (xrf2)  }
0x38a: {  	vm7 =	vcmask $0xF0C;
	v4 =	vsel vm6, v4, v6;
	v7, _, _ =	vpop (xrf2);
	v3 =	vbroadcast v3, $0xF  }
0x38b: {  	vm8 =	vcmask $0xF24;
	v4 =	vsel vm7, v5, v4;
	v6, _, _ =	vpop (xrf2);
	v5 =	vbroadcast v7, $0xF  }
0x38c: {  	vm9 =	vcmask $0x1324;
	v7, _, _ =	vpop (xrf2);
	v3 =	vsel vm8, v4, v3;
	v4 =	vbroadcast v6, $0xF  }
0x38d: {  	vm10 =	vcmask $0x1724;
	v3 =	vsel vm9, v3, v5;
	v5 =	vbroadcast v7, $0xF;
	v6, _, _ =	vpop (xrf2)  }
0x38e: {  	vm11 =	vcmask $0x1B24;
	v3 =	vsel vm10, v3, v4;
	v4 =	vbroadcast v6, $0xF  }
0x38f: {  	vm12 =	vcmask $0x1F24;
	v3 =	vsel vm11, v3, v5  }
0x390: {  	v3 =	vsel vm12, v3, v4  }
0x391: {  	(xrf2) =	vadd.scan.msk.f32 $0xffff, v3  }
0x392: {  	v4, _, _ =	vpop (xrf2)  }
0x393: {  	(xrf0) =	vmax.scan.msk.f32 $0xffff, v4;
	_ =	sdelay $0x5  }
0x394: {  	v3, _, _ =	vpop (xrf0)  }
0x395: {  	v3 =	vbroadcast v3, $0xF  }
0x396: {  	v5, _, _ =	vpop (xrf2)  }
0x397: {  	v5 =	vadd.f32 v5, v3;
	_ =	sdelay $0x1  }
0x398: {  	(xrf0) =	vmax.scan.msk.f32 $0xffff, v5;
	_ =	sdelay $0x5  }
0x399: {  	v3, _, _ =	vpop (xrf0)  }
0x39a: {  	v3 =	vbroadcast v3, $0xF  }
0x39b: {  	s16 =	sshll.u32 s7, $0x4  }
0x39c: {  	s24 =	simm.s32 $0xCD80;
	s23 =	sadd.s32 s16, s6;
	[tilespmem:$0xCD80] =	vst v3  }
0x39d: {  	[spmem:s23] =	stream.linear.scatter [tilespmem:s24], [sflag:$0x5], $0x10, $0x38;
	[tilespmem:$0xD1A0] =	vst v63  }
0x39e: {  	_ =	swait.ge [sflag:s3], $0x10  }
0x39f: {  	[sflag:s3] =	ssyncset.done $0x0  }
0x3a0: {  	v3 =	vmul.u32 $0x10, v0;
	[sflag:s3] =	ssyncadd.s32 $0xFFFFFFF0  }
0x3a1: {  	s25 =	simm.s32 $0xCE80;
	[bflag:$0x0] =	sbarrier.arrive $0xFFFF  }
0x3a2: {  	[tilespmem:s25], [sflag:$0x5] =	stream.linear.gather [spmem:s6], $0x100, $0x38;
	[tilespmem:$0xD1A0] =	vst v63  }
0x3a3: {  	_ =	swait.ge [sflag:s3], $0x100  }
0x3a4: {  	[sflag:s3] =	ssyncset.done $0x0  }
0x3a5: {  	[sflag:s3] =	ssyncadd.s32 $0xFFFFFF00  }
0x3a6: {  	v6 =	vld.idx.msk [tilespmem:v3+s25+$0x0], $0xffff;
	_ =	sdelay $0x3  }
0x3a7: {  	v7 =	vmov s7  }
0x3a8: {  	vm13 =	vgt.u32 v7, v0;
	(xrf2) =	vadd.scan.msk.f32 $0xffff, v6  }
0x3a9: {  	v6 =	vnsel vm13, $0x0, v6  }
0x3aa: {  	(xrf2) =	vadd.scan.msk.f32 $0xffff, v6;
	_ =	sdelay $0x7  }
0x3ab: {  	v6, _, _ =	vpop (xrf2)  }
0x3ac: {  	(v2sf) =	vpush v6, $0xF  }
0x3ad: {  	v6, _, _ =	vpop (xrf2)  }
0x3ae: {  	(v2sf) =	vpush v6, $0xF;
	_ =	sdelay $0xb  }
0x3af: {  	s26 =	ssub.f32 $1.000000000e+00, s15  }
0x3b0: {  	s28 =	spop (v2sf)  }
0x3b1: {  	s6 =	smul.f32 s28, s26  }
0x3b2: {  	s29 =	spop (v2sf)  }
0x3b3: {  	s13 =	ssub.f32 s6, s29;
	_ =	sdelay $0x1  }
0x3b4: {  	vm14 =	vlt.f32 v4, s13  }
0x3b5: {  	vm0 =	vmand vm15, vm14;
	vm15 =	vlt.f32 v5, s13  }
0x3b6: {  	vm2 =	vmand vm15, vm2;
	v6 =	vmpcnt.ones.xlane vm0  }
0x3b7: {  	v7 =	vmpcnt.ones.xlane vm2  }
0x3b8: {  	v6 =	vxor.u32 $0x80000000, v6  }
0x3b9: {  	(xrf0) =	vmax.scan.msk.u32 $0xffff, v6;
	v6 =	vxor.u32 $0x80000000, v7  }
0x3ba: {  	(xrf0) =	vmax.scan.msk.u32 $0xffff, v6;
	_ =	sdelay $0x4  }
0x3bb: {  	v6, _, _ =	vpop (xrf0)  }
0x3bc: {  	(v2sf) =	vpush v6, $0xF;
	v6, _, _ =	vpop (xrf0)  }
0x3bd: {  	(v2sf) =	vpush v6, $0xF;
	_ =	sdelay $0xd  }
0x3be: {  	s30 =	spop (v2sf)  }
0x3bf: {  	s31 =	spop (v2sf)  }
0x3c0: {  	s6 =	sadd.s32 s30, s31  }
0x3c1: {  	s12 =	sadd.s32 s12, s6  }
0x3c2: {  	s14 =	sshll.u32 s12, $0x4  }
0x3c3: {  	s15 =	sadd.s32 $0x10, s14  }
0x3c4: {  	p0 =	slt.s32 s15, $0x190  }
0x3c5: {  	s15 =	simm.s32 @!p0 $0x190  }
0x3c6: {  	p0 =	sle.s32 s15, s14  }
.Ltmp0:
0x3c7: {  	_ = 	snop;
	(pc) =	sbr.rel @p0 .LBB2_8-.Ltmp0, $2  }
0x3c8: {  	_ =	sdelay $0x2  }
0x3c9: {  	s5 =	sadd.s32 $0xA00, s5;
	v2 =	vsel vm1, s9, v2;
	s11 =	sadd.s32 s16, s4;
	v6 =	vimm.s32 $0x0  }
0x3ca: {  	s9 =	sadd.s32 $0xFFFFFFFF, s12  }
0x3cb: {  	s29 =	sadd.s32 $0xFFFFFFEF, s12;
	v6 =	vmov s9  }
0x3cc: {  	vm0 =	veq.s32 v6, v0;
	v6 =	vmov s29  }
0x3cd: {  	v4 =	vnsel vm0, $0x0, v4;
	vm15 =	veq.s32 v6, v0  }
0x3ce: {  	(xrf2) =	vadd.scan.msk.f32 $0xffff, v4;
	v0 =	vnsel vm15, $0x0, v5  }
0x3cf: {  	(xrf2) =	vadd.scan.msk.f32 $0xffff, v0;
	_ =	sdelay $0x8  }
0x3d0: {  	v0, _, _ =	vpop (xrf2)  }
0x3d1: {  	(v2sf) =	vpush v0, $0xF;
	v0, _, _ =	vpop (xrf2)  }
0x3d2: {  	(v2sf) =	vpush v0, $0xF;
	_ =	sdelay $0x9  }
0x3d3: {  	s31 =	ssub.s32 s15, s14  }
0x3d4: {  	p2 =	sne.s32 s31, $0x1  }
.Ltmp1:
0x3d5: {  	_ = 	snop;
	(pc) =	sbr.rel @!p2 .LBB2_2-.Ltmp1, $4  }
0x3d6: {  	_ = 	snop  }
0x3d7: {  	s15 =	sshll.u32 s12, $0xB;
	s12 =	sshll.u32 s12, $0x8;
	v5 =	vmov s10;
	s30 =	spop (v2sf)  }
0x3d8: {  	p0 =	por $0x0, $0x0;
	p1 =	por $0x0, $0x0;
	s16 =	spop (v2sf)  }
0x3d9: {  	s14 =	sand.u32 $0xFFFFFC00, s15;
	v4 =	vmov s13;
	s13 =	sadd.s32 $0xFFFFFFFF, s31;
	v0 =	vimm.s32 $0x0;
	s9 =	sadd.f32 s16, s30  }
0x3da: {  	_ =	sdelay $0x1  }
0x3db: {  	s10 =	sand.u32 $0x70, s12;
	s14 =	sadd.s32 s14, s8  }
0x3dc: {  	s10 =	sadd.s32 s10, s14  }
0x3dd: {  	v6 =	vld.idx.msk [tilespmem:v5+s10+$0x0 ss:$0x1], $0xffff;
	_ =	sdelay $0x4  }
0x3de: {  	v6 =	vmul.f32 $1.442695020e+00, v6;
	_ =	sdelay $0x1  }
0x3df: {  	(erf) = vpow2.f32 v6;
	_ =	sdelay $0x4  }
0x3e0: {  	p2 =	sne.s32 s13, $0x1  }
.Ltmp2:
0x3e1: {  	_ = 	snop;
	(pc) =	sbr.rel @!p2 .LBB2_4-.Ltmp2, $3  }
0x3e2: {  	_ =	sdelay $0x1  }
0x3e3: {  	s13 =	sadd.s32 $0xFFFFFFFF, s13;
	s10 =	sadd.s32 $0x80, s15;
	v6 =	vpop (erf)  }
0x3e4: {  	s12 =	sadd.s32 $0x10, s12;
	p0 =	por $0x1, $0x1;
	s14 =	sand.u32 $0xFFFFFC00, s10;
	(xrf2) =	vadd.scan.msk.f32 $0xffff, v6  }
0x3e5: {  	_ =	sdelay $0x4  }
0x3e6: {  	s15 =	sand.u32 $0x70, s12;
	s14 =	sadd.s32 s14, s8  }
0x3e7: {  	s14 =	sadd.s32 s15, s14  }
0x3e8: {  	v6 =	vld.idx.msk [tilespmem:v5+s14+$0x0 ss:$0x1], $0xffff;
	_ =	sdelay $0x1  }
0x3e9: {  	v7, _, _ =	vpop (xrf2)  }
0x3ea: {  	v7 =	vadd.f32 s9, v7;
	_ =	sdelay $0x1  }
0x3eb: {  	v6 =	vmul.f32 $1.442695020e+00, v6;
	(xrf0) =	vmax.scan.msk.f32 $0xffff, v7;
	_ =	sdelay $0x1  }
0x3ec: {  	(erf) = vpow2.f32 v6;
	_ =	sdelay $0x3  }
0x3ed: {  	v6, _, _ =	vpop (xrf0)  }
0x3ee: {  	(v2sf) =	vpush v6, $0xF;
	_ =	sdelay $0x3  }
0x3ef: {  	p2 =	sne.s32 s13, $0x1;
	v8 =	vpop (erf)  }
.Ltmp3:
0x3f0: {  	(xrf2) =	vadd.scan.msk.f32 $0xffff, v8;
	(pc) =	sbr.rel @!p2 .LBB2_7-.Ltmp3, $4  }
0x3f1: {  	_ = 	snop  }
0x3f2: {  	vm0 =	vlt.f32 v7, v4  }
0x3f3: {  	s10 =	sadd.s32 $0x80, s10;
	s13 =	sadd.s32 $0xFFFFFFFF, s13;
	v7 =	vsel vm0, $0x1, v0  }
0x3f4: {  	s12 =	sadd.s32 $0x10, s12;
	p1 =	por $0x1, $0x1;
	s14 =	sand.u32 $0xFFFFFC00, s10;
	v6 =	vadd.s32 v7, v0  }
.LBB2_6:
0x3f5: {  	p2 =	sne.s32 s13, $0x1;
	s15 =	sand.u32 $0x70, s12;
	s14 =	sadd.s32 s14, s8  }
0x3f6: {  	s14 =	sadd.s32 s15, s14  }
0x3f7: {  	v7 =	vld.idx.msk [tilespmem:v5+s14+$0x0 ss:$0x1], $0xffff;
	_ =	sdelay $0x2  }
0x3f8: {  	v8, _, _ =	vpop (xrf2);
	s14 =	spop (v2sf)  }
0x3f9: {  	v8 =	vadd.f32 s14, v8;
	_ =	sdelay $0x1  }
0x3fa: {  	v7 =	vmul.f32 $1.442695020e+00, v7;
	vm0 =	vlt.f32 v8, v4;
	(xrf0) =	vmax.scan.msk.f32 $0xffff, v8  }
0x3fb: {  	v8 =	vsel vm0, $0x1, v0  }
0x3fc: {  	(erf) = vpow2.f32 v7;
	v6 =	vadd.s32 v8, v6;
	_ =	sdelay $0x3  }
0x3fd: {  	v7, _, _ =	vpop (xrf0)  }
0x3fe: {  	(v2sf) =	vpush v7, $0xF;
	_ =	sdelay $0x3  }
0x3ff: {  	v7 =	vpop (erf)  }
.Ltmp4:
0x400: {  	(xrf2) =	vadd.scan.msk.f32 $0xffff, v7;
	(pc) =	sbr.rel @p2 .LBB2_6-.Ltmp4, $3  }
0x401: {  	_ =	sdelay $0x1  }
0x402: {  	s10 =	sadd.s32 $0x80, s10  }
0x403: {  	s13 =	sadd.s32 $0xFFFFFFFF, s13;
	s12 =	sadd.s32 $0x10, s12;
	s14 =	sand.u32 $0xFFFFFC00, s10  }
.LBB2_7:
0x404: {  	_ =	sdelay $0x2  }
0x405: {  	s10 =	sand.u32 $0x70, s12;
	s8 =	sadd.s32 s14, s8  }
0x406: {  	s8 =	sadd.s32 s10, s8  }
0x407: {  	s10 =	smov.u32 s9;
	v5 =	vld.idx.msk [tilespmem:v5+s8+$0x0 ss:$0x1], $0xffff;
	s8 =	spop @p1 (v2sf)  }
0x408: {  	v7, _, _ =	vpop @p0 (xrf2);
	s10 =	smov.u32 @p1 s8  }
0x409: {  	v7 =	vadd.f32 @p0 s10, v7;
	_ =	sdelay $0x1  }
0x40a: {  	(xrf0) =	vmax.scan.msk.f32 @p0 $0xffff, v7  }
0x40b: {  	v5 =	vmul.f32 $1.442695020e+00, v5;
	_ =	sdelay $0x1  }
0x40c: {  	(erf) = vpow2.f32 v5;
	_ =	sdelay $0x2  }
0x40d: {  	v5, _, _ =	vpop @p0 (xrf0)  }
0x40e: {  	(v2sf) =	vpush @p0 v5, $0xF;
	_ =	sdelay $0x4  }
0x40f: {  	v5 =	vpop (erf)  }
0x410: {  	(xrf2) =	vadd.scan.msk.f32 $0xffff, v5;
	_ =	sdelay $0x8  }
0x411: {  	s8 =	spop @p0 (v2sf)  }
0x412: {  	v5, _, _ =	vpop (xrf2);
	s9 =	smov.u32 @p0 s8  }
0x413: {  	v5 =	vadd.f32 s9, v5;
	_ =	sdelay $0x1  }
0x414: {  	(xrf0) =	vmax.scan.msk.f32 $0xffff, v5;
	_ =	sdelay $0x5  }
0x415: {  	v8, _, _ =	vpop (xrf0)  }
0x416: {  	(v2sf) =	vpush v8, $0xF;
	_ =	sdelay $0xa  }
0x417: {  	vm0 =	vlt.f32 @p0 v7, v4  }
0x418: {  	v7 =	vsel @p0 vm0, $0x1, v0  }
0x419: {  	v6 =	vadd.s32 @p0 v7, v6;
	vm15 =	vlt.f32 v5, v4  }
0x41a: {  	v4 =	vpsel p0, v6, v0;
	v0 =	vsel vm15, $0x1, v0  }
0x41b: {  	v6 =	vadd.s32 v0, v4;
	s31 =	spop (v2sf)  }
.LBB2_8:
0x41c: {  	(xrf0) =	vadd.scan.msk.s32 $0xffff, v6;
	_ =	sdelay $0x5  }
0x41d: {  	v0, _, _ =	vpop (xrf0)  }
0x41e: {  	(v2sf) =	vpush v0, $0xF;
	_ =	sdelay $0xe  }
0x41f: {  	s6 =	sshll.u32 s6, $0x8;
	s8 =	spop (v2sf)  }
0x420: {  	s6 =	sadd.s32 s6, s8  }
0x421: {  	v61 =	vmov s6  }
0x422: {  	s28 =	simm.s32 $0xCE00;
	[tilespmem:$0xCE00] =	vst v61  }
0x423: {  	[spmem:s11] =	stream.linear.scatter [tilespmem:s28], [sflag:$0x5], $0x10, $0x38;
	[tilespmem:$0xD1A0] =	vst v63  }
0x424: {  	_ =	swait.ge [sflag:s3], $0x10  }
0x425: {  	[sflag:s3] =	ssyncset.done $0x0  }
0x426: {  	[sflag:s3] =	ssyncadd.s32 $0xFFFFFFF0  }
0x427: {  	s29 =	simm.s32 $0xCF80;
	[bflag:$0x0] =	sbarrier.arrive $0xFFFF  }
0x428: {  	[tilespmem:s29], [sflag:$0x5] =	stream.linear.gather [spmem:s4], $0x100, $0x38;
	[tilespmem:$0xD1A0] =	vst v63  }
0x429: {  	_ =	swait.ge [sflag:s3], $0x100  }
0x42a: {  	[sflag:s3] =	ssyncset.done $0x0  }
0x42b: {  	[sflag:s3] =	ssyncadd.s32 $0xFFFFFF00  }
0x42c: {  	v62 =	vld.idx.msk [tilespmem:v3+s29+$0x0], $0xffff;
	_ =	sdelay $0x4  }
0x42d: {  	(xrf0) =	vadd.scan.msk.s32 $0xffff, v62;
	_ =	sdelay $0x5  }
0x42e: {  	v0, _, _ =	vpop (xrf0)  }
0x42f: {  	(v2sf) =	vpush v0, $0xF;
	_ =	sdelay $0xe  }
0x430: {  	s4 =	spop (v2sf)  }
0x431: {  	vm0 =	vcmask $0x300;
	p0 =	slt.s32 s4, $0x1869F  }
0x432: {  	vm15 =	vcmask $0x704;
	v63 =	vnsel vm0, $0x0, v1;
	s4 =	simm.s32 @!p0 $0x1869F  }
0x433: {  	[tilespmem:$0xD080] =	vst v2;
	v0 =	vsel vm15, s4, v63  }
0x434: {  	s30 =	simm.s32 $0xD080;
	[tilespmem:$0xD100] =	vst v0  }
0x435: {  	[hbm4b:s1+s2] =	stream.linear.scatter [tilespmem:s30], [sflag:$0x5], $0x8, $0x38;
	[tilespmem:$0xD1A0] =	vst v63  }
0x436: {  	_ =	swait.ge [sflag:s3], $0x8  }
0x437: {  	[sflag:s3] =	ssyncset.done $0x0  }
0x438: {  	s31 =	simm.s32 $0xD100;
	[sflag:s3] =	ssyncadd.s32 $0xFFFFFFF8  }
0x439: {  	[hbm4b:s5+s2] =	stream.linear.scatter [tilespmem:s31], [sflag:$0x5], $0x8, $0x38;
	[tilespmem:$0xD1A0] =	vst v63  }
0x43a: {  	_ =	swait.ge [sflag:s3], $0x8  }
0x43b: {  	[sflag:s3] =	ssyncset.done $0x0  }
0x43c: {  	[sflag:s3] =	ssyncadd.s32 $0xFFFFFFF8  }
0x43d: {  	_ =	sfence.sel $0x180000  }
0x43e: {  	[bflag:$0x0] =	sbarrier.arrive $0xFFFF  }
0x43f: {  	p0 =	sne.s32 s7, $0x0;
	_ =	strace $0x90000047  }
0x440: {  	s0 =	sadd.s32 @!p0 $0x100000, s0;
	[bflag:$0x2] =	sbarrier.arrive $0xFFFF  }
0x441: {  	[sflag:s0] =	ssyncadd.tile.s32 @!p0 $0x1;
	_ =	shalt  }
.LBB2_2:
.Ltmp5:
0x442: {  	(pc) =	sbr.rel .LBB2_7-.Ltmp5, $2  }
0x443: {  	_ =	sdelay $0x2  }
0x444: {  	v6 =	vimm.s32 $0x0  }
.LBB2_4:
.Ltmp6:
0x445: {  	(pc) =	sbr.rel .LBB2_7-.Ltmp6, $2  }
0x446: {  	_ =	sdelay $0x2  }
0x447: {  	v6 =	vimm.s32 $0x0  }
.Lfunc_end2:
_tile_overlayer_lowered:
.L_overlay_start_2:
0x448: {  	(tag) =	ssettag $0x2  }
0x449: {  	s0 =	rddreg [dreg:$0x0];
	s2 =	stileid.u32  }
0x44a: {  	s1 =	rddreg [dreg:$0x1];
	p0 =	sne.s32 s2, $0x0  }
0x44b: {  	s3 =	rddreg [dreg:$0x2];
	[bflag:$0x3] =	sbarrier.arrive $0xFFFF;
	s2 =	simm.s32 @!p0 $0x1C05  }
0x44c: {  	[timem:s3], [sflag:s2] =	dma.local @!p0 [hbm:s0], s1  }
0x44d: {  	s0 =	simm.s32 @!p0 $0x5  }
0x44e: {  	_ =	swait.ge @!p0 [sflag:s0], s1  }
0x44f: {  	s1 =	ssub.s32 @!p0 $0x0, s1;
	[sflag:s0] =	ssyncset.done @!p0 $0x0  }
0x450: {  	[sflag:s0] =	ssyncadd.s32 @!p0 s1  }
0x451: {  	[bflag:$0x3] =	sbarrier.arrive $0xFFFF  }
0x452: {  	_ =	shalt  }

</sc_bundles>
